<compile_context>
chip_gen: v7x
topology: tpu7x:2x2x1
jax: 0.10.2.dev20260603
libtpu: 0.0.44.dev20260713+nightly
codegen_flags: <defaults>
</compile_context>

<pallas_src>
import jax
import jax.numpy as jnp
from jax import lax
from jax.experimental import pallas as pl
from jax.experimental.pallas import tpu as pltpu
from jax.experimental.pallas import tpu_sc as plsc

N = 10000
E = 320000
D = 128
BLK = 2000
NTILES = 16
EPT = E // NTILES
NPAD = 10240
RANGE = NPAD // NTILES
CH = 16
NCH = (EPT + 16 + CH - 1) // CH


def _rsqrt(x):
    i = plsc.bitcast(x, jnp.int32)
    i = jnp.int32(0x5F3759DF) - (i >> 1)
    y = plsc.bitcast(i, jnp.float32)
    for _ in range(3):
        y = y * (1.5 - 0.5 * x * y * y)
    return y


def _sc_body(edges, state, avec, u_out,
             src_b0, src_b1, dst_b0, dst_b1, hist_l, srcbuf, red_in, red_out,
             aidx, ht, idxloc, wbuf, rows, arow, out_loc,
             hist_all, hist_tot, accs_sh,
             sem0, sem1, sem_s0, sem_s1, sem_d0, sem_d1):
    wid = lax.axis_index("s")
    m16 = lambda x: pl.multiple_of(x, 16)
    i16 = lax.iota(jnp.int32, 16)
    zeros_f = jnp.zeros((16,), jnp.float32)
    ones_f = jnp.ones((16,), jnp.float32)
    zeros_i = jnp.zeros((16,), jnp.int32)

    base = wid * EPT
    pltpu.sync_copy(avec, aidx)
    a_splat = aidx[...]

    def zbody(i, c):
        for j in range(8):
            hist_l[pl.ds(m16(i * 128 + j * 16), 16)] = zeros_f
        return c
    lax.fori_loop(0, NPAD // 128, zbody, 0)

    nblk = EPT // BLK
    sbufs, dbufs = [src_b0, src_b1], [dst_b0, dst_b1]
    ssems, dsems = [sem_s0, sem_s1], [sem_d0, sem_d1]

    def start_blk(b, sl):
        pltpu.make_async_copy(
            edges.at[pl.ds(m16(base + b * BLK), BLK)], sbufs[sl],
            ssems[sl]).start()
        pltpu.make_async_copy(
            edges.at[pl.ds(m16(E + base + b * BLK), BLK)], dbufs[sl],
            dsems[sl]).start()

    def wait_blk(b, sl):
        pltpu.make_async_copy(
            edges.at[pl.ds(m16(base + b * BLK), BLK)], sbufs[sl],
            ssems[sl]).wait()
        pltpu.make_async_copy(
            edges.at[pl.ds(m16(E + base + b * BLK), BLK)], dbufs[sl],
            dsems[sl]).wait()

    UNR = 5
    start_blk(0, 0)
    off = jnp.zeros((16,), jnp.int32)
    for b in range(nblk):
        sl = b % 2
        if b + 1 < nblk:
            start_blk(b + 1, (b + 1) % 2)
        wait_blk(b, sl)
        src_blk, dst_blk = sbufs[sl], dbufs[sl]

        def ebody(g, off, src_blk=src_blk, dst_blk=dst_blk):
            ds_, ms, cs = [], [], []
            for j in range(UNR):
                d = dst_blk[pl.ds(m16(g * (16 * UNR) + j * 16), 16)]
                plsc.addupdate_scatter(hist_l, [d], ones_f)
                m = d == a_splat
                ds_.append(d)
                ms.append(m)
                cs.append(plsc.all_reduce_population_count(m))
            ctot = cs[0]
            for j in range(1, UNR):
                ctot = ctot + cs[j]

            @pl.when(ctot[0] > 0)
            def _():
                o = off
                for j in range(UNR):
                    sv = src_blk[pl.ds(m16(g * (16 * UNR) + j * 16), 16)]
                    tgt = o + plsc.cumsum(ms[j].astype(jnp.int32)) - 1
                    tgt = jnp.where(ms[j], tgt, 0)
                    plsc.store_scatter(srcbuf, [tgt], sv, mask=ms[j])
                    o = o + cs[j]
            return off + ctot
        off = lax.fori_loop(0, BLK // (16 * UNR), ebody, off)
    count = jnp.max(off)
    base_al = m16(count & ~15)
    tail = srcbuf[pl.ds(base_al, 16)]
    srcbuf[pl.ds(base_al, 16)] = jnp.where(i16 < count - base_al, tail, N)
    padded = (count + 15) & ~15

    pltpu.sync_copy(hist_l, hist_all.at[wid])
    plsc.subcore_barrier()
    pltpu.sync_copy(hist_all.at[:, pl.ds(m16(wid * RANGE), RANGE)], red_in)

    def rbody(j, c):
        acc = zeros_f
        for r in range(NTILES):
            acc = acc + red_in[r, pl.ds(m16(j * 16), 16)]
        red_out[pl.ds(m16(j * 16), 16)] = acc
        return c
    lax.fori_loop(0, RANGE // 16, rbody, 0)
    pltpu.sync_copy(red_out, hist_tot.at[pl.ds(m16(wid * RANGE), RANGE)])
    plsc.subcore_barrier()

    pltpu.sync_copy(hist_tot, ht)
    for cb in range(D // 16):
        out_loc[pl.ds(cb * 16, 16)] = zeros_f

    def cbody(c, carry):
        bs = c * CH

        @pl.when(bs < padded)
        def _():
            for j in range(CH // 16):
                idx = srcbuf[pl.ds(m16(bs + j * 16), 16)]
                lane = i16 + (bs + j * 16)
                valid = (lane < padded) & (idx >= 0) & (idx < N)
                idx2 = jnp.where(valid, idx, 0)
                idxloc[pl.ds(j * 16, 16)] = idx2
                deg = plsc.load_gather(ht, [idx2]) + 1.0
                w = jnp.where(valid, _rsqrt(deg), 0.0)
                wbuf[pl.ds(j * 16, 16)] = w
            pltpu.async_copy(state.at[idxloc], rows, sem1).wait()

            def rowb(i, a8):
                wv = plsc.load_gather(wbuf, [zeros_i + i])
                return tuple(a8[cb] + rows[i, pl.ds(cb * 16, 16)] * wv
                             for cb in range(D // 16))
            a8 = lax.fori_loop(
                0, CH, rowb, tuple(out_loc[pl.ds(cb * 16, 16)]
                                   for cb in range(D // 16)))
            for cb in range(D // 16):
                out_loc[pl.ds(cb * 16, 16)] = a8[cb]
        return carry
    lax.fori_loop(0, NCH, cbody, 0)

    pltpu.sync_copy(out_loc, accs_sh.at[wid])
    plsc.subcore_barrier()

    @pl.when(wid == 0)
    def _():
        a_deg = plsc.load_gather(ht, [a_splat]) + 1.0
        a_dinv = _rsqrt(a_deg)
        pltpu.async_copy(state.at[aidx], arow, sem0).wait()
        pltpu.sync_copy(accs_sh, rows.at[pl.ds(0, NTILES), :])
        for cb in range(D // 16):
            acc = zeros_f
            for t in range(NTILES):
                acc = acc + rows[t, pl.ds(cb * 16, 16)]
            u = a_dinv * (acc + a_dinv * arow[0, pl.ds(cb * 16, 16)])
            out_loc[pl.ds(cb * 16, 16)] = u
        pltpu.sync_copy(out_loc, u_out)


def _sc_call(edges, state, avec, interpret=False):
    mesh = plsc.VectorSubcoreMesh(core_axis_name="c", subcore_axis_name="s",
                                  num_cores=1, num_subcores=NTILES)
    f = pl.kernel(
        _sc_body,
        out_type=jax.ShapeDtypeStruct((D,), jnp.float32),
        mesh=mesh,
        interpret=interpret,
        compiler_params=pltpu.CompilerParams(needs_layout_passes=False),
        scratch_types=[
            pltpu.VMEM((BLK,), jnp.int32),
            pltpu.VMEM((BLK,), jnp.int32),
            pltpu.VMEM((BLK,), jnp.int32),
            pltpu.VMEM((BLK,), jnp.int32),
            pltpu.VMEM((NPAD,), jnp.float32),
            pltpu.VMEM((EPT + 32,), jnp.int32),
            pltpu.VMEM((NTILES, RANGE), jnp.float32),
            pltpu.VMEM((RANGE,), jnp.float32),
            pltpu.VMEM((16,), jnp.int32),
            pltpu.VMEM((NPAD,), jnp.float32),
            pltpu.VMEM((CH,), jnp.int32),
            pltpu.VMEM((CH,), jnp.float32),
            pltpu.VMEM((CH, D), jnp.float32),
            pltpu.VMEM((16, D), jnp.float32),
            pltpu.VMEM((D,), jnp.float32),
            pltpu.VMEM_SHARED((NTILES, NPAD), jnp.float32),
            pltpu.VMEM_SHARED((NPAD,), jnp.float32),
            pltpu.VMEM_SHARED((NTILES, D), jnp.float32),
            pltpu.SemaphoreType.DMA,
            pltpu.SemaphoreType.DMA,
            pltpu.SemaphoreType.DMA,
            pltpu.SemaphoreType.DMA,
            pltpu.SemaphoreType.DMA,
            pltpu.SemaphoreType.DMA,
        ],
    )
    return f(edges, state, avec)


def _layernorm(v, g, b, eps=1e-5):
    m = jnp.mean(v, axis=-1, keepdims=True)
    var = jnp.mean((v - m) ** 2, axis=-1, keepdims=True)
    return (v - m) * lax.rsqrt(var + eps) * g + b


def _tc_body(u_ref, wc_ref, bc_ref, w1_ref, b1_ref, g1_ref, be1_ref,
             w2_ref, b2_ref, g2_ref, be2_ref, wmu_ref, bmu_ref, o_ref):
    hi = jax.lax.Precision.HIGHEST
    x = jnp.dot(u_ref[...], wc_ref[...], precision=hi) + bc_ref[...]
    x = jnp.maximum(x, 0.0)
    x = jnp.dot(x, w1_ref[...], precision=hi) + b1_ref[...]
    x = _layernorm(x, g1_ref[...], be1_ref[...])
    x = jnp.maximum(x, 0.0)
    x = jnp.dot(x, w2_ref[...], precision=hi) + b2_ref[...]
    x = _layernorm(x, g2_ref[...], be2_ref[...])
    x = jnp.maximum(x, 0.0)
    x = jnp.dot(x, wmu_ref[...], precision=hi) + bmu_ref[...]
    o_ref[...] = jax.nn.sigmoid(x)


def _tc_call(u, W_conv, b_conv, W1, b1, g1, beta1, W2, b2, g2, beta2,
             Wmu, bmu, interpret=False):
    na = Wmu.shape[1]
    out = pl.pallas_call(
        _tc_body,
        out_shape=jax.ShapeDtypeStruct((1, na), jnp.float32),
        interpret=interpret,
    )(u.reshape(1, D), W_conv, b_conv.reshape(1, -1),
      W1, b1.reshape(1, -1), g1.reshape(1, -1), beta1.reshape(1, -1),
      W2, b2.reshape(1, -1), g2.reshape(1, -1), beta2.reshape(1, -1),
      Wmu, bmu.reshape(1, -1))
    return out.reshape(na)


@jax.jit
def kernel(state, edge_index, agent_i, W_conv, b_conv, W1, b1, g1, beta1,
           W2, b2, g2, beta2, Wmu, bmu):
    avec = jnp.full((16,), agent_i, dtype=jnp.int32)
    ei = edge_index.astype(jnp.int32).reshape(2 * E)
    u = _sc_call(ei, state, avec)
    return _tc_call(u, W_conv, b_conv, W1, b1, g1, beta1,
                    W2, b2, g2, beta2, Wmu, bmu)

# --- scband reference (transcript-rebuilt; emitter-appended) ---
"""Pipeline reference for scband-actor-network-16449724744506 (READ-ONLY COPY).

The authoritative reference and input builder live on the scoring server;
editing this copy changes nothing except your own understanding.
"""

import jax, jax.numpy as jnp
import numpy as np

N = 10000
E = 320000
D_IN = 128
HID = 256  # input_dims * 2
FC1 = 256
FC2 = 128
NA = 64


def setup_inputs(seed: int = 0) -> dict:
    key = jax.random.key(seed)
    ks = jax.random.split(key, 16)
    state = jax.random.normal(ks[0], (N, D_IN), dtype=jnp.float32)
    edge_index = jax.random.randint(ks[1], (2, E), 0, N)
    agent_i = 0
    # GCNConv params (glorot-ish scale)
    W_conv = jax.random.normal(ks[2], (D_IN, HID), dtype=jnp.float32) * (1.0 / np.sqrt(D_IN))
    b_conv = jnp.zeros((HID,), dtype=jnp.float32)
    f1 = 1.0 / np.sqrt(HID)
    W1 = jax.random.uniform(ks[3], (HID, FC1), minval=-f1, maxval=f1, dtype=jnp.float32)
    b1 = jax.random.uniform(ks[4], (FC1,), minval=-f1, maxval=f1, dtype=jnp.float32)
    g1 = jnp.ones((FC1,), dtype=jnp.float32)
    beta1 = jnp.zeros((FC1,), dtype=jnp.float32)
    f2 = 1.0 / np.sqrt(FC1)
    W2 = jax.random.uniform(ks[5], (FC1, FC2), minval=-f2, maxval=f2, dtype=jnp.float32)
    b2 = jax.random.uniform(ks[6], (FC2,), minval=-f2, maxval=f2, dtype=jnp.float32)
    g2 = jnp.ones((FC2,), dtype=jnp.float32)
    beta2 = jnp.zeros((FC2,), dtype=jnp.float32)
    f3 = 0.003
    Wmu = jax.random.uniform(ks[7], (FC2, NA), minval=-f3, maxval=f3, dtype=jnp.float32)
    bmu = jax.random.uniform(ks[8], (NA,), minval=-f3, maxval=f3, dtype=jnp.float32)
    return {
        "state": state, "edge_index": edge_index, "agent_i": agent_i,
        "W_conv": W_conv, "b_conv": b_conv,
        "W1": W1, "b1": b1, "g1": g1, "beta1": beta1,
        "W2": W2, "b2": b2, "g2": g2, "beta2": beta2,
        "Wmu": Wmu, "bmu": bmu,
    }


def _layernorm(v, g, b, eps=1e-5):
    m = jnp.mean(v, axis=-1, keepdims=True)
    var = jnp.mean((v - m) ** 2, axis=-1, keepdims=True)
    return (v - m) / jnp.sqrt(var + eps) * g + b


def _gcn_conv(x, edge_index, W, b):
    # PyG GCNConv: add self-loops, symmetric normalization, linear transform, scatter-add
    n = x.shape[0]
    loop = jnp.arange(n, dtype=edge_index.dtype)
    src = jnp.concatenate([edge_index[0], loop])
    dst = jnp.concatenate([edge_index[1], loop])
    xw = x @ W
    deg = jnp.zeros((n,), dtype=xw.dtype).at[dst].add(1.0)
    dinv = jnp.where(deg > 0, deg ** -0.5, 0.0)
    norm = dinv[src] * dinv[dst]
    msg = xw[src] * norm[:, None]
    out = jnp.zeros((n, W.shape[1]), dtype=xw.dtype).at[dst].add(msg)
    return out + b


def reference(state, edge_index, agent_i, W_conv, b_conv, W1, b1, g1, beta1, W2, b2, g2, beta2, Wmu, bmu):
    x = _gcn_conv(state, edge_index, W_conv, b_conv)
    x = jax.nn.relu(x[agent_i])
    x = x @ W1 + b1
    x = _layernorm(x, g1, beta1)
    x = jax.nn.relu(x)
    x = x @ W2 + b2
    x = _layernorm(x, g2, beta2)
    x = jax.nn.relu(x)
    x = jax.nn.sigmoid(x @ Wmu + bmu)
    return x

if __name__ == "__main__":
    import jax
    _d = setup_inputs()
    print(jax.jit(kernel)(*tuple(_d.values())))

</pallas_src>

<mosaic_0001>
#map = affine_map<(d0, d1) -> (0)>
#map1 = affine_map<(d0, d1) -> (0, 0)>
module attributes {stable_mosaic.version = 14 : i64} {
  func.func @_sc_body(%arg0: i32, %arg1: i32, %arg2: memref<640000xi32, #tpu.memory_space<hbm>>, %arg3: memref<10000x128xf32, #tpu.memory_space<hbm>>, %arg4: memref<16xi32, #tpu.memory_space<hbm>>, %arg5: memref<128xf32, #tpu.memory_space<hbm>>, %arg6: memref<2000xi32, #tpu.memory_space<vmem>>, %arg7: memref<2000xi32, #tpu.memory_space<vmem>>, %arg8: memref<2000xi32, #tpu.memory_space<vmem>>, %arg9: memref<2000xi32, #tpu.memory_space<vmem>>, %arg10: memref<10240xf32, #tpu.memory_space<vmem>>, %arg11: memref<20032xi32, #tpu.memory_space<vmem>>, %arg12: memref<16x640xf32, #tpu.memory_space<vmem>>, %arg13: memref<640xf32, #tpu.memory_space<vmem>>, %arg14: memref<16xi32, #tpu.memory_space<vmem>>, %arg15: memref<10240xf32, #tpu.memory_space<vmem>>, %arg16: memref<16xi32, #tpu.memory_space<vmem>>, %arg17: memref<16xf32, #tpu.memory_space<vmem>>, %arg18: memref<16x128xf32, #tpu.memory_space<vmem>>, %arg19: memref<16x128xf32, #tpu.memory_space<vmem>>, %arg20: memref<128xf32, #tpu.memory_space<vmem>>, %arg21: memref<16x10240xf32, #tpu.memory_space<vmem_shared>>, %arg22: memref<10240xf32, #tpu.memory_space<vmem_shared>>, %arg23: memref<16x128xf32, #tpu.memory_space<vmem_shared>>, %arg24: memref<!tpu.dma_semaphore, #tpu.memory_space<semaphore_mem>>, %arg25: memref<!tpu.dma_semaphore, #tpu.memory_space<semaphore_mem>>, %arg26: memref<!tpu.dma_semaphore, #tpu.memory_space<semaphore_mem>>, %arg27: memref<!tpu.dma_semaphore, #tpu.memory_space<semaphore_mem>>, %arg28: memref<!tpu.dma_semaphore, #tpu.memory_space<semaphore_mem>>, %arg29: memref<!tpu.dma_semaphore, #tpu.memory_space<semaphore_mem>>) attributes {dimension_semantics = [#tpu.dimension_semantics<core_parallel>, #tpu.dimension_semantics<subcore_parallel>], iteration_bounds = array<i64: 1, 16>, scalar_prefetch = 0 : i64, scratch_operands = 24 : i64, tpu.core_type = #tpu.core_type<sc_vector_subcore>, window_params = [{transform_indices = #map}, {transform_indices = #map1}, {transform_indices = #map}, {transform_indices = #map}]} {
    %iota3A = tpu.iota {dimensions = array<i32: 0>} : vector<16xi32>
    %broadcast_in_dim3A = arith.constant 0.000000e+00 : f32
    %broadcast_in_dim3A_0 = vector.broadcast %broadcast_in_dim3A : f32 to vector<16xf32>
    %broadcast_in_dim3A_1 = arith.constant 1.000000e+00 : f32
    %broadcast_in_dim3A_2 = vector.broadcast %broadcast_in_dim3A_1 : f32 to vector<16xf32>
    %broadcast_in_dim3A_3 = arith.constant 0 : i32
    %broadcast_in_dim3A_4 = vector.broadcast %broadcast_in_dim3A_3 : i32 to vector<16xi32>
    %mul3A = arith.constant 20000 : i32
    %mul3A_5 = arith.muli %arg1, %mul3A : i32
    "tpu.region"() ({
      %run_scoped3A = tpu.sem_alloc : memref<!tpu.dma_semaphore, #tpu.memory_space<semaphore_mem>>
      tpu.enqueue_dma source(%arg4 : memref<16xi32, #tpu.memory_space<hbm>>) target(%arg14 : memref<16xi32, #tpu.memory_space<vmem>>) target_semaphore(%run_scoped3A : memref<!tpu.dma_semaphore, #tpu.memory_space<semaphore_mem>>)
      tpu.wait_dma2 semaphore(%run_scoped3A : memref<!tpu.dma_semaphore, #tpu.memory_space<semaphore_mem>>) src(%arg4 : memref<16xi32, #tpu.memory_space<hbm>>) dst(%arg14 : memref<16xi32, #tpu.memory_space<vmem>>)
      tpu.yield
    }) : () -> ()
    %get3A = arith.constant 0 : index
    %get3A_6 = tpu.vector_load %arg14[%get3A] {strides = array<i32>} : memref<16xi32, #tpu.memory_space<vmem>>, vector<16xi32>,
    %scan3A = arith.constant 0 : i32
    %scan3A_7 = arith.constant 0 : i32
    %scan3A_8 = arith.constant 80 : i32
    %scan3A_9 = arith.addi %scan3A_7, %scan3A_8 : i32
    %scan3A_10 = arith.constant 1 : i32
    scf.for %scan3A_366 = %scan3A_7 to %scan3A_9 step %scan3A_10  : i32 {
      %mul3A_367 = arith.constant 128 : i32
      %mul3A_368 = arith.muli %scan3A_366, %mul3A_367 : i32
      %add3A_369 = arith.constant 0 : i32
      %add3A_370 = arith.addi %mul3A_368, %add3A_369 : i32
      %multiple_of3A_371 = tpu.assume_multiple %add3A_370, 16 : i32
      %swap3A_372 = arith.index_cast %multiple_of3A_371 : i32 to index
      %swap3A_373 = tpu.vector_load %arg10[%swap3A_372] {strides = array<i32>} : memref<10240xf32, #tpu.memory_space<vmem>>, vector<16xf32>,
      tpu.vector_store %arg10[%swap3A_372], %broadcast_in_dim3A_0 {strides = array<i32>} : memref<10240xf32, #tpu.memory_space<vmem>>, vector<16xf32>,
      %mul3A_374 = arith.constant 128 : i32
      %mul3A_375 = arith.muli %scan3A_366, %mul3A_374 : i32
      %add3A_376 = arith.constant 16 : i32
      %add3A_377 = arith.addi %mul3A_375, %add3A_376 : i32
      %multiple_of3A_378 = tpu.assume_multiple %add3A_377, 16 : i32
      %swap3A_379 = arith.index_cast %multiple_of3A_378 : i32 to index
      %swap3A_380 = tpu.vector_load %arg10[%swap3A_379] {strides = array<i32>} : memref<10240xf32, #tpu.memory_space<vmem>>, vector<16xf32>,
      tpu.vector_store %arg10[%swap3A_379], %broadcast_in_dim3A_0 {strides = array<i32>} : memref<10240xf32, #tpu.memory_space<vmem>>, vector<16xf32>,
      %mul3A_381 = arith.constant 128 : i32
      %mul3A_382 = arith.muli %scan3A_366, %mul3A_381 : i32
      %add3A_383 = arith.constant 32 : i32
      %add3A_384 = arith.addi %mul3A_382, %add3A_383 : i32
      %multiple_of3A_385 = tpu.assume_multiple %add3A_384, 16 : i32
      %swap3A_386 = arith.index_cast %multiple_of3A_385 : i32 to index
      %swap3A_387 = tpu.vector_load %arg10[%swap3A_386] {strides = array<i32>} : memref<10240xf32, #tpu.memory_space<vmem>>, vector<16xf32>,
      tpu.vector_store %arg10[%swap3A_386], %broadcast_in_dim3A_0 {strides = array<i32>} : memref<10240xf32, #tpu.memory_space<vmem>>, vector<16xf32>,
      %mul3A_388 = arith.constant 128 : i32
      %mul3A_389 = arith.muli %scan3A_366, %mul3A_388 : i32
      %add3A_390 = arith.constant 48 : i32
      %add3A_391 = arith.addi %mul3A_389, %add3A_390 : i32
      %multiple_of3A_392 = tpu.assume_multiple %add3A_391, 16 : i32
      %swap3A_393 = arith.index_cast %multiple_of3A_392 : i32 to index
      %swap3A_394 = tpu.vector_load %arg10[%swap3A_393] {strides = array<i32>} : memref<10240xf32, #tpu.memory_space<vmem>>, vector<16xf32>,
      tpu.vector_store %arg10[%swap3A_393], %broadcast_in_dim3A_0 {strides = array<i32>} : memref<10240xf32, #tpu.memory_space<vmem>>, vector<16xf32>,
      %mul3A_395 = arith.constant 128 : i32
      %mul3A_396 = arith.muli %scan3A_366, %mul3A_395 : i32
      %add3A_397 = arith.constant 64 : i32
      %add3A_398 = arith.addi %mul3A_396, %add3A_397 : i32
      %multiple_of3A_399 = tpu.assume_multiple %add3A_398, 16 : i32
      %swap3A_400 = arith.index_cast %multiple_of3A_399 : i32 to index
      %swap3A_401 = tpu.vector_load %arg10[%swap3A_400] {strides = array<i32>} : memref<10240xf32, #tpu.memory_space<vmem>>, vector<16xf32>,
      tpu.vector_store %arg10[%swap3A_400], %broadcast_in_dim3A_0 {strides = array<i32>} : memref<10240xf32, #tpu.memory_space<vmem>>, vector<16xf32>,
      %mul3A_402 = arith.constant 128 : i32
      %mul3A_403 = arith.muli %scan3A_366, %mul3A_402 : i32
      %add3A_404 = arith.constant 80 : i32
      %add3A_405 = arith.addi %mul3A_403, %add3A_404 : i32
      %multiple_of3A_406 = tpu.assume_multiple %add3A_405, 16 : i32
      %swap3A_407 = arith.index_cast %multiple_of3A_406 : i32 to index
      %swap3A_408 = tpu.vector_load %arg10[%swap3A_407] {strides = array<i32>} : memref<10240xf32, #tpu.memory_space<vmem>>, vector<16xf32>,
      tpu.vector_store %arg10[%swap3A_407], %broadcast_in_dim3A_0 {strides = array<i32>} : memref<10240xf32, #tpu.memory_space<vmem>>, vector<16xf32>,
      %mul3A_409 = arith.constant 128 : i32
      %mul3A_410 = arith.muli %scan3A_366, %mul3A_409 : i32
      %add3A_411 = arith.constant 96 : i32
      %add3A_412 = arith.addi %mul3A_410, %add3A_411 : i32
      %multiple_of3A_413 = tpu.assume_multiple %add3A_412, 16 : i32
      %swap3A_414 = arith.index_cast %multiple_of3A_413 : i32 to index
      %swap3A_415 = tpu.vector_load %arg10[%swap3A_414] {strides = array<i32>} : memref<10240xf32, #tpu.memory_space<vmem>>, vector<16xf32>,
      tpu.vector_store %arg10[%swap3A_414], %broadcast_in_dim3A_0 {strides = array<i32>} : memref<10240xf32, #tpu.memory_space<vmem>>, vector<16xf32>,
      %mul3A_416 = arith.constant 128 : i32
      %mul3A_417 = arith.muli %scan3A_366, %mul3A_416 : i32
      %add3A_418 = arith.constant 112 : i32
      %add3A_419 = arith.addi %mul3A_417, %add3A_418 : i32
      %multiple_of3A_420 = tpu.assume_multiple %add3A_419, 16 : i32
      %swap3A_421 = arith.index_cast %multiple_of3A_420 : i32 to index
      %swap3A_422 = tpu.vector_load %arg10[%swap3A_421] {strides = array<i32>} : memref<10240xf32, #tpu.memory_space<vmem>>, vector<16xf32>,
      tpu.vector_store %arg10[%swap3A_421], %broadcast_in_dim3A_0 {strides = array<i32>} : memref<10240xf32, #tpu.memory_space<vmem>>, vector<16xf32>,
    }
    %scan3A_11 = arith.constant 80 : i32
    %add3A = arith.constant 0 : i32
    %add3A_12 = arith.addi %mul3A_5, %add3A : i32
    %multiple_of3A = tpu.assume_multiple %add3A_12, 16 : i32
    %dma_start3A = tpu.memref_slice %arg2[%multiple_of3A] : memref<640000xi32, #tpu.memory_space<hbm>> -> memref<2000xi32, #tpu.memory_space<hbm>>
    %dma_start3A_13 = tpu.memref_slice %arg2[%multiple_of3A] : memref<640000xi32, #tpu.memory_space<hbm>> -> memref<2000xi32, #tpu.memory_space<hbm>>
    tpu.enqueue_dma source(%dma_start3A_13 : memref<2000xi32, #tpu.memory_space<hbm>>) target(%arg6 : memref<2000xi32, #tpu.memory_space<vmem>>) target_semaphore(%arg26 : memref<!tpu.dma_semaphore, #tpu.memory_space<semaphore_mem>>)
    %add3A_14 = arith.constant 320000 : i32
    %add3A_15 = arith.addi %add3A_14, %mul3A_5 : i32
    %add3A_16 = arith.constant 0 : i32
    %add3A_17 = arith.addi %add3A_15, %add3A_16 : i32
    %multiple_of3A_18 = tpu.assume_multiple %add3A_17, 16 : i32
    %dma_start3A_19 = tpu.memref_slice %arg2[%multiple_of3A_18] : memref<640000xi32, #tpu.memory_space<hbm>> -> memref<2000xi32, #tpu.memory_space<hbm>>
    %dma_start3A_20 = tpu.memref_slice %arg2[%multiple_of3A_18] : memref<640000xi32, #tpu.memory_space<hbm>> -> memref<2000xi32, #tpu.memory_space<hbm>>
    tpu.enqueue_dma source(%dma_start3A_20 : memref<2000xi32, #tpu.memory_space<hbm>>) target(%arg8 : memref<2000xi32, #tpu.memory_space<vmem>>) target_semaphore(%arg28 : memref<!tpu.dma_semaphore, #tpu.memory_space<semaphore_mem>>)
    %broadcast_in_dim3A_21 = arith.constant 0 : i32
    %broadcast_in_dim3A_22 = vector.broadcast %broadcast_in_dim3A_21 : i32 to vector<16xi32>
    %add3A_23 = arith.constant 2000 : i32
    %add3A_24 = arith.addi %mul3A_5, %add3A_23 : i32
    %multiple_of3A_25 = tpu.assume_multiple %add3A_24, 16 : i32
    %dma_start3A_26 = tpu.memref_slice %arg2[%multiple_of3A_25] : memref<640000xi32, #tpu.memory_space<hbm>> -> memref<2000xi32, #tpu.memory_space<hbm>>
    %dma_start3A_27 = tpu.memref_slice %arg2[%multiple_of3A_25] : memref<640000xi32, #tpu.memory_space<hbm>> -> memref<2000xi32, #tpu.memory_space<hbm>>
    tpu.enqueue_dma source(%dma_start3A_27 : memref<2000xi32, #tpu.memory_space<hbm>>) target(%arg7 : memref<2000xi32, #tpu.memory_space<vmem>>) target_semaphore(%arg27 : memref<!tpu.dma_semaphore, #tpu.memory_space<semaphore_mem>>)
    %add3A_28 = arith.constant 320000 : i32
    %add3A_29 = arith.addi %add3A_28, %mul3A_5 : i32
    %add3A_30 = arith.constant 2000 : i32
    %add3A_31 = arith.addi %add3A_29, %add3A_30 : i32
    %multiple_of3A_32 = tpu.assume_multiple %add3A_31, 16 : i32
    %dma_start3A_33 = tpu.memref_slice %arg2[%multiple_of3A_32] : memref<640000xi32, #tpu.memory_space<hbm>> -> memref<2000xi32, #tpu.memory_space<hbm>>
    %dma_start3A_34 = tpu.memref_slice %arg2[%multiple_of3A_32] : memref<640000xi32, #tpu.memory_space<hbm>> -> memref<2000xi32, #tpu.memory_space<hbm>>
    tpu.enqueue_dma source(%dma_start3A_34 : memref<2000xi32, #tpu.memory_space<hbm>>) target(%arg9 : memref<2000xi32, #tpu.memory_space<vmem>>) target_semaphore(%arg29 : memref<!tpu.dma_semaphore, #tpu.memory_space<semaphore_mem>>)
    %add3A_35 = arith.constant 0 : i32
    %add3A_36 = arith.addi %mul3A_5, %add3A_35 : i32
    %multiple_of3A_37 = tpu.assume_multiple %add3A_36, 16 : i32
    %dma_wait3A = tpu.memref_slice %arg2[%multiple_of3A_37] : memref<640000xi32, #tpu.memory_space<hbm>> -> memref<2000xi32, #tpu.memory_space<hbm>>
    %dma_wait3A_38 = tpu.memref_slice %arg2[%multiple_of3A_37] : memref<640000xi32, #tpu.memory_space<hbm>> -> memref<2000xi32, #tpu.memory_space<hbm>>
    tpu.wait_dma2 semaphore(%arg26 : memref<!tpu.dma_semaphore, #tpu.memory_space<semaphore_mem>>) src(%dma_wait3A_38 : memref<2000xi32, #tpu.memory_space<hbm>>) dst(%arg6 : memref<2000xi32, #tpu.memory_space<vmem>>)
    %add3A_39 = arith.constant 320000 : i32
    %add3A_40 = arith.addi %add3A_39, %mul3A_5 : i32
    %add3A_41 = arith.constant 0 : i32
    %add3A_42 = arith.addi %add3A_40, %add3A_41 : i32
    %multiple_of3A_43 = tpu.assume_multiple %add3A_42, 16 : i32
    %dma_wait3A_44 = tpu.memref_slice %arg2[%multiple_of3A_43] : memref<640000xi32, #tpu.memory_space<hbm>> -> memref<2000xi32, #tpu.memory_space<hbm>>
    %dma_wait3A_45 = tpu.memref_slice %arg2[%multiple_of3A_43] : memref<640000xi32, #tpu.memory_space<hbm>> -> memref<2000xi32, #tpu.memory_space<hbm>>
    tpu.wait_dma2 semaphore(%arg28 : memref<!tpu.dma_semaphore, #tpu.memory_space<semaphore_mem>>) src(%dma_wait3A_45 : memref<2000xi32, #tpu.memory_space<hbm>>) dst(%arg8 : memref<2000xi32, #tpu.memory_space<vmem>>)
    %scan3A_46 = arith.constant 0 : i32
    %scan3A_47 = arith.constant 25 : i32
    %scan3A_48 = arith.addi %scan3A_46, %scan3A_47 : i32
    %scan3A_49 = arith.constant 1 : i32
    %scan3A_50 = scf.for %scan3A_366 = %scan3A_46 to %scan3A_48 step %scan3A_49 iter_args(%scan3A_367 = %broadcast_in_dim3A_22) -> (vector<16xi32>)  : i32 {
      %mul3A_368 = arith.constant 80 : i32
      %mul3A_369 = arith.muli %scan3A_366, %mul3A_368 : i32
      %add3A_370 = arith.constant 0 : i32
      %add3A_371 = arith.addi %mul3A_369, %add3A_370 : i32
      %multiple_of3A_372 = tpu.assume_multiple %add3A_371, 16 : i32
      %get3A_373 = arith.index_cast %multiple_of3A_372 : i32 to index
      %get3A_374 = tpu.vector_load %arg8[%get3A_373] {strides = array<i32>} : memref<2000xi32, #tpu.memory_space<vmem>>, vector<16xi32>,
      tpu.vector_store_idx %arg10[%get3A_374], %broadcast_in_dim3A_2 {add = true} : memref<10240xf32, #tpu.memory_space<vmem>>[vector<16xi32>], vector<16xf32>,
      %eq3A_375 = arith.cmpi eq, %get3A_374, %get3A_6 : vector<16xi32>
      %all_reduce_population_count3A = tpu.all_reduce %eq3A_375 {dim = 0 : i64, kind = #tpu.reduction_kind<sum>} : vector<16xi1> -> vector<16xi32>
      %mul3A_376 = arith.constant 80 : i32
      %mul3A_377 = arith.muli %scan3A_366, %mul3A_376 : i32
      %add3A_378 = arith.constant 16 : i32
      %add3A_379 = arith.addi %mul3A_377, %add3A_378 : i32
      %multiple_of3A_380 = tpu.assume_multiple %add3A_379, 16 : i32
      %get3A_381 = arith.index_cast %multiple_of3A_380 : i32 to index
      %get3A_382 = tpu.vector_load %arg8[%get3A_381] {strides = array<i32>} : memref<2000xi32, #tpu.memory_space<vmem>>, vector<16xi32>,
      tpu.vector_store_idx %arg10[%get3A_382], %broadcast_in_dim3A_2 {add = true} : memref<10240xf32, #tpu.memory_space<vmem>>[vector<16xi32>], vector<16xf32>,
      %eq3A_383 = arith.cmpi eq, %get3A_382, %get3A_6 : vector<16xi32>
      %all_reduce_population_count3A_384 = tpu.all_reduce %eq3A_383 {dim = 0 : i64, kind = #tpu.reduction_kind<sum>} : vector<16xi1> -> vector<16xi32>
      %mul3A_385 = arith.constant 80 : i32
      %mul3A_386 = arith.muli %scan3A_366, %mul3A_385 : i32
      %add3A_387 = arith.constant 32 : i32
      %add3A_388 = arith.addi %mul3A_386, %add3A_387 : i32
      %multiple_of3A_389 = tpu.assume_multiple %add3A_388, 16 : i32
      %get3A_390 = arith.index_cast %multiple_of3A_389 : i32 to index
      %get3A_391 = tpu.vector_load %arg8[%get3A_390] {strides = array<i32>} : memref<2000xi32, #tpu.memory_space<vmem>>, vector<16xi32>,
      tpu.vector_store_idx %arg10[%get3A_391], %broadcast_in_dim3A_2 {add = true} : memref<10240xf32, #tpu.memory_space<vmem>>[vector<16xi32>], vector<16xf32>,
      %eq3A_392 = arith.cmpi eq, %get3A_391, %get3A_6 : vector<16xi32>
      %all_reduce_population_count3A_393 = tpu.all_reduce %eq3A_392 {dim = 0 : i64, kind = #tpu.reduction_kind<sum>} : vector<16xi1> -> vector<16xi32>
      %mul3A_394 = arith.constant 80 : i32
      %mul3A_395 = arith.muli %scan3A_366, %mul3A_394 : i32
      %add3A_396 = arith.constant 48 : i32
      %add3A_397 = arith.addi %mul3A_395, %add3A_396 : i32
      %multiple_of3A_398 = tpu.assume_multiple %add3A_397, 16 : i32
      %get3A_399 = arith.index_cast %multiple_of3A_398 : i32 to index
      %get3A_400 = tpu.vector_load %arg8[%get3A_399] {strides = array<i32>} : memref<2000xi32, #tpu.memory_space<vmem>>, vector<16xi32>,
      tpu.vector_store_idx %arg10[%get3A_400], %broadcast_in_dim3A_2 {add = true} : memref<10240xf32, #tpu.memory_space<vmem>>[vector<16xi32>], vector<16xf32>,
      %eq3A_401 = arith.cmpi eq, %get3A_400, %get3A_6 : vector<16xi32>
      %all_reduce_population_count3A_402 = tpu.all_reduce %eq3A_401 {dim = 0 : i64, kind = #tpu.reduction_kind<sum>} : vector<16xi1> -> vector<16xi32>
      %mul3A_403 = arith.constant 80 : i32
      %mul3A_404 = arith.muli %scan3A_366, %mul3A_403 : i32
      %add3A_405 = arith.constant 64 : i32
      %add3A_406 = arith.addi %mul3A_404, %add3A_405 : i32
      %multiple_of3A_407 = tpu.assume_multiple %add3A_406, 16 : i32
      %get3A_408 = arith.index_cast %multiple_of3A_407 : i32 to index
      %get3A_409 = tpu.vector_load %arg8[%get3A_408] {strides = array<i32>} : memref<2000xi32, #tpu.memory_space<vmem>>, vector<16xi32>,
      tpu.vector_store_idx %arg10[%get3A_409], %broadcast_in_dim3A_2 {add = true} : memref<10240xf32, #tpu.memory_space<vmem>>[vector<16xi32>], vector<16xf32>,
      %eq3A_410 = arith.cmpi eq, %get3A_409, %get3A_6 : vector<16xi32>
      %all_reduce_population_count3A_411 = tpu.all_reduce %eq3A_410 {dim = 0 : i64, kind = #tpu.reduction_kind<sum>} : vector<16xi1> -> vector<16xi32>
      %add3A_412 = arith.addi %all_reduce_population_count3A, %all_reduce_population_count3A_384 : vector<16xi32>
      %add3A_413 = arith.addi %add3A_412, %all_reduce_population_count3A_393 : vector<16xi32>
      %add3A_414 = arith.addi %add3A_413, %all_reduce_population_count3A_402 : vector<16xi32>
      %add3A_415 = arith.addi %add3A_414, %all_reduce_population_count3A_411 : vector<16xi32>
      %slice3A = vector.extract_strided_slice %add3A_415 {offsets = [0], sizes = [1], strides = [1]} : vector<16xi32> to vector<1xi32>
      %squeeze3A = vector.extract %slice3A[0] : i32 from vector<1xi32>
      %gt3A = arith.constant 0 : i32
      %gt3A_416 = arith.cmpi sgt, %squeeze3A, %gt3A : i32
      %convert_element_type3A_417 = arith.extui %gt3A_416 : i1 to i32
      %cond3A_418 = arith.constant 0 : i32
      %cond3A_419 = arith.cmpi ne, %convert_element_type3A_417, %cond3A_418 : i32
      scf.if %cond3A_419 {
        %mul3A_421 = arith.constant 80 : i32
        %mul3A_422 = arith.muli %scan3A_366, %mul3A_421 : i32
        %add3A_423 = arith.constant 0 : i32
        %add3A_424 = arith.addi %mul3A_422, %add3A_423 : i32
        %multiple_of3A_425 = tpu.assume_multiple %add3A_424, 16 : i32
        %get3A_426 = arith.index_cast %multiple_of3A_425 : i32 to index
        %get3A_427 = tpu.vector_load %arg6[%get3A_426] {strides = array<i32>} : memref<2000xi32, #tpu.memory_space<vmem>>, vector<16xi32>,
        %convert_element_type3A_428 = arith.extui %eq3A_375 : vector<16xi1> to vector<16xi32>
        %broadcast_in_dim3A_429 = arith.constant true
        %broadcast_in_dim3A_430 = vector.broadcast %broadcast_in_dim3A_429 : i1 to vector<16xi1>
        %masked_cumsum3A = tpu.scan <sum>, %convert_element_type3A_428 masked %broadcast_in_dim3A_430 : vector<16xi32>, vector<16xi1> -> vector<16xi32>
        %add3A_431 = arith.addi %scan3A_367, %masked_cumsum3A : vector<16xi32>
        %sub3A_432 = arith.constant 1 : i32
        %sub3A_433 = vector.broadcast %sub3A_432 : i32 to vector<16xi32>
        %sub3A_434 = arith.subi %add3A_431, %sub3A_433 : vector<16xi32>
        %jit3A_435 = arith.constant 0 : i32
        %broadcast_in_dim3A_436 = vector.broadcast %jit3A_435 : i32 to vector<16xi32>
        %select_n3A_437 = arith.select %eq3A_375, %sub3A_434, %broadcast_in_dim3A_436 : vector<16xi1>, vector<16xi32>
        tpu.vector_store_idx %arg11[%select_n3A_437], %get3A_427 masked %eq3A_375 : memref<20032xi32, #tpu.memory_space<vmem>>[vector<16xi32>], vector<16xi32>, vector<16xi1>
        %add3A_438 = arith.addi %scan3A_367, %all_reduce_population_count3A : vector<16xi32>
        %mul3A_439 = arith.constant 80 : i32
        %mul3A_440 = arith.muli %scan3A_366, %mul3A_439 : i32
        %add3A_441 = arith.constant 16 : i32
        %add3A_442 = arith.addi %mul3A_440, %add3A_441 : i32
        %multiple_of3A_443 = tpu.assume_multiple %add3A_442, 16 : i32
        %get3A_444 = arith.index_cast %multiple_of3A_443 : i32 to index
        %get3A_445 = tpu.vector_load %arg6[%get3A_444] {strides = array<i32>} : memref<2000xi32, #tpu.memory_space<vmem>>, vector<16xi32>,
        %convert_element_type3A_446 = arith.extui %eq3A_383 : vector<16xi1> to vector<16xi32>
        %broadcast_in_dim3A_447 = arith.constant true
        %broadcast_in_dim3A_448 = vector.broadcast %broadcast_in_dim3A_447 : i1 to vector<16xi1>
        %masked_cumsum3A_449 = tpu.scan <sum>, %convert_element_type3A_446 masked %broadcast_in_dim3A_448 : vector<16xi32>, vector<16xi1> -> vector<16xi32>
        %add3A_450 = arith.addi %add3A_438, %masked_cumsum3A_449 : vector<16xi32>
        %sub3A_451 = arith.constant 1 : i32
        %sub3A_452 = vector.broadcast %sub3A_451 : i32 to vector<16xi32>
        %sub3A_453 = arith.subi %add3A_450, %sub3A_452 : vector<16xi32>
        %jit3A_454 = arith.constant 0 : i32
        %broadcast_in_dim3A_455 = vector.broadcast %jit3A_454 : i32 to vector<16xi32>
        %select_n3A_456 = arith.select %eq3A_383, %sub3A_453, %broadcast_in_dim3A_455 : vector<16xi1>, vector<16xi32>
        tpu.vector_store_idx %arg11[%select_n3A_456], %get3A_445 masked %eq3A_383 : memref<20032xi32, #tpu.memory_space<vmem>>[vector<16xi32>], vector<16xi32>, vector<16xi1>
        %add3A_457 = arith.addi %add3A_438, %all_reduce_population_count3A_384 : vector<16xi32>
        %mul3A_458 = arith.constant 80 : i32
        %mul3A_459 = arith.muli %scan3A_366, %mul3A_458 : i32
        %add3A_460 = arith.constant 32 : i32
        %add3A_461 = arith.addi %mul3A_459, %add3A_460 : i32
        %multiple_of3A_462 = tpu.assume_multiple %add3A_461, 16 : i32
        %get3A_463 = arith.index_cast %multiple_of3A_462 : i32 to index
        %get3A_464 = tpu.vector_load %arg6[%get3A_463] {strides = array<i32>} : memref<2000xi32, #tpu.memory_space<vmem>>, vector<16xi32>,
        %convert_element_type3A_465 = arith.extui %eq3A_392 : vector<16xi1> to vector<16xi32>
        %broadcast_in_dim3A_466 = arith.constant true
        %broadcast_in_dim3A_467 = vector.broadcast %broadcast_in_dim3A_466 : i1 to vector<16xi1>
        %masked_cumsum3A_468 = tpu.scan <sum>, %convert_element_type3A_465 masked %broadcast_in_dim3A_467 : vector<16xi32>, vector<16xi1> -> vector<16xi32>
        %add3A_469 = arith.addi %add3A_457, %masked_cumsum3A_468 : vector<16xi32>
        %sub3A_470 = arith.constant 1 : i32
        %sub3A_471 = vector.broadcast %sub3A_470 : i32 to vector<16xi32>
        %sub3A_472 = arith.subi %add3A_469, %sub3A_471 : vector<16xi32>
        %jit3A_473 = arith.constant 0 : i32
        %broadcast_in_dim3A_474 = vector.broadcast %jit3A_473 : i32 to vector<16xi32>
        %select_n3A_475 = arith.select %eq3A_392, %sub3A_472, %broadcast_in_dim3A_474 : vector<16xi1>, vector<16xi32>
        tpu.vector_store_idx %arg11[%select_n3A_475], %get3A_464 masked %eq3A_392 : memref<20032xi32, #tpu.memory_space<vmem>>[vector<16xi32>], vector<16xi32>, vector<16xi1>
        %add3A_476 = arith.addi %add3A_457, %all_reduce_population_count3A_393 : vector<16xi32>
        %mul3A_477 = arith.constant 80 : i32
        %mul3A_478 = arith.muli %scan3A_366, %mul3A_477 : i32
        %add3A_479 = arith.constant 48 : i32
        %add3A_480 = arith.addi %mul3A_478, %add3A_479 : i32
        %multiple_of3A_481 = tpu.assume_multiple %add3A_480, 16 : i32
        %get3A_482 = arith.index_cast %multiple_of3A_481 : i32 to index
        %get3A_483 = tpu.vector_load %arg6[%get3A_482] {strides = array<i32>} : memref<2000xi32, #tpu.memory_space<vmem>>, vector<16xi32>,
        %convert_element_type3A_484 = arith.extui %eq3A_401 : vector<16xi1> to vector<16xi32>
        %broadcast_in_dim3A_485 = arith.constant true
        %broadcast_in_dim3A_486 = vector.broadcast %broadcast_in_dim3A_485 : i1 to vector<16xi1>
        %masked_cumsum3A_487 = tpu.scan <sum>, %convert_element_type3A_484 masked %broadcast_in_dim3A_486 : vector<16xi32>, vector<16xi1> -> vector<16xi32>
        %add3A_488 = arith.addi %add3A_476, %masked_cumsum3A_487 : vector<16xi32>
        %sub3A_489 = arith.constant 1 : i32
        %sub3A_490 = vector.broadcast %sub3A_489 : i32 to vector<16xi32>
        %sub3A_491 = arith.subi %add3A_488, %sub3A_490 : vector<16xi32>
        %jit3A_492 = arith.constant 0 : i32
        %broadcast_in_dim3A_493 = vector.broadcast %jit3A_492 : i32 to vector<16xi32>
        %select_n3A_494 = arith.select %eq3A_401, %sub3A_491, %broadcast_in_dim3A_493 : vector<16xi1>, vector<16xi32>
        tpu.vector_store_idx %arg11[%select_n3A_494], %get3A_483 masked %eq3A_401 : memref<20032xi32, #tpu.memory_space<vmem>>[vector<16xi32>], vector<16xi32>, vector<16xi1>
        %add3A_495 = arith.addi %add3A_476, %all_reduce_population_count3A_402 : vector<16xi32>
        %mul3A_496 = arith.constant 80 : i32
        %mul3A_497 = arith.muli %scan3A_366, %mul3A_496 : i32
        %add3A_498 = arith.constant 64 : i32
        %add3A_499 = arith.addi %mul3A_497, %add3A_498 : i32
        %multiple_of3A_500 = tpu.assume_multiple %add3A_499, 16 : i32
        %get3A_501 = arith.index_cast %multiple_of3A_500 : i32 to index
        %get3A_502 = tpu.vector_load %arg6[%get3A_501] {strides = array<i32>} : memref<2000xi32, #tpu.memory_space<vmem>>, vector<16xi32>,
        %convert_element_type3A_503 = arith.extui %eq3A_410 : vector<16xi1> to vector<16xi32>
        %broadcast_in_dim3A_504 = arith.constant true
        %broadcast_in_dim3A_505 = vector.broadcast %broadcast_in_dim3A_504 : i1 to vector<16xi1>
        %masked_cumsum3A_506 = tpu.scan <sum>, %convert_element_type3A_503 masked %broadcast_in_dim3A_505 : vector<16xi32>, vector<16xi1> -> vector<16xi32>
        %add3A_507 = arith.addi %add3A_495, %masked_cumsum3A_506 : vector<16xi32>
        %sub3A_508 = arith.constant 1 : i32
        %sub3A_509 = vector.broadcast %sub3A_508 : i32 to vector<16xi32>
        %sub3A_510 = arith.subi %add3A_507, %sub3A_509 : vector<16xi32>
        %jit3A_511 = arith.constant 0 : i32
        %broadcast_in_dim3A_512 = vector.broadcast %jit3A_511 : i32 to vector<16xi32>
        %select_n3A_513 = arith.select %eq3A_410, %sub3A_510, %broadcast_in_dim3A_512 : vector<16xi1>, vector<16xi32>
        tpu.vector_store_idx %arg11[%select_n3A_513], %get3A_502 masked %eq3A_410 : memref<20032xi32, #tpu.memory_space<vmem>>[vector<16xi32>], vector<16xi32>, vector<16xi1>
        %add3A_514 = arith.addi %add3A_495, %all_reduce_population_count3A_411 : vector<16xi32>
      } else {
      }
      %add3A_420 = arith.addi %scan3A_367, %add3A_415 : vector<16xi32>
      scf.yield %add3A_420 : vector<16xi32>
    }
    %scan3A_51 = arith.constant 25 : i32
    %add3A_52 = arith.constant 4000 : i32
    %add3A_53 = arith.addi %mul3A_5, %add3A_52 : i32
    %multiple_of3A_54 = tpu.assume_multiple %add3A_53, 16 : i32
    %dma_start3A_55 = tpu.memref_slice %arg2[%multiple_of3A_54] : memref<640000xi32, #tpu.memory_space<hbm>> -> memref<2000xi32, #tpu.memory_space<hbm>>
    %dma_start3A_56 = tpu.memref_slice %arg2[%multiple_of3A_54] : memref<640000xi32, #tpu.memory_space<hbm>> -> memref<2000xi32, #tpu.memory_space<hbm>>
    tpu.enqueue_dma source(%dma_start3A_56 : memref<2000xi32, #tpu.memory_space<hbm>>) target(%arg6 : memref<2000xi32, #tpu.memory_space<vmem>>) target_semaphore(%arg26 : memref<!tpu.dma_semaphore, #tpu.memory_space<semaphore_mem>>)
    %add3A_57 = arith.constant 320000 : i32
    %add3A_58 = arith.addi %add3A_57, %mul3A_5 : i32
    %add3A_59 = arith.constant 4000 : i32
    %add3A_60 = arith.addi %add3A_58, %add3A_59 : i32
    %multiple_of3A_61 = tpu.assume_multiple %add3A_60, 16 : i32
    %dma_start3A_62 = tpu.memref_slice %arg2[%multiple_of3A_61] : memref<640000xi32, #tpu.memory_space<hbm>> -> memref<2000xi32, #tpu.memory_space<hbm>>
    %dma_start3A_63 = tpu.memref_slice %arg2[%multiple_of3A_61] : memref<640000xi32, #tpu.memory_space<hbm>> -> memref<2000xi32, #tpu.memory_space<hbm>>
    tpu.enqueue_dma source(%dma_start3A_63 : memref<2000xi32, #tpu.memory_space<hbm>>) target(%arg8 : memref<2000xi32, #tpu.memory_space<vmem>>) target_semaphore(%arg28 : memref<!tpu.dma_semaphore, #tpu.memory_space<semaphore_mem>>)
    %add3A_64 = arith.constant 2000 : i32
    %add3A_65 = arith.addi %mul3A_5, %add3A_64 : i32
    %multiple_of3A_66 = tpu.assume_multiple %add3A_65, 16 : i32
    %dma_wait3A_67 = tpu.memref_slice %arg2[%multiple_of3A_66] : memref<640000xi32, #tpu.memory_space<hbm>> -> memref<2000xi32, #tpu.memory_space<hbm>>
    %dma_wait3A_68 = tpu.memref_slice %arg2[%multiple_of3A_66] : memref<640000xi32, #tpu.memory_space<hbm>> -> memref<2000xi32, #tpu.memory_space<hbm>>
    tpu.wait_dma2 semaphore(%arg27 : memref<!tpu.dma_semaphore, #tpu.memory_space<semaphore_mem>>) src(%dma_wait3A_68 : memref<2000xi32, #tpu.memory_space<hbm>>) dst(%arg7 : memref<2000xi32, #tpu.memory_space<vmem>>)
    %add3A_69 = arith.constant 320000 : i32
    %add3A_70 = arith.addi %add3A_69, %mul3A_5 : i32
    %add3A_71 = arith.constant 2000 : i32
    %add3A_72 = arith.addi %add3A_70, %add3A_71 : i32
    %multiple_of3A_73 = tpu.assume_multiple %add3A_72, 16 : i32
    %dma_wait3A_74 = tpu.memref_slice %arg2[%multiple_of3A_73] : memref<640000xi32, #tpu.memory_space<hbm>> -> memref<2000xi32, #tpu.memory_space<hbm>>
    %dma_wait3A_75 = tpu.memref_slice %arg2[%multiple_of3A_73] : memref<640000xi32, #tpu.memory_space<hbm>> -> memref<2000xi32, #tpu.memory_space<hbm>>
    tpu.wait_dma2 semaphore(%arg29 : memref<!tpu.dma_semaphore, #tpu.memory_space<semaphore_mem>>) src(%dma_wait3A_75 : memref<2000xi32, #tpu.memory_space<hbm>>) dst(%arg9 : memref<2000xi32, #tpu.memory_space<vmem>>)
    %scan3A_76 = arith.constant 0 : i32
    %scan3A_77 = arith.constant 25 : i32
    %scan3A_78 = arith.addi %scan3A_76, %scan3A_77 : i32
    %scan3A_79 = arith.constant 1 : i32
    %scan3A_80 = scf.for %scan3A_366 = %scan3A_76 to %scan3A_78 step %scan3A_79 iter_args(%scan3A_367 = %scan3A_50) -> (vector<16xi32>)  : i32 {
      %mul3A_368 = arith.constant 80 : i32
      %mul3A_369 = arith.muli %scan3A_366, %mul3A_368 : i32
      %add3A_370 = arith.constant 0 : i32
      %add3A_371 = arith.addi %mul3A_369, %add3A_370 : i32
      %multiple_of3A_372 = tpu.assume_multiple %add3A_371, 16 : i32
      %get3A_373 = arith.index_cast %multiple_of3A_372 : i32 to index
      %get3A_374 = tpu.vector_load %arg9[%get3A_373] {strides = array<i32>} : memref<2000xi32, #tpu.memory_space<vmem>>, vector<16xi32>,
      tpu.vector_store_idx %arg10[%get3A_374], %broadcast_in_dim3A_2 {add = true} : memref<10240xf32, #tpu.memory_space<vmem>>[vector<16xi32>], vector<16xf32>,
      %eq3A_375 = arith.cmpi eq, %get3A_374, %get3A_6 : vector<16xi32>
      %all_reduce_population_count3A = tpu.all_reduce %eq3A_375 {dim = 0 : i64, kind = #tpu.reduction_kind<sum>} : vector<16xi1> -> vector<16xi32>
      %mul3A_376 = arith.constant 80 : i32
      %mul3A_377 = arith.muli %scan3A_366, %mul3A_376 : i32
      %add3A_378 = arith.constant 16 : i32
      %add3A_379 = arith.addi %mul3A_377, %add3A_378 : i32
      %multiple_of3A_380 = tpu.assume_multiple %add3A_379, 16 : i32
      %get3A_381 = arith.index_cast %multiple_of3A_380 : i32 to index
      %get3A_382 = tpu.vector_load %arg9[%get3A_381] {strides = array<i32>} : memref<2000xi32, #tpu.memory_space<vmem>>, vector<16xi32>,
      tpu.vector_store_idx %arg10[%get3A_382], %broadcast_in_dim3A_2 {add = true} : memref<10240xf32, #tpu.memory_space<vmem>>[vector<16xi32>], vector<16xf32>,
      %eq3A_383 = arith.cmpi eq, %get3A_382, %get3A_6 : vector<16xi32>
      %all_reduce_population_count3A_384 = tpu.all_reduce %eq3A_383 {dim = 0 : i64, kind = #tpu.reduction_kind<sum>} : vector<16xi1> -> vector<16xi32>
      %mul3A_385 = arith.constant 80 : i32
      %mul3A_386 = arith.muli %scan3A_366, %mul3A_385 : i32
      %add3A_387 = arith.constant 32 : i32
      %add3A_388 = arith.addi %mul3A_386, %add3A_387 : i32
      %multiple_of3A_389 = tpu.assume_multiple %add3A_388, 16 : i32
      %get3A_390 = arith.index_cast %multiple_of3A_389 : i32 to index
      %get3A_391 = tpu.vector_load %arg9[%get3A_390] {strides = array<i32>} : memref<2000xi32, #tpu.memory_space<vmem>>, vector<16xi32>,
      tpu.vector_store_idx %arg10[%get3A_391], %broadcast_in_dim3A_2 {add = true} : memref<10240xf32, #tpu.memory_space<vmem>>[vector<16xi32>], vector<16xf32>,
      %eq3A_392 = arith.cmpi eq, %get3A_391, %get3A_6 : vector<16xi32>
      %all_reduce_population_count3A_393 = tpu.all_reduce %eq3A_392 {dim = 0 : i64, kind = #tpu.reduction_kind<sum>} : vector<16xi1> -> vector<16xi32>
      %mul3A_394 = arith.constant 80 : i32
      %mul3A_395 = arith.muli %scan3A_366, %mul3A_394 : i32
      %add3A_396 = arith.constant 48 : i32
      %add3A_397 = arith.addi %mul3A_395, %add3A_396 : i32
      %multiple_of3A_398 = tpu.assume_multiple %add3A_397, 16 : i32
      %get3A_399 = arith.index_cast %multiple_of3A_398 : i32 to index
      %get3A_400 = tpu.vector_load %arg9[%get3A_399] {strides = array<i32>} : memref<2000xi32, #tpu.memory_space<vmem>>, vector<16xi32>,
      tpu.vector_store_idx %arg10[%get3A_400], %broadcast_in_dim3A_2 {add = true} : memref<10240xf32, #tpu.memory_space<vmem>>[vector<16xi32>], vector<16xf32>,
      %eq3A_401 = arith.cmpi eq, %get3A_400, %get3A_6 : vector<16xi32>
      %all_reduce_population_count3A_402 = tpu.all_reduce %eq3A_401 {dim = 0 : i64, kind = #tpu.reduction_kind<sum>} : vector<16xi1> -> vector<16xi32>
      %mul3A_403 = arith.constant 80 : i32
      %mul3A_404 = arith.muli %scan3A_366, %mul3A_403 : i32
      %add3A_405 = arith.constant 64 : i32
      %add3A_406 = arith.addi %mul3A_404, %add3A_405 : i32
      %multiple_of3A_407 = tpu.assume_multiple %add3A_406, 16 : i32
      %get3A_408 = arith.index_cast %multiple_of3A_407 : i32 to index
      %get3A_409 = tpu.vector_load %arg9[%get3A_408] {strides = array<i32>} : memref<2000xi32, #tpu.memory_space<vmem>>, vector<16xi32>,
      tpu.vector_store_idx %arg10[%get3A_409], %broadcast_in_dim3A_2 {add = true} : memref<10240xf32, #tpu.memory_space<vmem>>[vector<16xi32>], vector<16xf32>,
      %eq3A_410 = arith.cmpi eq, %get3A_409, %get3A_6 : vector<16xi32>
      %all_reduce_population_count3A_411 = tpu.all_reduce %eq3A_410 {dim = 0 : i64, kind = #tpu.reduction_kind<sum>} : vector<16xi1> -> vector<16xi32>
      %add3A_412 = arith.addi %all_reduce_population_count3A, %all_reduce_population_count3A_384 : vector<16xi32>
      %add3A_413 = arith.addi %add3A_412, %all_reduce_population_count3A_393 : vector<16xi32>
      %add3A_414 = arith.addi %add3A_413, %all_reduce_population_count3A_402 : vector<16xi32>
      %add3A_415 = arith.addi %add3A_414, %all_reduce_population_count3A_411 : vector<16xi32>
      %slice3A = vector.extract_strided_slice %add3A_415 {offsets = [0], sizes = [1], strides = [1]} : vector<16xi32> to vector<1xi32>
      %squeeze3A = vector.extract %slice3A[0] : i32 from vector<1xi32>
      %gt3A = arith.constant 0 : i32
      %gt3A_416 = arith.cmpi sgt, %squeeze3A, %gt3A : i32
      %convert_element_type3A_417 = arith.extui %gt3A_416 : i1 to i32
      %cond3A_418 = arith.constant 0 : i32
      %cond3A_419 = arith.cmpi ne, %convert_element_type3A_417, %cond3A_418 : i32
      scf.if %cond3A_419 {
        %mul3A_421 = arith.constant 80 : i32
        %mul3A_422 = arith.muli %scan3A_366, %mul3A_421 : i32
        %add3A_423 = arith.constant 0 : i32
        %add3A_424 = arith.addi %mul3A_422, %add3A_423 : i32
        %multiple_of3A_425 = tpu.assume_multiple %add3A_424, 16 : i32
        %get3A_426 = arith.index_cast %multiple_of3A_425 : i32 to index
        %get3A_427 = tpu.vector_load %arg7[%get3A_426] {strides = array<i32>} : memref<2000xi32, #tpu.memory_space<vmem>>, vector<16xi32>,
        %convert_element_type3A_428 = arith.extui %eq3A_375 : vector<16xi1> to vector<16xi32>
        %broadcast_in_dim3A_429 = arith.constant true
        %broadcast_in_dim3A_430 = vector.broadcast %broadcast_in_dim3A_429 : i1 to vector<16xi1>
        %masked_cumsum3A = tpu.scan <sum>, %convert_element_type3A_428 masked %broadcast_in_dim3A_430 : vector<16xi32>, vector<16xi1> -> vector<16xi32>
        %add3A_431 = arith.addi %scan3A_367, %masked_cumsum3A : vector<16xi32>
        %sub3A_432 = arith.constant 1 : i32
        %sub3A_433 = vector.broadcast %sub3A_432 : i32 to vector<16xi32>
        %sub3A_434 = arith.subi %add3A_431, %sub3A_433 : vector<16xi32>
        %jit3A_435 = arith.constant 0 : i32
        %broadcast_in_dim3A_436 = vector.broadcast %jit3A_435 : i32 to vector<16xi32>
        %select_n3A_437 = arith.select %eq3A_375, %sub3A_434, %broadcast_in_dim3A_436 : vector<16xi1>, vector<16xi32>
        tpu.vector_store_idx %arg11[%select_n3A_437], %get3A_427 masked %eq3A_375 : memref<20032xi32, #tpu.memory_space<vmem>>[vector<16xi32>], vector<16xi32>, vector<16xi1>
        %add3A_438 = arith.addi %scan3A_367, %all_reduce_population_count3A : vector<16xi32>
        %mul3A_439 = arith.constant 80 : i32
        %mul3A_440 = arith.muli %scan3A_366, %mul3A_439 : i32
        %add3A_441 = arith.constant 16 : i32
        %add3A_442 = arith.addi %mul3A_440, %add3A_441 : i32
        %multiple_of3A_443 = tpu.assume_multiple %add3A_442, 16 : i32
        %get3A_444 = arith.index_cast %multiple_of3A_443 : i32 to index
        %get3A_445 = tpu.vector_load %arg7[%get3A_444] {strides = array<i32>} : memref<2000xi32, #tpu.memory_space<vmem>>, vector<16xi32>,
        %convert_element_type3A_446 = arith.extui %eq3A_383 : vector<16xi1> to vector<16xi32>
        %broadcast_in_dim3A_447 = arith.constant true
        %broadcast_in_dim3A_448 = vector.broadcast %broadcast_in_dim3A_447 : i1 to vector<16xi1>
        %masked_cumsum3A_449 = tpu.scan <sum>, %convert_element_type3A_446 masked %broadcast_in_dim3A_448 : vector<16xi32>, vector<16xi1> -> vector<16xi32>
        %add3A_450 = arith.addi %add3A_438, %masked_cumsum3A_449 : vector<16xi32>
        %sub3A_451 = arith.constant 1 : i32
        %sub3A_452 = vector.broadcast %sub3A_451 : i32 to vector<16xi32>
        %sub3A_453 = arith.subi %add3A_450, %sub3A_452 : vector<16xi32>
        %jit3A_454 = arith.constant 0 : i32
        %broadcast_in_dim3A_455 = vector.broadcast %jit3A_454 : i32 to vector<16xi32>
        %select_n3A_456 = arith.select %eq3A_383, %sub3A_453, %broadcast_in_dim3A_455 : vector<16xi1>, vector<16xi32>
        tpu.vector_store_idx %arg11[%select_n3A_456], %get3A_445 masked %eq3A_383 : memref<20032xi32, #tpu.memory_space<vmem>>[vector<16xi32>], vector<16xi32>, vector<16xi1>
        %add3A_457 = arith.addi %add3A_438, %all_reduce_population_count3A_384 : vector<16xi32>
        %mul3A_458 = arith.constant 80 : i32
        %mul3A_459 = arith.muli %scan3A_366, %mul3A_458 : i32
        %add3A_460 = arith.constant 32 : i32
        %add3A_461 = arith.addi %mul3A_459, %add3A_460 : i32
        %multiple_of3A_462 = tpu.assume_multiple %add3A_461, 16 : i32
        %get3A_463 = arith.index_cast %multiple_of3A_462 : i32 to index
        %get3A_464 = tpu.vector_load %arg7[%get3A_463] {strides = array<i32>} : memref<2000xi32, #tpu.memory_space<vmem>>, vector<16xi32>,
        %convert_element_type3A_465 = arith.extui %eq3A_392 : vector<16xi1> to vector<16xi32>
        %broadcast_in_dim3A_466 = arith.constant true
        %broadcast_in_dim3A_467 = vector.broadcast %broadcast_in_dim3A_466 : i1 to vector<16xi1>
        %masked_cumsum3A_468 = tpu.scan <sum>, %convert_element_type3A_465 masked %broadcast_in_dim3A_467 : vector<16xi32>, vector<16xi1> -> vector<16xi32>
        %add3A_469 = arith.addi %add3A_457, %masked_cumsum3A_468 : vector<16xi32>
        %sub3A_470 = arith.constant 1 : i32
        %sub3A_471 = vector.broadcast %sub3A_470 : i32 to vector<16xi32>
        %sub3A_472 = arith.subi %add3A_469, %sub3A_471 : vector<16xi32>
        %jit3A_473 = arith.constant 0 : i32
        %broadcast_in_dim3A_474 = vector.broadcast %jit3A_473 : i32 to vector<16xi32>
        %select_n3A_475 = arith.select %eq3A_392, %sub3A_472, %broadcast_in_dim3A_474 : vector<16xi1>, vector<16xi32>
        tpu.vector_store_idx %arg11[%select_n3A_475], %get3A_464 masked %eq3A_392 : memref<20032xi32, #tpu.memory_space<vmem>>[vector<16xi32>], vector<16xi32>, vector<16xi1>
        %add3A_476 = arith.addi %add3A_457, %all_reduce_population_count3A_393 : vector<16xi32>
        %mul3A_477 = arith.constant 80 : i32
        %mul3A_478 = arith.muli %scan3A_366, %mul3A_477 : i32
        %add3A_479 = arith.constant 48 : i32
        %add3A_480 = arith.addi %mul3A_478, %add3A_479 : i32
        %multiple_of3A_481 = tpu.assume_multiple %add3A_480, 16 : i32
        %get3A_482 = arith.index_cast %multiple_of3A_481 : i32 to index
        %get3A_483 = tpu.vector_load %arg7[%get3A_482] {strides = array<i32>} : memref<2000xi32, #tpu.memory_space<vmem>>, vector<16xi32>,
        %convert_element_type3A_484 = arith.extui %eq3A_401 : vector<16xi1> to vector<16xi32>
        %broadcast_in_dim3A_485 = arith.constant true
        %broadcast_in_dim3A_486 = vector.broadcast %broadcast_in_dim3A_485 : i1 to vector<16xi1>
        %masked_cumsum3A_487 = tpu.scan <sum>, %convert_element_type3A_484 masked %broadcast_in_dim3A_486 : vector<16xi32>, vector<16xi1> -> vector<16xi32>
        %add3A_488 = arith.addi %add3A_476, %masked_cumsum3A_487 : vector<16xi32>
        %sub3A_489 = arith.constant 1 : i32
        %sub3A_490 = vector.broadcast %sub3A_489 : i32 to vector<16xi32>
        %sub3A_491 = arith.subi %add3A_488, %sub3A_490 : vector<16xi32>
        %jit3A_492 = arith.constant 0 : i32
        %broadcast_in_dim3A_493 = vector.broadcast %jit3A_492 : i32 to vector<16xi32>
        %select_n3A_494 = arith.select %eq3A_401, %sub3A_491, %broadcast_in_dim3A_493 : vector<16xi1>, vector<16xi32>
        tpu.vector_store_idx %arg11[%select_n3A_494], %get3A_483 masked %eq3A_401 : memref<20032xi32, #tpu.memory_space<vmem>>[vector<16xi32>], vector<16xi32>, vector<16xi1>
        %add3A_495 = arith.addi %add3A_476, %all_reduce_population_count3A_402 : vector<16xi32>
        %mul3A_496 = arith.constant 80 : i32
        %mul3A_497 = arith.muli %scan3A_366, %mul3A_496 : i32
        %add3A_498 = arith.constant 64 : i32
        %add3A_499 = arith.addi %mul3A_497, %add3A_498 : i32
        %multiple_of3A_500 = tpu.assume_multiple %add3A_499, 16 : i32
        %get3A_501 = arith.index_cast %multiple_of3A_500 : i32 to index
        %get3A_502 = tpu.vector_load %arg7[%get3A_501] {strides = array<i32>} : memref<2000xi32, #tpu.memory_space<vmem>>, vector<16xi32>,
        %convert_element_type3A_503 = arith.extui %eq3A_410 : vector<16xi1> to vector<16xi32>
        %broadcast_in_dim3A_504 = arith.constant true
        %broadcast_in_dim3A_505 = vector.broadcast %broadcast_in_dim3A_504 : i1 to vector<16xi1>
        %masked_cumsum3A_506 = tpu.scan <sum>, %convert_element_type3A_503 masked %broadcast_in_dim3A_505 : vector<16xi32>, vector<16xi1> -> vector<16xi32>
        %add3A_507 = arith.addi %add3A_495, %masked_cumsum3A_506 : vector<16xi32>
        %sub3A_508 = arith.constant 1 : i32
        %sub3A_509 = vector.broadcast %sub3A_508 : i32 to vector<16xi32>
        %sub3A_510 = arith.subi %add3A_507, %sub3A_509 : vector<16xi32>
        %jit3A_511 = arith.constant 0 : i32
        %broadcast_in_dim3A_512 = vector.broadcast %jit3A_511 : i32 to vector<16xi32>
        %select_n3A_513 = arith.select %eq3A_410, %sub3A_510, %broadcast_in_dim3A_512 : vector<16xi1>, vector<16xi32>
        tpu.vector_store_idx %arg11[%select_n3A_513], %get3A_502 masked %eq3A_410 : memref<20032xi32, #tpu.memory_space<vmem>>[vector<16xi32>], vector<16xi32>, vector<16xi1>
        %add3A_514 = arith.addi %add3A_495, %all_reduce_population_count3A_411 : vector<16xi32>
      } else {
      }
      %add3A_420 = arith.addi %scan3A_367, %add3A_415 : vector<16xi32>
      scf.yield %add3A_420 : vector<16xi32>
    }
    %scan3A_81 = arith.constant 25 : i32
    %add3A_82 = arith.constant 6000 : i32
    %add3A_83 = arith.addi %mul3A_5, %add3A_82 : i32
    %multiple_of3A_84 = tpu.assume_multiple %add3A_83, 16 : i32
    %dma_start3A_85 = tpu.memref_slice %arg2[%multiple_of3A_84] : memref<640000xi32, #tpu.memory_space<hbm>> -> memref<2000xi32, #tpu.memory_space<hbm>>
    %dma_start3A_86 = tpu.memref_slice %arg2[%multiple_of3A_84] : memref<640000xi32, #tpu.memory_space<hbm>> -> memref<2000xi32, #tpu.memory_space<hbm>>
    tpu.enqueue_dma source(%dma_start3A_86 : memref<2000xi32, #tpu.memory_space<hbm>>) target(%arg7 : memref<2000xi32, #tpu.memory_space<vmem>>) target_semaphore(%arg27 : memref<!tpu.dma_semaphore, #tpu.memory_space<semaphore_mem>>)
    %add3A_87 = arith.constant 320000 : i32
    %add3A_88 = arith.addi %add3A_87, %mul3A_5 : i32
    %add3A_89 = arith.constant 6000 : i32
    %add3A_90 = arith.addi %add3A_88, %add3A_89 : i32
    %multiple_of3A_91 = tpu.assume_multiple %add3A_90, 16 : i32
    %dma_start3A_92 = tpu.memref_slice %arg2[%multiple_of3A_91] : memref<640000xi32, #tpu.memory_space<hbm>> -> memref<2000xi32, #tpu.memory_space<hbm>>
    %dma_start3A_93 = tpu.memref_slice %arg2[%multiple_of3A_91] : memref<640000xi32, #tpu.memory_space<hbm>> -> memref<2000xi32, #tpu.memory_space<hbm>>
    tpu.enqueue_dma source(%dma_start3A_93 : memref<2000xi32, #tpu.memory_space<hbm>>) target(%arg9 : memref<2000xi32, #tpu.memory_space<vmem>>) target_semaphore(%arg29 : memref<!tpu.dma_semaphore, #tpu.memory_space<semaphore_mem>>)
    %add3A_94 = arith.constant 4000 : i32
    %add3A_95 = arith.addi %mul3A_5, %add3A_94 : i32
    %multiple_of3A_96 = tpu.assume_multiple %add3A_95, 16 : i32
    %dma_wait3A_97 = tpu.memref_slice %arg2[%multiple_of3A_96] : memref<640000xi32, #tpu.memory_space<hbm>> -> memref<2000xi32, #tpu.memory_space<hbm>>
    %dma_wait3A_98 = tpu.memref_slice %arg2[%multiple_of3A_96] : memref<640000xi32, #tpu.memory_space<hbm>> -> memref<2000xi32, #tpu.memory_space<hbm>>
    tpu.wait_dma2 semaphore(%arg26 : memref<!tpu.dma_semaphore, #tpu.memory_space<semaphore_mem>>) src(%dma_wait3A_98 : memref<2000xi32, #tpu.memory_space<hbm>>) dst(%arg6 : memref<2000xi32, #tpu.memory_space<vmem>>)
    %add3A_99 = arith.constant 320000 : i32
    %add3A_100 = arith.addi %add3A_99, %mul3A_5 : i32
    %add3A_101 = arith.constant 4000 : i32
    %add3A_102 = arith.addi %add3A_100, %add3A_101 : i32
    %multiple_of3A_103 = tpu.assume_multiple %add3A_102, 16 : i32
    %dma_wait3A_104 = tpu.memref_slice %arg2[%multiple_of3A_103] : memref<640000xi32, #tpu.memory_space<hbm>> -> memref<2000xi32, #tpu.memory_space<hbm>>
    %dma_wait3A_105 = tpu.memref_slice %arg2[%multiple_of3A_103] : memref<640000xi32, #tpu.memory_space<hbm>> -> memref<2000xi32, #tpu.memory_space<hbm>>
    tpu.wait_dma2 semaphore(%arg28 : memref<!tpu.dma_semaphore, #tpu.memory_space<semaphore_mem>>) src(%dma_wait3A_105 : memref<2000xi32, #tpu.memory_space<hbm>>) dst(%arg8 : memref<2000xi32, #tpu.memory_space<vmem>>)
    %scan3A_106 = arith.constant 0 : i32
    %scan3A_107 = arith.constant 25 : i32
    %scan3A_108 = arith.addi %scan3A_106, %scan3A_107 : i32
    %scan3A_109 = arith.constant 1 : i32
    %scan3A_110 = scf.for %scan3A_366 = %scan3A_106 to %scan3A_108 step %scan3A_109 iter_args(%scan3A_367 = %scan3A_80) -> (vector<16xi32>)  : i32 {
      %mul3A_368 = arith.constant 80 : i32
      %mul3A_369 = arith.muli %scan3A_366, %mul3A_368 : i32
      %add3A_370 = arith.constant 0 : i32
      %add3A_371 = arith.addi %mul3A_369, %add3A_370 : i32
      %multiple_of3A_372 = tpu.assume_multiple %add3A_371, 16 : i32
      %get3A_373 = arith.index_cast %multiple_of3A_372 : i32 to index
      %get3A_374 = tpu.vector_load %arg8[%get3A_373] {strides = array<i32>} : memref<2000xi32, #tpu.memory_space<vmem>>, vector<16xi32>,
      tpu.vector_store_idx %arg10[%get3A_374], %broadcast_in_dim3A_2 {add = true} : memref<10240xf32, #tpu.memory_space<vmem>>[vector<16xi32>], vector<16xf32>,
      %eq3A_375 = arith.cmpi eq, %get3A_374, %get3A_6 : vector<16xi32>
      %all_reduce_population_count3A = tpu.all_reduce %eq3A_375 {dim = 0 : i64, kind = #tpu.reduction_kind<sum>} : vector<16xi1> -> vector<16xi32>
      %mul3A_376 = arith.constant 80 : i32
      %mul3A_377 = arith.muli %scan3A_366, %mul3A_376 : i32
      %add3A_378 = arith.constant 16 : i32
      %add3A_379 = arith.addi %mul3A_377, %add3A_378 : i32
      %multiple_of3A_380 = tpu.assume_multiple %add3A_379, 16 : i32
      %get3A_381 = arith.index_cast %multiple_of3A_380 : i32 to index
      %get3A_382 = tpu.vector_load %arg8[%get3A_381] {strides = array<i32>} : memref<2000xi32, #tpu.memory_space<vmem>>, vector<16xi32>,
      tpu.vector_store_idx %arg10[%get3A_382], %broadcast_in_dim3A_2 {add = true} : memref<10240xf32, #tpu.memory_space<vmem>>[vector<16xi32>], vector<16xf32>,
      %eq3A_383 = arith.cmpi eq, %get3A_382, %get3A_6 : vector<16xi32>
      %all_reduce_population_count3A_384 = tpu.all_reduce %eq3A_383 {dim = 0 : i64, kind = #tpu.reduction_kind<sum>} : vector<16xi1> -> vector<16xi32>
      %mul3A_385 = arith.constant 80 : i32
      %mul3A_386 = arith.muli %scan3A_366, %mul3A_385 : i32
      %add3A_387 = arith.constant 32 : i32
      %add3A_388 = arith.addi %mul3A_386, %add3A_387 : i32
      %multiple_of3A_389 = tpu.assume_multiple %add3A_388, 16 : i32
      %get3A_390 = arith.index_cast %multiple_of3A_389 : i32 to index
      %get3A_391 = tpu.vector_load %arg8[%get3A_390] {strides = array<i32>} : memref<2000xi32, #tpu.memory_space<vmem>>, vector<16xi32>,
      tpu.vector_store_idx %arg10[%get3A_391], %broadcast_in_dim3A_2 {add = true} : memref<10240xf32, #tpu.memory_space<vmem>>[vector<16xi32>], vector<16xf32>,
      %eq3A_392 = arith.cmpi eq, %get3A_391, %get3A_6 : vector<16xi32>
      %all_reduce_population_count3A_393 = tpu.all_reduce %eq3A_392 {dim = 0 : i64, kind = #tpu.reduction_kind<sum>} : vector<16xi1> -> vector<16xi32>
      %mul3A_394 = arith.constant 80 : i32
      %mul3A_395 = arith.muli %scan3A_366, %mul3A_394 : i32
      %add3A_396 = arith.constant 48 : i32
      %add3A_397 = arith.addi %mul3A_395, %add3A_396 : i32
      %multiple_of3A_398 = tpu.assume_multiple %add3A_397, 16 : i32
      %get3A_399 = arith.index_cast %multiple_of3A_398 : i32 to index
      %get3A_400 = tpu.vector_load %arg8[%get3A_399] {strides = array<i32>} : memref<2000xi32, #tpu.memory_space<vmem>>, vector<16xi32>,
      tpu.vector_store_idx %arg10[%get3A_400], %broadcast_in_dim3A_2 {add = true} : memref<10240xf32, #tpu.memory_space<vmem>>[vector<16xi32>], vector<16xf32>,
      %eq3A_401 = arith.cmpi eq, %get3A_400, %get3A_6 : vector<16xi32>
      %all_reduce_population_count3A_402 = tpu.all_reduce %eq3A_401 {dim = 0 : i64, kind = #tpu.reduction_kind<sum>} : vector<16xi1> -> vector<16xi32>
      %mul3A_403 = arith.constant 80 : i32
      %mul3A_404 = arith.muli %scan3A_366, %mul3A_403 : i32
      %add3A_405 = arith.constant 64 : i32
      %add3A_406 = arith.addi %mul3A_404, %add3A_405 : i32
      %multiple_of3A_407 = tpu.assume_multiple %add3A_406, 16 : i32
      %get3A_408 = arith.index_cast %multiple_of3A_407 : i32 to index
      %get3A_409 = tpu.vector_load %arg8[%get3A_408] {strides = array<i32>} : memref<2000xi32, #tpu.memory_space<vmem>>, vector<16xi32>,
      tpu.vector_store_idx %arg10[%get3A_409], %broadcast_in_dim3A_2 {add = true} : memref<10240xf32, #tpu.memory_space<vmem>>[vector<16xi32>], vector<16xf32>,
      %eq3A_410 = arith.cmpi eq, %get3A_409, %get3A_6 : vector<16xi32>
      %all_reduce_population_count3A_411 = tpu.all_reduce %eq3A_410 {dim = 0 : i64, kind = #tpu.reduction_kind<sum>} : vector<16xi1> -> vector<16xi32>
      %add3A_412 = arith.addi %all_reduce_population_count3A, %all_reduce_population_count3A_384 : vector<16xi32>
      %add3A_413 = arith.addi %add3A_412, %all_reduce_population_count3A_393 : vector<16xi32>
      %add3A_414 = arith.addi %add3A_413, %all_reduce_population_count3A_402 : vector<16xi32>
      %add3A_415 = arith.addi %add3A_414, %all_reduce_population_count3A_411 : vector<16xi32>
      %slice3A = vector.extract_strided_slice %add3A_415 {offsets = [0], sizes = [1], strides = [1]} : vector<16xi32> to vector<1xi32>
      %squeeze3A = vector.extract %slice3A[0] : i32 from vector<1xi32>
      %gt3A = arith.constant 0 : i32
      %gt3A_416 = arith.cmpi sgt, %squeeze3A, %gt3A : i32
      %convert_element_type3A_417 = arith.extui %gt3A_416 : i1 to i32
      %cond3A_418 = arith.constant 0 : i32
      %cond3A_419 = arith.cmpi ne, %convert_element_type3A_417, %cond3A_418 : i32
      scf.if %cond3A_419 {
        %mul3A_421 = arith.constant 80 : i32
        %mul3A_422 = arith.muli %scan3A_366, %mul3A_421 : i32
        %add3A_423 = arith.constant 0 : i32
        %add3A_424 = arith.addi %mul3A_422, %add3A_423 : i32
        %multiple_of3A_425 = tpu.assume_multiple %add3A_424, 16 : i32
        %get3A_426 = arith.index_cast %multiple_of3A_425 : i32 to index
        %get3A_427 = tpu.vector_load %arg6[%get3A_426] {strides = array<i32>} : memref<2000xi32, #tpu.memory_space<vmem>>, vector<16xi32>,
        %convert_element_type3A_428 = arith.extui %eq3A_375 : vector<16xi1> to vector<16xi32>
        %broadcast_in_dim3A_429 = arith.constant true
        %broadcast_in_dim3A_430 = vector.broadcast %broadcast_in_dim3A_429 : i1 to vector<16xi1>
        %masked_cumsum3A = tpu.scan <sum>, %convert_element_type3A_428 masked %broadcast_in_dim3A_430 : vector<16xi32>, vector<16xi1> -> vector<16xi32>
        %add3A_431 = arith.addi %scan3A_367, %masked_cumsum3A : vector<16xi32>
        %sub3A_432 = arith.constant 1 : i32
        %sub3A_433 = vector.broadcast %sub3A_432 : i32 to vector<16xi32>
        %sub3A_434 = arith.subi %add3A_431, %sub3A_433 : vector<16xi32>
        %jit3A_435 = arith.constant 0 : i32
        %broadcast_in_dim3A_436 = vector.broadcast %jit3A_435 : i32 to vector<16xi32>
        %select_n3A_437 = arith.select %eq3A_375, %sub3A_434, %broadcast_in_dim3A_436 : vector<16xi1>, vector<16xi32>
        tpu.vector_store_idx %arg11[%select_n3A_437], %get3A_427 masked %eq3A_375 : memref<20032xi32, #tpu.memory_space<vmem>>[vector<16xi32>], vector<16xi32>, vector<16xi1>
        %add3A_438 = arith.addi %scan3A_367, %all_reduce_population_count3A : vector<16xi32>
        %mul3A_439 = arith.constant 80 : i32
        %mul3A_440 = arith.muli %scan3A_366, %mul3A_439 : i32
        %add3A_441 = arith.constant 16 : i32
        %add3A_442 = arith.addi %mul3A_440, %add3A_441 : i32
        %multiple_of3A_443 = tpu.assume_multiple %add3A_442, 16 : i32
        %get3A_444 = arith.index_cast %multiple_of3A_443 : i32 to index
        %get3A_445 = tpu.vector_load %arg6[%get3A_444] {strides = array<i32>} : memref<2000xi32, #tpu.memory_space<vmem>>, vector<16xi32>,
        %convert_element_type3A_446 = arith.extui %eq3A_383 : vector<16xi1> to vector<16xi32>
        %broadcast_in_dim3A_447 = arith.constant true
        %broadcast_in_dim3A_448 = vector.broadcast %broadcast_in_dim3A_447 : i1 to vector<16xi1>
        %masked_cumsum3A_449 = tpu.scan <sum>, %convert_element_type3A_446 masked %broadcast_in_dim3A_448 : vector<16xi32>, vector<16xi1> -> vector<16xi32>
        %add3A_450 = arith.addi %add3A_438, %masked_cumsum3A_449 : vector<16xi32>
        %sub3A_451 = arith.constant 1 : i32
        %sub3A_452 = vector.broadcast %sub3A_451 : i32 to vector<16xi32>
        %sub3A_453 = arith.subi %add3A_450, %sub3A_452 : vector<16xi32>
        %jit3A_454 = arith.constant 0 : i32
        %broadcast_in_dim3A_455 = vector.broadcast %jit3A_454 : i32 to vector<16xi32>
        %select_n3A_456 = arith.select %eq3A_383, %sub3A_453, %broadcast_in_dim3A_455 : vector<16xi1>, vector<16xi32>
        tpu.vector_store_idx %arg11[%select_n3A_456], %get3A_445 masked %eq3A_383 : memref<20032xi32, #tpu.memory_space<vmem>>[vector<16xi32>], vector<16xi32>, vector<16xi1>
        %add3A_457 = arith.addi %add3A_438, %all_reduce_population_count3A_384 : vector<16xi32>
        %mul3A_458 = arith.constant 80 : i32
        %mul3A_459 = arith.muli %scan3A_366, %mul3A_458 : i32
        %add3A_460 = arith.constant 32 : i32
        %add3A_461 = arith.addi %mul3A_459, %add3A_460 : i32
        %multiple_of3A_462 = tpu.assume_multiple %add3A_461, 16 : i32
        %get3A_463 = arith.index_cast %multiple_of3A_462 : i32 to index
        %get3A_464 = tpu.vector_load %arg6[%get3A_463] {strides = array<i32>} : memref<2000xi32, #tpu.memory_space<vmem>>, vector<16xi32>,
        %convert_element_type3A_465 = arith.extui %eq3A_392 : vector<16xi1> to vector<16xi32>
        %broadcast_in_dim3A_466 = arith.constant true
        %broadcast_in_dim3A_467 = vector.broadcast %broadcast_in_dim3A_466 : i1 to vector<16xi1>
        %masked_cumsum3A_468 = tpu.scan <sum>, %convert_element_type3A_465 masked %broadcast_in_dim3A_467 : vector<16xi32>, vector<16xi1> -> vector<16xi32>
        %add3A_469 = arith.addi %add3A_457, %masked_cumsum3A_468 : vector<16xi32>
        %sub3A_470 = arith.constant 1 : i32
        %sub3A_471 = vector.broadcast %sub3A_470 : i32 to vector<16xi32>
        %sub3A_472 = arith.subi %add3A_469, %sub3A_471 : vector<16xi32>
        %jit3A_473 = arith.constant 0 : i32
        %broadcast_in_dim3A_474 = vector.broadcast %jit3A_473 : i32 to vector<16xi32>
        %select_n3A_475 = arith.select %eq3A_392, %sub3A_472, %broadcast_in_dim3A_474 : vector<16xi1>, vector<16xi32>
        tpu.vector_store_idx %arg11[%select_n3A_475], %get3A_464 masked %eq3A_392 : memref<20032xi32, #tpu.memory_space<vmem>>[vector<16xi32>], vector<16xi32>, vector<16xi1>
        %add3A_476 = arith.addi %add3A_457, %all_reduce_population_count3A_393 : vector<16xi32>
        %mul3A_477 = arith.constant 80 : i32
        %mul3A_478 = arith.muli %scan3A_366, %mul3A_477 : i32
        %add3A_479 = arith.constant 48 : i32
        %add3A_480 = arith.addi %mul3A_478, %add3A_479 : i32
        %multiple_of3A_481 = tpu.assume_multiple %add3A_480, 16 : i32
        %get3A_482 = arith.index_cast %multiple_of3A_481 : i32 to index
        %get3A_483 = tpu.vector_load %arg6[%get3A_482] {strides = array<i32>} : memref<2000xi32, #tpu.memory_space<vmem>>, vector<16xi32>,
        %convert_element_type3A_484 = arith.extui %eq3A_401 : vector<16xi1> to vector<16xi32>
        %broadcast_in_dim3A_485 = arith.constant true
        %broadcast_in_dim3A_486 = vector.broadcast %broadcast_in_dim3A_485 : i1 to vector<16xi1>
        %masked_cumsum3A_487 = tpu.scan <sum>, %convert_element_type3A_484 masked %broadcast_in_dim3A_486 : vector<16xi32>, vector<16xi1> -> vector<16xi32>
        %add3A_488 = arith.addi %add3A_476, %masked_cumsum3A_487 : vector<16xi32>
        %sub3A_489 = arith.constant 1 : i32
        %sub3A_490 = vector.broadcast %sub3A_489 : i32 to vector<16xi32>
        %sub3A_491 = arith.subi %add3A_488, %sub3A_490 : vector<16xi32>
        %jit3A_492 = arith.constant 0 : i32
        %broadcast_in_dim3A_493 = vector.broadcast %jit3A_492 : i32 to vector<16xi32>
        %select_n3A_494 = arith.select %eq3A_401, %sub3A_491, %broadcast_in_dim3A_493 : vector<16xi1>, vector<16xi32>
        tpu.vector_store_idx %arg11[%select_n3A_494], %get3A_483 masked %eq3A_401 : memref<20032xi32, #tpu.memory_space<vmem>>[vector<16xi32>], vector<16xi32>, vector<16xi1>
        %add3A_495 = arith.addi %add3A_476, %all_reduce_population_count3A_402 : vector<16xi32>
        %mul3A_496 = arith.constant 80 : i32
        %mul3A_497 = arith.muli %scan3A_366, %mul3A_496 : i32
        %add3A_498 = arith.constant 64 : i32
        %add3A_499 = arith.addi %mul3A_497, %add3A_498 : i32
        %multiple_of3A_500 = tpu.assume_multiple %add3A_499, 16 : i32
        %get3A_501 = arith.index_cast %multiple_of3A_500 : i32 to index
        %get3A_502 = tpu.vector_load %arg6[%get3A_501] {strides = array<i32>} : memref<2000xi32, #tpu.memory_space<vmem>>, vector<16xi32>,
        %convert_element_type3A_503 = arith.extui %eq3A_410 : vector<16xi1> to vector<16xi32>
        %broadcast_in_dim3A_504 = arith.constant true
        %broadcast_in_dim3A_505 = vector.broadcast %broadcast_in_dim3A_504 : i1 to vector<16xi1>
        %masked_cumsum3A_506 = tpu.scan <sum>, %convert_element_type3A_503 masked %broadcast_in_dim3A_505 : vector<16xi32>, vector<16xi1> -> vector<16xi32>
        %add3A_507 = arith.addi %add3A_495, %masked_cumsum3A_506 : vector<16xi32>
        %sub3A_508 = arith.constant 1 : i32
        %sub3A_509 = vector.broadcast %sub3A_508 : i32 to vector<16xi32>
        %sub3A_510 = arith.subi %add3A_507, %sub3A_509 : vector<16xi32>
        %jit3A_511 = arith.constant 0 : i32
        %broadcast_in_dim3A_512 = vector.broadcast %jit3A_511 : i32 to vector<16xi32>
        %select_n3A_513 = arith.select %eq3A_410, %sub3A_510, %broadcast_in_dim3A_512 : vector<16xi1>, vector<16xi32>
        tpu.vector_store_idx %arg11[%select_n3A_513], %get3A_502 masked %eq3A_410 : memref<20032xi32, #tpu.memory_space<vmem>>[vector<16xi32>], vector<16xi32>, vector<16xi1>
        %add3A_514 = arith.addi %add3A_495, %all_reduce_population_count3A_411 : vector<16xi32>
      } else {
      }
      %add3A_420 = arith.addi %scan3A_367, %add3A_415 : vector<16xi32>
      scf.yield %add3A_420 : vector<16xi32>
    }
    %scan3A_111 = arith.constant 25 : i32
    %add3A_112 = arith.constant 8000 : i32
    %add3A_113 = arith.addi %mul3A_5, %add3A_112 : i32
    %multiple_of3A_114 = tpu.assume_multiple %add3A_113, 16 : i32
    %dma_start3A_115 = tpu.memref_slice %arg2[%multiple_of3A_114] : memref<640000xi32, #tpu.memory_space<hbm>> -> memref<2000xi32, #tpu.memory_space<hbm>>
    %dma_start3A_116 = tpu.memref_slice %arg2[%multiple_of3A_114] : memref<640000xi32, #tpu.memory_space<hbm>> -> memref<2000xi32, #tpu.memory_space<hbm>>
    tpu.enqueue_dma source(%dma_start3A_116 : memref<2000xi32, #tpu.memory_space<hbm>>) target(%arg6 : memref<2000xi32, #tpu.memory_space<vmem>>) target_semaphore(%arg26 : memref<!tpu.dma_semaphore, #tpu.memory_space<semaphore_mem>>)
    %add3A_117 = arith.constant 320000 : i32
    %add3A_118 = arith.addi %add3A_117, %mul3A_5 : i32
    %add3A_119 = arith.constant 8000 : i32
    %add3A_120 = arith.addi %add3A_118, %add3A_119 : i32
    %multiple_of3A_121 = tpu.assume_multiple %add3A_120, 16 : i32
    %dma_start3A_122 = tpu.memref_slice %arg2[%multiple_of3A_121] : memref<640000xi32, #tpu.memory_space<hbm>> -> memref<2000xi32, #tpu.memory_space<hbm>>
    %dma_start3A_123 = tpu.memref_slice %arg2[%multiple_of3A_121] : memref<640000xi32, #tpu.memory_space<hbm>> -> memref<2000xi32, #tpu.memory_space<hbm>>
    tpu.enqueue_dma source(%dma_start3A_123 : memref<2000xi32, #tpu.memory_space<hbm>>) target(%arg8 : memref<2000xi32, #tpu.memory_space<vmem>>) target_semaphore(%arg28 : memref<!tpu.dma_semaphore, #tpu.memory_space<semaphore_mem>>)
    %add3A_124 = arith.constant 6000 : i32
    %add3A_125 = arith.addi %mul3A_5, %add3A_124 : i32
    %multiple_of3A_126 = tpu.assume_multiple %add3A_125, 16 : i32
    %dma_wait3A_127 = tpu.memref_slice %arg2[%multiple_of3A_126] : memref<640000xi32, #tpu.memory_space<hbm>> -> memref<2000xi32, #tpu.memory_space<hbm>>
    %dma_wait3A_128 = tpu.memref_slice %arg2[%multiple_of3A_126] : memref<640000xi32, #tpu.memory_space<hbm>> -> memref<2000xi32, #tpu.memory_space<hbm>>
    tpu.wait_dma2 semaphore(%arg27 : memref<!tpu.dma_semaphore, #tpu.memory_space<semaphore_mem>>) src(%dma_wait3A_128 : memref<2000xi32, #tpu.memory_space<hbm>>) dst(%arg7 : memref<2000xi32, #tpu.memory_space<vmem>>)
    %add3A_129 = arith.constant 320000 : i32
    %add3A_130 = arith.addi %add3A_129, %mul3A_5 : i32
    %add3A_131 = arith.constant 6000 : i32
    %add3A_132 = arith.addi %add3A_130, %add3A_131 : i32
    %multiple_of3A_133 = tpu.assume_multiple %add3A_132, 16 : i32
    %dma_wait3A_134 = tpu.memref_slice %arg2[%multiple_of3A_133] : memref<640000xi32, #tpu.memory_space<hbm>> -> memref<2000xi32, #tpu.memory_space<hbm>>
    %dma_wait3A_135 = tpu.memref_slice %arg2[%multiple_of3A_133] : memref<640000xi32, #tpu.memory_space<hbm>> -> memref<2000xi32, #tpu.memory_space<hbm>>
    tpu.wait_dma2 semaphore(%arg29 : memref<!tpu.dma_semaphore, #tpu.memory_space<semaphore_mem>>) src(%dma_wait3A_135 : memref<2000xi32, #tpu.memory_space<hbm>>) dst(%arg9 : memref<2000xi32, #tpu.memory_space<vmem>>)
    %scan3A_136 = arith.constant 0 : i32
    %scan3A_137 = arith.constant 25 : i32
    %scan3A_138 = arith.addi %scan3A_136, %scan3A_137 : i32
    %scan3A_139 = arith.constant 1 : i32
    %scan3A_140 = scf.for %scan3A_366 = %scan3A_136 to %scan3A_138 step %scan3A_139 iter_args(%scan3A_367 = %scan3A_110) -> (vector<16xi32>)  : i32 {
      %mul3A_368 = arith.constant 80 : i32
      %mul3A_369 = arith.muli %scan3A_366, %mul3A_368 : i32
      %add3A_370 = arith.constant 0 : i32
      %add3A_371 = arith.addi %mul3A_369, %add3A_370 : i32
      %multiple_of3A_372 = tpu.assume_multiple %add3A_371, 16 : i32
      %get3A_373 = arith.index_cast %multiple_of3A_372 : i32 to index
      %get3A_374 = tpu.vector_load %arg9[%get3A_373] {strides = array<i32>} : memref<2000xi32, #tpu.memory_space<vmem>>, vector<16xi32>,
      tpu.vector_store_idx %arg10[%get3A_374], %broadcast_in_dim3A_2 {add = true} : memref<10240xf32, #tpu.memory_space<vmem>>[vector<16xi32>], vector<16xf32>,
      %eq3A_375 = arith.cmpi eq, %get3A_374, %get3A_6 : vector<16xi32>
      %all_reduce_population_count3A = tpu.all_reduce %eq3A_375 {dim = 0 : i64, kind = #tpu.reduction_kind<sum>} : vector<16xi1> -> vector<16xi32>
      %mul3A_376 = arith.constant 80 : i32
      %mul3A_377 = arith.muli %scan3A_366, %mul3A_376 : i32
      %add3A_378 = arith.constant 16 : i32
      %add3A_379 = arith.addi %mul3A_377, %add3A_378 : i32
      %multiple_of3A_380 = tpu.assume_multiple %add3A_379, 16 : i32
      %get3A_381 = arith.index_cast %multiple_of3A_380 : i32 to index
      %get3A_382 = tpu.vector_load %arg9[%get3A_381] {strides = array<i32>} : memref<2000xi32, #tpu.memory_space<vmem>>, vector<16xi32>,
      tpu.vector_store_idx %arg10[%get3A_382], %broadcast_in_dim3A_2 {add = true} : memref<10240xf32, #tpu.memory_space<vmem>>[vector<16xi32>], vector<16xf32>,
      %eq3A_383 = arith.cmpi eq, %get3A_382, %get3A_6 : vector<16xi32>
      %all_reduce_population_count3A_384 = tpu.all_reduce %eq3A_383 {dim = 0 : i64, kind = #tpu.reduction_kind<sum>} : vector<16xi1> -> vector<16xi32>
      %mul3A_385 = arith.constant 80 : i32
      %mul3A_386 = arith.muli %scan3A_366, %mul3A_385 : i32
      %add3A_387 = arith.constant 32 : i32
      %add3A_388 = arith.addi %mul3A_386, %add3A_387 : i32
      %multiple_of3A_389 = tpu.assume_multiple %add3A_388, 16 : i32
      %get3A_390 = arith.index_cast %multiple_of3A_389 : i32 to index
      %get3A_391 = tpu.vector_load %arg9[%get3A_390] {strides = array<i32>} : memref<2000xi32, #tpu.memory_space<vmem>>, vector<16xi32>,
      tpu.vector_store_idx %arg10[%get3A_391], %broadcast_in_dim3A_2 {add = true} : memref<10240xf32, #tpu.memory_space<vmem>>[vector<16xi32>], vector<16xf32>,
      %eq3A_392 = arith.cmpi eq, %get3A_391, %get3A_6 : vector<16xi32>
      %all_reduce_population_count3A_393 = tpu.all_reduce %eq3A_392 {dim = 0 : i64, kind = #tpu.reduction_kind<sum>} : vector<16xi1> -> vector<16xi32>
      %mul3A_394 = arith.constant 80 : i32
      %mul3A_395 = arith.muli %scan3A_366, %mul3A_394 : i32
      %add3A_396 = arith.constant 48 : i32
      %add3A_397 = arith.addi %mul3A_395, %add3A_396 : i32
      %multiple_of3A_398 = tpu.assume_multiple %add3A_397, 16 : i32
      %get3A_399 = arith.index_cast %multiple_of3A_398 : i32 to index
      %get3A_400 = tpu.vector_load %arg9[%get3A_399] {strides = array<i32>} : memref<2000xi32, #tpu.memory_space<vmem>>, vector<16xi32>,
      tpu.vector_store_idx %arg10[%get3A_400], %broadcast_in_dim3A_2 {add = true} : memref<10240xf32, #tpu.memory_space<vmem>>[vector<16xi32>], vector<16xf32>,
      %eq3A_401 = arith.cmpi eq, %get3A_400, %get3A_6 : vector<16xi32>
      %all_reduce_population_count3A_402 = tpu.all_reduce %eq3A_401 {dim = 0 : i64, kind = #tpu.reduction_kind<sum>} : vector<16xi1> -> vector<16xi32>
      %mul3A_403 = arith.constant 80 : i32
      %mul3A_404 = arith.muli %scan3A_366, %mul3A_403 : i32
      %add3A_405 = arith.constant 64 : i32
      %add3A_406 = arith.addi %mul3A_404, %add3A_405 : i32
      %multiple_of3A_407 = tpu.assume_multiple %add3A_406, 16 : i32
      %get3A_408 = arith.index_cast %multiple_of3A_407 : i32 to index
      %get3A_409 = tpu.vector_load %arg9[%get3A_408] {strides = array<i32>} : memref<2000xi32, #tpu.memory_space<vmem>>, vector<16xi32>,
      tpu.vector_store_idx %arg10[%get3A_409], %broadcast_in_dim3A_2 {add = true} : memref<10240xf32, #tpu.memory_space<vmem>>[vector<16xi32>], vector<16xf32>,
      %eq3A_410 = arith.cmpi eq, %get3A_409, %get3A_6 : vector<16xi32>
      %all_reduce_population_count3A_411 = tpu.all_reduce %eq3A_410 {dim = 0 : i64, kind = #tpu.reduction_kind<sum>} : vector<16xi1> -> vector<16xi32>
      %add3A_412 = arith.addi %all_reduce_population_count3A, %all_reduce_population_count3A_384 : vector<16xi32>
      %add3A_413 = arith.addi %add3A_412, %all_reduce_population_count3A_393 : vector<16xi32>
      %add3A_414 = arith.addi %add3A_413, %all_reduce_population_count3A_402 : vector<16xi32>
      %add3A_415 = arith.addi %add3A_414, %all_reduce_population_count3A_411 : vector<16xi32>
      %slice3A = vector.extract_strided_slice %add3A_415 {offsets = [0], sizes = [1], strides = [1]} : vector<16xi32> to vector<1xi32>
      %squeeze3A = vector.extract %slice3A[0] : i32 from vector<1xi32>
      %gt3A = arith.constant 0 : i32
      %gt3A_416 = arith.cmpi sgt, %squeeze3A, %gt3A : i32
      %convert_element_type3A_417 = arith.extui %gt3A_416 : i1 to i32
      %cond3A_418 = arith.constant 0 : i32
      %cond3A_419 = arith.cmpi ne, %convert_element_type3A_417, %cond3A_418 : i32
      scf.if %cond3A_419 {
        %mul3A_421 = arith.constant 80 : i32
        %mul3A_422 = arith.muli %scan3A_366, %mul3A_421 : i32
        %add3A_423 = arith.constant 0 : i32
        %add3A_424 = arith.addi %mul3A_422, %add3A_423 : i32
        %multiple_of3A_425 = tpu.assume_multiple %add3A_424, 16 : i32
        %get3A_426 = arith.index_cast %multiple_of3A_425 : i32 to index
        %get3A_427 = tpu.vector_load %arg7[%get3A_426] {strides = array<i32>} : memref<2000xi32, #tpu.memory_space<vmem>>, vector<16xi32>,
        %convert_element_type3A_428 = arith.extui %eq3A_375 : vector<16xi1> to vector<16xi32>
        %broadcast_in_dim3A_429 = arith.constant true
        %broadcast_in_dim3A_430 = vector.broadcast %broadcast_in_dim3A_429 : i1 to vector<16xi1>
        %masked_cumsum3A = tpu.scan <sum>, %convert_element_type3A_428 masked %broadcast_in_dim3A_430 : vector<16xi32>, vector<16xi1> -> vector<16xi32>
        %add3A_431 = arith.addi %scan3A_367, %masked_cumsum3A : vector<16xi32>
        %sub3A_432 = arith.constant 1 : i32
        %sub3A_433 = vector.broadcast %sub3A_432 : i32 to vector<16xi32>
        %sub3A_434 = arith.subi %add3A_431, %sub3A_433 : vector<16xi32>
        %jit3A_435 = arith.constant 0 : i32
        %broadcast_in_dim3A_436 = vector.broadcast %jit3A_435 : i32 to vector<16xi32>
        %select_n3A_437 = arith.select %eq3A_375, %sub3A_434, %broadcast_in_dim3A_436 : vector<16xi1>, vector<16xi32>
        tpu.vector_store_idx %arg11[%select_n3A_437], %get3A_427 masked %eq3A_375 : memref<20032xi32, #tpu.memory_space<vmem>>[vector<16xi32>], vector<16xi32>, vector<16xi1>
        %add3A_438 = arith.addi %scan3A_367, %all_reduce_population_count3A : vector<16xi32>
        %mul3A_439 = arith.constant 80 : i32
        %mul3A_440 = arith.muli %scan3A_366, %mul3A_439 : i32
        %add3A_441 = arith.constant 16 : i32
        %add3A_442 = arith.addi %mul3A_440, %add3A_441 : i32
        %multiple_of3A_443 = tpu.assume_multiple %add3A_442, 16 : i32
        %get3A_444 = arith.index_cast %multiple_of3A_443 : i32 to index
        %get3A_445 = tpu.vector_load %arg7[%get3A_444] {strides = array<i32>} : memref<2000xi32, #tpu.memory_space<vmem>>, vector<16xi32>,
        %convert_element_type3A_446 = arith.extui %eq3A_383 : vector<16xi1> to vector<16xi32>
        %broadcast_in_dim3A_447 = arith.constant true
        %broadcast_in_dim3A_448 = vector.broadcast %broadcast_in_dim3A_447 : i1 to vector<16xi1>
        %masked_cumsum3A_449 = tpu.scan <sum>, %convert_element_type3A_446 masked %broadcast_in_dim3A_448 : vector<16xi32>, vector<16xi1> -> vector<16xi32>
        %add3A_450 = arith.addi %add3A_438, %masked_cumsum3A_449 : vector<16xi32>
        %sub3A_451 = arith.constant 1 : i32
        %sub3A_452 = vector.broadcast %sub3A_451 : i32 to vector<16xi32>
        %sub3A_453 = arith.subi %add3A_450, %sub3A_452 : vector<16xi32>
        %jit3A_454 = arith.constant 0 : i32
        %broadcast_in_dim3A_455 = vector.broadcast %jit3A_454 : i32 to vector<16xi32>
        %select_n3A_456 = arith.select %eq3A_383, %sub3A_453, %broadcast_in_dim3A_455 : vector<16xi1>, vector<16xi32>
        tpu.vector_store_idx %arg11[%select_n3A_456], %get3A_445 masked %eq3A_383 : memref<20032xi32, #tpu.memory_space<vmem>>[vector<16xi32>], vector<16xi32>, vector<16xi1>
        %add3A_457 = arith.addi %add3A_438, %all_reduce_population_count3A_384 : vector<16xi32>
        %mul3A_458 = arith.constant 80 : i32
        %mul3A_459 = arith.muli %scan3A_366, %mul3A_458 : i32
        %add3A_460 = arith.constant 32 : i32
        %add3A_461 = arith.addi %mul3A_459, %add3A_460 : i32
        %multiple_of3A_462 = tpu.assume_multiple %add3A_461, 16 : i32
        %get3A_463 = arith.index_cast %multiple_of3A_462 : i32 to index
        %get3A_464 = tpu.vector_load %arg7[%get3A_463] {strides = array<i32>} : memref<2000xi32, #tpu.memory_space<vmem>>, vector<16xi32>,
        %convert_element_type3A_465 = arith.extui %eq3A_392 : vector<16xi1> to vector<16xi32>
        %broadcast_in_dim3A_466 = arith.constant true
        %broadcast_in_dim3A_467 = vector.broadcast %broadcast_in_dim3A_466 : i1 to vector<16xi1>
        %masked_cumsum3A_468 = tpu.scan <sum>, %convert_element_type3A_465 masked %broadcast_in_dim3A_467 : vector<16xi32>, vector<16xi1> -> vector<16xi32>
        %add3A_469 = arith.addi %add3A_457, %masked_cumsum3A_468 : vector<16xi32>
        %sub3A_470 = arith.constant 1 : i32
        %sub3A_471 = vector.broadcast %sub3A_470 : i32 to vector<16xi32>
        %sub3A_472 = arith.subi %add3A_469, %sub3A_471 : vector<16xi32>
        %jit3A_473 = arith.constant 0 : i32
        %broadcast_in_dim3A_474 = vector.broadcast %jit3A_473 : i32 to vector<16xi32>
        %select_n3A_475 = arith.select %eq3A_392, %sub3A_472, %broadcast_in_dim3A_474 : vector<16xi1>, vector<16xi32>
        tpu.vector_store_idx %arg11[%select_n3A_475], %get3A_464 masked %eq3A_392 : memref<20032xi32, #tpu.memory_space<vmem>>[vector<16xi32>], vector<16xi32>, vector<16xi1>
        %add3A_476 = arith.addi %add3A_457, %all_reduce_population_count3A_393 : vector<16xi32>
        %mul3A_477 = arith.constant 80 : i32
        %mul3A_478 = arith.muli %scan3A_366, %mul3A_477 : i32
        %add3A_479 = arith.constant 48 : i32
        %add3A_480 = arith.addi %mul3A_478, %add3A_479 : i32
        %multiple_of3A_481 = tpu.assume_multiple %add3A_480, 16 : i32
        %get3A_482 = arith.index_cast %multiple_of3A_481 : i32 to index
        %get3A_483 = tpu.vector_load %arg7[%get3A_482] {strides = array<i32>} : memref<2000xi32, #tpu.memory_space<vmem>>, vector<16xi32>,
        %convert_element_type3A_484 = arith.extui %eq3A_401 : vector<16xi1> to vector<16xi32>
        %broadcast_in_dim3A_485 = arith.constant true
        %broadcast_in_dim3A_486 = vector.broadcast %broadcast_in_dim3A_485 : i1 to vector<16xi1>
        %masked_cumsum3A_487 = tpu.scan <sum>, %convert_element_type3A_484 masked %broadcast_in_dim3A_486 : vector<16xi32>, vector<16xi1> -> vector<16xi32>
        %add3A_488 = arith.addi %add3A_476, %masked_cumsum3A_487 : vector<16xi32>
        %sub3A_489 = arith.constant 1 : i32
        %sub3A_490 = vector.broadcast %sub3A_489 : i32 to vector<16xi32>
        %sub3A_491 = arith.subi %add3A_488, %sub3A_490 : vector<16xi32>
        %jit3A_492 = arith.constant 0 : i32
        %broadcast_in_dim3A_493 = vector.broadcast %jit3A_492 : i32 to vector<16xi32>
        %select_n3A_494 = arith.select %eq3A_401, %sub3A_491, %broadcast_in_dim3A_493 : vector<16xi1>, vector<16xi32>
        tpu.vector_store_idx %arg11[%select_n3A_494], %get3A_483 masked %eq3A_401 : memref<20032xi32, #tpu.memory_space<vmem>>[vector<16xi32>], vector<16xi32>, vector<16xi1>
        %add3A_495 = arith.addi %add3A_476, %all_reduce_population_count3A_402 : vector<16xi32>
        %mul3A_496 = arith.constant 80 : i32
        %mul3A_497 = arith.muli %scan3A_366, %mul3A_496 : i32
        %add3A_498 = arith.constant 64 : i32
        %add3A_499 = arith.addi %mul3A_497, %add3A_498 : i32
        %multiple_of3A_500 = tpu.assume_multiple %add3A_499, 16 : i32
        %get3A_501 = arith.index_cast %multiple_of3A_500 : i32 to index
        %get3A_502 = tpu.vector_load %arg7[%get3A_501] {strides = array<i32>} : memref<2000xi32, #tpu.memory_space<vmem>>, vector<16xi32>,
        %convert_element_type3A_503 = arith.extui %eq3A_410 : vector<16xi1> to vector<16xi32>
        %broadcast_in_dim3A_504 = arith.constant true
        %broadcast_in_dim3A_505 = vector.broadcast %broadcast_in_dim3A_504 : i1 to vector<16xi1>
        %masked_cumsum3A_506 = tpu.scan <sum>, %convert_element_type3A_503 masked %broadcast_in_dim3A_505 : vector<16xi32>, vector<16xi1> -> vector<16xi32>
        %add3A_507 = arith.addi %add3A_495, %masked_cumsum3A_506 : vector<16xi32>
        %sub3A_508 = arith.constant 1 : i32
        %sub3A_509 = vector.broadcast %sub3A_508 : i32 to vector<16xi32>
        %sub3A_510 = arith.subi %add3A_507, %sub3A_509 : vector<16xi32>
        %jit3A_511 = arith.constant 0 : i32
        %broadcast_in_dim3A_512 = vector.broadcast %jit3A_511 : i32 to vector<16xi32>
        %select_n3A_513 = arith.select %eq3A_410, %sub3A_510, %broadcast_in_dim3A_512 : vector<16xi1>, vector<16xi32>
        tpu.vector_store_idx %arg11[%select_n3A_513], %get3A_502 masked %eq3A_410 : memref<20032xi32, #tpu.memory_space<vmem>>[vector<16xi32>], vector<16xi32>, vector<16xi1>
        %add3A_514 = arith.addi %add3A_495, %all_reduce_population_count3A_411 : vector<16xi32>
      } else {
      }
      %add3A_420 = arith.addi %scan3A_367, %add3A_415 : vector<16xi32>
      scf.yield %add3A_420 : vector<16xi32>
    }
    %scan3A_141 = arith.constant 25 : i32
    %add3A_142 = arith.constant 10000 : i32
    %add3A_143 = arith.addi %mul3A_5, %add3A_142 : i32
    %multiple_of3A_144 = tpu.assume_multiple %add3A_143, 16 : i32
    %dma_start3A_145 = tpu.memref_slice %arg2[%multiple_of3A_144] : memref<640000xi32, #tpu.memory_space<hbm>> -> memref<2000xi32, #tpu.memory_space<hbm>>
    %dma_start3A_146 = tpu.memref_slice %arg2[%multiple_of3A_144] : memref<640000xi32, #tpu.memory_space<hbm>> -> memref<2000xi32, #tpu.memory_space<hbm>>
    tpu.enqueue_dma source(%dma_start3A_146 : memref<2000xi32, #tpu.memory_space<hbm>>) target(%arg7 : memref<2000xi32, #tpu.memory_space<vmem>>) target_semaphore(%arg27 : memref<!tpu.dma_semaphore, #tpu.memory_space<semaphore_mem>>)
    %add3A_147 = arith.constant 320000 : i32
    %add3A_148 = arith.addi %add3A_147, %mul3A_5 : i32
    %add3A_149 = arith.constant 10000 : i32
    %add3A_150 = arith.addi %add3A_148, %add3A_149 : i32
    %multiple_of3A_151 = tpu.assume_multiple %add3A_150, 16 : i32
    %dma_start3A_152 = tpu.memref_slice %arg2[%multiple_of3A_151] : memref<640000xi32, #tpu.memory_space<hbm>> -> memref<2000xi32, #tpu.memory_space<hbm>>
    %dma_start3A_153 = tpu.memref_slice %arg2[%multiple_of3A_151] : memref<640000xi32, #tpu.memory_space<hbm>> -> memref<2000xi32, #tpu.memory_space<hbm>>
    tpu.enqueue_dma source(%dma_start3A_153 : memref<2000xi32, #tpu.memory_space<hbm>>) target(%arg9 : memref<2000xi32, #tpu.memory_space<vmem>>) target_semaphore(%arg29 : memref<!tpu.dma_semaphore, #tpu.memory_space<semaphore_mem>>)
    %add3A_154 = arith.constant 8000 : i32
    %add3A_155 = arith.addi %mul3A_5, %add3A_154 : i32
    %multiple_of3A_156 = tpu.assume_multiple %add3A_155, 16 : i32
    %dma_wait3A_157 = tpu.memref_slice %arg2[%multiple_of3A_156] : memref<640000xi32, #tpu.memory_space<hbm>> -> memref<2000xi32, #tpu.memory_space<hbm>>
    %dma_wait3A_158 = tpu.memref_slice %arg2[%multiple_of3A_156] : memref<640000xi32, #tpu.memory_space<hbm>> -> memref<2000xi32, #tpu.memory_space<hbm>>
    tpu.wait_dma2 semaphore(%arg26 : memref<!tpu.dma_semaphore, #tpu.memory_space<semaphore_mem>>) src(%dma_wait3A_158 : memref<2000xi32, #tpu.memory_space<hbm>>) dst(%arg6 : memref<2000xi32, #tpu.memory_space<vmem>>)
    %add3A_159 = arith.constant 320000 : i32
    %add3A_160 = arith.addi %add3A_159, %mul3A_5 : i32
    %add3A_161 = arith.constant 8000 : i32
    %add3A_162 = arith.addi %add3A_160, %add3A_161 : i32
    %multiple_of3A_163 = tpu.assume_multiple %add3A_162, 16 : i32
    %dma_wait3A_164 = tpu.memref_slice %arg2[%multiple_of3A_163] : memref<640000xi32, #tpu.memory_space<hbm>> -> memref<2000xi32, #tpu.memory_space<hbm>>
    %dma_wait3A_165 = tpu.memref_slice %arg2[%multiple_of3A_163] : memref<640000xi32, #tpu.memory_space<hbm>> -> memref<2000xi32, #tpu.memory_space<hbm>>
    tpu.wait_dma2 semaphore(%arg28 : memref<!tpu.dma_semaphore, #tpu.memory_space<semaphore_mem>>) src(%dma_wait3A_165 : memref<2000xi32, #tpu.memory_space<hbm>>) dst(%arg8 : memref<2000xi32, #tpu.memory_space<vmem>>)
    %scan3A_166 = arith.constant 0 : i32
    %scan3A_167 = arith.constant 25 : i32
    %scan3A_168 = arith.addi %scan3A_166, %scan3A_167 : i32
    %scan3A_169 = arith.constant 1 : i32
    %scan3A_170 = scf.for %scan3A_366 = %scan3A_166 to %scan3A_168 step %scan3A_169 iter_args(%scan3A_367 = %scan3A_140) -> (vector<16xi32>)  : i32 {
      %mul3A_368 = arith.constant 80 : i32
      %mul3A_369 = arith.muli %scan3A_366, %mul3A_368 : i32
      %add3A_370 = arith.constant 0 : i32
      %add3A_371 = arith.addi %mul3A_369, %add3A_370 : i32
      %multiple_of3A_372 = tpu.assume_multiple %add3A_371, 16 : i32
      %get3A_373 = arith.index_cast %multiple_of3A_372 : i32 to index
      %get3A_374 = tpu.vector_load %arg8[%get3A_373] {strides = array<i32>} : memref<2000xi32, #tpu.memory_space<vmem>>, vector<16xi32>,
      tpu.vector_store_idx %arg10[%get3A_374], %broadcast_in_dim3A_2 {add = true} : memref<10240xf32, #tpu.memory_space<vmem>>[vector<16xi32>], vector<16xf32>,
      %eq3A_375 = arith.cmpi eq, %get3A_374, %get3A_6 : vector<16xi32>
      %all_reduce_population_count3A = tpu.all_reduce %eq3A_375 {dim = 0 : i64, kind = #tpu.reduction_kind<sum>} : vector<16xi1> -> vector<16xi32>
      %mul3A_376 = arith.constant 80 : i32
      %mul3A_377 = arith.muli %scan3A_366, %mul3A_376 : i32
      %add3A_378 = arith.constant 16 : i32
      %add3A_379 = arith.addi %mul3A_377, %add3A_378 : i32
      %multiple_of3A_380 = tpu.assume_multiple %add3A_379, 16 : i32
      %get3A_381 = arith.index_cast %multiple_of3A_380 : i32 to index
      %get3A_382 = tpu.vector_load %arg8[%get3A_381] {strides = array<i32>} : memref<2000xi32, #tpu.memory_space<vmem>>, vector<16xi32>,
      tpu.vector_store_idx %arg10[%get3A_382], %broadcast_in_dim3A_2 {add = true} : memref<10240xf32, #tpu.memory_space<vmem>>[vector<16xi32>], vector<16xf32>,
      %eq3A_383 = arith.cmpi eq, %get3A_382, %get3A_6 : vector<16xi32>
      %all_reduce_population_count3A_384 = tpu.all_reduce %eq3A_383 {dim = 0 : i64, kind = #tpu.reduction_kind<sum>} : vector<16xi1> -> vector<16xi32>
      %mul3A_385 = arith.constant 80 : i32
      %mul3A_386 = arith.muli %scan3A_366, %mul3A_385 : i32
      %add3A_387 = arith.constant 32 : i32
      %add3A_388 = arith.addi %mul3A_386, %add3A_387 : i32
      %multiple_of3A_389 = tpu.assume_multiple %add3A_388, 16 : i32
      %get3A_390 = arith.index_cast %multiple_of3A_389 : i32 to index
      %get3A_391 = tpu.vector_load %arg8[%get3A_390] {strides = array<i32>} : memref<2000xi32, #tpu.memory_space<vmem>>, vector<16xi32>,
      tpu.vector_store_idx %arg10[%get3A_391], %broadcast_in_dim3A_2 {add = true} : memref<10240xf32, #tpu.memory_space<vmem>>[vector<16xi32>], vector<16xf32>,
      %eq3A_392 = arith.cmpi eq, %get3A_391, %get3A_6 : vector<16xi32>
      %all_reduce_population_count3A_393 = tpu.all_reduce %eq3A_392 {dim = 0 : i64, kind = #tpu.reduction_kind<sum>} : vector<16xi1> -> vector<16xi32>
      %mul3A_394 = arith.constant 80 : i32
      %mul3A_395 = arith.muli %scan3A_366, %mul3A_394 : i32
      %add3A_396 = arith.constant 48 : i32
      %add3A_397 = arith.addi %mul3A_395, %add3A_396 : i32
      %multiple_of3A_398 = tpu.assume_multiple %add3A_397, 16 : i32
      %get3A_399 = arith.index_cast %multiple_of3A_398 : i32 to index
      %get3A_400 = tpu.vector_load %arg8[%get3A_399] {strides = array<i32>} : memref<2000xi32, #tpu.memory_space<vmem>>, vector<16xi32>,
      tpu.vector_store_idx %arg10[%get3A_400], %broadcast_in_dim3A_2 {add = true} : memref<10240xf32, #tpu.memory_space<vmem>>[vector<16xi32>], vector<16xf32>,
      %eq3A_401 = arith.cmpi eq, %get3A_400, %get3A_6 : vector<16xi32>
      %all_reduce_population_count3A_402 = tpu.all_reduce %eq3A_401 {dim = 0 : i64, kind = #tpu.reduction_kind<sum>} : vector<16xi1> -> vector<16xi32>
      %mul3A_403 = arith.constant 80 : i32
      %mul3A_404 = arith.muli %scan3A_366, %mul3A_403 : i32
      %add3A_405 = arith.constant 64 : i32
      %add3A_406 = arith.addi %mul3A_404, %add3A_405 : i32
      %multiple_of3A_407 = tpu.assume_multiple %add3A_406, 16 : i32
      %get3A_408 = arith.index_cast %multiple_of3A_407 : i32 to index
      %get3A_409 = tpu.vector_load %arg8[%get3A_408] {strides = array<i32>} : memref<2000xi32, #tpu.memory_space<vmem>>, vector<16xi32>,
      tpu.vector_store_idx %arg10[%get3A_409], %broadcast_in_dim3A_2 {add = true} : memref<10240xf32, #tpu.memory_space<vmem>>[vector<16xi32>], vector<16xf32>,
      %eq3A_410 = arith.cmpi eq, %get3A_409, %get3A_6 : vector<16xi32>
      %all_reduce_population_count3A_411 = tpu.all_reduce %eq3A_410 {dim = 0 : i64, kind = #tpu.reduction_kind<sum>} : vector<16xi1> -> vector<16xi32>
      %add3A_412 = arith.addi %all_reduce_population_count3A, %all_reduce_population_count3A_384 : vector<16xi32>
      %add3A_413 = arith.addi %add3A_412, %all_reduce_population_count3A_393 : vector<16xi32>
      %add3A_414 = arith.addi %add3A_413, %all_reduce_population_count3A_402 : vector<16xi32>
      %add3A_415 = arith.addi %add3A_414, %all_reduce_population_count3A_411 : vector<16xi32>
      %slice3A = vector.extract_strided_slice %add3A_415 {offsets = [0], sizes = [1], strides = [1]} : vector<16xi32> to vector<1xi32>
      %squeeze3A = vector.extract %slice3A[0] : i32 from vector<1xi32>
      %gt3A = arith.constant 0 : i32
      %gt3A_416 = arith.cmpi sgt, %squeeze3A, %gt3A : i32
      %convert_element_type3A_417 = arith.extui %gt3A_416 : i1 to i32
      %cond3A_418 = arith.constant 0 : i32
      %cond3A_419 = arith.cmpi ne, %convert_element_type3A_417, %cond3A_418 : i32
      scf.if %cond3A_419 {
        %mul3A_421 = arith.constant 80 : i32
        %mul3A_422 = arith.muli %scan3A_366, %mul3A_421 : i32
        %add3A_423 = arith.constant 0 : i32
        %add3A_424 = arith.addi %mul3A_422, %add3A_423 : i32
        %multiple_of3A_425 = tpu.assume_multiple %add3A_424, 16 : i32
        %get3A_426 = arith.index_cast %multiple_of3A_425 : i32 to index
        %get3A_427 = tpu.vector_load %arg6[%get3A_426] {strides = array<i32>} : memref<2000xi32, #tpu.memory_space<vmem>>, vector<16xi32>,
        %convert_element_type3A_428 = arith.extui %eq3A_375 : vector<16xi1> to vector<16xi32>
        %broadcast_in_dim3A_429 = arith.constant true
        %broadcast_in_dim3A_430 = vector.broadcast %broadcast_in_dim3A_429 : i1 to vector<16xi1>
        %masked_cumsum3A = tpu.scan <sum>, %convert_element_type3A_428 masked %broadcast_in_dim3A_430 : vector<16xi32>, vector<16xi1> -> vector<16xi32>
        %add3A_431 = arith.addi %scan3A_367, %masked_cumsum3A : vector<16xi32>
        %sub3A_432 = arith.constant 1 : i32
        %sub3A_433 = vector.broadcast %sub3A_432 : i32 to vector<16xi32>
        %sub3A_434 = arith.subi %add3A_431, %sub3A_433 : vector<16xi32>
        %jit3A_435 = arith.constant 0 : i32
        %broadcast_in_dim3A_436 = vector.broadcast %jit3A_435 : i32 to vector<16xi32>
        %select_n3A_437 = arith.select %eq3A_375, %sub3A_434, %broadcast_in_dim3A_436 : vector<16xi1>, vector<16xi32>
        tpu.vector_store_idx %arg11[%select_n3A_437], %get3A_427 masked %eq3A_375 : memref<20032xi32, #tpu.memory_space<vmem>>[vector<16xi32>], vector<16xi32>, vector<16xi1>
        %add3A_438 = arith.addi %scan3A_367, %all_reduce_population_count3A : vector<16xi32>
        %mul3A_439 = arith.constant 80 : i32
        %mul3A_440 = arith.muli %scan3A_366, %mul3A_439 : i32
        %add3A_441 = arith.constant 16 : i32
        %add3A_442 = arith.addi %mul3A_440, %add3A_441 : i32
        %multiple_of3A_443 = tpu.assume_multiple %add3A_442, 16 : i32
        %get3A_444 = arith.index_cast %multiple_of3A_443 : i32 to index
        %get3A_445 = tpu.vector_load %arg6[%get3A_444] {strides = array<i32>} : memref<2000xi32, #tpu.memory_space<vmem>>, vector<16xi32>,
        %convert_element_type3A_446 = arith.extui %eq3A_383 : vector<16xi1> to vector<16xi32>
        %broadcast_in_dim3A_447 = arith.constant true
        %broadcast_in_dim3A_448 = vector.broadcast %broadcast_in_dim3A_447 : i1 to vector<16xi1>
        %masked_cumsum3A_449 = tpu.scan <sum>, %convert_element_type3A_446 masked %broadcast_in_dim3A_448 : vector<16xi32>, vector<16xi1> -> vector<16xi32>
        %add3A_450 = arith.addi %add3A_438, %masked_cumsum3A_449 : vector<16xi32>
        %sub3A_451 = arith.constant 1 : i32
        %sub3A_452 = vector.broadcast %sub3A_451 : i32 to vector<16xi32>
        %sub3A_453 = arith.subi %add3A_450, %sub3A_452 : vector<16xi32>
        %jit3A_454 = arith.constant 0 : i32
        %broadcast_in_dim3A_455 = vector.broadcast %jit3A_454 : i32 to vector<16xi32>
        %select_n3A_456 = arith.select %eq3A_383, %sub3A_453, %broadcast_in_dim3A_455 : vector<16xi1>, vector<16xi32>
        tpu.vector_store_idx %arg11[%select_n3A_456], %get3A_445 masked %eq3A_383 : memref<20032xi32, #tpu.memory_space<vmem>>[vector<16xi32>], vector<16xi32>, vector<16xi1>
        %add3A_457 = arith.addi %add3A_438, %all_reduce_population_count3A_384 : vector<16xi32>
        %mul3A_458 = arith.constant 80 : i32
        %mul3A_459 = arith.muli %scan3A_366, %mul3A_458 : i32
        %add3A_460 = arith.constant 32 : i32
        %add3A_461 = arith.addi %mul3A_459, %add3A_460 : i32
        %multiple_of3A_462 = tpu.assume_multiple %add3A_461, 16 : i32
        %get3A_463 = arith.index_cast %multiple_of3A_462 : i32 to index
        %get3A_464 = tpu.vector_load %arg6[%get3A_463] {strides = array<i32>} : memref<2000xi32, #tpu.memory_space<vmem>>, vector<16xi32>,
        %convert_element_type3A_465 = arith.extui %eq3A_392 : vector<16xi1> to vector<16xi32>
        %broadcast_in_dim3A_466 = arith.constant true
        %broadcast_in_dim3A_467 = vector.broadcast %broadcast_in_dim3A_466 : i1 to vector<16xi1>
        %masked_cumsum3A_468 = tpu.scan <sum>, %convert_element_type3A_465 masked %broadcast_in_dim3A_467 : vector<16xi32>, vector<16xi1> -> vector<16xi32>
        %add3A_469 = arith.addi %add3A_457, %masked_cumsum3A_468 : vector<16xi32>
        %sub3A_470 = arith.constant 1 : i32
        %sub3A_471 = vector.broadcast %sub3A_470 : i32 to vector<16xi32>
        %sub3A_472 = arith.subi %add3A_469, %sub3A_471 : vector<16xi32>
        %jit3A_473 = arith.constant 0 : i32
        %broadcast_in_dim3A_474 = vector.broadcast %jit3A_473 : i32 to vector<16xi32>
        %select_n3A_475 = arith.select %eq3A_392, %sub3A_472, %broadcast_in_dim3A_474 : vector<16xi1>, vector<16xi32>
        tpu.vector_store_idx %arg11[%select_n3A_475], %get3A_464 masked %eq3A_392 : memref<20032xi32, #tpu.memory_space<vmem>>[vector<16xi32>], vector<16xi32>, vector<16xi1>
        %add3A_476 = arith.addi %add3A_457, %all_reduce_population_count3A_393 : vector<16xi32>
        %mul3A_477 = arith.constant 80 : i32
        %mul3A_478 = arith.muli %scan3A_366, %mul3A_477 : i32
        %add3A_479 = arith.constant 48 : i32
        %add3A_480 = arith.addi %mul3A_478, %add3A_479 : i32
        %multiple_of3A_481 = tpu.assume_multiple %add3A_480, 16 : i32
        %get3A_482 = arith.index_cast %multiple_of3A_481 : i32 to index
        %get3A_483 = tpu.vector_load %arg6[%get3A_482] {strides = array<i32>} : memref<2000xi32, #tpu.memory_space<vmem>>, vector<16xi32>,
        %convert_element_type3A_484 = arith.extui %eq3A_401 : vector<16xi1> to vector<16xi32>
        %broadcast_in_dim3A_485 = arith.constant true
        %broadcast_in_dim3A_486 = vector.broadcast %broadcast_in_dim3A_485 : i1 to vector<16xi1>
        %masked_cumsum3A_487 = tpu.scan <sum>, %convert_element_type3A_484 masked %broadcast_in_dim3A_486 : vector<16xi32>, vector<16xi1> -> vector<16xi32>
        %add3A_488 = arith.addi %add3A_476, %masked_cumsum3A_487 : vector<16xi32>
        %sub3A_489 = arith.constant 1 : i32
        %sub3A_490 = vector.broadcast %sub3A_489 : i32 to vector<16xi32>
        %sub3A_491 = arith.subi %add3A_488, %sub3A_490 : vector<16xi32>
        %jit3A_492 = arith.constant 0 : i32
        %broadcast_in_dim3A_493 = vector.broadcast %jit3A_492 : i32 to vector<16xi32>
        %select_n3A_494 = arith.select %eq3A_401, %sub3A_491, %broadcast_in_dim3A_493 : vector<16xi1>, vector<16xi32>
        tpu.vector_store_idx %arg11[%select_n3A_494], %get3A_483 masked %eq3A_401 : memref<20032xi32, #tpu.memory_space<vmem>>[vector<16xi32>], vector<16xi32>, vector<16xi1>
        %add3A_495 = arith.addi %add3A_476, %all_reduce_population_count3A_402 : vector<16xi32>
        %mul3A_496 = arith.constant 80 : i32
        %mul3A_497 = arith.muli %scan3A_366, %mul3A_496 : i32
        %add3A_498 = arith.constant 64 : i32
        %add3A_499 = arith.addi %mul3A_497, %add3A_498 : i32
        %multiple_of3A_500 = tpu.assume_multiple %add3A_499, 16 : i32
        %get3A_501 = arith.index_cast %multiple_of3A_500 : i32 to index
        %get3A_502 = tpu.vector_load %arg6[%get3A_501] {strides = array<i32>} : memref<2000xi32, #tpu.memory_space<vmem>>, vector<16xi32>,
        %convert_element_type3A_503 = arith.extui %eq3A_410 : vector<16xi1> to vector<16xi32>
        %broadcast_in_dim3A_504 = arith.constant true
        %broadcast_in_dim3A_505 = vector.broadcast %broadcast_in_dim3A_504 : i1 to vector<16xi1>
        %masked_cumsum3A_506 = tpu.scan <sum>, %convert_element_type3A_503 masked %broadcast_in_dim3A_505 : vector<16xi32>, vector<16xi1> -> vector<16xi32>
        %add3A_507 = arith.addi %add3A_495, %masked_cumsum3A_506 : vector<16xi32>
        %sub3A_508 = arith.constant 1 : i32
        %sub3A_509 = vector.broadcast %sub3A_508 : i32 to vector<16xi32>
        %sub3A_510 = arith.subi %add3A_507, %sub3A_509 : vector<16xi32>
        %jit3A_511 = arith.constant 0 : i32
        %broadcast_in_dim3A_512 = vector.broadcast %jit3A_511 : i32 to vector<16xi32>
        %select_n3A_513 = arith.select %eq3A_410, %sub3A_510, %broadcast_in_dim3A_512 : vector<16xi1>, vector<16xi32>
        tpu.vector_store_idx %arg11[%select_n3A_513], %get3A_502 masked %eq3A_410 : memref<20032xi32, #tpu.memory_space<vmem>>[vector<16xi32>], vector<16xi32>, vector<16xi1>
        %add3A_514 = arith.addi %add3A_495, %all_reduce_population_count3A_411 : vector<16xi32>
      } else {
      }
      %add3A_420 = arith.addi %scan3A_367, %add3A_415 : vector<16xi32>
      scf.yield %add3A_420 : vector<16xi32>
    }
    %scan3A_171 = arith.constant 25 : i32
    %add3A_172 = arith.constant 12000 : i32
    %add3A_173 = arith.addi %mul3A_5, %add3A_172 : i32
    %multiple_of3A_174 = tpu.assume_multiple %add3A_173, 16 : i32
    %dma_start3A_175 = tpu.memref_slice %arg2[%multiple_of3A_174] : memref<640000xi32, #tpu.memory_space<hbm>> -> memref<2000xi32, #tpu.memory_space<hbm>>
    %dma_start3A_176 = tpu.memref_slice %arg2[%multiple_of3A_174] : memref<640000xi32, #tpu.memory_space<hbm>> -> memref<2000xi32, #tpu.memory_space<hbm>>
    tpu.enqueue_dma source(%dma_start3A_176 : memref<2000xi32, #tpu.memory_space<hbm>>) target(%arg6 : memref<2000xi32, #tpu.memory_space<vmem>>) target_semaphore(%arg26 : memref<!tpu.dma_semaphore, #tpu.memory_space<semaphore_mem>>)
    %add3A_177 = arith.constant 320000 : i32
    %add3A_178 = arith.addi %add3A_177, %mul3A_5 : i32
    %add3A_179 = arith.constant 12000 : i32
    %add3A_180 = arith.addi %add3A_178, %add3A_179 : i32
    %multiple_of3A_181 = tpu.assume_multiple %add3A_180, 16 : i32
    %dma_start3A_182 = tpu.memref_slice %arg2[%multiple_of3A_181] : memref<640000xi32, #tpu.memory_space<hbm>> -> memref<2000xi32, #tpu.memory_space<hbm>>
    %dma_start3A_183 = tpu.memref_slice %arg2[%multiple_of3A_181] : memref<640000xi32, #tpu.memory_space<hbm>> -> memref<2000xi32, #tpu.memory_space<hbm>>
    tpu.enqueue_dma source(%dma_start3A_183 : memref<2000xi32, #tpu.memory_space<hbm>>) target(%arg8 : memref<2000xi32, #tpu.memory_space<vmem>>) target_semaphore(%arg28 : memref<!tpu.dma_semaphore, #tpu.memory_space<semaphore_mem>>)
    %add3A_184 = arith.constant 10000 : i32
    %add3A_185 = arith.addi %mul3A_5, %add3A_184 : i32
    %multiple_of3A_186 = tpu.assume_multiple %add3A_185, 16 : i32
    %dma_wait3A_187 = tpu.memref_slice %arg2[%multiple_of3A_186] : memref<640000xi32, #tpu.memory_space<hbm>> -> memref<2000xi32, #tpu.memory_space<hbm>>
    %dma_wait3A_188 = tpu.memref_slice %arg2[%multiple_of3A_186] : memref<640000xi32, #tpu.memory_space<hbm>> -> memref<2000xi32, #tpu.memory_space<hbm>>
    tpu.wait_dma2 semaphore(%arg27 : memref<!tpu.dma_semaphore, #tpu.memory_space<semaphore_mem>>) src(%dma_wait3A_188 : memref<2000xi32, #tpu.memory_space<hbm>>) dst(%arg7 : memref<2000xi32, #tpu.memory_space<vmem>>)
    %add3A_189 = arith.constant 320000 : i32
    %add3A_190 = arith.addi %add3A_189, %mul3A_5 : i32
    %add3A_191 = arith.constant 10000 : i32
    %add3A_192 = arith.addi %add3A_190, %add3A_191 : i32
    %multiple_of3A_193 = tpu.assume_multiple %add3A_192, 16 : i32
    %dma_wait3A_194 = tpu.memref_slice %arg2[%multiple_of3A_193] : memref<640000xi32, #tpu.memory_space<hbm>> -> memref<2000xi32, #tpu.memory_space<hbm>>
    %dma_wait3A_195 = tpu.memref_slice %arg2[%multiple_of3A_193] : memref<640000xi32, #tpu.memory_space<hbm>> -> memref<2000xi32, #tpu.memory_space<hbm>>
    tpu.wait_dma2 semaphore(%arg29 : memref<!tpu.dma_semaphore, #tpu.memory_space<semaphore_mem>>) src(%dma_wait3A_195 : memref<2000xi32, #tpu.memory_space<hbm>>) dst(%arg9 : memref<2000xi32, #tpu.memory_space<vmem>>)
    %scan3A_196 = arith.constant 0 : i32
    %scan3A_197 = arith.constant 25 : i32
    %scan3A_198 = arith.addi %scan3A_196, %scan3A_197 : i32
    %scan3A_199 = arith.constant 1 : i32
    %scan3A_200 = scf.for %scan3A_366 = %scan3A_196 to %scan3A_198 step %scan3A_199 iter_args(%scan3A_367 = %scan3A_170) -> (vector<16xi32>)  : i32 {
      %mul3A_368 = arith.constant 80 : i32
      %mul3A_369 = arith.muli %scan3A_366, %mul3A_368 : i32
      %add3A_370 = arith.constant 0 : i32
      %add3A_371 = arith.addi %mul3A_369, %add3A_370 : i32
      %multiple_of3A_372 = tpu.assume_multiple %add3A_371, 16 : i32
      %get3A_373 = arith.index_cast %multiple_of3A_372 : i32 to index
      %get3A_374 = tpu.vector_load %arg9[%get3A_373] {strides = array<i32>} : memref<2000xi32, #tpu.memory_space<vmem>>, vector<16xi32>,
      tpu.vector_store_idx %arg10[%get3A_374], %broadcast_in_dim3A_2 {add = true} : memref<10240xf32, #tpu.memory_space<vmem>>[vector<16xi32>], vector<16xf32>,
      %eq3A_375 = arith.cmpi eq, %get3A_374, %get3A_6 : vector<16xi32>
      %all_reduce_population_count3A = tpu.all_reduce %eq3A_375 {dim = 0 : i64, kind = #tpu.reduction_kind<sum>} : vector<16xi1> -> vector<16xi32>
      %mul3A_376 = arith.constant 80 : i32
      %mul3A_377 = arith.muli %scan3A_366, %mul3A_376 : i32
      %add3A_378 = arith.constant 16 : i32
      %add3A_379 = arith.addi %mul3A_377, %add3A_378 : i32
      %multiple_of3A_380 = tpu.assume_multiple %add3A_379, 16 : i32
      %get3A_381 = arith.index_cast %multiple_of3A_380 : i32 to index
      %get3A_382 = tpu.vector_load %arg9[%get3A_381] {strides = array<i32>} : memref<2000xi32, #tpu.memory_space<vmem>>, vector<16xi32>,
      tpu.vector_store_idx %arg10[%get3A_382], %broadcast_in_dim3A_2 {add = true} : memref<10240xf32, #tpu.memory_space<vmem>>[vector<16xi32>], vector<16xf32>,
      %eq3A_383 = arith.cmpi eq, %get3A_382, %get3A_6 : vector<16xi32>
      %all_reduce_population_count3A_384 = tpu.all_reduce %eq3A_383 {dim = 0 : i64, kind = #tpu.reduction_kind<sum>} : vector<16xi1> -> vector<16xi32>
      %mul3A_385 = arith.constant 80 : i32
      %mul3A_386 = arith.muli %scan3A_366, %mul3A_385 : i32
      %add3A_387 = arith.constant 32 : i32
      %add3A_388 = arith.addi %mul3A_386, %add3A_387 : i32
      %multiple_of3A_389 = tpu.assume_multiple %add3A_388, 16 : i32
      %get3A_390 = arith.index_cast %multiple_of3A_389 : i32 to index
      %get3A_391 = tpu.vector_load %arg9[%get3A_390] {strides = array<i32>} : memref<2000xi32, #tpu.memory_space<vmem>>, vector<16xi32>,
      tpu.vector_store_idx %arg10[%get3A_391], %broadcast_in_dim3A_2 {add = true} : memref<10240xf32, #tpu.memory_space<vmem>>[vector<16xi32>], vector<16xf32>,
      %eq3A_392 = arith.cmpi eq, %get3A_391, %get3A_6 : vector<16xi32>
      %all_reduce_population_count3A_393 = tpu.all_reduce %eq3A_392 {dim = 0 : i64, kind = #tpu.reduction_kind<sum>} : vector<16xi1> -> vector<16xi32>
      %mul3A_394 = arith.constant 80 : i32
      %mul3A_395 = arith.muli %scan3A_366, %mul3A_394 : i32
      %add3A_396 = arith.constant 48 : i32
      %add3A_397 = arith.addi %mul3A_395, %add3A_396 : i32
      %multiple_of3A_398 = tpu.assume_multiple %add3A_397, 16 : i32
      %get3A_399 = arith.index_cast %multiple_of3A_398 : i32 to index
      %get3A_400 = tpu.vector_load %arg9[%get3A_399] {strides = array<i32>} : memref<2000xi32, #tpu.memory_space<vmem>>, vector<16xi32>,
      tpu.vector_store_idx %arg10[%get3A_400], %broadcast_in_dim3A_2 {add = true} : memref<10240xf32, #tpu.memory_space<vmem>>[vector<16xi32>], vector<16xf32>,
      %eq3A_401 = arith.cmpi eq, %get3A_400, %get3A_6 : vector<16xi32>
      %all_reduce_population_count3A_402 = tpu.all_reduce %eq3A_401 {dim = 0 : i64, kind = #tpu.reduction_kind<sum>} : vector<16xi1> -> vector<16xi32>
      %mul3A_403 = arith.constant 80 : i32
      %mul3A_404 = arith.muli %scan3A_366, %mul3A_403 : i32
      %add3A_405 = arith.constant 64 : i32
      %add3A_406 = arith.addi %mul3A_404, %add3A_405 : i32
      %multiple_of3A_407 = tpu.assume_multiple %add3A_406, 16 : i32
      %get3A_408 = arith.index_cast %multiple_of3A_407 : i32 to index
      %get3A_409 = tpu.vector_load %arg9[%get3A_408] {strides = array<i32>} : memref<2000xi32, #tpu.memory_space<vmem>>, vector<16xi32>,
      tpu.vector_store_idx %arg10[%get3A_409], %broadcast_in_dim3A_2 {add = true} : memref<10240xf32, #tpu.memory_space<vmem>>[vector<16xi32>], vector<16xf32>,
      %eq3A_410 = arith.cmpi eq, %get3A_409, %get3A_6 : vector<16xi32>
      %all_reduce_population_count3A_411 = tpu.all_reduce %eq3A_410 {dim = 0 : i64, kind = #tpu.reduction_kind<sum>} : vector<16xi1> -> vector<16xi32>
      %add3A_412 = arith.addi %all_reduce_population_count3A, %all_reduce_population_count3A_384 : vector<16xi32>
      %add3A_413 = arith.addi %add3A_412, %all_reduce_population_count3A_393 : vector<16xi32>
      %add3A_414 = arith.addi %add3A_413, %all_reduce_population_count3A_402 : vector<16xi32>
      %add3A_415 = arith.addi %add3A_414, %all_reduce_population_count3A_411 : vector<16xi32>
      %slice3A = vector.extract_strided_slice %add3A_415 {offsets = [0], sizes = [1], strides = [1]} : vector<16xi32> to vector<1xi32>
      %squeeze3A = vector.extract %slice3A[0] : i32 from vector<1xi32>
      %gt3A = arith.constant 0 : i32
      %gt3A_416 = arith.cmpi sgt, %squeeze3A, %gt3A : i32
      %convert_element_type3A_417 = arith.extui %gt3A_416 : i1 to i32
      %cond3A_418 = arith.constant 0 : i32
      %cond3A_419 = arith.cmpi ne, %convert_element_type3A_417, %cond3A_418 : i32
      scf.if %cond3A_419 {
        %mul3A_421 = arith.constant 80 : i32
        %mul3A_422 = arith.muli %scan3A_366, %mul3A_421 : i32
        %add3A_423 = arith.constant 0 : i32
        %add3A_424 = arith.addi %mul3A_422, %add3A_423 : i32
        %multiple_of3A_425 = tpu.assume_multiple %add3A_424, 16 : i32
        %get3A_426 = arith.index_cast %multiple_of3A_425 : i32 to index
        %get3A_427 = tpu.vector_load %arg7[%get3A_426] {strides = array<i32>} : memref<2000xi32, #tpu.memory_space<vmem>>, vector<16xi32>,
        %convert_element_type3A_428 = arith.extui %eq3A_375 : vector<16xi1> to vector<16xi32>
        %broadcast_in_dim3A_429 = arith.constant true
        %broadcast_in_dim3A_430 = vector.broadcast %broadcast_in_dim3A_429 : i1 to vector<16xi1>
        %masked_cumsum3A = tpu.scan <sum>, %convert_element_type3A_428 masked %broadcast_in_dim3A_430 : vector<16xi32>, vector<16xi1> -> vector<16xi32>
        %add3A_431 = arith.addi %scan3A_367, %masked_cumsum3A : vector<16xi32>
        %sub3A_432 = arith.constant 1 : i32
        %sub3A_433 = vector.broadcast %sub3A_432 : i32 to vector<16xi32>
        %sub3A_434 = arith.subi %add3A_431, %sub3A_433 : vector<16xi32>
        %jit3A_435 = arith.constant 0 : i32
        %broadcast_in_dim3A_436 = vector.broadcast %jit3A_435 : i32 to vector<16xi32>
        %select_n3A_437 = arith.select %eq3A_375, %sub3A_434, %broadcast_in_dim3A_436 : vector<16xi1>, vector<16xi32>
        tpu.vector_store_idx %arg11[%select_n3A_437], %get3A_427 masked %eq3A_375 : memref<20032xi32, #tpu.memory_space<vmem>>[vector<16xi32>], vector<16xi32>, vector<16xi1>
        %add3A_438 = arith.addi %scan3A_367, %all_reduce_population_count3A : vector<16xi32>
        %mul3A_439 = arith.constant 80 : i32
        %mul3A_440 = arith.muli %scan3A_366, %mul3A_439 : i32
        %add3A_441 = arith.constant 16 : i32
        %add3A_442 = arith.addi %mul3A_440, %add3A_441 : i32
        %multiple_of3A_443 = tpu.assume_multiple %add3A_442, 16 : i32
        %get3A_444 = arith.index_cast %multiple_of3A_443 : i32 to index
        %get3A_445 = tpu.vector_load %arg7[%get3A_444] {strides = array<i32>} : memref<2000xi32, #tpu.memory_space<vmem>>, vector<16xi32>,
        %convert_element_type3A_446 = arith.extui %eq3A_383 : vector<16xi1> to vector<16xi32>
        %broadcast_in_dim3A_447 = arith.constant true
        %broadcast_in_dim3A_448 = vector.broadcast %broadcast_in_dim3A_447 : i1 to vector<16xi1>
        %masked_cumsum3A_449 = tpu.scan <sum>, %convert_element_type3A_446 masked %broadcast_in_dim3A_448 : vector<16xi32>, vector<16xi1> -> vector<16xi32>
        %add3A_450 = arith.addi %add3A_438, %masked_cumsum3A_449 : vector<16xi32>
        %sub3A_451 = arith.constant 1 : i32
        %sub3A_452 = vector.broadcast %sub3A_451 : i32 to vector<16xi32>
        %sub3A_453 = arith.subi %add3A_450, %sub3A_452 : vector<16xi32>
        %jit3A_454 = arith.constant 0 : i32
        %broadcast_in_dim3A_455 = vector.broadcast %jit3A_454 : i32 to vector<16xi32>
        %select_n3A_456 = arith.select %eq3A_383, %sub3A_453, %broadcast_in_dim3A_455 : vector<16xi1>, vector<16xi32>
        tpu.vector_store_idx %arg11[%select_n3A_456], %get3A_445 masked %eq3A_383 : memref<20032xi32, #tpu.memory_space<vmem>>[vector<16xi32>], vector<16xi32>, vector<16xi1>
        %add3A_457 = arith.addi %add3A_438, %all_reduce_population_count3A_384 : vector<16xi32>
        %mul3A_458 = arith.constant 80 : i32
        %mul3A_459 = arith.muli %scan3A_366, %mul3A_458 : i32
        %add3A_460 = arith.constant 32 : i32
        %add3A_461 = arith.addi %mul3A_459, %add3A_460 : i32
        %multiple_of3A_462 = tpu.assume_multiple %add3A_461, 16 : i32
        %get3A_463 = arith.index_cast %multiple_of3A_462 : i32 to index
        %get3A_464 = tpu.vector_load %arg7[%get3A_463] {strides = array<i32>} : memref<2000xi32, #tpu.memory_space<vmem>>, vector<16xi32>,
        %convert_element_type3A_465 = arith.extui %eq3A_392 : vector<16xi1> to vector<16xi32>
        %broadcast_in_dim3A_466 = arith.constant true
        %broadcast_in_dim3A_467 = vector.broadcast %broadcast_in_dim3A_466 : i1 to vector<16xi1>
        %masked_cumsum3A_468 = tpu.scan <sum>, %convert_element_type3A_465 masked %broadcast_in_dim3A_467 : vector<16xi32>, vector<16xi1> -> vector<16xi32>
        %add3A_469 = arith.addi %add3A_457, %masked_cumsum3A_468 : vector<16xi32>
        %sub3A_470 = arith.constant 1 : i32
        %sub3A_471 = vector.broadcast %sub3A_470 : i32 to vector<16xi32>
        %sub3A_472 = arith.subi %add3A_469, %sub3A_471 : vector<16xi32>
        %jit3A_473 = arith.constant 0 : i32
        %broadcast_in_dim3A_474 = vector.broadcast %jit3A_473 : i32 to vector<16xi32>
        %select_n3A_475 = arith.select %eq3A_392, %sub3A_472, %broadcast_in_dim3A_474 : vector<16xi1>, vector<16xi32>
        tpu.vector_store_idx %arg11[%select_n3A_475], %get3A_464 masked %eq3A_392 : memref<20032xi32, #tpu.memory_space<vmem>>[vector<16xi32>], vector<16xi32>, vector<16xi1>
        %add3A_476 = arith.addi %add3A_457, %all_reduce_population_count3A_393 : vector<16xi32>
        %mul3A_477 = arith.constant 80 : i32
        %mul3A_478 = arith.muli %scan3A_366, %mul3A_477 : i32
        %add3A_479 = arith.constant 48 : i32
        %add3A_480 = arith.addi %mul3A_478, %add3A_479 : i32
        %multiple_of3A_481 = tpu.assume_multiple %add3A_480, 16 : i32
        %get3A_482 = arith.index_cast %multiple_of3A_481 : i32 to index
        %get3A_483 = tpu.vector_load %arg7[%get3A_482] {strides = array<i32>} : memref<2000xi32, #tpu.memory_space<vmem>>, vector<16xi32>,
        %convert_element_type3A_484 = arith.extui %eq3A_401 : vector<16xi1> to vector<16xi32>
        %broadcast_in_dim3A_485 = arith.constant true
        %broadcast_in_dim3A_486 = vector.broadcast %broadcast_in_dim3A_485 : i1 to vector<16xi1>
        %masked_cumsum3A_487 = tpu.scan <sum>, %convert_element_type3A_484 masked %broadcast_in_dim3A_486 : vector<16xi32>, vector<16xi1> -> vector<16xi32>
        %add3A_488 = arith.addi %add3A_476, %masked_cumsum3A_487 : vector<16xi32>
        %sub3A_489 = arith.constant 1 : i32
        %sub3A_490 = vector.broadcast %sub3A_489 : i32 to vector<16xi32>
        %sub3A_491 = arith.subi %add3A_488, %sub3A_490 : vector<16xi32>
        %jit3A_492 = arith.constant 0 : i32
        %broadcast_in_dim3A_493 = vector.broadcast %jit3A_492 : i32 to vector<16xi32>
        %select_n3A_494 = arith.select %eq3A_401, %sub3A_491, %broadcast_in_dim3A_493 : vector<16xi1>, vector<16xi32>
        tpu.vector_store_idx %arg11[%select_n3A_494], %get3A_483 masked %eq3A_401 : memref<20032xi32, #tpu.memory_space<vmem>>[vector<16xi32>], vector<16xi32>, vector<16xi1>
        %add3A_495 = arith.addi %add3A_476, %all_reduce_population_count3A_402 : vector<16xi32>
        %mul3A_496 = arith.constant 80 : i32
        %mul3A_497 = arith.muli %scan3A_366, %mul3A_496 : i32
        %add3A_498 = arith.constant 64 : i32
        %add3A_499 = arith.addi %mul3A_497, %add3A_498 : i32
        %multiple_of3A_500 = tpu.assume_multiple %add3A_499, 16 : i32
        %get3A_501 = arith.index_cast %multiple_of3A_500 : i32 to index
        %get3A_502 = tpu.vector_load %arg7[%get3A_501] {strides = array<i32>} : memref<2000xi32, #tpu.memory_space<vmem>>, vector<16xi32>,
        %convert_element_type3A_503 = arith.extui %eq3A_410 : vector<16xi1> to vector<16xi32>
        %broadcast_in_dim3A_504 = arith.constant true
        %broadcast_in_dim3A_505 = vector.broadcast %broadcast_in_dim3A_504 : i1 to vector<16xi1>
        %masked_cumsum3A_506 = tpu.scan <sum>, %convert_element_type3A_503 masked %broadcast_in_dim3A_505 : vector<16xi32>, vector<16xi1> -> vector<16xi32>
        %add3A_507 = arith.addi %add3A_495, %masked_cumsum3A_506 : vector<16xi32>
        %sub3A_508 = arith.constant 1 : i32
        %sub3A_509 = vector.broadcast %sub3A_508 : i32 to vector<16xi32>
        %sub3A_510 = arith.subi %add3A_507, %sub3A_509 : vector<16xi32>
        %jit3A_511 = arith.constant 0 : i32
        %broadcast_in_dim3A_512 = vector.broadcast %jit3A_511 : i32 to vector<16xi32>
        %select_n3A_513 = arith.select %eq3A_410, %sub3A_510, %broadcast_in_dim3A_512 : vector<16xi1>, vector<16xi32>
        tpu.vector_store_idx %arg11[%select_n3A_513], %get3A_502 masked %eq3A_410 : memref<20032xi32, #tpu.memory_space<vmem>>[vector<16xi32>], vector<16xi32>, vector<16xi1>
        %add3A_514 = arith.addi %add3A_495, %all_reduce_population_count3A_411 : vector<16xi32>
      } else {
      }
      %add3A_420 = arith.addi %scan3A_367, %add3A_415 : vector<16xi32>
      scf.yield %add3A_420 : vector<16xi32>
    }
    %scan3A_201 = arith.constant 25 : i32
    %add3A_202 = arith.constant 14000 : i32
    %add3A_203 = arith.addi %mul3A_5, %add3A_202 : i32
    %multiple_of3A_204 = tpu.assume_multiple %add3A_203, 16 : i32
    %dma_start3A_205 = tpu.memref_slice %arg2[%multiple_of3A_204] : memref<640000xi32, #tpu.memory_space<hbm>> -> memref<2000xi32, #tpu.memory_space<hbm>>
    %dma_start3A_206 = tpu.memref_slice %arg2[%multiple_of3A_204] : memref<640000xi32, #tpu.memory_space<hbm>> -> memref<2000xi32, #tpu.memory_space<hbm>>
    tpu.enqueue_dma source(%dma_start3A_206 : memref<2000xi32, #tpu.memory_space<hbm>>) target(%arg7 : memref<2000xi32, #tpu.memory_space<vmem>>) target_semaphore(%arg27 : memref<!tpu.dma_semaphore, #tpu.memory_space<semaphore_mem>>)
    %add3A_207 = arith.constant 320000 : i32
    %add3A_208 = arith.addi %add3A_207, %mul3A_5 : i32
    %add3A_209 = arith.constant 14000 : i32
    %add3A_210 = arith.addi %add3A_208, %add3A_209 : i32
    %multiple_of3A_211 = tpu.assume_multiple %add3A_210, 16 : i32
    %dma_start3A_212 = tpu.memref_slice %arg2[%multiple_of3A_211] : memref<640000xi32, #tpu.memory_space<hbm>> -> memref<2000xi32, #tpu.memory_space<hbm>>
    %dma_start3A_213 = tpu.memref_slice %arg2[%multiple_of3A_211] : memref<640000xi32, #tpu.memory_space<hbm>> -> memref<2000xi32, #tpu.memory_space<hbm>>
    tpu.enqueue_dma source(%dma_start3A_213 : memref<2000xi32, #tpu.memory_space<hbm>>) target(%arg9 : memref<2000xi32, #tpu.memory_space<vmem>>) target_semaphore(%arg29 : memref<!tpu.dma_semaphore, #tpu.memory_space<semaphore_mem>>)
    %add3A_214 = arith.constant 12000 : i32
    %add3A_215 = arith.addi %mul3A_5, %add3A_214 : i32
    %multiple_of3A_216 = tpu.assume_multiple %add3A_215, 16 : i32
    %dma_wait3A_217 = tpu.memref_slice %arg2[%multiple_of3A_216] : memref<640000xi32, #tpu.memory_space<hbm>> -> memref<2000xi32, #tpu.memory_space<hbm>>
    %dma_wait3A_218 = tpu.memref_slice %arg2[%multiple_of3A_216] : memref<640000xi32, #tpu.memory_space<hbm>> -> memref<2000xi32, #tpu.memory_space<hbm>>
    tpu.wait_dma2 semaphore(%arg26 : memref<!tpu.dma_semaphore, #tpu.memory_space<semaphore_mem>>) src(%dma_wait3A_218 : memref<2000xi32, #tpu.memory_space<hbm>>) dst(%arg6 : memref<2000xi32, #tpu.memory_space<vmem>>)
    %add3A_219 = arith.constant 320000 : i32
    %add3A_220 = arith.addi %add3A_219, %mul3A_5 : i32
    %add3A_221 = arith.constant 12000 : i32
    %add3A_222 = arith.addi %add3A_220, %add3A_221 : i32
    %multiple_of3A_223 = tpu.assume_multiple %add3A_222, 16 : i32
    %dma_wait3A_224 = tpu.memref_slice %arg2[%multiple_of3A_223] : memref<640000xi32, #tpu.memory_space<hbm>> -> memref<2000xi32, #tpu.memory_space<hbm>>
    %dma_wait3A_225 = tpu.memref_slice %arg2[%multiple_of3A_223] : memref<640000xi32, #tpu.memory_space<hbm>> -> memref<2000xi32, #tpu.memory_space<hbm>>
    tpu.wait_dma2 semaphore(%arg28 : memref<!tpu.dma_semaphore, #tpu.memory_space<semaphore_mem>>) src(%dma_wait3A_225 : memref<2000xi32, #tpu.memory_space<hbm>>) dst(%arg8 : memref<2000xi32, #tpu.memory_space<vmem>>)
    %scan3A_226 = arith.constant 0 : i32
    %scan3A_227 = arith.constant 25 : i32
    %scan3A_228 = arith.addi %scan3A_226, %scan3A_227 : i32
    %scan3A_229 = arith.constant 1 : i32
    %scan3A_230 = scf.for %scan3A_366 = %scan3A_226 to %scan3A_228 step %scan3A_229 iter_args(%scan3A_367 = %scan3A_200) -> (vector<16xi32>)  : i32 {
      %mul3A_368 = arith.constant 80 : i32
      %mul3A_369 = arith.muli %scan3A_366, %mul3A_368 : i32
      %add3A_370 = arith.constant 0 : i32
      %add3A_371 = arith.addi %mul3A_369, %add3A_370 : i32
      %multiple_of3A_372 = tpu.assume_multiple %add3A_371, 16 : i32
      %get3A_373 = arith.index_cast %multiple_of3A_372 : i32 to index
      %get3A_374 = tpu.vector_load %arg8[%get3A_373] {strides = array<i32>} : memref<2000xi32, #tpu.memory_space<vmem>>, vector<16xi32>,
      tpu.vector_store_idx %arg10[%get3A_374], %broadcast_in_dim3A_2 {add = true} : memref<10240xf32, #tpu.memory_space<vmem>>[vector<16xi32>], vector<16xf32>,
      %eq3A_375 = arith.cmpi eq, %get3A_374, %get3A_6 : vector<16xi32>
      %all_reduce_population_count3A = tpu.all_reduce %eq3A_375 {dim = 0 : i64, kind = #tpu.reduction_kind<sum>} : vector<16xi1> -> vector<16xi32>
      %mul3A_376 = arith.constant 80 : i32
      %mul3A_377 = arith.muli %scan3A_366, %mul3A_376 : i32
      %add3A_378 = arith.constant 16 : i32
      %add3A_379 = arith.addi %mul3A_377, %add3A_378 : i32
      %multiple_of3A_380 = tpu.assume_multiple %add3A_379, 16 : i32
      %get3A_381 = arith.index_cast %multiple_of3A_380 : i32 to index
      %get3A_382 = tpu.vector_load %arg8[%get3A_381] {strides = array<i32>} : memref<2000xi32, #tpu.memory_space<vmem>>, vector<16xi32>,
      tpu.vector_store_idx %arg10[%get3A_382], %broadcast_in_dim3A_2 {add = true} : memref<10240xf32, #tpu.memory_space<vmem>>[vector<16xi32>], vector<16xf32>,
      %eq3A_383 = arith.cmpi eq, %get3A_382, %get3A_6 : vector<16xi32>
      %all_reduce_population_count3A_384 = tpu.all_reduce %eq3A_383 {dim = 0 : i64, kind = #tpu.reduction_kind<sum>} : vector<16xi1> -> vector<16xi32>
      %mul3A_385 = arith.constant 80 : i32
      %mul3A_386 = arith.muli %scan3A_366, %mul3A_385 : i32
      %add3A_387 = arith.constant 32 : i32
      %add3A_388 = arith.addi %mul3A_386, %add3A_387 : i32
      %multiple_of3A_389 = tpu.assume_multiple %add3A_388, 16 : i32
      %get3A_390 = arith.index_cast %multiple_of3A_389 : i32 to index
      %get3A_391 = tpu.vector_load %arg8[%get3A_390] {strides = array<i32>} : memref<2000xi32, #tpu.memory_space<vmem>>, vector<16xi32>,
      tpu.vector_store_idx %arg10[%get3A_391], %broadcast_in_dim3A_2 {add = true} : memref<10240xf32, #tpu.memory_space<vmem>>[vector<16xi32>], vector<16xf32>,
      %eq3A_392 = arith.cmpi eq, %get3A_391, %get3A_6 : vector<16xi32>
      %all_reduce_population_count3A_393 = tpu.all_reduce %eq3A_392 {dim = 0 : i64, kind = #tpu.reduction_kind<sum>} : vector<16xi1> -> vector<16xi32>
      %mul3A_394 = arith.constant 80 : i32
      %mul3A_395 = arith.muli %scan3A_366, %mul3A_394 : i32
      %add3A_396 = arith.constant 48 : i32
      %add3A_397 = arith.addi %mul3A_395, %add3A_396 : i32
      %multiple_of3A_398 = tpu.assume_multiple %add3A_397, 16 : i32
      %get3A_399 = arith.index_cast %multiple_of3A_398 : i32 to index
      %get3A_400 = tpu.vector_load %arg8[%get3A_399] {strides = array<i32>} : memref<2000xi32, #tpu.memory_space<vmem>>, vector<16xi32>,
      tpu.vector_store_idx %arg10[%get3A_400], %broadcast_in_dim3A_2 {add = true} : memref<10240xf32, #tpu.memory_space<vmem>>[vector<16xi32>], vector<16xf32>,
      %eq3A_401 = arith.cmpi eq, %get3A_400, %get3A_6 : vector<16xi32>
      %all_reduce_population_count3A_402 = tpu.all_reduce %eq3A_401 {dim = 0 : i64, kind = #tpu.reduction_kind<sum>} : vector<16xi1> -> vector<16xi32>
      %mul3A_403 = arith.constant 80 : i32
      %mul3A_404 = arith.muli %scan3A_366, %mul3A_403 : i32
      %add3A_405 = arith.constant 64 : i32
      %add3A_406 = arith.addi %mul3A_404, %add3A_405 : i32
      %multiple_of3A_407 = tpu.assume_multiple %add3A_406, 16 : i32
      %get3A_408 = arith.index_cast %multiple_of3A_407 : i32 to index
      %get3A_409 = tpu.vector_load %arg8[%get3A_408] {strides = array<i32>} : memref<2000xi32, #tpu.memory_space<vmem>>, vector<16xi32>,
      tpu.vector_store_idx %arg10[%get3A_409], %broadcast_in_dim3A_2 {add = true} : memref<10240xf32, #tpu.memory_space<vmem>>[vector<16xi32>], vector<16xf32>,
      %eq3A_410 = arith.cmpi eq, %get3A_409, %get3A_6 : vector<16xi32>
      %all_reduce_population_count3A_411 = tpu.all_reduce %eq3A_410 {dim = 0 : i64, kind = #tpu.reduction_kind<sum>} : vector<16xi1> -> vector<16xi32>
      %add3A_412 = arith.addi %all_reduce_population_count3A, %all_reduce_population_count3A_384 : vector<16xi32>
      %add3A_413 = arith.addi %add3A_412, %all_reduce_population_count3A_393 : vector<16xi32>
      %add3A_414 = arith.addi %add3A_413, %all_reduce_population_count3A_402 : vector<16xi32>
      %add3A_415 = arith.addi %add3A_414, %all_reduce_population_count3A_411 : vector<16xi32>
      %slice3A = vector.extract_strided_slice %add3A_415 {offsets = [0], sizes = [1], strides = [1]} : vector<16xi32> to vector<1xi32>
      %squeeze3A = vector.extract %slice3A[0] : i32 from vector<1xi32>
      %gt3A = arith.constant 0 : i32
      %gt3A_416 = arith.cmpi sgt, %squeeze3A, %gt3A : i32
      %convert_element_type3A_417 = arith.extui %gt3A_416 : i1 to i32
      %cond3A_418 = arith.constant 0 : i32
      %cond3A_419 = arith.cmpi ne, %convert_element_type3A_417, %cond3A_418 : i32
      scf.if %cond3A_419 {
        %mul3A_421 = arith.constant 80 : i32
        %mul3A_422 = arith.muli %scan3A_366, %mul3A_421 : i32
        %add3A_423 = arith.constant 0 : i32
        %add3A_424 = arith.addi %mul3A_422, %add3A_423 : i32
        %multiple_of3A_425 = tpu.assume_multiple %add3A_424, 16 : i32
        %get3A_426 = arith.index_cast %multiple_of3A_425 : i32 to index
        %get3A_427 = tpu.vector_load %arg6[%get3A_426] {strides = array<i32>} : memref<2000xi32, #tpu.memory_space<vmem>>, vector<16xi32>,
        %convert_element_type3A_428 = arith.extui %eq3A_375 : vector<16xi1> to vector<16xi32>
        %broadcast_in_dim3A_429 = arith.constant true
        %broadcast_in_dim3A_430 = vector.broadcast %broadcast_in_dim3A_429 : i1 to vector<16xi1>
        %masked_cumsum3A = tpu.scan <sum>, %convert_element_type3A_428 masked %broadcast_in_dim3A_430 : vector<16xi32>, vector<16xi1> -> vector<16xi32>
        %add3A_431 = arith.addi %scan3A_367, %masked_cumsum3A : vector<16xi32>
        %sub3A_432 = arith.constant 1 : i32
        %sub3A_433 = vector.broadcast %sub3A_432 : i32 to vector<16xi32>
        %sub3A_434 = arith.subi %add3A_431, %sub3A_433 : vector<16xi32>
        %jit3A_435 = arith.constant 0 : i32
        %broadcast_in_dim3A_436 = vector.broadcast %jit3A_435 : i32 to vector<16xi32>
        %select_n3A_437 = arith.select %eq3A_375, %sub3A_434, %broadcast_in_dim3A_436 : vector<16xi1>, vector<16xi32>
        tpu.vector_store_idx %arg11[%select_n3A_437], %get3A_427 masked %eq3A_375 : memref<20032xi32, #tpu.memory_space<vmem>>[vector<16xi32>], vector<16xi32>, vector<16xi1>
        %add3A_438 = arith.addi %scan3A_367, %all_reduce_population_count3A : vector<16xi32>
        %mul3A_439 = arith.constant 80 : i32
        %mul3A_440 = arith.muli %scan3A_366, %mul3A_439 : i32
        %add3A_441 = arith.constant 16 : i32
        %add3A_442 = arith.addi %mul3A_440, %add3A_441 : i32
        %multiple_of3A_443 = tpu.assume_multiple %add3A_442, 16 : i32
        %get3A_444 = arith.index_cast %multiple_of3A_443 : i32 to index
        %get3A_445 = tpu.vector_load %arg6[%get3A_444] {strides = array<i32>} : memref<2000xi32, #tpu.memory_space<vmem>>, vector<16xi32>,
        %convert_element_type3A_446 = arith.extui %eq3A_383 : vector<16xi1> to vector<16xi32>
        %broadcast_in_dim3A_447 = arith.constant true
        %broadcast_in_dim3A_448 = vector.broadcast %broadcast_in_dim3A_447 : i1 to vector<16xi1>
        %masked_cumsum3A_449 = tpu.scan <sum>, %convert_element_type3A_446 masked %broadcast_in_dim3A_448 : vector<16xi32>, vector<16xi1> -> vector<16xi32>
        %add3A_450 = arith.addi %add3A_438, %masked_cumsum3A_449 : vector<16xi32>
        %sub3A_451 = arith.constant 1 : i32
        %sub3A_452 = vector.broadcast %sub3A_451 : i32 to vector<16xi32>
        %sub3A_453 = arith.subi %add3A_450, %sub3A_452 : vector<16xi32>
        %jit3A_454 = arith.constant 0 : i32
        %broadcast_in_dim3A_455 = vector.broadcast %jit3A_454 : i32 to vector<16xi32>
        %select_n3A_456 = arith.select %eq3A_383, %sub3A_453, %broadcast_in_dim3A_455 : vector<16xi1>, vector<16xi32>
        tpu.vector_store_idx %arg11[%select_n3A_456], %get3A_445 masked %eq3A_383 : memref<20032xi32, #tpu.memory_space<vmem>>[vector<16xi32>], vector<16xi32>, vector<16xi1>
        %add3A_457 = arith.addi %add3A_438, %all_reduce_population_count3A_384 : vector<16xi32>
        %mul3A_458 = arith.constant 80 : i32
        %mul3A_459 = arith.muli %scan3A_366, %mul3A_458 : i32
        %add3A_460 = arith.constant 32 : i32
        %add3A_461 = arith.addi %mul3A_459, %add3A_460 : i32
        %multiple_of3A_462 = tpu.assume_multiple %add3A_461, 16 : i32
        %get3A_463 = arith.index_cast %multiple_of3A_462 : i32 to index
        %get3A_464 = tpu.vector_load %arg6[%get3A_463] {strides = array<i32>} : memref<2000xi32, #tpu.memory_space<vmem>>, vector<16xi32>,
        %convert_element_type3A_465 = arith.extui %eq3A_392 : vector<16xi1> to vector<16xi32>
        %broadcast_in_dim3A_466 = arith.constant true
        %broadcast_in_dim3A_467 = vector.broadcast %broadcast_in_dim3A_466 : i1 to vector<16xi1>
        %masked_cumsum3A_468 = tpu.scan <sum>, %convert_element_type3A_465 masked %broadcast_in_dim3A_467 : vector<16xi32>, vector<16xi1> -> vector<16xi32>
        %add3A_469 = arith.addi %add3A_457, %masked_cumsum3A_468 : vector<16xi32>
        %sub3A_470 = arith.constant 1 : i32
        %sub3A_471 = vector.broadcast %sub3A_470 : i32 to vector<16xi32>
        %sub3A_472 = arith.subi %add3A_469, %sub3A_471 : vector<16xi32>
        %jit3A_473 = arith.constant 0 : i32
        %broadcast_in_dim3A_474 = vector.broadcast %jit3A_473 : i32 to vector<16xi32>
        %select_n3A_475 = arith.select %eq3A_392, %sub3A_472, %broadcast_in_dim3A_474 : vector<16xi1>, vector<16xi32>
        tpu.vector_store_idx %arg11[%select_n3A_475], %get3A_464 masked %eq3A_392 : memref<20032xi32, #tpu.memory_space<vmem>>[vector<16xi32>], vector<16xi32>, vector<16xi1>
        %add3A_476 = arith.addi %add3A_457, %all_reduce_population_count3A_393 : vector<16xi32>
        %mul3A_477 = arith.constant 80 : i32
        %mul3A_478 = arith.muli %scan3A_366, %mul3A_477 : i32
        %add3A_479 = arith.constant 48 : i32
        %add3A_480 = arith.addi %mul3A_478, %add3A_479 : i32
        %multiple_of3A_481 = tpu.assume_multiple %add3A_480, 16 : i32
        %get3A_482 = arith.index_cast %multiple_of3A_481 : i32 to index
        %get3A_483 = tpu.vector_load %arg6[%get3A_482] {strides = array<i32>} : memref<2000xi32, #tpu.memory_space<vmem>>, vector<16xi32>,
        %convert_element_type3A_484 = arith.extui %eq3A_401 : vector<16xi1> to vector<16xi32>
        %broadcast_in_dim3A_485 = arith.constant true
        %broadcast_in_dim3A_486 = vector.broadcast %broadcast_in_dim3A_485 : i1 to vector<16xi1>
        %masked_cumsum3A_487 = tpu.scan <sum>, %convert_element_type3A_484 masked %broadcast_in_dim3A_486 : vector<16xi32>, vector<16xi1> -> vector<16xi32>
        %add3A_488 = arith.addi %add3A_476, %masked_cumsum3A_487 : vector<16xi32>
        %sub3A_489 = arith.constant 1 : i32
        %sub3A_490 = vector.broadcast %sub3A_489 : i32 to vector<16xi32>
        %sub3A_491 = arith.subi %add3A_488, %sub3A_490 : vector<16xi32>
        %jit3A_492 = arith.constant 0 : i32
        %broadcast_in_dim3A_493 = vector.broadcast %jit3A_492 : i32 to vector<16xi32>
        %select_n3A_494 = arith.select %eq3A_401, %sub3A_491, %broadcast_in_dim3A_493 : vector<16xi1>, vector<16xi32>
        tpu.vector_store_idx %arg11[%select_n3A_494], %get3A_483 masked %eq3A_401 : memref<20032xi32, #tpu.memory_space<vmem>>[vector<16xi32>], vector<16xi32>, vector<16xi1>
        %add3A_495 = arith.addi %add3A_476, %all_reduce_population_count3A_402 : vector<16xi32>
        %mul3A_496 = arith.constant 80 : i32
        %mul3A_497 = arith.muli %scan3A_366, %mul3A_496 : i32
        %add3A_498 = arith.constant 64 : i32
        %add3A_499 = arith.addi %mul3A_497, %add3A_498 : i32
        %multiple_of3A_500 = tpu.assume_multiple %add3A_499, 16 : i32
        %get3A_501 = arith.index_cast %multiple_of3A_500 : i32 to index
        %get3A_502 = tpu.vector_load %arg6[%get3A_501] {strides = array<i32>} : memref<2000xi32, #tpu.memory_space<vmem>>, vector<16xi32>,
        %convert_element_type3A_503 = arith.extui %eq3A_410 : vector<16xi1> to vector<16xi32>
        %broadcast_in_dim3A_504 = arith.constant true
        %broadcast_in_dim3A_505 = vector.broadcast %broadcast_in_dim3A_504 : i1 to vector<16xi1>
        %masked_cumsum3A_506 = tpu.scan <sum>, %convert_element_type3A_503 masked %broadcast_in_dim3A_505 : vector<16xi32>, vector<16xi1> -> vector<16xi32>
        %add3A_507 = arith.addi %add3A_495, %masked_cumsum3A_506 : vector<16xi32>
        %sub3A_508 = arith.constant 1 : i32
        %sub3A_509 = vector.broadcast %sub3A_508 : i32 to vector<16xi32>
        %sub3A_510 = arith.subi %add3A_507, %sub3A_509 : vector<16xi32>
        %jit3A_511 = arith.constant 0 : i32
        %broadcast_in_dim3A_512 = vector.broadcast %jit3A_511 : i32 to vector<16xi32>
        %select_n3A_513 = arith.select %eq3A_410, %sub3A_510, %broadcast_in_dim3A_512 : vector<16xi1>, vector<16xi32>
        tpu.vector_store_idx %arg11[%select_n3A_513], %get3A_502 masked %eq3A_410 : memref<20032xi32, #tpu.memory_space<vmem>>[vector<16xi32>], vector<16xi32>, vector<16xi1>
        %add3A_514 = arith.addi %add3A_495, %all_reduce_population_count3A_411 : vector<16xi32>
      } else {
      }
      %add3A_420 = arith.addi %scan3A_367, %add3A_415 : vector<16xi32>
      scf.yield %add3A_420 : vector<16xi32>
    }
    %scan3A_231 = arith.constant 25 : i32
    %add3A_232 = arith.constant 16000 : i32
    %add3A_233 = arith.addi %mul3A_5, %add3A_232 : i32
    %multiple_of3A_234 = tpu.assume_multiple %add3A_233, 16 : i32
    %dma_start3A_235 = tpu.memref_slice %arg2[%multiple_of3A_234] : memref<640000xi32, #tpu.memory_space<hbm>> -> memref<2000xi32, #tpu.memory_space<hbm>>
    %dma_start3A_236 = tpu.memref_slice %arg2[%multiple_of3A_234] : memref<640000xi32, #tpu.memory_space<hbm>> -> memref<2000xi32, #tpu.memory_space<hbm>>
    tpu.enqueue_dma source(%dma_start3A_236 : memref<2000xi32, #tpu.memory_space<hbm>>) target(%arg6 : memref<2000xi32, #tpu.memory_space<vmem>>) target_semaphore(%arg26 : memref<!tpu.dma_semaphore, #tpu.memory_space<semaphore_mem>>)
    %add3A_237 = arith.constant 320000 : i32
    %add3A_238 = arith.addi %add3A_237, %mul3A_5 : i32
    %add3A_239 = arith.constant 16000 : i32
    %add3A_240 = arith.addi %add3A_238, %add3A_239 : i32
    %multiple_of3A_241 = tpu.assume_multiple %add3A_240, 16 : i32
    %dma_start3A_242 = tpu.memref_slice %arg2[%multiple_of3A_241] : memref<640000xi32, #tpu.memory_space<hbm>> -> memref<2000xi32, #tpu.memory_space<hbm>>
    %dma_start3A_243 = tpu.memref_slice %arg2[%multiple_of3A_241] : memref<640000xi32, #tpu.memory_space<hbm>> -> memref<2000xi32, #tpu.memory_space<hbm>>
    tpu.enqueue_dma source(%dma_start3A_243 : memref<2000xi32, #tpu.memory_space<hbm>>) target(%arg8 : memref<2000xi32, #tpu.memory_space<vmem>>) target_semaphore(%arg28 : memref<!tpu.dma_semaphore, #tpu.memory_space<semaphore_mem>>)
    %add3A_244 = arith.constant 14000 : i32
    %add3A_245 = arith.addi %mul3A_5, %add3A_244 : i32
    %multiple_of3A_246 = tpu.assume_multiple %add3A_245, 16 : i32
    %dma_wait3A_247 = tpu.memref_slice %arg2[%multiple_of3A_246] : memref<640000xi32, #tpu.memory_space<hbm>> -> memref<2000xi32, #tpu.memory_space<hbm>>
    %dma_wait3A_248 = tpu.memref_slice %arg2[%multiple_of3A_246] : memref<640000xi32, #tpu.memory_space<hbm>> -> memref<2000xi32, #tpu.memory_space<hbm>>
    tpu.wait_dma2 semaphore(%arg27 : memref<!tpu.dma_semaphore, #tpu.memory_space<semaphore_mem>>) src(%dma_wait3A_248 : memref<2000xi32, #tpu.memory_space<hbm>>) dst(%arg7 : memref<2000xi32, #tpu.memory_space<vmem>>)
    %add3A_249 = arith.constant 320000 : i32
    %add3A_250 = arith.addi %add3A_249, %mul3A_5 : i32
    %add3A_251 = arith.constant 14000 : i32
    %add3A_252 = arith.addi %add3A_250, %add3A_251 : i32
    %multiple_of3A_253 = tpu.assume_multiple %add3A_252, 16 : i32
    %dma_wait3A_254 = tpu.memref_slice %arg2[%multiple_of3A_253] : memref<640000xi32, #tpu.memory_space<hbm>> -> memref<2000xi32, #tpu.memory_space<hbm>>
    %dma_wait3A_255 = tpu.memref_slice %arg2[%multiple_of3A_253] : memref<640000xi32, #tpu.memory_space<hbm>> -> memref<2000xi32, #tpu.memory_space<hbm>>
    tpu.wait_dma2 semaphore(%arg29 : memref<!tpu.dma_semaphore, #tpu.memory_space<semaphore_mem>>) src(%dma_wait3A_255 : memref<2000xi32, #tpu.memory_space<hbm>>) dst(%arg9 : memref<2000xi32, #tpu.memory_space<vmem>>)
    %scan3A_256 = arith.constant 0 : i32
    %scan3A_257 = arith.constant 25 : i32
    %scan3A_258 = arith.addi %scan3A_256, %scan3A_257 : i32
    %scan3A_259 = arith.constant 1 : i32
    %scan3A_260 = scf.for %scan3A_366 = %scan3A_256 to %scan3A_258 step %scan3A_259 iter_args(%scan3A_367 = %scan3A_230) -> (vector<16xi32>)  : i32 {
      %mul3A_368 = arith.constant 80 : i32
      %mul3A_369 = arith.muli %scan3A_366, %mul3A_368 : i32
      %add3A_370 = arith.constant 0 : i32
      %add3A_371 = arith.addi %mul3A_369, %add3A_370 : i32
      %multiple_of3A_372 = tpu.assume_multiple %add3A_371, 16 : i32
      %get3A_373 = arith.index_cast %multiple_of3A_372 : i32 to index
      %get3A_374 = tpu.vector_load %arg9[%get3A_373] {strides = array<i32>} : memref<2000xi32, #tpu.memory_space<vmem>>, vector<16xi32>,
      tpu.vector_store_idx %arg10[%get3A_374], %broadcast_in_dim3A_2 {add = true} : memref<10240xf32, #tpu.memory_space<vmem>>[vector<16xi32>], vector<16xf32>,
      %eq3A_375 = arith.cmpi eq, %get3A_374, %get3A_6 : vector<16xi32>
      %all_reduce_population_count3A = tpu.all_reduce %eq3A_375 {dim = 0 : i64, kind = #tpu.reduction_kind<sum>} : vector<16xi1> -> vector<16xi32>
      %mul3A_376 = arith.constant 80 : i32
      %mul3A_377 = arith.muli %scan3A_366, %mul3A_376 : i32
      %add3A_378 = arith.constant 16 : i32
      %add3A_379 = arith.addi %mul3A_377, %add3A_378 : i32
      %multiple_of3A_380 = tpu.assume_multiple %add3A_379, 16 : i32
      %get3A_381 = arith.index_cast %multiple_of3A_380 : i32 to index
      %get3A_382 = tpu.vector_load %arg9[%get3A_381] {strides = array<i32>} : memref<2000xi32, #tpu.memory_space<vmem>>, vector<16xi32>,
      tpu.vector_store_idx %arg10[%get3A_382], %broadcast_in_dim3A_2 {add = true} : memref<10240xf32, #tpu.memory_space<vmem>>[vector<16xi32>], vector<16xf32>,
      %eq3A_383 = arith.cmpi eq, %get3A_382, %get3A_6 : vector<16xi32>
      %all_reduce_population_count3A_384 = tpu.all_reduce %eq3A_383 {dim = 0 : i64, kind = #tpu.reduction_kind<sum>} : vector<16xi1> -> vector<16xi32>
      %mul3A_385 = arith.constant 80 : i32
      %mul3A_386 = arith.muli %scan3A_366, %mul3A_385 : i32
      %add3A_387 = arith.constant 32 : i32
      %add3A_388 = arith.addi %mul3A_386, %add3A_387 : i32
      %multiple_of3A_389 = tpu.assume_multiple %add3A_388, 16 : i32
      %get3A_390 = arith.index_cast %multiple_of3A_389 : i32 to index
      %get3A_391 = tpu.vector_load %arg9[%get3A_390] {strides = array<i32>} : memref<2000xi32, #tpu.memory_space<vmem>>, vector<16xi32>,
      tpu.vector_store_idx %arg10[%get3A_391], %broadcast_in_dim3A_2 {add = true} : memref<10240xf32, #tpu.memory_space<vmem>>[vector<16xi32>], vector<16xf32>,
      %eq3A_392 = arith.cmpi eq, %get3A_391, %get3A_6 : vector<16xi32>
      %all_reduce_population_count3A_393 = tpu.all_reduce %eq3A_392 {dim = 0 : i64, kind = #tpu.reduction_kind<sum>} : vector<16xi1> -> vector<16xi32>
      %mul3A_394 = arith.constant 80 : i32
      %mul3A_395 = arith.muli %scan3A_366, %mul3A_394 : i32
      %add3A_396 = arith.constant 48 : i32
      %add3A_397 = arith.addi %mul3A_395, %add3A_396 : i32
      %multiple_of3A_398 = tpu.assume_multiple %add3A_397, 16 : i32
      %get3A_399 = arith.index_cast %multiple_of3A_398 : i32 to index
      %get3A_400 = tpu.vector_load %arg9[%get3A_399] {strides = array<i32>} : memref<2000xi32, #tpu.memory_space<vmem>>, vector<16xi32>,
      tpu.vector_store_idx %arg10[%get3A_400], %broadcast_in_dim3A_2 {add = true} : memref<10240xf32, #tpu.memory_space<vmem>>[vector<16xi32>], vector<16xf32>,
      %eq3A_401 = arith.cmpi eq, %get3A_400, %get3A_6 : vector<16xi32>
      %all_reduce_population_count3A_402 = tpu.all_reduce %eq3A_401 {dim = 0 : i64, kind = #tpu.reduction_kind<sum>} : vector<16xi1> -> vector<16xi32>
      %mul3A_403 = arith.constant 80 : i32
      %mul3A_404 = arith.muli %scan3A_366, %mul3A_403 : i32
      %add3A_405 = arith.constant 64 : i32
      %add3A_406 = arith.addi %mul3A_404, %add3A_405 : i32
      %multiple_of3A_407 = tpu.assume_multiple %add3A_406, 16 : i32
      %get3A_408 = arith.index_cast %multiple_of3A_407 : i32 to index
      %get3A_409 = tpu.vector_load %arg9[%get3A_408] {strides = array<i32>} : memref<2000xi32, #tpu.memory_space<vmem>>, vector<16xi32>,
      tpu.vector_store_idx %arg10[%get3A_409], %broadcast_in_dim3A_2 {add = true} : memref<10240xf32, #tpu.memory_space<vmem>>[vector<16xi32>], vector<16xf32>,
      %eq3A_410 = arith.cmpi eq, %get3A_409, %get3A_6 : vector<16xi32>
      %all_reduce_population_count3A_411 = tpu.all_reduce %eq3A_410 {dim = 0 : i64, kind = #tpu.reduction_kind<sum>} : vector<16xi1> -> vector<16xi32>
      %add3A_412 = arith.addi %all_reduce_population_count3A, %all_reduce_population_count3A_384 : vector<16xi32>
      %add3A_413 = arith.addi %add3A_412, %all_reduce_population_count3A_393 : vector<16xi32>
      %add3A_414 = arith.addi %add3A_413, %all_reduce_population_count3A_402 : vector<16xi32>
      %add3A_415 = arith.addi %add3A_414, %all_reduce_population_count3A_411 : vector<16xi32>
      %slice3A = vector.extract_strided_slice %add3A_415 {offsets = [0], sizes = [1], strides = [1]} : vector<16xi32> to vector<1xi32>
      %squeeze3A = vector.extract %slice3A[0] : i32 from vector<1xi32>
      %gt3A = arith.constant 0 : i32
      %gt3A_416 = arith.cmpi sgt, %squeeze3A, %gt3A : i32
      %convert_element_type3A_417 = arith.extui %gt3A_416 : i1 to i32
      %cond3A_418 = arith.constant 0 : i32
      %cond3A_419 = arith.cmpi ne, %convert_element_type3A_417, %cond3A_418 : i32
      scf.if %cond3A_419 {
        %mul3A_421 = arith.constant 80 : i32
        %mul3A_422 = arith.muli %scan3A_366, %mul3A_421 : i32
        %add3A_423 = arith.constant 0 : i32
        %add3A_424 = arith.addi %mul3A_422, %add3A_423 : i32
        %multiple_of3A_425 = tpu.assume_multiple %add3A_424, 16 : i32
        %get3A_426 = arith.index_cast %multiple_of3A_425 : i32 to index
        %get3A_427 = tpu.vector_load %arg7[%get3A_426] {strides = array<i32>} : memref<2000xi32, #tpu.memory_space<vmem>>, vector<16xi32>,
        %convert_element_type3A_428 = arith.extui %eq3A_375 : vector<16xi1> to vector<16xi32>
        %broadcast_in_dim3A_429 = arith.constant true
        %broadcast_in_dim3A_430 = vector.broadcast %broadcast_in_dim3A_429 : i1 to vector<16xi1>
        %masked_cumsum3A = tpu.scan <sum>, %convert_element_type3A_428 masked %broadcast_in_dim3A_430 : vector<16xi32>, vector<16xi1> -> vector<16xi32>
        %add3A_431 = arith.addi %scan3A_367, %masked_cumsum3A : vector<16xi32>
        %sub3A_432 = arith.constant 1 : i32
        %sub3A_433 = vector.broadcast %sub3A_432 : i32 to vector<16xi32>
        %sub3A_434 = arith.subi %add3A_431, %sub3A_433 : vector<16xi32>
        %jit3A_435 = arith.constant 0 : i32
        %broadcast_in_dim3A_436 = vector.broadcast %jit3A_435 : i32 to vector<16xi32>
        %select_n3A_437 = arith.select %eq3A_375, %sub3A_434, %broadcast_in_dim3A_436 : vector<16xi1>, vector<16xi32>
        tpu.vector_store_idx %arg11[%select_n3A_437], %get3A_427 masked %eq3A_375 : memref<20032xi32, #tpu.memory_space<vmem>>[vector<16xi32>], vector<16xi32>, vector<16xi1>
        %add3A_438 = arith.addi %scan3A_367, %all_reduce_population_count3A : vector<16xi32>
        %mul3A_439 = arith.constant 80 : i32
        %mul3A_440 = arith.muli %scan3A_366, %mul3A_439 : i32
        %add3A_441 = arith.constant 16 : i32
        %add3A_442 = arith.addi %mul3A_440, %add3A_441 : i32
        %multiple_of3A_443 = tpu.assume_multiple %add3A_442, 16 : i32
        %get3A_444 = arith.index_cast %multiple_of3A_443 : i32 to index
        %get3A_445 = tpu.vector_load %arg7[%get3A_444] {strides = array<i32>} : memref<2000xi32, #tpu.memory_space<vmem>>, vector<16xi32>,
        %convert_element_type3A_446 = arith.extui %eq3A_383 : vector<16xi1> to vector<16xi32>
        %broadcast_in_dim3A_447 = arith.constant true
        %broadcast_in_dim3A_448 = vector.broadcast %broadcast_in_dim3A_447 : i1 to vector<16xi1>
        %masked_cumsum3A_449 = tpu.scan <sum>, %convert_element_type3A_446 masked %broadcast_in_dim3A_448 : vector<16xi32>, vector<16xi1> -> vector<16xi32>
        %add3A_450 = arith.addi %add3A_438, %masked_cumsum3A_449 : vector<16xi32>
        %sub3A_451 = arith.constant 1 : i32
        %sub3A_452 = vector.broadcast %sub3A_451 : i32 to vector<16xi32>
        %sub3A_453 = arith.subi %add3A_450, %sub3A_452 : vector<16xi32>
        %jit3A_454 = arith.constant 0 : i32
        %broadcast_in_dim3A_455 = vector.broadcast %jit3A_454 : i32 to vector<16xi32>
        %select_n3A_456 = arith.select %eq3A_383, %sub3A_453, %broadcast_in_dim3A_455 : vector<16xi1>, vector<16xi32>
        tpu.vector_store_idx %arg11[%select_n3A_456], %get3A_445 masked %eq3A_383 : memref<20032xi32, #tpu.memory_space<vmem>>[vector<16xi32>], vector<16xi32>, vector<16xi1>
        %add3A_457 = arith.addi %add3A_438, %all_reduce_population_count3A_384 : vector<16xi32>
        %mul3A_458 = arith.constant 80 : i32
        %mul3A_459 = arith.muli %scan3A_366, %mul3A_458 : i32
        %add3A_460 = arith.constant 32 : i32
        %add3A_461 = arith.addi %mul3A_459, %add3A_460 : i32
        %multiple_of3A_462 = tpu.assume_multiple %add3A_461, 16 : i32
        %get3A_463 = arith.index_cast %multiple_of3A_462 : i32 to index
        %get3A_464 = tpu.vector_load %arg7[%get3A_463] {strides = array<i32>} : memref<2000xi32, #tpu.memory_space<vmem>>, vector<16xi32>,
        %convert_element_type3A_465 = arith.extui %eq3A_392 : vector<16xi1> to vector<16xi32>
        %broadcast_in_dim3A_466 = arith.constant true
        %broadcast_in_dim3A_467 = vector.broadcast %broadcast_in_dim3A_466 : i1 to vector<16xi1>
        %masked_cumsum3A_468 = tpu.scan <sum>, %convert_element_type3A_465 masked %broadcast_in_dim3A_467 : vector<16xi32>, vector<16xi1> -> vector<16xi32>
        %add3A_469 = arith.addi %add3A_457, %masked_cumsum3A_468 : vector<16xi32>
        %sub3A_470 = arith.constant 1 : i32
        %sub3A_471 = vector.broadcast %sub3A_470 : i32 to vector<16xi32>
        %sub3A_472 = arith.subi %add3A_469, %sub3A_471 : vector<16xi32>
        %jit3A_473 = arith.constant 0 : i32
        %broadcast_in_dim3A_474 = vector.broadcast %jit3A_473 : i32 to vector<16xi32>
        %select_n3A_475 = arith.select %eq3A_392, %sub3A_472, %broadcast_in_dim3A_474 : vector<16xi1>, vector<16xi32>
        tpu.vector_store_idx %arg11[%select_n3A_475], %get3A_464 masked %eq3A_392 : memref<20032xi32, #tpu.memory_space<vmem>>[vector<16xi32>], vector<16xi32>, vector<16xi1>
        %add3A_476 = arith.addi %add3A_457, %all_reduce_population_count3A_393 : vector<16xi32>
        %mul3A_477 = arith.constant 80 : i32
        %mul3A_478 = arith.muli %scan3A_366, %mul3A_477 : i32
        %add3A_479 = arith.constant 48 : i32
        %add3A_480 = arith.addi %mul3A_478, %add3A_479 : i32
        %multiple_of3A_481 = tpu.assume_multiple %add3A_480, 16 : i32
        %get3A_482 = arith.index_cast %multiple_of3A_481 : i32 to index
        %get3A_483 = tpu.vector_load %arg7[%get3A_482] {strides = array<i32>} : memref<2000xi32, #tpu.memory_space<vmem>>, vector<16xi32>,
        %convert_element_type3A_484 = arith.extui %eq3A_401 : vector<16xi1> to vector<16xi32>
        %broadcast_in_dim3A_485 = arith.constant true
        %broadcast_in_dim3A_486 = vector.broadcast %broadcast_in_dim3A_485 : i1 to vector<16xi1>
        %masked_cumsum3A_487 = tpu.scan <sum>, %convert_element_type3A_484 masked %broadcast_in_dim3A_486 : vector<16xi32>, vector<16xi1> -> vector<16xi32>
        %add3A_488 = arith.addi %add3A_476, %masked_cumsum3A_487 : vector<16xi32>
        %sub3A_489 = arith.constant 1 : i32
        %sub3A_490 = vector.broadcast %sub3A_489 : i32 to vector<16xi32>
        %sub3A_491 = arith.subi %add3A_488, %sub3A_490 : vector<16xi32>
        %jit3A_492 = arith.constant 0 : i32
        %broadcast_in_dim3A_493 = vector.broadcast %jit3A_492 : i32 to vector<16xi32>
        %select_n3A_494 = arith.select %eq3A_401, %sub3A_491, %broadcast_in_dim3A_493 : vector<16xi1>, vector<16xi32>
        tpu.vector_store_idx %arg11[%select_n3A_494], %get3A_483 masked %eq3A_401 : memref<20032xi32, #tpu.memory_space<vmem>>[vector<16xi32>], vector<16xi32>, vector<16xi1>
        %add3A_495 = arith.addi %add3A_476, %all_reduce_population_count3A_402 : vector<16xi32>
        %mul3A_496 = arith.constant 80 : i32
        %mul3A_497 = arith.muli %scan3A_366, %mul3A_496 : i32
        %add3A_498 = arith.constant 64 : i32
        %add3A_499 = arith.addi %mul3A_497, %add3A_498 : i32
        %multiple_of3A_500 = tpu.assume_multiple %add3A_499, 16 : i32
        %get3A_501 = arith.index_cast %multiple_of3A_500 : i32 to index
        %get3A_502 = tpu.vector_load %arg7[%get3A_501] {strides = array<i32>} : memref<2000xi32, #tpu.memory_space<vmem>>, vector<16xi32>,
        %convert_element_type3A_503 = arith.extui %eq3A_410 : vector<16xi1> to vector<16xi32>
        %broadcast_in_dim3A_504 = arith.constant true
        %broadcast_in_dim3A_505 = vector.broadcast %broadcast_in_dim3A_504 : i1 to vector<16xi1>
        %masked_cumsum3A_506 = tpu.scan <sum>, %convert_element_type3A_503 masked %broadcast_in_dim3A_505 : vector<16xi32>, vector<16xi1> -> vector<16xi32>
        %add3A_507 = arith.addi %add3A_495, %masked_cumsum3A_506 : vector<16xi32>
        %sub3A_508 = arith.constant 1 : i32
        %sub3A_509 = vector.broadcast %sub3A_508 : i32 to vector<16xi32>
        %sub3A_510 = arith.subi %add3A_507, %sub3A_509 : vector<16xi32>
        %jit3A_511 = arith.constant 0 : i32
        %broadcast_in_dim3A_512 = vector.broadcast %jit3A_511 : i32 to vector<16xi32>
        %select_n3A_513 = arith.select %eq3A_410, %sub3A_510, %broadcast_in_dim3A_512 : vector<16xi1>, vector<16xi32>
        tpu.vector_store_idx %arg11[%select_n3A_513], %get3A_502 masked %eq3A_410 : memref<20032xi32, #tpu.memory_space<vmem>>[vector<16xi32>], vector<16xi32>, vector<16xi1>
        %add3A_514 = arith.addi %add3A_495, %all_reduce_population_count3A_411 : vector<16xi32>
      } else {
      }
      %add3A_420 = arith.addi %scan3A_367, %add3A_415 : vector<16xi32>
      scf.yield %add3A_420 : vector<16xi32>
    }
    %scan3A_261 = arith.constant 25 : i32
    %add3A_262 = arith.constant 18000 : i32
    %add3A_263 = arith.addi %mul3A_5, %add3A_262 : i32
    %multiple_of3A_264 = tpu.assume_multiple %add3A_263, 16 : i32
    %dma_start3A_265 = tpu.memref_slice %arg2[%multiple_of3A_264] : memref<640000xi32, #tpu.memory_space<hbm>> -> memref<2000xi32, #tpu.memory_space<hbm>>
    %dma_start3A_266 = tpu.memref_slice %arg2[%multiple_of3A_264] : memref<640000xi32, #tpu.memory_space<hbm>> -> memref<2000xi32, #tpu.memory_space<hbm>>
    tpu.enqueue_dma source(%dma_start3A_266 : memref<2000xi32, #tpu.memory_space<hbm>>) target(%arg7 : memref<2000xi32, #tpu.memory_space<vmem>>) target_semaphore(%arg27 : memref<!tpu.dma_semaphore, #tpu.memory_space<semaphore_mem>>)
    %add3A_267 = arith.constant 320000 : i32
    %add3A_268 = arith.addi %add3A_267, %mul3A_5 : i32
    %add3A_269 = arith.constant 18000 : i32
    %add3A_270 = arith.addi %add3A_268, %add3A_269 : i32
    %multiple_of3A_271 = tpu.assume_multiple %add3A_270, 16 : i32
    %dma_start3A_272 = tpu.memref_slice %arg2[%multiple_of3A_271] : memref<640000xi32, #tpu.memory_space<hbm>> -> memref<2000xi32, #tpu.memory_space<hbm>>
    %dma_start3A_273 = tpu.memref_slice %arg2[%multiple_of3A_271] : memref<640000xi32, #tpu.memory_space<hbm>> -> memref<2000xi32, #tpu.memory_space<hbm>>
    tpu.enqueue_dma source(%dma_start3A_273 : memref<2000xi32, #tpu.memory_space<hbm>>) target(%arg9 : memref<2000xi32, #tpu.memory_space<vmem>>) target_semaphore(%arg29 : memref<!tpu.dma_semaphore, #tpu.memory_space<semaphore_mem>>)
    %add3A_274 = arith.constant 16000 : i32
    %add3A_275 = arith.addi %mul3A_5, %add3A_274 : i32
    %multiple_of3A_276 = tpu.assume_multiple %add3A_275, 16 : i32
    %dma_wait3A_277 = tpu.memref_slice %arg2[%multiple_of3A_276] : memref<640000xi32, #tpu.memory_space<hbm>> -> memref<2000xi32, #tpu.memory_space<hbm>>
    %dma_wait3A_278 = tpu.memref_slice %arg2[%multiple_of3A_276] : memref<640000xi32, #tpu.memory_space<hbm>> -> memref<2000xi32, #tpu.memory_space<hbm>>
    tpu.wait_dma2 semaphore(%arg26 : memref<!tpu.dma_semaphore, #tpu.memory_space<semaphore_mem>>) src(%dma_wait3A_278 : memref<2000xi32, #tpu.memory_space<hbm>>) dst(%arg6 : memref<2000xi32, #tpu.memory_space<vmem>>)
    %add3A_279 = arith.constant 320000 : i32
    %add3A_280 = arith.addi %add3A_279, %mul3A_5 : i32
    %add3A_281 = arith.constant 16000 : i32
    %add3A_282 = arith.addi %add3A_280, %add3A_281 : i32
    %multiple_of3A_283 = tpu.assume_multiple %add3A_282, 16 : i32
    %dma_wait3A_284 = tpu.memref_slice %arg2[%multiple_of3A_283] : memref<640000xi32, #tpu.memory_space<hbm>> -> memref<2000xi32, #tpu.memory_space<hbm>>
    %dma_wait3A_285 = tpu.memref_slice %arg2[%multiple_of3A_283] : memref<640000xi32, #tpu.memory_space<hbm>> -> memref<2000xi32, #tpu.memory_space<hbm>>
    tpu.wait_dma2 semaphore(%arg28 : memref<!tpu.dma_semaphore, #tpu.memory_space<semaphore_mem>>) src(%dma_wait3A_285 : memref<2000xi32, #tpu.memory_space<hbm>>) dst(%arg8 : memref<2000xi32, #tpu.memory_space<vmem>>)
    %scan3A_286 = arith.constant 0 : i32
    %scan3A_287 = arith.constant 25 : i32
    %scan3A_288 = arith.addi %scan3A_286, %scan3A_287 : i32
    %scan3A_289 = arith.constant 1 : i32
    %scan3A_290 = scf.for %scan3A_366 = %scan3A_286 to %scan3A_288 step %scan3A_289 iter_args(%scan3A_367 = %scan3A_260) -> (vector<16xi32>)  : i32 {
      %mul3A_368 = arith.constant 80 : i32
      %mul3A_369 = arith.muli %scan3A_366, %mul3A_368 : i32
      %add3A_370 = arith.constant 0 : i32
      %add3A_371 = arith.addi %mul3A_369, %add3A_370 : i32
      %multiple_of3A_372 = tpu.assume_multiple %add3A_371, 16 : i32
      %get3A_373 = arith.index_cast %multiple_of3A_372 : i32 to index
      %get3A_374 = tpu.vector_load %arg8[%get3A_373] {strides = array<i32>} : memref<2000xi32, #tpu.memory_space<vmem>>, vector<16xi32>,
      tpu.vector_store_idx %arg10[%get3A_374], %broadcast_in_dim3A_2 {add = true} : memref<10240xf32, #tpu.memory_space<vmem>>[vector<16xi32>], vector<16xf32>,
      %eq3A_375 = arith.cmpi eq, %get3A_374, %get3A_6 : vector<16xi32>
      %all_reduce_population_count3A = tpu.all_reduce %eq3A_375 {dim = 0 : i64, kind = #tpu.reduction_kind<sum>} : vector<16xi1> -> vector<16xi32>
      %mul3A_376 = arith.constant 80 : i32
      %mul3A_377 = arith.muli %scan3A_366, %mul3A_376 : i32
      %add3A_378 = arith.constant 16 : i32
      %add3A_379 = arith.addi %mul3A_377, %add3A_378 : i32
      %multiple_of3A_380 = tpu.assume_multiple %add3A_379, 16 : i32
      %get3A_381 = arith.index_cast %multiple_of3A_380 : i32 to index
      %get3A_382 = tpu.vector_load %arg8[%get3A_381] {strides = array<i32>} : memref<2000xi32, #tpu.memory_space<vmem>>, vector<16xi32>,
      tpu.vector_store_idx %arg10[%get3A_382], %broadcast_in_dim3A_2 {add = true} : memref<10240xf32, #tpu.memory_space<vmem>>[vector<16xi32>], vector<16xf32>,
      %eq3A_383 = arith.cmpi eq, %get3A_382, %get3A_6 : vector<16xi32>
      %all_reduce_population_count3A_384 = tpu.all_reduce %eq3A_383 {dim = 0 : i64, kind = #tpu.reduction_kind<sum>} : vector<16xi1> -> vector<16xi32>
      %mul3A_385 = arith.constant 80 : i32
      %mul3A_386 = arith.muli %scan3A_366, %mul3A_385 : i32
      %add3A_387 = arith.constant 32 : i32
      %add3A_388 = arith.addi %mul3A_386, %add3A_387 : i32
      %multiple_of3A_389 = tpu.assume_multiple %add3A_388, 16 : i32
      %get3A_390 = arith.index_cast %multiple_of3A_389 : i32 to index
      %get3A_391 = tpu.vector_load %arg8[%get3A_390] {strides = array<i32>} : memref<2000xi32, #tpu.memory_space<vmem>>, vector<16xi32>,
      tpu.vector_store_idx %arg10[%get3A_391], %broadcast_in_dim3A_2 {add = true} : memref<10240xf32, #tpu.memory_space<vmem>>[vector<16xi32>], vector<16xf32>,
      %eq3A_392 = arith.cmpi eq, %get3A_391, %get3A_6 : vector<16xi32>
      %all_reduce_population_count3A_393 = tpu.all_reduce %eq3A_392 {dim = 0 : i64, kind = #tpu.reduction_kind<sum>} : vector<16xi1> -> vector<16xi32>
      %mul3A_394 = arith.constant 80 : i32
      %mul3A_395 = arith.muli %scan3A_366, %mul3A_394 : i32
      %add3A_396 = arith.constant 48 : i32
      %add3A_397 = arith.addi %mul3A_395, %add3A_396 : i32
      %multiple_of3A_398 = tpu.assume_multiple %add3A_397, 16 : i32
      %get3A_399 = arith.index_cast %multiple_of3A_398 : i32 to index
      %get3A_400 = tpu.vector_load %arg8[%get3A_399] {strides = array<i32>} : memref<2000xi32, #tpu.memory_space<vmem>>, vector<16xi32>,
      tpu.vector_store_idx %arg10[%get3A_400], %broadcast_in_dim3A_2 {add = true} : memref<10240xf32, #tpu.memory_space<vmem>>[vector<16xi32>], vector<16xf32>,
      %eq3A_401 = arith.cmpi eq, %get3A_400, %get3A_6 : vector<16xi32>
      %all_reduce_population_count3A_402 = tpu.all_reduce %eq3A_401 {dim = 0 : i64, kind = #tpu.reduction_kind<sum>} : vector<16xi1> -> vector<16xi32>
      %mul3A_403 = arith.constant 80 : i32
      %mul3A_404 = arith.muli %scan3A_366, %mul3A_403 : i32
      %add3A_405 = arith.constant 64 : i32
      %add3A_406 = arith.addi %mul3A_404, %add3A_405 : i32
      %multiple_of3A_407 = tpu.assume_multiple %add3A_406, 16 : i32
      %get3A_408 = arith.index_cast %multiple_of3A_407 : i32 to index
      %get3A_409 = tpu.vector_load %arg8[%get3A_408] {strides = array<i32>} : memref<2000xi32, #tpu.memory_space<vmem>>, vector<16xi32>,
      tpu.vector_store_idx %arg10[%get3A_409], %broadcast_in_dim3A_2 {add = true} : memref<10240xf32, #tpu.memory_space<vmem>>[vector<16xi32>], vector<16xf32>,
      %eq3A_410 = arith.cmpi eq, %get3A_409, %get3A_6 : vector<16xi32>
      %all_reduce_population_count3A_411 = tpu.all_reduce %eq3A_410 {dim = 0 : i64, kind = #tpu.reduction_kind<sum>} : vector<16xi1> -> vector<16xi32>
      %add3A_412 = arith.addi %all_reduce_population_count3A, %all_reduce_population_count3A_384 : vector<16xi32>
      %add3A_413 = arith.addi %add3A_412, %all_reduce_population_count3A_393 : vector<16xi32>
      %add3A_414 = arith.addi %add3A_413, %all_reduce_population_count3A_402 : vector<16xi32>
      %add3A_415 = arith.addi %add3A_414, %all_reduce_population_count3A_411 : vector<16xi32>
      %slice3A = vector.extract_strided_slice %add3A_415 {offsets = [0], sizes = [1], strides = [1]} : vector<16xi32> to vector<1xi32>
      %squeeze3A = vector.extract %slice3A[0] : i32 from vector<1xi32>
      %gt3A = arith.constant 0 : i32
      %gt3A_416 = arith.cmpi sgt, %squeeze3A, %gt3A : i32
      %convert_element_type3A_417 = arith.extui %gt3A_416 : i1 to i32
      %cond3A_418 = arith.constant 0 : i32
      %cond3A_419 = arith.cmpi ne, %convert_element_type3A_417, %cond3A_418 : i32
      scf.if %cond3A_419 {
        %mul3A_421 = arith.constant 80 : i32
        %mul3A_422 = arith.muli %scan3A_366, %mul3A_421 : i32
        %add3A_423 = arith.constant 0 : i32
        %add3A_424 = arith.addi %mul3A_422, %add3A_423 : i32
        %multiple_of3A_425 = tpu.assume_multiple %add3A_424, 16 : i32
        %get3A_426 = arith.index_cast %multiple_of3A_425 : i32 to index
        %get3A_427 = tpu.vector_load %arg6[%get3A_426] {strides = array<i32>} : memref<2000xi32, #tpu.memory_space<vmem>>, vector<16xi32>,
        %convert_element_type3A_428 = arith.extui %eq3A_375 : vector<16xi1> to vector<16xi32>
        %broadcast_in_dim3A_429 = arith.constant true
        %broadcast_in_dim3A_430 = vector.broadcast %broadcast_in_dim3A_429 : i1 to vector<16xi1>
        %masked_cumsum3A = tpu.scan <sum>, %convert_element_type3A_428 masked %broadcast_in_dim3A_430 : vector<16xi32>, vector<16xi1> -> vector<16xi32>
        %add3A_431 = arith.addi %scan3A_367, %masked_cumsum3A : vector<16xi32>
        %sub3A_432 = arith.constant 1 : i32
        %sub3A_433 = vector.broadcast %sub3A_432 : i32 to vector<16xi32>
        %sub3A_434 = arith.subi %add3A_431, %sub3A_433 : vector<16xi32>
        %jit3A_435 = arith.constant 0 : i32
        %broadcast_in_dim3A_436 = vector.broadcast %jit3A_435 : i32 to vector<16xi32>
        %select_n3A_437 = arith.select %eq3A_375, %sub3A_434, %broadcast_in_dim3A_436 : vector<16xi1>, vector<16xi32>
        tpu.vector_store_idx %arg11[%select_n3A_437], %get3A_427 masked %eq3A_375 : memref<20032xi32, #tpu.memory_space<vmem>>[vector<16xi32>], vector<16xi32>, vector<16xi1>
        %add3A_438 = arith.addi %scan3A_367, %all_reduce_population_count3A : vector<16xi32>
        %mul3A_439 = arith.constant 80 : i32
        %mul3A_440 = arith.muli %scan3A_366, %mul3A_439 : i32
        %add3A_441 = arith.constant 16 : i32
        %add3A_442 = arith.addi %mul3A_440, %add3A_441 : i32
        %multiple_of3A_443 = tpu.assume_multiple %add3A_442, 16 : i32
        %get3A_444 = arith.index_cast %multiple_of3A_443 : i32 to index
        %get3A_445 = tpu.vector_load %arg6[%get3A_444] {strides = array<i32>} : memref<2000xi32, #tpu.memory_space<vmem>>, vector<16xi32>,
        %convert_element_type3A_446 = arith.extui %eq3A_383 : vector<16xi1> to vector<16xi32>
        %broadcast_in_dim3A_447 = arith.constant true
        %broadcast_in_dim3A_448 = vector.broadcast %broadcast_in_dim3A_447 : i1 to vector<16xi1>
        %masked_cumsum3A_449 = tpu.scan <sum>, %convert_element_type3A_446 masked %broadcast_in_dim3A_448 : vector<16xi32>, vector<16xi1> -> vector<16xi32>
        %add3A_450 = arith.addi %add3A_438, %masked_cumsum3A_449 : vector<16xi32>
        %sub3A_451 = arith.constant 1 : i32
        %sub3A_452 = vector.broadcast %sub3A_451 : i32 to vector<16xi32>
        %sub3A_453 = arith.subi %add3A_450, %sub3A_452 : vector<16xi32>
        %jit3A_454 = arith.constant 0 : i32
        %broadcast_in_dim3A_455 = vector.broadcast %jit3A_454 : i32 to vector<16xi32>
        %select_n3A_456 = arith.select %eq3A_383, %sub3A_453, %broadcast_in_dim3A_455 : vector<16xi1>, vector<16xi32>
        tpu.vector_store_idx %arg11[%select_n3A_456], %get3A_445 masked %eq3A_383 : memref<20032xi32, #tpu.memory_space<vmem>>[vector<16xi32>], vector<16xi32>, vector<16xi1>
        %add3A_457 = arith.addi %add3A_438, %all_reduce_population_count3A_384 : vector<16xi32>
        %mul3A_458 = arith.constant 80 : i32
        %mul3A_459 = arith.muli %scan3A_366, %mul3A_458 : i32
        %add3A_460 = arith.constant 32 : i32
        %add3A_461 = arith.addi %mul3A_459, %add3A_460 : i32
        %multiple_of3A_462 = tpu.assume_multiple %add3A_461, 16 : i32
        %get3A_463 = arith.index_cast %multiple_of3A_462 : i32 to index
        %get3A_464 = tpu.vector_load %arg6[%get3A_463] {strides = array<i32>} : memref<2000xi32, #tpu.memory_space<vmem>>, vector<16xi32>,
        %convert_element_type3A_465 = arith.extui %eq3A_392 : vector<16xi1> to vector<16xi32>
        %broadcast_in_dim3A_466 = arith.constant true
        %broadcast_in_dim3A_467 = vector.broadcast %broadcast_in_dim3A_466 : i1 to vector<16xi1>
        %masked_cumsum3A_468 = tpu.scan <sum>, %convert_element_type3A_465 masked %broadcast_in_dim3A_467 : vector<16xi32>, vector<16xi1> -> vector<16xi32>
        %add3A_469 = arith.addi %add3A_457, %masked_cumsum3A_468 : vector<16xi32>
        %sub3A_470 = arith.constant 1 : i32
        %sub3A_471 = vector.broadcast %sub3A_470 : i32 to vector<16xi32>
        %sub3A_472 = arith.subi %add3A_469, %sub3A_471 : vector<16xi32>
        %jit3A_473 = arith.constant 0 : i32
        %broadcast_in_dim3A_474 = vector.broadcast %jit3A_473 : i32 to vector<16xi32>
        %select_n3A_475 = arith.select %eq3A_392, %sub3A_472, %broadcast_in_dim3A_474 : vector<16xi1>, vector<16xi32>
        tpu.vector_store_idx %arg11[%select_n3A_475], %get3A_464 masked %eq3A_392 : memref<20032xi32, #tpu.memory_space<vmem>>[vector<16xi32>], vector<16xi32>, vector<16xi1>
        %add3A_476 = arith.addi %add3A_457, %all_reduce_population_count3A_393 : vector<16xi32>
        %mul3A_477 = arith.constant 80 : i32
        %mul3A_478 = arith.muli %scan3A_366, %mul3A_477 : i32
        %add3A_479 = arith.constant 48 : i32
        %add3A_480 = arith.addi %mul3A_478, %add3A_479 : i32
        %multiple_of3A_481 = tpu.assume_multiple %add3A_480, 16 : i32
        %get3A_482 = arith.index_cast %multiple_of3A_481 : i32 to index
        %get3A_483 = tpu.vector_load %arg6[%get3A_482] {strides = array<i32>} : memref<2000xi32, #tpu.memory_space<vmem>>, vector<16xi32>,
        %convert_element_type3A_484 = arith.extui %eq3A_401 : vector<16xi1> to vector<16xi32>
        %broadcast_in_dim3A_485 = arith.constant true
        %broadcast_in_dim3A_486 = vector.broadcast %broadcast_in_dim3A_485 : i1 to vector<16xi1>
        %masked_cumsum3A_487 = tpu.scan <sum>, %convert_element_type3A_484 masked %broadcast_in_dim3A_486 : vector<16xi32>, vector<16xi1> -> vector<16xi32>
        %add3A_488 = arith.addi %add3A_476, %masked_cumsum3A_487 : vector<16xi32>
        %sub3A_489 = arith.constant 1 : i32
        %sub3A_490 = vector.broadcast %sub3A_489 : i32 to vector<16xi32>
        %sub3A_491 = arith.subi %add3A_488, %sub3A_490 : vector<16xi32>
        %jit3A_492 = arith.constant 0 : i32
        %broadcast_in_dim3A_493 = vector.broadcast %jit3A_492 : i32 to vector<16xi32>
        %select_n3A_494 = arith.select %eq3A_401, %sub3A_491, %broadcast_in_dim3A_493 : vector<16xi1>, vector<16xi32>
        tpu.vector_store_idx %arg11[%select_n3A_494], %get3A_483 masked %eq3A_401 : memref<20032xi32, #tpu.memory_space<vmem>>[vector<16xi32>], vector<16xi32>, vector<16xi1>
        %add3A_495 = arith.addi %add3A_476, %all_reduce_population_count3A_402 : vector<16xi32>
        %mul3A_496 = arith.constant 80 : i32
        %mul3A_497 = arith.muli %scan3A_366, %mul3A_496 : i32
        %add3A_498 = arith.constant 64 : i32
        %add3A_499 = arith.addi %mul3A_497, %add3A_498 : i32
        %multiple_of3A_500 = tpu.assume_multiple %add3A_499, 16 : i32
        %get3A_501 = arith.index_cast %multiple_of3A_500 : i32 to index
        %get3A_502 = tpu.vector_load %arg6[%get3A_501] {strides = array<i32>} : memref<2000xi32, #tpu.memory_space<vmem>>, vector<16xi32>,
        %convert_element_type3A_503 = arith.extui %eq3A_410 : vector<16xi1> to vector<16xi32>
        %broadcast_in_dim3A_504 = arith.constant true
        %broadcast_in_dim3A_505 = vector.broadcast %broadcast_in_dim3A_504 : i1 to vector<16xi1>
        %masked_cumsum3A_506 = tpu.scan <sum>, %convert_element_type3A_503 masked %broadcast_in_dim3A_505 : vector<16xi32>, vector<16xi1> -> vector<16xi32>
        %add3A_507 = arith.addi %add3A_495, %masked_cumsum3A_506 : vector<16xi32>
        %sub3A_508 = arith.constant 1 : i32
        %sub3A_509 = vector.broadcast %sub3A_508 : i32 to vector<16xi32>
        %sub3A_510 = arith.subi %add3A_507, %sub3A_509 : vector<16xi32>
        %jit3A_511 = arith.constant 0 : i32
        %broadcast_in_dim3A_512 = vector.broadcast %jit3A_511 : i32 to vector<16xi32>
        %select_n3A_513 = arith.select %eq3A_410, %sub3A_510, %broadcast_in_dim3A_512 : vector<16xi1>, vector<16xi32>
        tpu.vector_store_idx %arg11[%select_n3A_513], %get3A_502 masked %eq3A_410 : memref<20032xi32, #tpu.memory_space<vmem>>[vector<16xi32>], vector<16xi32>, vector<16xi1>
        %add3A_514 = arith.addi %add3A_495, %all_reduce_population_count3A_411 : vector<16xi32>
      } else {
      }
      %add3A_420 = arith.addi %scan3A_367, %add3A_415 : vector<16xi32>
      scf.yield %add3A_420 : vector<16xi32>
    }
    %scan3A_291 = arith.constant 25 : i32
    %add3A_292 = arith.constant 18000 : i32
    %add3A_293 = arith.addi %mul3A_5, %add3A_292 : i32
    %multiple_of3A_294 = tpu.assume_multiple %add3A_293, 16 : i32
    %dma_wait3A_295 = tpu.memref_slice %arg2[%multiple_of3A_294] : memref<640000xi32, #tpu.memory_space<hbm>> -> memref<2000xi32, #tpu.memory_space<hbm>>
    %dma_wait3A_296 = tpu.memref_slice %arg2[%multiple_of3A_294] : memref<640000xi32, #tpu.memory_space<hbm>> -> memref<2000xi32, #tpu.memory_space<hbm>>
    tpu.wait_dma2 semaphore(%arg27 : memref<!tpu.dma_semaphore, #tpu.memory_space<semaphore_mem>>) src(%dma_wait3A_296 : memref<2000xi32, #tpu.memory_space<hbm>>) dst(%arg7 : memref<2000xi32, #tpu.memory_space<vmem>>)
    %add3A_297 = arith.constant 320000 : i32
    %add3A_298 = arith.addi %add3A_297, %mul3A_5 : i32
    %add3A_299 = arith.constant 18000 : i32
    %add3A_300 = arith.addi %add3A_298, %add3A_299 : i32
    %multiple_of3A_301 = tpu.assume_multiple %add3A_300, 16 : i32
    %dma_wait3A_302 = tpu.memref_slice %arg2[%multiple_of3A_301] : memref<640000xi32, #tpu.memory_space<hbm>> -> memref<2000xi32, #tpu.memory_space<hbm>>
    %dma_wait3A_303 = tpu.memref_slice %arg2[%multiple_of3A_301] : memref<640000xi32, #tpu.memory_space<hbm>> -> memref<2000xi32, #tpu.memory_space<hbm>>
    tpu.wait_dma2 semaphore(%arg29 : memref<!tpu.dma_semaphore, #tpu.memory_space<semaphore_mem>>) src(%dma_wait3A_303 : memref<2000xi32, #tpu.memory_space<hbm>>) dst(%arg9 : memref<2000xi32, #tpu.memory_space<vmem>>)
    %scan3A_304 = arith.constant 0 : i32
    %scan3A_305 = arith.constant 25 : i32
    %scan3A_306 = arith.addi %scan3A_304, %scan3A_305 : i32
    %scan3A_307 = arith.constant 1 : i32
    %scan3A_308 = scf.for %scan3A_366 = %scan3A_304 to %scan3A_306 step %scan3A_307 iter_args(%scan3A_367 = %scan3A_290) -> (vector<16xi32>)  : i32 {
      %mul3A_368 = arith.constant 80 : i32
      %mul3A_369 = arith.muli %scan3A_366, %mul3A_368 : i32
      %add3A_370 = arith.constant 0 : i32
      %add3A_371 = arith.addi %mul3A_369, %add3A_370 : i32
      %multiple_of3A_372 = tpu.assume_multiple %add3A_371, 16 : i32
      %get3A_373 = arith.index_cast %multiple_of3A_372 : i32 to index
      %get3A_374 = tpu.vector_load %arg9[%get3A_373] {strides = array<i32>} : memref<2000xi32, #tpu.memory_space<vmem>>, vector<16xi32>,
      tpu.vector_store_idx %arg10[%get3A_374], %broadcast_in_dim3A_2 {add = true} : memref<10240xf32, #tpu.memory_space<vmem>>[vector<16xi32>], vector<16xf32>,
      %eq3A_375 = arith.cmpi eq, %get3A_374, %get3A_6 : vector<16xi32>
      %all_reduce_population_count3A = tpu.all_reduce %eq3A_375 {dim = 0 : i64, kind = #tpu.reduction_kind<sum>} : vector<16xi1> -> vector<16xi32>
      %mul3A_376 = arith.constant 80 : i32
      %mul3A_377 = arith.muli %scan3A_366, %mul3A_376 : i32
      %add3A_378 = arith.constant 16 : i32
      %add3A_379 = arith.addi %mul3A_377, %add3A_378 : i32
      %multiple_of3A_380 = tpu.assume_multiple %add3A_379, 16 : i32
      %get3A_381 = arith.index_cast %multiple_of3A_380 : i32 to index
      %get3A_382 = tpu.vector_load %arg9[%get3A_381] {strides = array<i32>} : memref<2000xi32, #tpu.memory_space<vmem>>, vector<16xi32>,
      tpu.vector_store_idx %arg10[%get3A_382], %broadcast_in_dim3A_2 {add = true} : memref<10240xf32, #tpu.memory_space<vmem>>[vector<16xi32>], vector<16xf32>,
      %eq3A_383 = arith.cmpi eq, %get3A_382, %get3A_6 : vector<16xi32>
      %all_reduce_population_count3A_384 = tpu.all_reduce %eq3A_383 {dim = 0 : i64, kind = #tpu.reduction_kind<sum>} : vector<16xi1> -> vector<16xi32>
      %mul3A_385 = arith.constant 80 : i32
      %mul3A_386 = arith.muli %scan3A_366, %mul3A_385 : i32
      %add3A_387 = arith.constant 32 : i32
      %add3A_388 = arith.addi %mul3A_386, %add3A_387 : i32
      %multiple_of3A_389 = tpu.assume_multiple %add3A_388, 16 : i32
      %get3A_390 = arith.index_cast %multiple_of3A_389 : i32 to index
      %get3A_391 = tpu.vector_load %arg9[%get3A_390] {strides = array<i32>} : memref<2000xi32, #tpu.memory_space<vmem>>, vector<16xi32>,
      tpu.vector_store_idx %arg10[%get3A_391], %broadcast_in_dim3A_2 {add = true} : memref<10240xf32, #tpu.memory_space<vmem>>[vector<16xi32>], vector<16xf32>,
      %eq3A_392 = arith.cmpi eq, %get3A_391, %get3A_6 : vector<16xi32>
      %all_reduce_population_count3A_393 = tpu.all_reduce %eq3A_392 {dim = 0 : i64, kind = #tpu.reduction_kind<sum>} : vector<16xi1> -> vector<16xi32>
      %mul3A_394 = arith.constant 80 : i32
      %mul3A_395 = arith.muli %scan3A_366, %mul3A_394 : i32
      %add3A_396 = arith.constant 48 : i32
      %add3A_397 = arith.addi %mul3A_395, %add3A_396 : i32
      %multiple_of3A_398 = tpu.assume_multiple %add3A_397, 16 : i32
      %get3A_399 = arith.index_cast %multiple_of3A_398 : i32 to index
      %get3A_400 = tpu.vector_load %arg9[%get3A_399] {strides = array<i32>} : memref<2000xi32, #tpu.memory_space<vmem>>, vector<16xi32>,
      tpu.vector_store_idx %arg10[%get3A_400], %broadcast_in_dim3A_2 {add = true} : memref<10240xf32, #tpu.memory_space<vmem>>[vector<16xi32>], vector<16xf32>,
      %eq3A_401 = arith.cmpi eq, %get3A_400, %get3A_6 : vector<16xi32>
      %all_reduce_population_count3A_402 = tpu.all_reduce %eq3A_401 {dim = 0 : i64, kind = #tpu.reduction_kind<sum>} : vector<16xi1> -> vector<16xi32>
      %mul3A_403 = arith.constant 80 : i32
      %mul3A_404 = arith.muli %scan3A_366, %mul3A_403 : i32
      %add3A_405 = arith.constant 64 : i32
      %add3A_406 = arith.addi %mul3A_404, %add3A_405 : i32
      %multiple_of3A_407 = tpu.assume_multiple %add3A_406, 16 : i32
      %get3A_408 = arith.index_cast %multiple_of3A_407 : i32 to index
      %get3A_409 = tpu.vector_load %arg9[%get3A_408] {strides = array<i32>} : memref<2000xi32, #tpu.memory_space<vmem>>, vector<16xi32>,
      tpu.vector_store_idx %arg10[%get3A_409], %broadcast_in_dim3A_2 {add = true} : memref<10240xf32, #tpu.memory_space<vmem>>[vector<16xi32>], vector<16xf32>,
      %eq3A_410 = arith.cmpi eq, %get3A_409, %get3A_6 : vector<16xi32>
      %all_reduce_population_count3A_411 = tpu.all_reduce %eq3A_410 {dim = 0 : i64, kind = #tpu.reduction_kind<sum>} : vector<16xi1> -> vector<16xi32>
      %add3A_412 = arith.addi %all_reduce_population_count3A, %all_reduce_population_count3A_384 : vector<16xi32>
      %add3A_413 = arith.addi %add3A_412, %all_reduce_population_count3A_393 : vector<16xi32>
      %add3A_414 = arith.addi %add3A_413, %all_reduce_population_count3A_402 : vector<16xi32>
      %add3A_415 = arith.addi %add3A_414, %all_reduce_population_count3A_411 : vector<16xi32>
      %slice3A = vector.extract_strided_slice %add3A_415 {offsets = [0], sizes = [1], strides = [1]} : vector<16xi32> to vector<1xi32>
      %squeeze3A = vector.extract %slice3A[0] : i32 from vector<1xi32>
      %gt3A = arith.constant 0 : i32
      %gt3A_416 = arith.cmpi sgt, %squeeze3A, %gt3A : i32
      %convert_element_type3A_417 = arith.extui %gt3A_416 : i1 to i32
      %cond3A_418 = arith.constant 0 : i32
      %cond3A_419 = arith.cmpi ne, %convert_element_type3A_417, %cond3A_418 : i32
      scf.if %cond3A_419 {
        %mul3A_421 = arith.constant 80 : i32
        %mul3A_422 = arith.muli %scan3A_366, %mul3A_421 : i32
        %add3A_423 = arith.constant 0 : i32
        %add3A_424 = arith.addi %mul3A_422, %add3A_423 : i32
        %multiple_of3A_425 = tpu.assume_multiple %add3A_424, 16 : i32
        %get3A_426 = arith.index_cast %multiple_of3A_425 : i32 to index
        %get3A_427 = tpu.vector_load %arg7[%get3A_426] {strides = array<i32>} : memref<2000xi32, #tpu.memory_space<vmem>>, vector<16xi32>,
        %convert_element_type3A_428 = arith.extui %eq3A_375 : vector<16xi1> to vector<16xi32>
        %broadcast_in_dim3A_429 = arith.constant true
        %broadcast_in_dim3A_430 = vector.broadcast %broadcast_in_dim3A_429 : i1 to vector<16xi1>
        %masked_cumsum3A = tpu.scan <sum>, %convert_element_type3A_428 masked %broadcast_in_dim3A_430 : vector<16xi32>, vector<16xi1> -> vector<16xi32>
        %add3A_431 = arith.addi %scan3A_367, %masked_cumsum3A : vector<16xi32>
        %sub3A_432 = arith.constant 1 : i32
        %sub3A_433 = vector.broadcast %sub3A_432 : i32 to vector<16xi32>
        %sub3A_434 = arith.subi %add3A_431, %sub3A_433 : vector<16xi32>
        %jit3A_435 = arith.constant 0 : i32
        %broadcast_in_dim3A_436 = vector.broadcast %jit3A_435 : i32 to vector<16xi32>
        %select_n3A_437 = arith.select %eq3A_375, %sub3A_434, %broadcast_in_dim3A_436 : vector<16xi1>, vector<16xi32>
        tpu.vector_store_idx %arg11[%select_n3A_437], %get3A_427 masked %eq3A_375 : memref<20032xi32, #tpu.memory_space<vmem>>[vector<16xi32>], vector<16xi32>, vector<16xi1>
        %add3A_438 = arith.addi %scan3A_367, %all_reduce_population_count3A : vector<16xi32>
        %mul3A_439 = arith.constant 80 : i32
        %mul3A_440 = arith.muli %scan3A_366, %mul3A_439 : i32
        %add3A_441 = arith.constant 16 : i32
        %add3A_442 = arith.addi %mul3A_440, %add3A_441 : i32
        %multiple_of3A_443 = tpu.assume_multiple %add3A_442, 16 : i32
        %get3A_444 = arith.index_cast %multiple_of3A_443 : i32 to index
        %get3A_445 = tpu.vector_load %arg7[%get3A_444] {strides = array<i32>} : memref<2000xi32, #tpu.memory_space<vmem>>, vector<16xi32>,
        %convert_element_type3A_446 = arith.extui %eq3A_383 : vector<16xi1> to vector<16xi32>
        %broadcast_in_dim3A_447 = arith.constant true
        %broadcast_in_dim3A_448 = vector.broadcast %broadcast_in_dim3A_447 : i1 to vector<16xi1>
        %masked_cumsum3A_449 = tpu.scan <sum>, %convert_element_type3A_446 masked %broadcast_in_dim3A_448 : vector<16xi32>, vector<16xi1> -> vector<16xi32>
        %add3A_450 = arith.addi %add3A_438, %masked_cumsum3A_449 : vector<16xi32>
        %sub3A_451 = arith.constant 1 : i32
        %sub3A_452 = vector.broadcast %sub3A_451 : i32 to vector<16xi32>
        %sub3A_453 = arith.subi %add3A_450, %sub3A_452 : vector<16xi32>
        %jit3A_454 = arith.constant 0 : i32
        %broadcast_in_dim3A_455 = vector.broadcast %jit3A_454 : i32 to vector<16xi32>
        %select_n3A_456 = arith.select %eq3A_383, %sub3A_453, %broadcast_in_dim3A_455 : vector<16xi1>, vector<16xi32>
        tpu.vector_store_idx %arg11[%select_n3A_456], %get3A_445 masked %eq3A_383 : memref<20032xi32, #tpu.memory_space<vmem>>[vector<16xi32>], vector<16xi32>, vector<16xi1>
        %add3A_457 = arith.addi %add3A_438, %all_reduce_population_count3A_384 : vector<16xi32>
        %mul3A_458 = arith.constant 80 : i32
        %mul3A_459 = arith.muli %scan3A_366, %mul3A_458 : i32
        %add3A_460 = arith.constant 32 : i32
        %add3A_461 = arith.addi %mul3A_459, %add3A_460 : i32
        %multiple_of3A_462 = tpu.assume_multiple %add3A_461, 16 : i32
        %get3A_463 = arith.index_cast %multiple_of3A_462 : i32 to index
        %get3A_464 = tpu.vector_load %arg7[%get3A_463] {strides = array<i32>} : memref<2000xi32, #tpu.memory_space<vmem>>, vector<16xi32>,
        %convert_element_type3A_465 = arith.extui %eq3A_392 : vector<16xi1> to vector<16xi32>
        %broadcast_in_dim3A_466 = arith.constant true
        %broadcast_in_dim3A_467 = vector.broadcast %broadcast_in_dim3A_466 : i1 to vector<16xi1>
        %masked_cumsum3A_468 = tpu.scan <sum>, %convert_element_type3A_465 masked %broadcast_in_dim3A_467 : vector<16xi32>, vector<16xi1> -> vector<16xi32>
        %add3A_469 = arith.addi %add3A_457, %masked_cumsum3A_468 : vector<16xi32>
        %sub3A_470 = arith.constant 1 : i32
        %sub3A_471 = vector.broadcast %sub3A_470 : i32 to vector<16xi32>
        %sub3A_472 = arith.subi %add3A_469, %sub3A_471 : vector<16xi32>
        %jit3A_473 = arith.constant 0 : i32
        %broadcast_in_dim3A_474 = vector.broadcast %jit3A_473 : i32 to vector<16xi32>
        %select_n3A_475 = arith.select %eq3A_392, %sub3A_472, %broadcast_in_dim3A_474 : vector<16xi1>, vector<16xi32>
        tpu.vector_store_idx %arg11[%select_n3A_475], %get3A_464 masked %eq3A_392 : memref<20032xi32, #tpu.memory_space<vmem>>[vector<16xi32>], vector<16xi32>, vector<16xi1>
        %add3A_476 = arith.addi %add3A_457, %all_reduce_population_count3A_393 : vector<16xi32>
        %mul3A_477 = arith.constant 80 : i32
        %mul3A_478 = arith.muli %scan3A_366, %mul3A_477 : i32
        %add3A_479 = arith.constant 48 : i32
        %add3A_480 = arith.addi %mul3A_478, %add3A_479 : i32
        %multiple_of3A_481 = tpu.assume_multiple %add3A_480, 16 : i32
        %get3A_482 = arith.index_cast %multiple_of3A_481 : i32 to index
        %get3A_483 = tpu.vector_load %arg7[%get3A_482] {strides = array<i32>} : memref<2000xi32, #tpu.memory_space<vmem>>, vector<16xi32>,
        %convert_element_type3A_484 = arith.extui %eq3A_401 : vector<16xi1> to vector<16xi32>
        %broadcast_in_dim3A_485 = arith.constant true
        %broadcast_in_dim3A_486 = vector.broadcast %broadcast_in_dim3A_485 : i1 to vector<16xi1>
        %masked_cumsum3A_487 = tpu.scan <sum>, %convert_element_type3A_484 masked %broadcast_in_dim3A_486 : vector<16xi32>, vector<16xi1> -> vector<16xi32>
        %add3A_488 = arith.addi %add3A_476, %masked_cumsum3A_487 : vector<16xi32>
        %sub3A_489 = arith.constant 1 : i32
        %sub3A_490 = vector.broadcast %sub3A_489 : i32 to vector<16xi32>
        %sub3A_491 = arith.subi %add3A_488, %sub3A_490 : vector<16xi32>
        %jit3A_492 = arith.constant 0 : i32
        %broadcast_in_dim3A_493 = vector.broadcast %jit3A_492 : i32 to vector<16xi32>
        %select_n3A_494 = arith.select %eq3A_401, %sub3A_491, %broadcast_in_dim3A_493 : vector<16xi1>, vector<16xi32>
        tpu.vector_store_idx %arg11[%select_n3A_494], %get3A_483 masked %eq3A_401 : memref<20032xi32, #tpu.memory_space<vmem>>[vector<16xi32>], vector<16xi32>, vector<16xi1>
        %add3A_495 = arith.addi %add3A_476, %all_reduce_population_count3A_402 : vector<16xi32>
        %mul3A_496 = arith.constant 80 : i32
        %mul3A_497 = arith.muli %scan3A_366, %mul3A_496 : i32
        %add3A_498 = arith.constant 64 : i32
        %add3A_499 = arith.addi %mul3A_497, %add3A_498 : i32
        %multiple_of3A_500 = tpu.assume_multiple %add3A_499, 16 : i32
        %get3A_501 = arith.index_cast %multiple_of3A_500 : i32 to index
        %get3A_502 = tpu.vector_load %arg7[%get3A_501] {strides = array<i32>} : memref<2000xi32, #tpu.memory_space<vmem>>, vector<16xi32>,
        %convert_element_type3A_503 = arith.extui %eq3A_410 : vector<16xi1> to vector<16xi32>
        %broadcast_in_dim3A_504 = arith.constant true
        %broadcast_in_dim3A_505 = vector.broadcast %broadcast_in_dim3A_504 : i1 to vector<16xi1>
        %masked_cumsum3A_506 = tpu.scan <sum>, %convert_element_type3A_503 masked %broadcast_in_dim3A_505 : vector<16xi32>, vector<16xi1> -> vector<16xi32>
        %add3A_507 = arith.addi %add3A_495, %masked_cumsum3A_506 : vector<16xi32>
        %sub3A_508 = arith.constant 1 : i32
        %sub3A_509 = vector.broadcast %sub3A_508 : i32 to vector<16xi32>
        %sub3A_510 = arith.subi %add3A_507, %sub3A_509 : vector<16xi32>
        %jit3A_511 = arith.constant 0 : i32
        %broadcast_in_dim3A_512 = vector.broadcast %jit3A_511 : i32 to vector<16xi32>
        %select_n3A_513 = arith.select %eq3A_410, %sub3A_510, %broadcast_in_dim3A_512 : vector<16xi1>, vector<16xi32>
        tpu.vector_store_idx %arg11[%select_n3A_513], %get3A_502 masked %eq3A_410 : memref<20032xi32, #tpu.memory_space<vmem>>[vector<16xi32>], vector<16xi32>, vector<16xi1>
        %add3A_514 = arith.addi %add3A_495, %all_reduce_population_count3A_411 : vector<16xi32>
      } else {
      }
      %add3A_420 = arith.addi %scan3A_367, %add3A_415 : vector<16xi32>
      scf.yield %add3A_420 : vector<16xi32>
    }
    %scan3A_309 = arith.constant 25 : i32
    %reduce_max3A = arith.constant true
    %reduce_max3A_310 = vector.broadcast %reduce_max3A : i1 to vector<16xi1>
    %reduce_max3A_311 = arith.constant -2147483648 : i32
    %reduce_max3A_312 = vector.broadcast %reduce_max3A_311 : i32 to vector<16xi32>
    %reduce_max3A_313 = arith.xori %scan3A_308, %reduce_max3A_312 : vector<16xi32>
    %reduce_max3A_314 = tpu.scan <max>, %reduce_max3A_313 masked %reduce_max3A_310 : vector<16xi32>, vector<16xi1> -> vector<16xi32>
    %reduce_max3A_315 = arith.xori %reduce_max3A_314, %reduce_max3A_312 : vector<16xi32>
    %reduce_max3A_316 = vector.extract %reduce_max3A_315[15] : i32 from vector<16xi32>
    %and3A = arith.constant -16 : i32
    %and3A_317 = arith.andi %reduce_max3A_316, %and3A : i32
    %multiple_of3A_318 = tpu.assume_multiple %and3A_317, 16 : i32
    %get3A_319 = arith.index_cast %multiple_of3A_318 : i32 to index
    %get3A_320 = tpu.vector_load %arg11[%get3A_319] {strides = array<i32>} : memref<20032xi32, #tpu.memory_space<vmem>>, vector<16xi32>,
    %sub3A = arith.subi %reduce_max3A_316, %multiple_of3A_318 : i32
    %lt3A = vector.broadcast %sub3A : i32 to vector<16xi32>
    %lt3A_321 = arith.cmpi slt, %iota3A, %lt3A : vector<16xi32>
    %jit3A = arith.constant 10000 : i32
    %broadcast_in_dim3A_322 = vector.broadcast %jit3A : i32 to vector<16xi32>
    %select_n3A = arith.select %lt3A_321, %get3A_320, %broadcast_in_dim3A_322 : vector<16xi1>, vector<16xi32>
    %swap3A = arith.index_cast %multiple_of3A_318 : i32 to index
    %swap3A_323 = tpu.vector_load %arg11[%swap3A] {strides = array<i32>} : memref<20032xi32, #tpu.memory_space<vmem>>, vector<16xi32>,
    tpu.vector_store %arg11[%swap3A], %select_n3A {strides = array<i32>} : memref<20032xi32, #tpu.memory_space<vmem>>, vector<16xi32>,
    %add3A_324 = arith.constant 15 : i32
    %add3A_325 = arith.addi %reduce_max3A_316, %add3A_324 : i32
    %and3A_326 = arith.constant -16 : i32
    %and3A_327 = arith.andi %add3A_325, %and3A_326 : i32
    "tpu.region"() ({
      %run_scoped3A = tpu.sem_alloc : memref<!tpu.dma_semaphore, #tpu.memory_space<semaphore_mem>>
      %dma_start3A_366 = arith.constant 0 : i32
      %dma_start3A_367 = tpu.memref_slice %arg21[%arg1, %dma_start3A_366] : memref<16x10240xf32, #tpu.memory_space<vmem_shared>> -> memref<1x10240xf32, #tpu.memory_space<vmem_shared>>
      %dma_start3A_368 = tpu.memref_squeeze %dma_start3A_367 : memref<1x10240xf32, #tpu.memory_space<vmem_shared>> -> memref<10240xf32, #tpu.memory_space<vmem_shared>>
      %dma_start3A_369 = arith.constant 0 : i32
      %dma_start3A_370 = tpu.memref_slice %arg21[%arg1, %dma_start3A_369] : memref<16x10240xf32, #tpu.memory_space<vmem_shared>> -> memref<1x10240xf32, #tpu.memory_space<vmem_shared>>
      %dma_start3A_371 = tpu.memref_squeeze %dma_start3A_370 : memref<1x10240xf32, #tpu.memory_space<vmem_shared>> -> memref<10240xf32, #tpu.memory_space<vmem_shared>>
      tpu.enqueue_dma source(%arg10 : memref<10240xf32, #tpu.memory_space<vmem>>) target(%dma_start3A_371 : memref<10240xf32, #tpu.memory_space<vmem_shared>>) target_semaphore(%run_scoped3A : memref<!tpu.dma_semaphore, #tpu.memory_space<semaphore_mem>>)
      %dma_wait3A_372 = arith.constant 0 : i32
      %dma_wait3A_373 = tpu.memref_slice %arg21[%arg1, %dma_wait3A_372] : memref<16x10240xf32, #tpu.memory_space<vmem_shared>> -> memref<1x10240xf32, #tpu.memory_space<vmem_shared>>
      %dma_wait3A_374 = tpu.memref_squeeze %dma_wait3A_373 : memref<1x10240xf32, #tpu.memory_space<vmem_shared>> -> memref<10240xf32, #tpu.memory_space<vmem_shared>>
      %dma_wait3A_375 = arith.constant 0 : i32
      %dma_wait3A_376 = tpu.memref_slice %arg21[%arg1, %dma_wait3A_375] : memref<16x10240xf32, #tpu.memory_space<vmem_shared>> -> memref<1x10240xf32, #tpu.memory_space<vmem_shared>>
      %dma_wait3A_377 = tpu.memref_squeeze %dma_wait3A_376 : memref<1x10240xf32, #tpu.memory_space<vmem_shared>> -> memref<10240xf32, #tpu.memory_space<vmem_shared>>
      tpu.wait_dma2 semaphore(%run_scoped3A : memref<!tpu.dma_semaphore, #tpu.memory_space<semaphore_mem>>) src(%arg10 : memref<10240xf32, #tpu.memory_space<vmem>>) dst(%dma_wait3A_377 : memref<10240xf32, #tpu.memory_space<vmem_shared>>)
      tpu.yield
    }) : () -> ()
    %barrier3A = arith.constant 0 : index
    tpu.barrier barrier_id(%barrier3A)
    %mul3A_328 = arith.constant 640 : i32
    %mul3A_329 = arith.muli %arg1, %mul3A_328 : i32
    %multiple_of3A_330 = tpu.assume_multiple %mul3A_329, 16 : i32
    "tpu.region"() ({
      %run_scoped3A = tpu.sem_alloc : memref<!tpu.dma_semaphore, #tpu.memory_space<semaphore_mem>>
      %dma_start3A_366 = arith.constant 0 : i32
      %dma_start3A_367 = tpu.memref_slice %arg21[%dma_start3A_366, %multiple_of3A_330] : memref<16x10240xf32, #tpu.memory_space<vmem_shared>> -> memref<16x640xf32, #tpu.memory_space<vmem_shared>>
      %dma_start3A_368 = arith.constant 0 : i32
      %dma_start3A_369 = tpu.memref_slice %arg21[%dma_start3A_368, %multiple_of3A_330] : memref<16x10240xf32, #tpu.memory_space<vmem_shared>> -> memref<16x640xf32, #tpu.memory_space<vmem_shared>>
      tpu.enqueue_dma source(%dma_start3A_369 : memref<16x640xf32, #tpu.memory_space<vmem_shared>>) target(%arg12 : memref<16x640xf32, #tpu.memory_space<vmem>>) target_semaphore(%run_scoped3A : memref<!tpu.dma_semaphore, #tpu.memory_space<semaphore_mem>>)
      %dma_wait3A_370 = arith.constant 0 : i32
      %dma_wait3A_371 = tpu.memref_slice %arg21[%dma_wait3A_370, %multiple_of3A_330] : memref<16x10240xf32, #tpu.memory_space<vmem_shared>> -> memref<16x640xf32, #tpu.memory_space<vmem_shared>>
      %dma_wait3A_372 = arith.constant 0 : i32
      %dma_wait3A_373 = tpu.memref_slice %arg21[%dma_wait3A_372, %multiple_of3A_330] : memref<16x10240xf32, #tpu.memory_space<vmem_shared>> -> memref<16x640xf32, #tpu.memory_space<vmem_shared>>
      tpu.wait_dma2 semaphore(%run_scoped3A : memref<!tpu.dma_semaphore, #tpu.memory_space<semaphore_mem>>) src(%dma_wait3A_373 : memref<16x640xf32, #tpu.memory_space<vmem_shared>>) dst(%arg12 : memref<16x640xf32, #tpu.memory_space<vmem>>)
      tpu.yield
    }) : () -> ()
    %scan3A_331 = arith.constant 0 : i32
    %scan3A_332 = arith.constant 0 : i32
    %scan3A_333 = arith.constant 40 : i32
    %scan3A_334 = arith.addi %scan3A_332, %scan3A_333 : i32
    %scan3A_335 = arith.constant 1 : i32
    scf.for %scan3A_366 = %scan3A_332 to %scan3A_334 step %scan3A_335  : i32 {
      %mul3A_367 = arith.constant 16 : i32
      %mul3A_368 = arith.muli %scan3A_366, %mul3A_367 : i32
      %multiple_of3A_369 = tpu.assume_multiple %mul3A_368, 16 : i32
      %get3A_370 = arith.constant 0 : i32
      %get3A_371 = arith.index_cast %get3A_370 : i32 to index
      %get3A_372 = arith.index_cast %multiple_of3A_369 : i32 to index
      %get3A_373 = tpu.vector_load %arg12[%get3A_371, %get3A_372] {strides = array<i32>} : memref<16x640xf32, #tpu.memory_space<vmem>>, vector<16xf32>,
      %add3A_374 = arith.addf %broadcast_in_dim3A_0, %get3A_373 : vector<16xf32>
      %mul3A_375 = arith.constant 16 : i32
      %mul3A_376 = arith.muli %scan3A_366, %mul3A_375 : i32
      %multiple_of3A_377 = tpu.assume_multiple %mul3A_376, 16 : i32
      %get3A_378 = arith.constant 1 : i32
      %get3A_379 = arith.index_cast %get3A_378 : i32 to index
      %get3A_380 = arith.index_cast %multiple_of3A_377 : i32 to index
      %get3A_381 = tpu.vector_load %arg12[%get3A_379, %get3A_380] {strides = array<i32>} : memref<16x640xf32, #tpu.memory_space<vmem>>, vector<16xf32>,
      %add3A_382 = arith.addf %add3A_374, %get3A_381 : vector<16xf32>
      %mul3A_383 = arith.constant 16 : i32
      %mul3A_384 = arith.muli %scan3A_366, %mul3A_383 : i32
      %multiple_of3A_385 = tpu.assume_multiple %mul3A_384, 16 : i32
      %get3A_386 = arith.constant 2 : i32
      %get3A_387 = arith.index_cast %get3A_386 : i32 to index
      %get3A_388 = arith.index_cast %multiple_of3A_385 : i32 to index
      %get3A_389 = tpu.vector_load %arg12[%get3A_387, %get3A_388] {strides = array<i32>} : memref<16x640xf32, #tpu.memory_space<vmem>>, vector<16xf32>,
      %add3A_390 = arith.addf %add3A_382, %get3A_389 : vector<16xf32>
      %mul3A_391 = arith.constant 16 : i32
      %mul3A_392 = arith.muli %scan3A_366, %mul3A_391 : i32
      %multiple_of3A_393 = tpu.assume_multiple %mul3A_392, 16 : i32
      %get3A_394 = arith.constant 3 : i32
      %get3A_395 = arith.index_cast %get3A_394 : i32 to index
      %get3A_396 = arith.index_cast %multiple_of3A_393 : i32 to index
      %get3A_397 = tpu.vector_load %arg12[%get3A_395, %get3A_396] {strides = array<i32>} : memref<16x640xf32, #tpu.memory_space<vmem>>, vector<16xf32>,
      %add3A_398 = arith.addf %add3A_390, %get3A_397 : vector<16xf32>
      %mul3A_399 = arith.constant 16 : i32
      %mul3A_400 = arith.muli %scan3A_366, %mul3A_399 : i32
      %multiple_of3A_401 = tpu.assume_multiple %mul3A_400, 16 : i32
      %get3A_402 = arith.constant 4 : i32
      %get3A_403 = arith.index_cast %get3A_402 : i32 to index
      %get3A_404 = arith.index_cast %multiple_of3A_401 : i32 to index
      %get3A_405 = tpu.vector_load %arg12[%get3A_403, %get3A_404] {strides = array<i32>} : memref<16x640xf32, #tpu.memory_space<vmem>>, vector<16xf32>,
      %add3A_406 = arith.addf %add3A_398, %get3A_405 : vector<16xf32>
      %mul3A_407 = arith.constant 16 : i32
      %mul3A_408 = arith.muli %scan3A_366, %mul3A_407 : i32
      %multiple_of3A_409 = tpu.assume_multiple %mul3A_408, 16 : i32
      %get3A_410 = arith.constant 5 : i32
      %get3A_411 = arith.index_cast %get3A_410 : i32 to index
      %get3A_412 = arith.index_cast %multiple_of3A_409 : i32 to index
      %get3A_413 = tpu.vector_load %arg12[%get3A_411, %get3A_412] {strides = array<i32>} : memref<16x640xf32, #tpu.memory_space<vmem>>, vector<16xf32>,
      %add3A_414 = arith.addf %add3A_406, %get3A_413 : vector<16xf32>
      %mul3A_415 = arith.constant 16 : i32
      %mul3A_416 = arith.muli %scan3A_366, %mul3A_415 : i32
      %multiple_of3A_417 = tpu.assume_multiple %mul3A_416, 16 : i32
      %get3A_418 = arith.constant 6 : i32
      %get3A_419 = arith.index_cast %get3A_418 : i32 to index
      %get3A_420 = arith.index_cast %multiple_of3A_417 : i32 to index
      %get3A_421 = tpu.vector_load %arg12[%get3A_419, %get3A_420] {strides = array<i32>} : memref<16x640xf32, #tpu.memory_space<vmem>>, vector<16xf32>,
      %add3A_422 = arith.addf %add3A_414, %get3A_421 : vector<16xf32>
      %mul3A_423 = arith.constant 16 : i32
      %mul3A_424 = arith.muli %scan3A_366, %mul3A_423 : i32
      %multiple_of3A_425 = tpu.assume_multiple %mul3A_424, 16 : i32
      %get3A_426 = arith.constant 7 : i32
      %get3A_427 = arith.index_cast %get3A_426 : i32 to index
      %get3A_428 = arith.index_cast %multiple_of3A_425 : i32 to index
      %get3A_429 = tpu.vector_load %arg12[%get3A_427, %get3A_428] {strides = array<i32>} : memref<16x640xf32, #tpu.memory_space<vmem>>, vector<16xf32>,
      %add3A_430 = arith.addf %add3A_422, %get3A_429 : vector<16xf32>
      %mul3A_431 = arith.constant 16 : i32
      %mul3A_432 = arith.muli %scan3A_366, %mul3A_431 : i32
      %multiple_of3A_433 = tpu.assume_multiple %mul3A_432, 16 : i32
      %get3A_434 = arith.constant 8 : i32
      %get3A_435 = arith.index_cast %get3A_434 : i32 to index
      %get3A_436 = arith.index_cast %multiple_of3A_433 : i32 to index
      %get3A_437 = tpu.vector_load %arg12[%get3A_435, %get3A_436] {strides = array<i32>} : memref<16x640xf32, #tpu.memory_space<vmem>>, vector<16xf32>,
      %add3A_438 = arith.addf %add3A_430, %get3A_437 : vector<16xf32>
      %mul3A_439 = arith.constant 16 : i32
      %mul3A_440 = arith.muli %scan3A_366, %mul3A_439 : i32
      %multiple_of3A_441 = tpu.assume_multiple %mul3A_440, 16 : i32
      %get3A_442 = arith.constant 9 : i32
      %get3A_443 = arith.index_cast %get3A_442 : i32 to index
      %get3A_444 = arith.index_cast %multiple_of3A_441 : i32 to index
      %get3A_445 = tpu.vector_load %arg12[%get3A_443, %get3A_444] {strides = array<i32>} : memref<16x640xf32, #tpu.memory_space<vmem>>, vector<16xf32>,
      %add3A_446 = arith.addf %add3A_438, %get3A_445 : vector<16xf32>
      %mul3A_447 = arith.constant 16 : i32
      %mul3A_448 = arith.muli %scan3A_366, %mul3A_447 : i32
      %multiple_of3A_449 = tpu.assume_multiple %mul3A_448, 16 : i32
      %get3A_450 = arith.constant 10 : i32
      %get3A_451 = arith.index_cast %get3A_450 : i32 to index
      %get3A_452 = arith.index_cast %multiple_of3A_449 : i32 to index
      %get3A_453 = tpu.vector_load %arg12[%get3A_451, %get3A_452] {strides = array<i32>} : memref<16x640xf32, #tpu.memory_space<vmem>>, vector<16xf32>,
      %add3A_454 = arith.addf %add3A_446, %get3A_453 : vector<16xf32>
      %mul3A_455 = arith.constant 16 : i32
      %mul3A_456 = arith.muli %scan3A_366, %mul3A_455 : i32
      %multiple_of3A_457 = tpu.assume_multiple %mul3A_456, 16 : i32
      %get3A_458 = arith.constant 11 : i32
      %get3A_459 = arith.index_cast %get3A_458 : i32 to index
      %get3A_460 = arith.index_cast %multiple_of3A_457 : i32 to index
      %get3A_461 = tpu.vector_load %arg12[%get3A_459, %get3A_460] {strides = array<i32>} : memref<16x640xf32, #tpu.memory_space<vmem>>, vector<16xf32>,
      %add3A_462 = arith.addf %add3A_454, %get3A_461 : vector<16xf32>
      %mul3A_463 = arith.constant 16 : i32
      %mul3A_464 = arith.muli %scan3A_366, %mul3A_463 : i32
      %multiple_of3A_465 = tpu.assume_multiple %mul3A_464, 16 : i32
      %get3A_466 = arith.constant 12 : i32
      %get3A_467 = arith.index_cast %get3A_466 : i32 to index
      %get3A_468 = arith.index_cast %multiple_of3A_465 : i32 to index
      %get3A_469 = tpu.vector_load %arg12[%get3A_467, %get3A_468] {strides = array<i32>} : memref<16x640xf32, #tpu.memory_space<vmem>>, vector<16xf32>,
      %add3A_470 = arith.addf %add3A_462, %get3A_469 : vector<16xf32>
      %mul3A_471 = arith.constant 16 : i32
      %mul3A_472 = arith.muli %scan3A_366, %mul3A_471 : i32
      %multiple_of3A_473 = tpu.assume_multiple %mul3A_472, 16 : i32
      %get3A_474 = arith.constant 13 : i32
      %get3A_475 = arith.index_cast %get3A_474 : i32 to index
      %get3A_476 = arith.index_cast %multiple_of3A_473 : i32 to index
      %get3A_477 = tpu.vector_load %arg12[%get3A_475, %get3A_476] {strides = array<i32>} : memref<16x640xf32, #tpu.memory_space<vmem>>, vector<16xf32>,
      %add3A_478 = arith.addf %add3A_470, %get3A_477 : vector<16xf32>
      %mul3A_479 = arith.constant 16 : i32
      %mul3A_480 = arith.muli %scan3A_366, %mul3A_479 : i32
      %multiple_of3A_481 = tpu.assume_multiple %mul3A_480, 16 : i32
      %get3A_482 = arith.constant 14 : i32
      %get3A_483 = arith.index_cast %get3A_482 : i32 to index
      %get3A_484 = arith.index_cast %multiple_of3A_481 : i32 to index
      %get3A_485 = tpu.vector_load %arg12[%get3A_483, %get3A_484] {strides = array<i32>} : memref<16x640xf32, #tpu.memory_space<vmem>>, vector<16xf32>,
      %add3A_486 = arith.addf %add3A_478, %get3A_485 : vector<16xf32>
      %mul3A_487 = arith.constant 16 : i32
      %mul3A_488 = arith.muli %scan3A_366, %mul3A_487 : i32
      %multiple_of3A_489 = tpu.assume_multiple %mul3A_488, 16 : i32
      %get3A_490 = arith.constant 15 : i32
      %get3A_491 = arith.index_cast %get3A_490 : i32 to index
      %get3A_492 = arith.index_cast %multiple_of3A_489 : i32 to index
      %get3A_493 = tpu.vector_load %arg12[%get3A_491, %get3A_492] {strides = array<i32>} : memref<16x640xf32, #tpu.memory_space<vmem>>, vector<16xf32>,
      %add3A_494 = arith.addf %add3A_486, %get3A_493 : vector<16xf32>
      %mul3A_495 = arith.constant 16 : i32
      %mul3A_496 = arith.muli %scan3A_366, %mul3A_495 : i32
      %multiple_of3A_497 = tpu.assume_multiple %mul3A_496, 16 : i32
      %swap3A_498 = arith.index_cast %multiple_of3A_497 : i32 to index
      %swap3A_499 = tpu.vector_load %arg13[%swap3A_498] {strides = array<i32>} : memref<640xf32, #tpu.memory_space<vmem>>, vector<16xf32>,
      tpu.vector_store %arg13[%swap3A_498], %add3A_494 {strides = array<i32>} : memref<640xf32, #tpu.memory_space<vmem>>, vector<16xf32>,
    }
    %scan3A_336 = arith.constant 40 : i32
    %mul3A_337 = arith.constant 640 : i32
    %mul3A_338 = arith.muli %arg1, %mul3A_337 : i32
    %multiple_of3A_339 = tpu.assume_multiple %mul3A_338, 16 : i32
    "tpu.region"() ({
      %run_scoped3A = tpu.sem_alloc : memref<!tpu.dma_semaphore, #tpu.memory_space<semaphore_mem>>
      %dma_start3A_366 = tpu.memref_slice %arg22[%multiple_of3A_339] : memref<10240xf32, #tpu.memory_space<vmem_shared>> -> memref<640xf32, #tpu.memory_space<vmem_shared>>
      %dma_start3A_367 = tpu.memref_slice %arg22[%multiple_of3A_339] : memref<10240xf32, #tpu.memory_space<vmem_shared>> -> memref<640xf32, #tpu.memory_space<vmem_shared>>
      tpu.enqueue_dma source(%arg13 : memref<640xf32, #tpu.memory_space<vmem>>) target(%dma_start3A_367 : memref<640xf32, #tpu.memory_space<vmem_shared>>) target_semaphore(%run_scoped3A : memref<!tpu.dma_semaphore, #tpu.memory_space<semaphore_mem>>)
      %dma_wait3A_368 = tpu.memref_slice %arg22[%multiple_of3A_339] : memref<10240xf32, #tpu.memory_space<vmem_shared>> -> memref<640xf32, #tpu.memory_space<vmem_shared>>
      %dma_wait3A_369 = tpu.memref_slice %arg22[%multiple_of3A_339] : memref<10240xf32, #tpu.memory_space<vmem_shared>> -> memref<640xf32, #tpu.memory_space<vmem_shared>>
      tpu.wait_dma2 semaphore(%run_scoped3A : memref<!tpu.dma_semaphore, #tpu.memory_space<semaphore_mem>>) src(%arg13 : memref<640xf32, #tpu.memory_space<vmem>>) dst(%dma_wait3A_369 : memref<640xf32, #tpu.memory_space<vmem_shared>>)
      tpu.yield
    }) : () -> ()
    %barrier3A_340 = arith.constant 0 : index
    tpu.barrier barrier_id(%barrier3A_340)
    "tpu.region"() ({
      %run_scoped3A = tpu.sem_alloc : memref<!tpu.dma_semaphore, #tpu.memory_space<semaphore_mem>>
      tpu.enqueue_dma source(%arg22 : memref<10240xf32, #tpu.memory_space<vmem_shared>>) target(%arg15 : memref<10240xf32, #tpu.memory_space<vmem>>) target_semaphore(%run_scoped3A : memref<!tpu.dma_semaphore, #tpu.memory_space<semaphore_mem>>)
      tpu.wait_dma2 semaphore(%run_scoped3A : memref<!tpu.dma_semaphore, #tpu.memory_space<semaphore_mem>>) src(%arg22 : memref<10240xf32, #tpu.memory_space<vmem_shared>>) dst(%arg15 : memref<10240xf32, #tpu.memory_space<vmem>>)
      tpu.yield
    }) : () -> ()
    %swap3A_341 = arith.constant 0 : index
    %swap3A_342 = tpu.vector_load %arg20[%swap3A_341] {strides = array<i32>} : memref<128xf32, #tpu.memory_space<vmem>>, vector<16xf32>,
    tpu.vector_store %arg20[%swap3A_341], %broadcast_in_dim3A_0 {strides = array<i32>} : memref<128xf32, #tpu.memory_space<vmem>>, vector<16xf32>,
    %swap3A_343 = arith.constant 16 : index
    %swap3A_344 = tpu.vector_load %arg20[%swap3A_343] {strides = array<i32>} : memref<128xf32, #tpu.memory_space<vmem>>, vector<16xf32>,
    tpu.vector_store %arg20[%swap3A_343], %broadcast_in_dim3A_0 {strides = array<i32>} : memref<128xf32, #tpu.memory_space<vmem>>, vector<16xf32>,
    %swap3A_345 = arith.constant 32 : index
    %swap3A_346 = tpu.vector_load %arg20[%swap3A_345] {strides = array<i32>} : memref<128xf32, #tpu.memory_space<vmem>>, vector<16xf32>,
    tpu.vector_store %arg20[%swap3A_345], %broadcast_in_dim3A_0 {strides = array<i32>} : memref<128xf32, #tpu.memory_space<vmem>>, vector<16xf32>,
    %swap3A_347 = arith.constant 48 : index
    %swap3A_348 = tpu.vector_load %arg20[%swap3A_347] {strides = array<i32>} : memref<128xf32, #tpu.memory_space<vmem>>, vector<16xf32>,
    tpu.vector_store %arg20[%swap3A_347], %broadcast_in_dim3A_0 {strides = array<i32>} : memref<128xf32, #tpu.memory_space<vmem>>, vector<16xf32>,
    %swap3A_349 = arith.constant 64 : index
    %swap3A_350 = tpu.vector_load %arg20[%swap3A_349] {strides = array<i32>} : memref<128xf32, #tpu.memory_space<vmem>>, vector<16xf32>,
    tpu.vector_store %arg20[%swap3A_349], %broadcast_in_dim3A_0 {strides = array<i32>} : memref<128xf32, #tpu.memory_space<vmem>>, vector<16xf32>,
    %swap3A_351 = arith.constant 80 : index
    %swap3A_352 = tpu.vector_load %arg20[%swap3A_351] {strides = array<i32>} : memref<128xf32, #tpu.memory_space<vmem>>, vector<16xf32>,
    tpu.vector_store %arg20[%swap3A_351], %broadcast_in_dim3A_0 {strides = array<i32>} : memref<128xf32, #tpu.memory_space<vmem>>, vector<16xf32>,
    %swap3A_353 = arith.constant 96 : index
    %swap3A_354 = tpu.vector_load %arg20[%swap3A_353] {strides = array<i32>} : memref<128xf32, #tpu.memory_space<vmem>>, vector<16xf32>,
    tpu.vector_store %arg20[%swap3A_353], %broadcast_in_dim3A_0 {strides = array<i32>} : memref<128xf32, #tpu.memory_space<vmem>>, vector<16xf32>,
    %swap3A_355 = arith.constant 112 : index
    %swap3A_356 = tpu.vector_load %arg20[%swap3A_355] {strides = array<i32>} : memref<128xf32, #tpu.memory_space<vmem>>, vector<16xf32>,
    tpu.vector_store %arg20[%swap3A_355], %broadcast_in_dim3A_0 {strides = array<i32>} : memref<128xf32, #tpu.memory_space<vmem>>, vector<16xf32>,
    %scan3A_357 = arith.constant 0 : i32
    %scan3A_358 = arith.constant 0 : i32
    %scan3A_359 = arith.constant 1251 : i32
    %scan3A_360 = arith.addi %scan3A_358, %scan3A_359 : i32
    %scan3A_361 = arith.constant 1 : i32
    scf.for %scan3A_366 = %scan3A_358 to %scan3A_360 step %scan3A_361  : i32 {
      %mul3A_367 = arith.constant 16 : i32
      %mul3A_368 = arith.muli %scan3A_366, %mul3A_367 : i32
      %lt3A_369 = arith.cmpi slt, %mul3A_368, %and3A_327 : i32
      %convert_element_type3A_370 = arith.extui %lt3A_369 : i1 to i32
      %cond3A_371 = arith.constant 0 : i32
      %cond3A_372 = arith.cmpi ne, %convert_element_type3A_370, %cond3A_371 : i32
      scf.if %cond3A_372 {
        %add3A_373 = arith.constant 0 : i32
        %add3A_374 = arith.addi %mul3A_368, %add3A_373 : i32
        %multiple_of3A_375 = tpu.assume_multiple %add3A_374, 16 : i32
        %get3A_376 = arith.index_cast %multiple_of3A_375 : i32 to index
        %get3A_377 = tpu.vector_load %arg11[%get3A_376] {strides = array<i32>} : memref<20032xi32, #tpu.memory_space<vmem>>, vector<16xi32>,
        %add3A_378 = arith.constant 0 : i32
        %add3A_379 = arith.addi %mul3A_368, %add3A_378 : i32
        %add3A_380 = vector.broadcast %add3A_379 : i32 to vector<16xi32>
        %add3A_381 = arith.addi %iota3A, %add3A_380 : vector<16xi32>
        %lt3A_382 = vector.broadcast %and3A_327 : i32 to vector<16xi32>
        %lt3A_383 = arith.cmpi slt, %add3A_381, %lt3A_382 : vector<16xi32>
        %ge3A = arith.constant 0 : i32
        %ge3A_384 = vector.broadcast %ge3A : i32 to vector<16xi32>
        %ge3A_385 = arith.cmpi sge, %get3A_377, %ge3A_384 : vector<16xi32>
        %and3A_386 = arith.andi %lt3A_383, %ge3A_385 : vector<16xi1>
        %lt3A_387 = arith.constant 10000 : i32
        %lt3A_388 = vector.broadcast %lt3A_387 : i32 to vector<16xi32>
        %lt3A_389 = arith.cmpi slt, %get3A_377, %lt3A_388 : vector<16xi32>
        %and3A_390 = arith.andi %and3A_386, %lt3A_389 : vector<16xi1>
        %jit3A_391 = arith.constant 0 : i32
        %broadcast_in_dim3A_392 = vector.broadcast %jit3A_391 : i32 to vector<16xi32>
        %select_n3A_393 = arith.select %and3A_390, %get3A_377, %broadcast_in_dim3A_392 : vector<16xi1>, vector<16xi32>
        %swap3A_394 = arith.constant 0 : index
        %swap3A_395 = tpu.vector_load %arg16[%swap3A_394] {strides = array<i32>} : memref<16xi32, #tpu.memory_space<vmem>>, vector<16xi32>,
        tpu.vector_store %arg16[%swap3A_394], %select_n3A_393 {strides = array<i32>} : memref<16xi32, #tpu.memory_space<vmem>>, vector<16xi32>,
        %gather3A = tpu.vector_load_idx %arg15[%select_n3A_393] : memref<10240xf32, #tpu.memory_space<vmem>>[vector<16xi32>], vector<16xf32>,
        %add3A_396 = arith.constant 1.000000e+00 : f32
        %add3A_397 = vector.broadcast %add3A_396 : f32 to vector<16xf32>
        %add3A_398 = arith.addf %gather3A, %add3A_397 : vector<16xf32>
        %bitcast3A = vector.bitcast %add3A_398 : vector<16xf32> to vector<16xi32>
        %shift_right_arithmetic3A = arith.constant 1 : i32
        %shift_right_arithmetic3A_399 = vector.broadcast %shift_right_arithmetic3A : i32 to vector<16xi32>
        %shift_right_arithmetic3A_400 = arith.shrsi %bitcast3A, %shift_right_arithmetic3A_399 : vector<16xi32>
        %sub3A_401 = arith.constant 1597463007 : i32
        %sub3A_402 = vector.broadcast %sub3A_401 : i32 to vector<16xi32>
        %sub3A_403 = arith.subi %sub3A_402, %shift_right_arithmetic3A_400 : vector<16xi32>
        %bitcast3A_404 = vector.bitcast %sub3A_403 : vector<16xi32> to vector<16xf32>
        %mul3A_405 = arith.constant 5.000000e-01 : f32
        %mul3A_406 = vector.broadcast %mul3A_405 : f32 to vector<16xf32>
        %mul3A_407 = arith.mulf %mul3A_406, %add3A_398 : vector<16xf32>
        %mul3A_408 = arith.mulf %mul3A_407, %bitcast3A_404 : vector<16xf32>
        %mul3A_409 = arith.mulf %mul3A_408, %bitcast3A_404 : vector<16xf32>
        %sub3A_410 = arith.constant 1.500000e+00 : f32
        %sub3A_411 = vector.broadcast %sub3A_410 : f32 to vector<16xf32>
        %sub3A_412 = arith.subf %sub3A_411, %mul3A_409 : vector<16xf32>
        %mul3A_413 = arith.mulf %bitcast3A_404, %sub3A_412 : vector<16xf32>
        %mul3A_414 = arith.constant 5.000000e-01 : f32
        %mul3A_415 = vector.broadcast %mul3A_414 : f32 to vector<16xf32>
        %mul3A_416 = arith.mulf %mul3A_415, %add3A_398 : vector<16xf32>
        %mul3A_417 = arith.mulf %mul3A_416, %mul3A_413 : vector<16xf32>
        %mul3A_418 = arith.mulf %mul3A_417, %mul3A_413 : vector<16xf32>
        %sub3A_419 = arith.constant 1.500000e+00 : f32
        %sub3A_420 = vector.broadcast %sub3A_419 : f32 to vector<16xf32>
        %sub3A_421 = arith.subf %sub3A_420, %mul3A_418 : vector<16xf32>
        %mul3A_422 = arith.mulf %mul3A_413, %sub3A_421 : vector<16xf32>
        %mul3A_423 = arith.constant 5.000000e-01 : f32
        %mul3A_424 = vector.broadcast %mul3A_423 : f32 to vector<16xf32>
        %mul3A_425 = arith.mulf %mul3A_424, %add3A_398 : vector<16xf32>
        %mul3A_426 = arith.mulf %mul3A_425, %mul3A_422 : vector<16xf32>
        %mul3A_427 = arith.mulf %mul3A_426, %mul3A_422 : vector<16xf32>
        %sub3A_428 = arith.constant 1.500000e+00 : f32
        %sub3A_429 = vector.broadcast %sub3A_428 : f32 to vector<16xf32>
        %sub3A_430 = arith.subf %sub3A_429, %mul3A_427 : vector<16xf32>
        %mul3A_431 = arith.mulf %mul3A_422, %sub3A_430 : vector<16xf32>
        %jit3A_432 = arith.constant 0.000000e+00 : f32
        %broadcast_in_dim3A_433 = vector.broadcast %jit3A_432 : f32 to vector<16xf32>
        %select_n3A_434 = arith.select %and3A_390, %mul3A_431, %broadcast_in_dim3A_433 : vector<16xi1>, vector<16xf32>
        %swap3A_435 = arith.constant 0 : index
        %swap3A_436 = tpu.vector_load %arg17[%swap3A_435] {strides = array<i32>} : memref<16xf32, #tpu.memory_space<vmem>>, vector<16xf32>,
        tpu.vector_store %arg17[%swap3A_435], %select_n3A_434 {strides = array<i32>} : memref<16xf32, #tpu.memory_space<vmem>>, vector<16xf32>,
        %dma_start3A_437 = arith.constant 0 : i32
        %dma_start3A_438 = arith.constant 0 : i32
        %dma_start3A_439 = tpu.memref_slice %arg3[%dma_start3A_437, %dma_start3A_438] : memref<10000x128xf32, #tpu.memory_space<hbm>> -> memref<10000x128xf32, #tpu.memory_space<hbm>>
        tpu.enqueue_indirect_dma source(%dma_start3A_439 : memref<10000x128xf32, #tpu.memory_space<hbm>>) target(%arg18 : memref<16x128xf32, #tpu.memory_space<vmem>>) offsets(%arg16 : memref<16xi32, #tpu.memory_space<vmem>>) semaphore(%arg25 : memref<!tpu.dma_semaphore, #tpu.memory_space<semaphore_mem>>)
        %dma_wait3A_440 = arith.constant 0 : i32
        %dma_wait3A_441 = arith.constant 0 : i32
        %dma_wait3A_442 = tpu.memref_slice %arg3[%dma_wait3A_440, %dma_wait3A_441] : memref<10000x128xf32, #tpu.memory_space<hbm>> -> memref<10000x128xf32, #tpu.memory_space<hbm>>
        tpu.wait_indirect_dma semaphore(%arg25 : memref<!tpu.dma_semaphore, #tpu.memory_space<semaphore_mem>>) src(%dma_wait3A_442 : memref<10000x128xf32, #tpu.memory_space<hbm>>) dst(%arg18 : memref<16x128xf32, #tpu.memory_space<vmem>>)
        %get3A_443 = arith.constant 0 : index
        %get3A_444 = tpu.vector_load %arg20[%get3A_443] {strides = array<i32>} : memref<128xf32, #tpu.memory_space<vmem>>, vector<16xf32>,
        %get3A_445 = arith.constant 16 : index
        %get3A_446 = tpu.vector_load %arg20[%get3A_445] {strides = array<i32>} : memref<128xf32, #tpu.memory_space<vmem>>, vector<16xf32>,
        %get3A_447 = arith.constant 32 : index
        %get3A_448 = tpu.vector_load %arg20[%get3A_447] {strides = array<i32>} : memref<128xf32, #tpu.memory_space<vmem>>, vector<16xf32>,
        %get3A_449 = arith.constant 48 : index
        %get3A_450 = tpu.vector_load %arg20[%get3A_449] {strides = array<i32>} : memref<128xf32, #tpu.memory_space<vmem>>, vector<16xf32>,
        %get3A_451 = arith.constant 64 : index
        %get3A_452 = tpu.vector_load %arg20[%get3A_451] {strides = array<i32>} : memref<128xf32, #tpu.memory_space<vmem>>, vector<16xf32>,
        %get3A_453 = arith.constant 80 : index
        %get3A_454 = tpu.vector_load %arg20[%get3A_453] {strides = array<i32>} : memref<128xf32, #tpu.memory_space<vmem>>, vector<16xf32>,
        %get3A_455 = arith.constant 96 : index
        %get3A_456 = tpu.vector_load %arg20[%get3A_455] {strides = array<i32>} : memref<128xf32, #tpu.memory_space<vmem>>, vector<16xf32>,
        %get3A_457 = arith.constant 112 : index
        %get3A_458 = tpu.vector_load %arg20[%get3A_457] {strides = array<i32>} : memref<128xf32, #tpu.memory_space<vmem>>, vector<16xf32>,
        %scan3A_459 = arith.constant 0 : i32
        %scan3A_460 = arith.constant 16 : i32
        %scan3A_461 = arith.addi %scan3A_459, %scan3A_460 : i32
        %scan3A_462 = arith.constant 1 : i32
        %scan3A_463:8 = scf.for %scan3A_481 = %scan3A_459 to %scan3A_461 step %scan3A_462 iter_args(%scan3A_482 = %get3A_444, %scan3A_483 = %get3A_446, %scan3A_484 = %get3A_448, %scan3A_485 = %get3A_450, %scan3A_486 = %get3A_452, %scan3A_487 = %get3A_454, %scan3A_488 = %get3A_456, %scan3A_489 = %get3A_458) -> (vector<16xf32>, vector<16xf32>, vector<16xf32>, vector<16xf32>, vector<16xf32>, vector<16xf32>, vector<16xf32>, vector<16xf32>)  : i32 {
          %add3A_490 = vector.broadcast %scan3A_481 : i32 to vector<16xi32>
          %add3A_491 = arith.addi %broadcast_in_dim3A_4, %add3A_490 : vector<16xi32>
          %gather3A_492 = tpu.vector_load_idx %arg17[%add3A_491] : memref<16xf32, #tpu.memory_space<vmem>>[vector<16xi32>], vector<16xf32>,
          %get3A_493 = arith.index_cast %scan3A_481 : i32 to index
          %get3A_494 = arith.constant 0 : index
          %get3A_495 = tpu.vector_load %arg18[%get3A_493, %get3A_494] {strides = array<i32>} : memref<16x128xf32, #tpu.memory_space<vmem>>, vector<16xf32>,
          %mul3A_496 = arith.mulf %get3A_495, %gather3A_492 : vector<16xf32>
          %add3A_497 = arith.addf %scan3A_482, %mul3A_496 : vector<16xf32>
          %get3A_498 = arith.index_cast %scan3A_481 : i32 to index
          %get3A_499 = arith.constant 16 : index
          %get3A_500 = tpu.vector_load %arg18[%get3A_498, %get3A_499] {strides = array<i32>} : memref<16x128xf32, #tpu.memory_space<vmem>>, vector<16xf32>,
          %mul3A_501 = arith.mulf %get3A_500, %gather3A_492 : vector<16xf32>
          %add3A_502 = arith.addf %scan3A_483, %mul3A_501 : vector<16xf32>
          %get3A_503 = arith.index_cast %scan3A_481 : i32 to index
          %get3A_504 = arith.constant 32 : index
          %get3A_505 = tpu.vector_load %arg18[%get3A_503, %get3A_504] {strides = array<i32>} : memref<16x128xf32, #tpu.memory_space<vmem>>, vector<16xf32>,
          %mul3A_506 = arith.mulf %get3A_505, %gather3A_492 : vector<16xf32>
          %add3A_507 = arith.addf %scan3A_484, %mul3A_506 : vector<16xf32>
          %get3A_508 = arith.index_cast %scan3A_481 : i32 to index
          %get3A_509 = arith.constant 48 : index
          %get3A_510 = tpu.vector_load %arg18[%get3A_508, %get3A_509] {strides = array<i32>} : memref<16x128xf32, #tpu.memory_space<vmem>>, vector<16xf32>,
          %mul3A_511 = arith.mulf %get3A_510, %gather3A_492 : vector<16xf32>
          %add3A_512 = arith.addf %scan3A_485, %mul3A_511 : vector<16xf32>
          %get3A_513 = arith.index_cast %scan3A_481 : i32 to index
          %get3A_514 = arith.constant 64 : index
          %get3A_515 = tpu.vector_load %arg18[%get3A_513, %get3A_514] {strides = array<i32>} : memref<16x128xf32, #tpu.memory_space<vmem>>, vector<16xf32>,
          %mul3A_516 = arith.mulf %get3A_515, %gather3A_492 : vector<16xf32>
          %add3A_517 = arith.addf %scan3A_486, %mul3A_516 : vector<16xf32>
          %get3A_518 = arith.index_cast %scan3A_481 : i32 to index
          %get3A_519 = arith.constant 80 : index
          %get3A_520 = tpu.vector_load %arg18[%get3A_518, %get3A_519] {strides = array<i32>} : memref<16x128xf32, #tpu.memory_space<vmem>>, vector<16xf32>,
          %mul3A_521 = arith.mulf %get3A_520, %gather3A_492 : vector<16xf32>
          %add3A_522 = arith.addf %scan3A_487, %mul3A_521 : vector<16xf32>
          %get3A_523 = arith.index_cast %scan3A_481 : i32 to index
          %get3A_524 = arith.constant 96 : index
          %get3A_525 = tpu.vector_load %arg18[%get3A_523, %get3A_524] {strides = array<i32>} : memref<16x128xf32, #tpu.memory_space<vmem>>, vector<16xf32>,
          %mul3A_526 = arith.mulf %get3A_525, %gather3A_492 : vector<16xf32>
          %add3A_527 = arith.addf %scan3A_488, %mul3A_526 : vector<16xf32>
          %get3A_528 = arith.index_cast %scan3A_481 : i32 to index
          %get3A_529 = arith.constant 112 : index
          %get3A_530 = tpu.vector_load %arg18[%get3A_528, %get3A_529] {strides = array<i32>} : memref<16x128xf32, #tpu.memory_space<vmem>>, vector<16xf32>,
          %mul3A_531 = arith.mulf %get3A_530, %gather3A_492 : vector<16xf32>
          %add3A_532 = arith.addf %scan3A_489, %mul3A_531 : vector<16xf32>
          scf.yield %add3A_497, %add3A_502, %add3A_507, %add3A_512, %add3A_517, %add3A_522, %add3A_527, %add3A_532 : vector<16xf32>, vector<16xf32>, vector<16xf32>, vector<16xf32>, vector<16xf32>, vector<16xf32>, vector<16xf32>, vector<16xf32>
        }
        %scan3A_464 = arith.constant 16 : i32
        %swap3A_465 = arith.constant 0 : index
        %swap3A_466 = tpu.vector_load %arg20[%swap3A_465] {strides = array<i32>} : memref<128xf32, #tpu.memory_space<vmem>>, vector<16xf32>,
        tpu.vector_store %arg20[%swap3A_465], %scan3A_463#0 {strides = array<i32>} : memref<128xf32, #tpu.memory_space<vmem>>, vector<16xf32>,
        %swap3A_467 = arith.constant 16 : index
        %swap3A_468 = tpu.vector_load %arg20[%swap3A_467] {strides = array<i32>} : memref<128xf32, #tpu.memory_space<vmem>>, vector<16xf32>,
        tpu.vector_store %arg20[%swap3A_467], %scan3A_463#1 {strides = array<i32>} : memref<128xf32, #tpu.memory_space<vmem>>, vector<16xf32>,
        %swap3A_469 = arith.constant 32 : index
        %swap3A_470 = tpu.vector_load %arg20[%swap3A_469] {strides = array<i32>} : memref<128xf32, #tpu.memory_space<vmem>>, vector<16xf32>,
        tpu.vector_store %arg20[%swap3A_469], %scan3A_463#2 {strides = array<i32>} : memref<128xf32, #tpu.memory_space<vmem>>, vector<16xf32>,
        %swap3A_471 = arith.constant 48 : index
        %swap3A_472 = tpu.vector_load %arg20[%swap3A_471] {strides = array<i32>} : memref<128xf32, #tpu.memory_space<vmem>>, vector<16xf32>,
        tpu.vector_store %arg20[%swap3A_471], %scan3A_463#3 {strides = array<i32>} : memref<128xf32, #tpu.memory_space<vmem>>, vector<16xf32>,
        %swap3A_473 = arith.constant 64 : index
        %swap3A_474 = tpu.vector_load %arg20[%swap3A_473] {strides = array<i32>} : memref<128xf32, #tpu.memory_space<vmem>>, vector<16xf32>,
        tpu.vector_store %arg20[%swap3A_473], %scan3A_463#4 {strides = array<i32>} : memref<128xf32, #tpu.memory_space<vmem>>, vector<16xf32>,
        %swap3A_475 = arith.constant 80 : index
        %swap3A_476 = tpu.vector_load %arg20[%swap3A_475] {strides = array<i32>} : memref<128xf32, #tpu.memory_space<vmem>>, vector<16xf32>,
        tpu.vector_store %arg20[%swap3A_475], %scan3A_463#5 {strides = array<i32>} : memref<128xf32, #tpu.memory_space<vmem>>, vector<16xf32>,
        %swap3A_477 = arith.constant 96 : index
        %swap3A_478 = tpu.vector_load %arg20[%swap3A_477] {strides = array<i32>} : memref<128xf32, #tpu.memory_space<vmem>>, vector<16xf32>,
        tpu.vector_store %arg20[%swap3A_477], %scan3A_463#6 {strides = array<i32>} : memref<128xf32, #tpu.memory_space<vmem>>, vector<16xf32>,
        %swap3A_479 = arith.constant 112 : index
        %swap3A_480 = tpu.vector_load %arg20[%swap3A_479] {strides = array<i32>} : memref<128xf32, #tpu.memory_space<vmem>>, vector<16xf32>,
        tpu.vector_store %arg20[%swap3A_479], %scan3A_463#7 {strides = array<i32>} : memref<128xf32, #tpu.memory_space<vmem>>, vector<16xf32>,
      } else {
      }
    }
    %scan3A_362 = arith.constant 1251 : i32
    "tpu.region"() ({
      %run_scoped3A = tpu.sem_alloc : memref<!tpu.dma_semaphore, #tpu.memory_space<semaphore_mem>>
      %dma_start3A_366 = arith.constant 0 : i32
      %dma_start3A_367 = tpu.memref_slice %arg23[%arg1, %dma_start3A_366] : memref<16x128xf32, #tpu.memory_space<vmem_shared>> -> memref<1x128xf32, #tpu.memory_space<vmem_shared>>
      %dma_start3A_368 = tpu.memref_squeeze %dma_start3A_367 : memref<1x128xf32, #tpu.memory_space<vmem_shared>> -> memref<128xf32, #tpu.memory_space<vmem_shared>>
      %dma_start3A_369 = arith.constant 0 : i32
      %dma_start3A_370 = tpu.memref_slice %arg23[%arg1, %dma_start3A_369] : memref<16x128xf32, #tpu.memory_space<vmem_shared>> -> memref<1x128xf32, #tpu.memory_space<vmem_shared>>
      %dma_start3A_371 = tpu.memref_squeeze %dma_start3A_370 : memref<1x128xf32, #tpu.memory_space<vmem_shared>> -> memref<128xf32, #tpu.memory_space<vmem_shared>>
      tpu.enqueue_dma source(%arg20 : memref<128xf32, #tpu.memory_space<vmem>>) target(%dma_start3A_371 : memref<128xf32, #tpu.memory_space<vmem_shared>>) target_semaphore(%run_scoped3A : memref<!tpu.dma_semaphore, #tpu.memory_space<semaphore_mem>>)
      %dma_wait3A_372 = arith.constant 0 : i32
      %dma_wait3A_373 = tpu.memref_slice %arg23[%arg1, %dma_wait3A_372] : memref<16x128xf32, #tpu.memory_space<vmem_shared>> -> memref<1x128xf32, #tpu.memory_space<vmem_shared>>
      %dma_wait3A_374 = tpu.memref_squeeze %dma_wait3A_373 : memref<1x128xf32, #tpu.memory_space<vmem_shared>> -> memref<128xf32, #tpu.memory_space<vmem_shared>>
      %dma_wait3A_375 = arith.constant 0 : i32
      %dma_wait3A_376 = tpu.memref_slice %arg23[%arg1, %dma_wait3A_375] : memref<16x128xf32, #tpu.memory_space<vmem_shared>> -> memref<1x128xf32, #tpu.memory_space<vmem_shared>>
      %dma_wait3A_377 = tpu.memref_squeeze %dma_wait3A_376 : memref<1x128xf32, #tpu.memory_space<vmem_shared>> -> memref<128xf32, #tpu.memory_space<vmem_shared>>
      tpu.wait_dma2 semaphore(%run_scoped3A : memref<!tpu.dma_semaphore, #tpu.memory_space<semaphore_mem>>) src(%arg20 : memref<128xf32, #tpu.memory_space<vmem>>) dst(%dma_wait3A_377 : memref<128xf32, #tpu.memory_space<vmem_shared>>)
      tpu.yield
    }) : () -> ()
    %barrier3A_363 = arith.constant 0 : index
    tpu.barrier barrier_id(%barrier3A_363)
    %eq3A = arith.constant 0 : i32
    %eq3A_364 = arith.cmpi eq, %arg1, %eq3A : i32
    %convert_element_type3A = arith.extui %eq3A_364 : i1 to i32
    %cond3A = arith.constant 0 : i32
    %cond3A_365 = arith.cmpi ne, %convert_element_type3A, %cond3A : i32
    scf.if %cond3A_365 {
      %gather3A = tpu.vector_load_idx %arg15[%get3A_6] : memref<10240xf32, #tpu.memory_space<vmem>>[vector<16xi32>], vector<16xf32>,
      %add3A_366 = arith.constant 1.000000e+00 : f32
      %add3A_367 = vector.broadcast %add3A_366 : f32 to vector<16xf32>
      %add3A_368 = arith.addf %gather3A, %add3A_367 : vector<16xf32>
      %bitcast3A = vector.bitcast %add3A_368 : vector<16xf32> to vector<16xi32>
      %shift_right_arithmetic3A = arith.constant 1 : i32
      %shift_right_arithmetic3A_369 = vector.broadcast %shift_right_arithmetic3A : i32 to vector<16xi32>
      %shift_right_arithmetic3A_370 = arith.shrsi %bitcast3A, %shift_right_arithmetic3A_369 : vector<16xi32>
      %sub3A_371 = arith.constant 1597463007 : i32
      %sub3A_372 = vector.broadcast %sub3A_371 : i32 to vector<16xi32>
      %sub3A_373 = arith.subi %sub3A_372, %shift_right_arithmetic3A_370 : vector<16xi32>
      %bitcast3A_374 = vector.bitcast %sub3A_373 : vector<16xi32> to vector<16xf32>
      %mul3A_375 = arith.constant 5.000000e-01 : f32
      %mul3A_376 = vector.broadcast %mul3A_375 : f32 to vector<16xf32>
      %mul3A_377 = arith.mulf %mul3A_376, %add3A_368 : vector<16xf32>
      %mul3A_378 = arith.mulf %mul3A_377, %bitcast3A_374 : vector<16xf32>
      %mul3A_379 = arith.mulf %mul3A_378, %bitcast3A_374 : vector<16xf32>
      %sub3A_380 = arith.constant 1.500000e+00 : f32
      %sub3A_381 = vector.broadcast %sub3A_380 : f32 to vector<16xf32>
      %sub3A_382 = arith.subf %sub3A_381, %mul3A_379 : vector<16xf32>
      %mul3A_383 = arith.mulf %bitcast3A_374, %sub3A_382 : vector<16xf32>
      %mul3A_384 = arith.constant 5.000000e-01 : f32
      %mul3A_385 = vector.broadcast %mul3A_384 : f32 to vector<16xf32>
      %mul3A_386 = arith.mulf %mul3A_385, %add3A_368 : vector<16xf32>
      %mul3A_387 = arith.mulf %mul3A_386, %mul3A_383 : vector<16xf32>
      %mul3A_388 = arith.mulf %mul3A_387, %mul3A_383 : vector<16xf32>
      %sub3A_389 = arith.constant 1.500000e+00 : f32
      %sub3A_390 = vector.broadcast %sub3A_389 : f32 to vector<16xf32>
      %sub3A_391 = arith.subf %sub3A_390, %mul3A_388 : vector<16xf32>
      %mul3A_392 = arith.mulf %mul3A_383, %sub3A_391 : vector<16xf32>
      %mul3A_393 = arith.constant 5.000000e-01 : f32
      %mul3A_394 = vector.broadcast %mul3A_393 : f32 to vector<16xf32>
      %mul3A_395 = arith.mulf %mul3A_394, %add3A_368 : vector<16xf32>
      %mul3A_396 = arith.mulf %mul3A_395, %mul3A_392 : vector<16xf32>
      %mul3A_397 = arith.mulf %mul3A_396, %mul3A_392 : vector<16xf32>
      %sub3A_398 = arith.constant 1.500000e+00 : f32
      %sub3A_399 = vector.broadcast %sub3A_398 : f32 to vector<16xf32>
      %sub3A_400 = arith.subf %sub3A_399, %mul3A_397 : vector<16xf32>
      %mul3A_401 = arith.mulf %mul3A_392, %sub3A_400 : vector<16xf32>
      %dma_start3A_402 = arith.constant 0 : i32
      %dma_start3A_403 = arith.constant 0 : i32
      %dma_start3A_404 = tpu.memref_slice %arg3[%dma_start3A_402, %dma_start3A_403] : memref<10000x128xf32, #tpu.memory_space<hbm>> -> memref<10000x128xf32, #tpu.memory_space<hbm>>
      tpu.enqueue_indirect_dma source(%dma_start3A_404 : memref<10000x128xf32, #tpu.memory_space<hbm>>) target(%arg19 : memref<16x128xf32, #tpu.memory_space<vmem>>) offsets(%arg14 : memref<16xi32, #tpu.memory_space<vmem>>) semaphore(%arg24 : memref<!tpu.dma_semaphore, #tpu.memory_space<semaphore_mem>>)
      %dma_wait3A_405 = arith.constant 0 : i32
      %dma_wait3A_406 = arith.constant 0 : i32
      %dma_wait3A_407 = tpu.memref_slice %arg3[%dma_wait3A_405, %dma_wait3A_406] : memref<10000x128xf32, #tpu.memory_space<hbm>> -> memref<10000x128xf32, #tpu.memory_space<hbm>>
      tpu.wait_indirect_dma semaphore(%arg24 : memref<!tpu.dma_semaphore, #tpu.memory_space<semaphore_mem>>) src(%dma_wait3A_407 : memref<10000x128xf32, #tpu.memory_space<hbm>>) dst(%arg19 : memref<16x128xf32, #tpu.memory_space<vmem>>)
      "tpu.region"() ({
        %run_scoped3A = tpu.sem_alloc : memref<!tpu.dma_semaphore, #tpu.memory_space<semaphore_mem>>
        %dma_start3A_1120 = arith.constant 0 : i32
        %dma_start3A_1121 = arith.constant 0 : i32
        %dma_start3A_1122 = tpu.memref_slice %arg18[%dma_start3A_1120, %dma_start3A_1121] : memref<16x128xf32, #tpu.memory_space<vmem>> -> memref<16x128xf32, #tpu.memory_space<vmem>>
        %dma_start3A_1123 = arith.constant 0 : i32
        %dma_start3A_1124 = arith.constant 0 : i32
        %dma_start3A_1125 = tpu.memref_slice %arg18[%dma_start3A_1123, %dma_start3A_1124] : memref<16x128xf32, #tpu.memory_space<vmem>> -> memref<16x128xf32, #tpu.memory_space<vmem>>
        tpu.enqueue_dma source(%arg23 : memref<16x128xf32, #tpu.memory_space<vmem_shared>>) target(%dma_start3A_1125 : memref<16x128xf32, #tpu.memory_space<vmem>>) target_semaphore(%run_scoped3A : memref<!tpu.dma_semaphore, #tpu.memory_space<semaphore_mem>>)
        %dma_wait3A_1126 = arith.constant 0 : i32
        %dma_wait3A_1127 = arith.constant 0 : i32
        %dma_wait3A_1128 = tpu.memref_slice %arg18[%dma_wait3A_1126, %dma_wait3A_1127] : memref<16x128xf32, #tpu.memory_space<vmem>> -> memref<16x128xf32, #tpu.memory_space<vmem>>
        %dma_wait3A_1129 = arith.constant 0 : i32
        %dma_wait3A_1130 = arith.constant 0 : i32
        %dma_wait3A_1131 = tpu.memref_slice %arg18[%dma_wait3A_1129, %dma_wait3A_1130] : memref<16x128xf32, #tpu.memory_space<vmem>> -> memref<16x128xf32, #tpu.memory_space<vmem>>
        tpu.wait_dma2 semaphore(%run_scoped3A : memref<!tpu.dma_semaphore, #tpu.memory_space<semaphore_mem>>) src(%arg23 : memref<16x128xf32, #tpu.memory_space<vmem_shared>>) dst(%dma_wait3A_1131 : memref<16x128xf32, #tpu.memory_space<vmem>>)
        tpu.yield
      }) : () -> ()
      %get3A_408 = arith.constant 0 : i32
      %get3A_409 = arith.index_cast %get3A_408 : i32 to index
      %get3A_410 = arith.constant 0 : index
      %get3A_411 = tpu.vector_load %arg18[%get3A_409, %get3A_410] {strides = array<i32>} : memref<16x128xf32, #tpu.memory_space<vmem>>, vector<16xf32>,
      %add3A_412 = arith.addf %broadcast_in_dim3A_0, %get3A_411 : vector<16xf32>
      %get3A_413 = arith.constant 1 : i32
      %get3A_414 = arith.index_cast %get3A_413 : i32 to index
      %get3A_415 = arith.constant 0 : index
      %get3A_416 = tpu.vector_load %arg18[%get3A_414, %get3A_415] {strides = array<i32>} : memref<16x128xf32, #tpu.memory_space<vmem>>, vector<16xf32>,
      %add3A_417 = arith.addf %add3A_412, %get3A_416 : vector<16xf32>
      %get3A_418 = arith.constant 2 : i32
      %get3A_419 = arith.index_cast %get3A_418 : i32 to index
      %get3A_420 = arith.constant 0 : index
      %get3A_421 = tpu.vector_load %arg18[%get3A_419, %get3A_420] {strides = array<i32>} : memref<16x128xf32, #tpu.memory_space<vmem>>, vector<16xf32>,
      %add3A_422 = arith.addf %add3A_417, %get3A_421 : vector<16xf32>
      %get3A_423 = arith.constant 3 : i32
      %get3A_424 = arith.index_cast %get3A_423 : i32 to index
      %get3A_425 = arith.constant 0 : index
      %get3A_426 = tpu.vector_load %arg18[%get3A_424, %get3A_425] {strides = array<i32>} : memref<16x128xf32, #tpu.memory_space<vmem>>, vector<16xf32>,
      %add3A_427 = arith.addf %add3A_422, %get3A_426 : vector<16xf32>
      %get3A_428 = arith.constant 4 : i32
      %get3A_429 = arith.index_cast %get3A_428 : i32 to index
      %get3A_430 = arith.constant 0 : index
      %get3A_431 = tpu.vector_load %arg18[%get3A_429, %get3A_430] {strides = array<i32>} : memref<16x128xf32, #tpu.memory_space<vmem>>, vector<16xf32>,
      %add3A_432 = arith.addf %add3A_427, %get3A_431 : vector<16xf32>
      %get3A_433 = arith.constant 5 : i32
      %get3A_434 = arith.index_cast %get3A_433 : i32 to index
      %get3A_435 = arith.constant 0 : index
      %get3A_436 = tpu.vector_load %arg18[%get3A_434, %get3A_435] {strides = array<i32>} : memref<16x128xf32, #tpu.memory_space<vmem>>, vector<16xf32>,
      %add3A_437 = arith.addf %add3A_432, %get3A_436 : vector<16xf32>
      %get3A_438 = arith.constant 6 : i32
      %get3A_439 = arith.index_cast %get3A_438 : i32 to index
      %get3A_440 = arith.constant 0 : index
      %get3A_441 = tpu.vector_load %arg18[%get3A_439, %get3A_440] {strides = array<i32>} : memref<16x128xf32, #tpu.memory_space<vmem>>, vector<16xf32>,
      %add3A_442 = arith.addf %add3A_437, %get3A_441 : vector<16xf32>
      %get3A_443 = arith.constant 7 : i32
      %get3A_444 = arith.index_cast %get3A_443 : i32 to index
      %get3A_445 = arith.constant 0 : index
      %get3A_446 = tpu.vector_load %arg18[%get3A_444, %get3A_445] {strides = array<i32>} : memref<16x128xf32, #tpu.memory_space<vmem>>, vector<16xf32>,
      %add3A_447 = arith.addf %add3A_442, %get3A_446 : vector<16xf32>
      %get3A_448 = arith.constant 8 : i32
      %get3A_449 = arith.index_cast %get3A_448 : i32 to index
      %get3A_450 = arith.constant 0 : index
      %get3A_451 = tpu.vector_load %arg18[%get3A_449, %get3A_450] {strides = array<i32>} : memref<16x128xf32, #tpu.memory_space<vmem>>, vector<16xf32>,
      %add3A_452 = arith.addf %add3A_447, %get3A_451 : vector<16xf32>
      %get3A_453 = arith.constant 9 : i32
      %get3A_454 = arith.index_cast %get3A_453 : i32 to index
      %get3A_455 = arith.constant 0 : index
      %get3A_456 = tpu.vector_load %arg18[%get3A_454, %get3A_455] {strides = array<i32>} : memref<16x128xf32, #tpu.memory_space<vmem>>, vector<16xf32>,
      %add3A_457 = arith.addf %add3A_452, %get3A_456 : vector<16xf32>
      %get3A_458 = arith.constant 10 : i32
      %get3A_459 = arith.index_cast %get3A_458 : i32 to index
      %get3A_460 = arith.constant 0 : index
      %get3A_461 = tpu.vector_load %arg18[%get3A_459, %get3A_460] {strides = array<i32>} : memref<16x128xf32, #tpu.memory_space<vmem>>, vector<16xf32>,
      %add3A_462 = arith.addf %add3A_457, %get3A_461 : vector<16xf32>
      %get3A_463 = arith.constant 11 : i32
      %get3A_464 = arith.index_cast %get3A_463 : i32 to index
      %get3A_465 = arith.constant 0 : index
      %get3A_466 = tpu.vector_load %arg18[%get3A_464, %get3A_465] {strides = array<i32>} : memref<16x128xf32, #tpu.memory_space<vmem>>, vector<16xf32>,
      %add3A_467 = arith.addf %add3A_462, %get3A_466 : vector<16xf32>
      %get3A_468 = arith.constant 12 : i32
      %get3A_469 = arith.index_cast %get3A_468 : i32 to index
      %get3A_470 = arith.constant 0 : index
      %get3A_471 = tpu.vector_load %arg18[%get3A_469, %get3A_470] {strides = array<i32>} : memref<16x128xf32, #tpu.memory_space<vmem>>, vector<16xf32>,
      %add3A_472 = arith.addf %add3A_467, %get3A_471 : vector<16xf32>
      %get3A_473 = arith.constant 13 : i32
      %get3A_474 = arith.index_cast %get3A_473 : i32 to index
      %get3A_475 = arith.constant 0 : index
      %get3A_476 = tpu.vector_load %arg18[%get3A_474, %get3A_475] {strides = array<i32>} : memref<16x128xf32, #tpu.memory_space<vmem>>, vector<16xf32>,
      %add3A_477 = arith.addf %add3A_472, %get3A_476 : vector<16xf32>
      %get3A_478 = arith.constant 14 : i32
      %get3A_479 = arith.index_cast %get3A_478 : i32 to index
      %get3A_480 = arith.constant 0 : index
      %get3A_481 = tpu.vector_load %arg18[%get3A_479, %get3A_480] {strides = array<i32>} : memref<16x128xf32, #tpu.memory_space<vmem>>, vector<16xf32>,
      %add3A_482 = arith.addf %add3A_477, %get3A_481 : vector<16xf32>
      %get3A_483 = arith.constant 15 : i32
      %get3A_484 = arith.index_cast %get3A_483 : i32 to index
      %get3A_485 = arith.constant 0 : index
      %get3A_486 = tpu.vector_load %arg18[%get3A_484, %get3A_485] {strides = array<i32>} : memref<16x128xf32, #tpu.memory_space<vmem>>, vector<16xf32>,
      %add3A_487 = arith.addf %add3A_482, %get3A_486 : vector<16xf32>
      %get3A_488 = arith.constant 0 : i32
      %get3A_489 = arith.index_cast %get3A_488 : i32 to index
      %get3A_490 = arith.constant 0 : index
      %get3A_491 = tpu.vector_load %arg19[%get3A_489, %get3A_490] {strides = array<i32>} : memref<16x128xf32, #tpu.memory_space<vmem>>, vector<16xf32>,
      %mul3A_492 = arith.mulf %mul3A_401, %get3A_491 : vector<16xf32>
      %add3A_493 = arith.addf %add3A_487, %mul3A_492 : vector<16xf32>
      %mul3A_494 = arith.mulf %mul3A_401, %add3A_493 : vector<16xf32>
      %swap3A_495 = arith.constant 0 : index
      %swap3A_496 = tpu.vector_load %arg20[%swap3A_495] {strides = array<i32>} : memref<128xf32, #tpu.memory_space<vmem>>, vector<16xf32>,
      tpu.vector_store %arg20[%swap3A_495], %mul3A_494 {strides = array<i32>} : memref<128xf32, #tpu.memory_space<vmem>>, vector<16xf32>,
      %get3A_497 = arith.constant 0 : i32
      %get3A_498 = arith.index_cast %get3A_497 : i32 to index
      %get3A_499 = arith.constant 16 : index
      %get3A_500 = tpu.vector_load %arg18[%get3A_498, %get3A_499] {strides = array<i32>} : memref<16x128xf32, #tpu.memory_space<vmem>>, vector<16xf32>,
      %add3A_501 = arith.addf %broadcast_in_dim3A_0, %get3A_500 : vector<16xf32>
      %get3A_502 = arith.constant 1 : i32
      %get3A_503 = arith.index_cast %get3A_502 : i32 to index
      %get3A_504 = arith.constant 16 : index
      %get3A_505 = tpu.vector_load %arg18[%get3A_503, %get3A_504] {strides = array<i32>} : memref<16x128xf32, #tpu.memory_space<vmem>>, vector<16xf32>,
      %add3A_506 = arith.addf %add3A_501, %get3A_505 : vector<16xf32>
      %get3A_507 = arith.constant 2 : i32
      %get3A_508 = arith.index_cast %get3A_507 : i32 to index
      %get3A_509 = arith.constant 16 : index
      %get3A_510 = tpu.vector_load %arg18[%get3A_508, %get3A_509] {strides = array<i32>} : memref<16x128xf32, #tpu.memory_space<vmem>>, vector<16xf32>,
      %add3A_511 = arith.addf %add3A_506, %get3A_510 : vector<16xf32>
      %get3A_512 = arith.constant 3 : i32
      %get3A_513 = arith.index_cast %get3A_512 : i32 to index
      %get3A_514 = arith.constant 16 : index
      %get3A_515 = tpu.vector_load %arg18[%get3A_513, %get3A_514] {strides = array<i32>} : memref<16x128xf32, #tpu.memory_space<vmem>>, vector<16xf32>,
      %add3A_516 = arith.addf %add3A_511, %get3A_515 : vector<16xf32>
      %get3A_517 = arith.constant 4 : i32
      %get3A_518 = arith.index_cast %get3A_517 : i32 to index
      %get3A_519 = arith.constant 16 : index
      %get3A_520 = tpu.vector_load %arg18[%get3A_518, %get3A_519] {strides = array<i32>} : memref<16x128xf32, #tpu.memory_space<vmem>>, vector<16xf32>,
      %add3A_521 = arith.addf %add3A_516, %get3A_520 : vector<16xf32>
      %get3A_522 = arith.constant 5 : i32
      %get3A_523 = arith.index_cast %get3A_522 : i32 to index
      %get3A_524 = arith.constant 16 : index
      %get3A_525 = tpu.vector_load %arg18[%get3A_523, %get3A_524] {strides = array<i32>} : memref<16x128xf32, #tpu.memory_space<vmem>>, vector<16xf32>,
      %add3A_526 = arith.addf %add3A_521, %get3A_525 : vector<16xf32>
      %get3A_527 = arith.constant 6 : i32
      %get3A_528 = arith.index_cast %get3A_527 : i32 to index
      %get3A_529 = arith.constant 16 : index
      %get3A_530 = tpu.vector_load %arg18[%get3A_528, %get3A_529] {strides = array<i32>} : memref<16x128xf32, #tpu.memory_space<vmem>>, vector<16xf32>,
      %add3A_531 = arith.addf %add3A_526, %get3A_530 : vector<16xf32>
      %get3A_532 = arith.constant 7 : i32
      %get3A_533 = arith.index_cast %get3A_532 : i32 to index
      %get3A_534 = arith.constant 16 : index
      %get3A_535 = tpu.vector_load %arg18[%get3A_533, %get3A_534] {strides = array<i32>} : memref<16x128xf32, #tpu.memory_space<vmem>>, vector<16xf32>,
      %add3A_536 = arith.addf %add3A_531, %get3A_535 : vector<16xf32>
      %get3A_537 = arith.constant 8 : i32
      %get3A_538 = arith.index_cast %get3A_537 : i32 to index
      %get3A_539 = arith.constant 16 : index
      %get3A_540 = tpu.vector_load %arg18[%get3A_538, %get3A_539] {strides = array<i32>} : memref<16x128xf32, #tpu.memory_space<vmem>>, vector<16xf32>,
      %add3A_541 = arith.addf %add3A_536, %get3A_540 : vector<16xf32>
      %get3A_542 = arith.constant 9 : i32
      %get3A_543 = arith.index_cast %get3A_542 : i32 to index
      %get3A_544 = arith.constant 16 : index
      %get3A_545 = tpu.vector_load %arg18[%get3A_543, %get3A_544] {strides = array<i32>} : memref<16x128xf32, #tpu.memory_space<vmem>>, vector<16xf32>,
      %add3A_546 = arith.addf %add3A_541, %get3A_545 : vector<16xf32>
      %get3A_547 = arith.constant 10 : i32
      %get3A_548 = arith.index_cast %get3A_547 : i32 to index
      %get3A_549 = arith.constant 16 : index
      %get3A_550 = tpu.vector_load %arg18[%get3A_548, %get3A_549] {strides = array<i32>} : memref<16x128xf32, #tpu.memory_space<vmem>>, vector<16xf32>,
      %add3A_551 = arith.addf %add3A_546, %get3A_550 : vector<16xf32>
      %get3A_552 = arith.constant 11 : i32
      %get3A_553 = arith.index_cast %get3A_552 : i32 to index
      %get3A_554 = arith.constant 16 : index
      %get3A_555 = tpu.vector_load %arg18[%get3A_553, %get3A_554] {strides = array<i32>} : memref<16x128xf32, #tpu.memory_space<vmem>>, vector<16xf32>,
      %add3A_556 = arith.addf %add3A_551, %get3A_555 : vector<16xf32>
      %get3A_557 = arith.constant 12 : i32
      %get3A_558 = arith.index_cast %get3A_557 : i32 to index
      %get3A_559 = arith.constant 16 : index
      %get3A_560 = tpu.vector_load %arg18[%get3A_558, %get3A_559] {strides = array<i32>} : memref<16x128xf32, #tpu.memory_space<vmem>>, vector<16xf32>,
      %add3A_561 = arith.addf %add3A_556, %get3A_560 : vector<16xf32>
      %get3A_562 = arith.constant 13 : i32
      %get3A_563 = arith.index_cast %get3A_562 : i32 to index
      %get3A_564 = arith.constant 16 : index
      %get3A_565 = tpu.vector_load %arg18[%get3A_563, %get3A_564] {strides = array<i32>} : memref<16x128xf32, #tpu.memory_space<vmem>>, vector<16xf32>,
      %add3A_566 = arith.addf %add3A_561, %get3A_565 : vector<16xf32>
      %get3A_567 = arith.constant 14 : i32
      %get3A_568 = arith.index_cast %get3A_567 : i32 to index
      %get3A_569 = arith.constant 16 : index
      %get3A_570 = tpu.vector_load %arg18[%get3A_568, %get3A_569] {strides = array<i32>} : memref<16x128xf32, #tpu.memory_space<vmem>>, vector<16xf32>,
      %add3A_571 = arith.addf %add3A_566, %get3A_570 : vector<16xf32>
      %get3A_572 = arith.constant 15 : i32
      %get3A_573 = arith.index_cast %get3A_572 : i32 to index
      %get3A_574 = arith.constant 16 : index
      %get3A_575 = tpu.vector_load %arg18[%get3A_573, %get3A_574] {strides = array<i32>} : memref<16x128xf32, #tpu.memory_space<vmem>>, vector<16xf32>,
      %add3A_576 = arith.addf %add3A_571, %get3A_575 : vector<16xf32>
      %get3A_577 = arith.constant 0 : i32
      %get3A_578 = arith.index_cast %get3A_577 : i32 to index
      %get3A_579 = arith.constant 16 : index
      %get3A_580 = tpu.vector_load %arg19[%get3A_578, %get3A_579] {strides = array<i32>} : memref<16x128xf32, #tpu.memory_space<vmem>>, vector<16xf32>,
      %mul3A_581 = arith.mulf %mul3A_401, %get3A_580 : vector<16xf32>
      %add3A_582 = arith.addf %add3A_576, %mul3A_581 : vector<16xf32>
      %mul3A_583 = arith.mulf %mul3A_401, %add3A_582 : vector<16xf32>
      %swap3A_584 = arith.constant 16 : index
      %swap3A_585 = tpu.vector_load %arg20[%swap3A_584] {strides = array<i32>} : memref<128xf32, #tpu.memory_space<vmem>>, vector<16xf32>,
      tpu.vector_store %arg20[%swap3A_584], %mul3A_583 {strides = array<i32>} : memref<128xf32, #tpu.memory_space<vmem>>, vector<16xf32>,
      %get3A_586 = arith.constant 0 : i32
      %get3A_587 = arith.index_cast %get3A_586 : i32 to index
      %get3A_588 = arith.constant 32 : index
      %get3A_589 = tpu.vector_load %arg18[%get3A_587, %get3A_588] {strides = array<i32>} : memref<16x128xf32, #tpu.memory_space<vmem>>, vector<16xf32>,
      %add3A_590 = arith.addf %broadcast_in_dim3A_0, %get3A_589 : vector<16xf32>
      %get3A_591 = arith.constant 1 : i32
      %get3A_592 = arith.index_cast %get3A_591 : i32 to index
      %get3A_593 = arith.constant 32 : index
      %get3A_594 = tpu.vector_load %arg18[%get3A_592, %get3A_593] {strides = array<i32>} : memref<16x128xf32, #tpu.memory_space<vmem>>, vector<16xf32>,
      %add3A_595 = arith.addf %add3A_590, %get3A_594 : vector<16xf32>
      %get3A_596 = arith.constant 2 : i32
      %get3A_597 = arith.index_cast %get3A_596 : i32 to index
      %get3A_598 = arith.constant 32 : index
      %get3A_599 = tpu.vector_load %arg18[%get3A_597, %get3A_598] {strides = array<i32>} : memref<16x128xf32, #tpu.memory_space<vmem>>, vector<16xf32>,
      %add3A_600 = arith.addf %add3A_595, %get3A_599 : vector<16xf32>
      %get3A_601 = arith.constant 3 : i32
      %get3A_602 = arith.index_cast %get3A_601 : i32 to index
      %get3A_603 = arith.constant 32 : index
      %get3A_604 = tpu.vector_load %arg18[%get3A_602, %get3A_603] {strides = array<i32>} : memref<16x128xf32, #tpu.memory_space<vmem>>, vector<16xf32>,
      %add3A_605 = arith.addf %add3A_600, %get3A_604 : vector<16xf32>
      %get3A_606 = arith.constant 4 : i32
      %get3A_607 = arith.index_cast %get3A_606 : i32 to index
      %get3A_608 = arith.constant 32 : index
      %get3A_609 = tpu.vector_load %arg18[%get3A_607, %get3A_608] {strides = array<i32>} : memref<16x128xf32, #tpu.memory_space<vmem>>, vector<16xf32>,
      %add3A_610 = arith.addf %add3A_605, %get3A_609 : vector<16xf32>
      %get3A_611 = arith.constant 5 : i32
      %get3A_612 = arith.index_cast %get3A_611 : i32 to index
      %get3A_613 = arith.constant 32 : index
      %get3A_614 = tpu.vector_load %arg18[%get3A_612, %get3A_613] {strides = array<i32>} : memref<16x128xf32, #tpu.memory_space<vmem>>, vector<16xf32>,
      %add3A_615 = arith.addf %add3A_610, %get3A_614 : vector<16xf32>
      %get3A_616 = arith.constant 6 : i32
      %get3A_617 = arith.index_cast %get3A_616 : i32 to index
      %get3A_618 = arith.constant 32 : index
      %get3A_619 = tpu.vector_load %arg18[%get3A_617, %get3A_618] {strides = array<i32>} : memref<16x128xf32, #tpu.memory_space<vmem>>, vector<16xf32>,
      %add3A_620 = arith.addf %add3A_615, %get3A_619 : vector<16xf32>
      %get3A_621 = arith.constant 7 : i32
      %get3A_622 = arith.index_cast %get3A_621 : i32 to index
      %get3A_623 = arith.constant 32 : index
      %get3A_624 = tpu.vector_load %arg18[%get3A_622, %get3A_623] {strides = array<i32>} : memref<16x128xf32, #tpu.memory_space<vmem>>, vector<16xf32>,
      %add3A_625 = arith.addf %add3A_620, %get3A_624 : vector<16xf32>
      %get3A_626 = arith.constant 8 : i32
      %get3A_627 = arith.index_cast %get3A_626 : i32 to index
      %get3A_628 = arith.constant 32 : index
      %get3A_629 = tpu.vector_load %arg18[%get3A_627, %get3A_628] {strides = array<i32>} : memref<16x128xf32, #tpu.memory_space<vmem>>, vector<16xf32>,
      %add3A_630 = arith.addf %add3A_625, %get3A_629 : vector<16xf32>
      %get3A_631 = arith.constant 9 : i32
      %get3A_632 = arith.index_cast %get3A_631 : i32 to index
      %get3A_633 = arith.constant 32 : index
      %get3A_634 = tpu.vector_load %arg18[%get3A_632, %get3A_633] {strides = array<i32>} : memref<16x128xf32, #tpu.memory_space<vmem>>, vector<16xf32>,
      %add3A_635 = arith.addf %add3A_630, %get3A_634 : vector<16xf32>
      %get3A_636 = arith.constant 10 : i32
      %get3A_637 = arith.index_cast %get3A_636 : i32 to index
      %get3A_638 = arith.constant 32 : index
      %get3A_639 = tpu.vector_load %arg18[%get3A_637, %get3A_638] {strides = array<i32>} : memref<16x128xf32, #tpu.memory_space<vmem>>, vector<16xf32>,
      %add3A_640 = arith.addf %add3A_635, %get3A_639 : vector<16xf32>
      %get3A_641 = arith.constant 11 : i32
      %get3A_642 = arith.index_cast %get3A_641 : i32 to index
      %get3A_643 = arith.constant 32 : index
      %get3A_644 = tpu.vector_load %arg18[%get3A_642, %get3A_643] {strides = array<i32>} : memref<16x128xf32, #tpu.memory_space<vmem>>, vector<16xf32>,
      %add3A_645 = arith.addf %add3A_640, %get3A_644 : vector<16xf32>
      %get3A_646 = arith.constant 12 : i32
      %get3A_647 = arith.index_cast %get3A_646 : i32 to index
      %get3A_648 = arith.constant 32 : index
      %get3A_649 = tpu.vector_load %arg18[%get3A_647, %get3A_648] {strides = array<i32>} : memref<16x128xf32, #tpu.memory_space<vmem>>, vector<16xf32>,
      %add3A_650 = arith.addf %add3A_645, %get3A_649 : vector<16xf32>
      %get3A_651 = arith.constant 13 : i32
      %get3A_652 = arith.index_cast %get3A_651 : i32 to index
      %get3A_653 = arith.constant 32 : index
      %get3A_654 = tpu.vector_load %arg18[%get3A_652, %get3A_653] {strides = array<i32>} : memref<16x128xf32, #tpu.memory_space<vmem>>, vector<16xf32>,
      %add3A_655 = arith.addf %add3A_650, %get3A_654 : vector<16xf32>
      %get3A_656 = arith.constant 14 : i32
      %get3A_657 = arith.index_cast %get3A_656 : i32 to index
      %get3A_658 = arith.constant 32 : index
      %get3A_659 = tpu.vector_load %arg18[%get3A_657, %get3A_658] {strides = array<i32>} : memref<16x128xf32, #tpu.memory_space<vmem>>, vector<16xf32>,
      %add3A_660 = arith.addf %add3A_655, %get3A_659 : vector<16xf32>
      %get3A_661 = arith.constant 15 : i32
      %get3A_662 = arith.index_cast %get3A_661 : i32 to index
      %get3A_663 = arith.constant 32 : index
      %get3A_664 = tpu.vector_load %arg18[%get3A_662, %get3A_663] {strides = array<i32>} : memref<16x128xf32, #tpu.memory_space<vmem>>, vector<16xf32>,
      %add3A_665 = arith.addf %add3A_660, %get3A_664 : vector<16xf32>
      %get3A_666 = arith.constant 0 : i32
      %get3A_667 = arith.index_cast %get3A_666 : i32 to index
      %get3A_668 = arith.constant 32 : index
      %get3A_669 = tpu.vector_load %arg19[%get3A_667, %get3A_668] {strides = array<i32>} : memref<16x128xf32, #tpu.memory_space<vmem>>, vector<16xf32>,
      %mul3A_670 = arith.mulf %mul3A_401, %get3A_669 : vector<16xf32>
      %add3A_671 = arith.addf %add3A_665, %mul3A_670 : vector<16xf32>
      %mul3A_672 = arith.mulf %mul3A_401, %add3A_671 : vector<16xf32>
      %swap3A_673 = arith.constant 32 : index
      %swap3A_674 = tpu.vector_load %arg20[%swap3A_673] {strides = array<i32>} : memref<128xf32, #tpu.memory_space<vmem>>, vector<16xf32>,
      tpu.vector_store %arg20[%swap3A_673], %mul3A_672 {strides = array<i32>} : memref<128xf32, #tpu.memory_space<vmem>>, vector<16xf32>,
      %get3A_675 = arith.constant 0 : i32
      %get3A_676 = arith.index_cast %get3A_675 : i32 to index
      %get3A_677 = arith.constant 48 : index
      %get3A_678 = tpu.vector_load %arg18[%get3A_676, %get3A_677] {strides = array<i32>} : memref<16x128xf32, #tpu.memory_space<vmem>>, vector<16xf32>,
      %add3A_679 = arith.addf %broadcast_in_dim3A_0, %get3A_678 : vector<16xf32>
      %get3A_680 = arith.constant 1 : i32
      %get3A_681 = arith.index_cast %get3A_680 : i32 to index
      %get3A_682 = arith.constant 48 : index
      %get3A_683 = tpu.vector_load %arg18[%get3A_681, %get3A_682] {strides = array<i32>} : memref<16x128xf32, #tpu.memory_space<vmem>>, vector<16xf32>,
      %add3A_684 = arith.addf %add3A_679, %get3A_683 : vector<16xf32>
      %get3A_685 = arith.constant 2 : i32
      %get3A_686 = arith.index_cast %get3A_685 : i32 to index
      %get3A_687 = arith.constant 48 : index
      %get3A_688 = tpu.vector_load %arg18[%get3A_686, %get3A_687] {strides = array<i32>} : memref<16x128xf32, #tpu.memory_space<vmem>>, vector<16xf32>,
      %add3A_689 = arith.addf %add3A_684, %get3A_688 : vector<16xf32>
      %get3A_690 = arith.constant 3 : i32
      %get3A_691 = arith.index_cast %get3A_690 : i32 to index
      %get3A_692 = arith.constant 48 : index
      %get3A_693 = tpu.vector_load %arg18[%get3A_691, %get3A_692] {strides = array<i32>} : memref<16x128xf32, #tpu.memory_space<vmem>>, vector<16xf32>,
      %add3A_694 = arith.addf %add3A_689, %get3A_693 : vector<16xf32>
      %get3A_695 = arith.constant 4 : i32
      %get3A_696 = arith.index_cast %get3A_695 : i32 to index
      %get3A_697 = arith.constant 48 : index
      %get3A_698 = tpu.vector_load %arg18[%get3A_696, %get3A_697] {strides = array<i32>} : memref<16x128xf32, #tpu.memory_space<vmem>>, vector<16xf32>,
      %add3A_699 = arith.addf %add3A_694, %get3A_698 : vector<16xf32>
      %get3A_700 = arith.constant 5 : i32
      %get3A_701 = arith.index_cast %get3A_700 : i32 to index
      %get3A_702 = arith.constant 48 : index
      %get3A_703 = tpu.vector_load %arg18[%get3A_701, %get3A_702] {strides = array<i32>} : memref<16x128xf32, #tpu.memory_space<vmem>>, vector<16xf32>,
      %add3A_704 = arith.addf %add3A_699, %get3A_703 : vector<16xf32>
      %get3A_705 = arith.constant 6 : i32
      %get3A_706 = arith.index_cast %get3A_705 : i32 to index
      %get3A_707 = arith.constant 48 : index
      %get3A_708 = tpu.vector_load %arg18[%get3A_706, %get3A_707] {strides = array<i32>} : memref<16x128xf32, #tpu.memory_space<vmem>>, vector<16xf32>,
      %add3A_709 = arith.addf %add3A_704, %get3A_708 : vector<16xf32>
      %get3A_710 = arith.constant 7 : i32
      %get3A_711 = arith.index_cast %get3A_710 : i32 to index
      %get3A_712 = arith.constant 48 : index
      %get3A_713 = tpu.vector_load %arg18[%get3A_711, %get3A_712] {strides = array<i32>} : memref<16x128xf32, #tpu.memory_space<vmem>>, vector<16xf32>,
      %add3A_714 = arith.addf %add3A_709, %get3A_713 : vector<16xf32>
      %get3A_715 = arith.constant 8 : i32
      %get3A_716 = arith.index_cast %get3A_715 : i32 to index
      %get3A_717 = arith.constant 48 : index
      %get3A_718 = tpu.vector_load %arg18[%get3A_716, %get3A_717] {strides = array<i32>} : memref<16x128xf32, #tpu.memory_space<vmem>>, vector<16xf32>,
      %add3A_719 = arith.addf %add3A_714, %get3A_718 : vector<16xf32>
      %get3A_720 = arith.constant 9 : i32
      %get3A_721 = arith.index_cast %get3A_720 : i32 to index
      %get3A_722 = arith.constant 48 : index
      %get3A_723 = tpu.vector_load %arg18[%get3A_721, %get3A_722] {strides = array<i32>} : memref<16x128xf32, #tpu.memory_space<vmem>>, vector<16xf32>,
      %add3A_724 = arith.addf %add3A_719, %get3A_723 : vector<16xf32>
      %get3A_725 = arith.constant 10 : i32
      %get3A_726 = arith.index_cast %get3A_725 : i32 to index
      %get3A_727 = arith.constant 48 : index
      %get3A_728 = tpu.vector_load %arg18[%get3A_726, %get3A_727] {strides = array<i32>} : memref<16x128xf32, #tpu.memory_space<vmem>>, vector<16xf32>,
      %add3A_729 = arith.addf %add3A_724, %get3A_728 : vector<16xf32>
      %get3A_730 = arith.constant 11 : i32
      %get3A_731 = arith.index_cast %get3A_730 : i32 to index
      %get3A_732 = arith.constant 48 : index
      %get3A_733 = tpu.vector_load %arg18[%get3A_731, %get3A_732] {strides = array<i32>} : memref<16x128xf32, #tpu.memory_space<vmem>>, vector<16xf32>,
      %add3A_734 = arith.addf %add3A_729, %get3A_733 : vector<16xf32>
      %get3A_735 = arith.constant 12 : i32
      %get3A_736 = arith.index_cast %get3A_735 : i32 to index
      %get3A_737 = arith.constant 48 : index
      %get3A_738 = tpu.vector_load %arg18[%get3A_736, %get3A_737] {strides = array<i32>} : memref<16x128xf32, #tpu.memory_space<vmem>>, vector<16xf32>,
      %add3A_739 = arith.addf %add3A_734, %get3A_738 : vector<16xf32>
      %get3A_740 = arith.constant 13 : i32
      %get3A_741 = arith.index_cast %get3A_740 : i32 to index
      %get3A_742 = arith.constant 48 : index
      %get3A_743 = tpu.vector_load %arg18[%get3A_741, %get3A_742] {strides = array<i32>} : memref<16x128xf32, #tpu.memory_space<vmem>>, vector<16xf32>,
      %add3A_744 = arith.addf %add3A_739, %get3A_743 : vector<16xf32>
      %get3A_745 = arith.constant 14 : i32
      %get3A_746 = arith.index_cast %get3A_745 : i32 to index
      %get3A_747 = arith.constant 48 : index
      %get3A_748 = tpu.vector_load %arg18[%get3A_746, %get3A_747] {strides = array<i32>} : memref<16x128xf32, #tpu.memory_space<vmem>>, vector<16xf32>,
      %add3A_749 = arith.addf %add3A_744, %get3A_748 : vector<16xf32>
      %get3A_750 = arith.constant 15 : i32
      %get3A_751 = arith.index_cast %get3A_750 : i32 to index
      %get3A_752 = arith.constant 48 : index
      %get3A_753 = tpu.vector_load %arg18[%get3A_751, %get3A_752] {strides = array<i32>} : memref<16x128xf32, #tpu.memory_space<vmem>>, vector<16xf32>,
      %add3A_754 = arith.addf %add3A_749, %get3A_753 : vector<16xf32>
      %get3A_755 = arith.constant 0 : i32
      %get3A_756 = arith.index_cast %get3A_755 : i32 to index
      %get3A_757 = arith.constant 48 : index
      %get3A_758 = tpu.vector_load %arg19[%get3A_756, %get3A_757] {strides = array<i32>} : memref<16x128xf32, #tpu.memory_space<vmem>>, vector<16xf32>,
      %mul3A_759 = arith.mulf %mul3A_401, %get3A_758 : vector<16xf32>
      %add3A_760 = arith.addf %add3A_754, %mul3A_759 : vector<16xf32>
      %mul3A_761 = arith.mulf %mul3A_401, %add3A_760 : vector<16xf32>
      %swap3A_762 = arith.constant 48 : index
      %swap3A_763 = tpu.vector_load %arg20[%swap3A_762] {strides = array<i32>} : memref<128xf32, #tpu.memory_space<vmem>>, vector<16xf32>,
      tpu.vector_store %arg20[%swap3A_762], %mul3A_761 {strides = array<i32>} : memref<128xf32, #tpu.memory_space<vmem>>, vector<16xf32>,
      %get3A_764 = arith.constant 0 : i32
      %get3A_765 = arith.index_cast %get3A_764 : i32 to index
      %get3A_766 = arith.constant 64 : index
      %get3A_767 = tpu.vector_load %arg18[%get3A_765, %get3A_766] {strides = array<i32>} : memref<16x128xf32, #tpu.memory_space<vmem>>, vector<16xf32>,
      %add3A_768 = arith.addf %broadcast_in_dim3A_0, %get3A_767 : vector<16xf32>
      %get3A_769 = arith.constant 1 : i32
      %get3A_770 = arith.index_cast %get3A_769 : i32 to index
      %get3A_771 = arith.constant 64 : index
      %get3A_772 = tpu.vector_load %arg18[%get3A_770, %get3A_771] {strides = array<i32>} : memref<16x128xf32, #tpu.memory_space<vmem>>, vector<16xf32>,
      %add3A_773 = arith.addf %add3A_768, %get3A_772 : vector<16xf32>
      %get3A_774 = arith.constant 2 : i32
      %get3A_775 = arith.index_cast %get3A_774 : i32 to index
      %get3A_776 = arith.constant 64 : index
      %get3A_777 = tpu.vector_load %arg18[%get3A_775, %get3A_776] {strides = array<i32>} : memref<16x128xf32, #tpu.memory_space<vmem>>, vector<16xf32>,
      %add3A_778 = arith.addf %add3A_773, %get3A_777 : vector<16xf32>
      %get3A_779 = arith.constant 3 : i32
      %get3A_780 = arith.index_cast %get3A_779 : i32 to index
      %get3A_781 = arith.constant 64 : index
      %get3A_782 = tpu.vector_load %arg18[%get3A_780, %get3A_781] {strides = array<i32>} : memref<16x128xf32, #tpu.memory_space<vmem>>, vector<16xf32>,
      %add3A_783 = arith.addf %add3A_778, %get3A_782 : vector<16xf32>
      %get3A_784 = arith.constant 4 : i32
      %get3A_785 = arith.index_cast %get3A_784 : i32 to index
      %get3A_786 = arith.constant 64 : index
      %get3A_787 = tpu.vector_load %arg18[%get3A_785, %get3A_786] {strides = array<i32>} : memref<16x128xf32, #tpu.memory_space<vmem>>, vector<16xf32>,
      %add3A_788 = arith.addf %add3A_783, %get3A_787 : vector<16xf32>
      %get3A_789 = arith.constant 5 : i32
      %get3A_790 = arith.index_cast %get3A_789 : i32 to index
      %get3A_791 = arith.constant 64 : index
      %get3A_792 = tpu.vector_load %arg18[%get3A_790, %get3A_791] {strides = array<i32>} : memref<16x128xf32, #tpu.memory_space<vmem>>, vector<16xf32>,
      %add3A_793 = arith.addf %add3A_788, %get3A_792 : vector<16xf32>
      %get3A_794 = arith.constant 6 : i32
      %get3A_795 = arith.index_cast %get3A_794 : i32 to index
      %get3A_796 = arith.constant 64 : index
      %get3A_797 = tpu.vector_load %arg18[%get3A_795, %get3A_796] {strides = array<i32>} : memref<16x128xf32, #tpu.memory_space<vmem>>, vector<16xf32>,
      %add3A_798 = arith.addf %add3A_793, %get3A_797 : vector<16xf32>
      %get3A_799 = arith.constant 7 : i32
      %get3A_800 = arith.index_cast %get3A_799 : i32 to index
      %get3A_801 = arith.constant 64 : index
      %get3A_802 = tpu.vector_load %arg18[%get3A_800, %get3A_801] {strides = array<i32>} : memref<16x128xf32, #tpu.memory_space<vmem>>, vector<16xf32>,
      %add3A_803 = arith.addf %add3A_798, %get3A_802 : vector<16xf32>
      %get3A_804 = arith.constant 8 : i32
      %get3A_805 = arith.index_cast %get3A_804 : i32 to index
      %get3A_806 = arith.constant 64 : index
      %get3A_807 = tpu.vector_load %arg18[%get3A_805, %get3A_806] {strides = array<i32>} : memref<16x128xf32, #tpu.memory_space<vmem>>, vector<16xf32>,
      %add3A_808 = arith.addf %add3A_803, %get3A_807 : vector<16xf32>
      %get3A_809 = arith.constant 9 : i32
      %get3A_810 = arith.index_cast %get3A_809 : i32 to index
      %get3A_811 = arith.constant 64 : index
      %get3A_812 = tpu.vector_load %arg18[%get3A_810, %get3A_811] {strides = array<i32>} : memref<16x128xf32, #tpu.memory_space<vmem>>, vector<16xf32>,
      %add3A_813 = arith.addf %add3A_808, %get3A_812 : vector<16xf32>
      %get3A_814 = arith.constant 10 : i32
      %get3A_815 = arith.index_cast %get3A_814 : i32 to index
      %get3A_816 = arith.constant 64 : index
      %get3A_817 = tpu.vector_load %arg18[%get3A_815, %get3A_816] {strides = array<i32>} : memref<16x128xf32, #tpu.memory_space<vmem>>, vector<16xf32>,
      %add3A_818 = arith.addf %add3A_813, %get3A_817 : vector<16xf32>
      %get3A_819 = arith.constant 11 : i32
      %get3A_820 = arith.index_cast %get3A_819 : i32 to index
      %get3A_821 = arith.constant 64 : index
      %get3A_822 = tpu.vector_load %arg18[%get3A_820, %get3A_821] {strides = array<i32>} : memref<16x128xf32, #tpu.memory_space<vmem>>, vector<16xf32>,
      %add3A_823 = arith.addf %add3A_818, %get3A_822 : vector<16xf32>
      %get3A_824 = arith.constant 12 : i32
      %get3A_825 = arith.index_cast %get3A_824 : i32 to index
      %get3A_826 = arith.constant 64 : index
      %get3A_827 = tpu.vector_load %arg18[%get3A_825, %get3A_826] {strides = array<i32>} : memref<16x128xf32, #tpu.memory_space<vmem>>, vector<16xf32>,
      %add3A_828 = arith.addf %add3A_823, %get3A_827 : vector<16xf32>
      %get3A_829 = arith.constant 13 : i32
      %get3A_830 = arith.index_cast %get3A_829 : i32 to index
      %get3A_831 = arith.constant 64 : index
      %get3A_832 = tpu.vector_load %arg18[%get3A_830, %get3A_831] {strides = array<i32>} : memref<16x128xf32, #tpu.memory_space<vmem>>, vector<16xf32>,
      %add3A_833 = arith.addf %add3A_828, %get3A_832 : vector<16xf32>
      %get3A_834 = arith.constant 14 : i32
      %get3A_835 = arith.index_cast %get3A_834 : i32 to index
      %get3A_836 = arith.constant 64 : index
      %get3A_837 = tpu.vector_load %arg18[%get3A_835, %get3A_836] {strides = array<i32>} : memref<16x128xf32, #tpu.memory_space<vmem>>, vector<16xf32>,
      %add3A_838 = arith.addf %add3A_833, %get3A_837 : vector<16xf32>
      %get3A_839 = arith.constant 15 : i32
      %get3A_840 = arith.index_cast %get3A_839 : i32 to index
      %get3A_841 = arith.constant 64 : index
      %get3A_842 = tpu.vector_load %arg18[%get3A_840, %get3A_841] {strides = array<i32>} : memref<16x128xf32, #tpu.memory_space<vmem>>, vector<16xf32>,
      %add3A_843 = arith.addf %add3A_838, %get3A_842 : vector<16xf32>
      %get3A_844 = arith.constant 0 : i32
      %get3A_845 = arith.index_cast %get3A_844 : i32 to index
      %get3A_846 = arith.constant 64 : index
      %get3A_847 = tpu.vector_load %arg19[%get3A_845, %get3A_846] {strides = array<i32>} : memref<16x128xf32, #tpu.memory_space<vmem>>, vector<16xf32>,
      %mul3A_848 = arith.mulf %mul3A_401, %get3A_847 : vector<16xf32>
      %add3A_849 = arith.addf %add3A_843, %mul3A_848 : vector<16xf32>
      %mul3A_850 = arith.mulf %mul3A_401, %add3A_849 : vector<16xf32>
      %swap3A_851 = arith.constant 64 : index
      %swap3A_852 = tpu.vector_load %arg20[%swap3A_851] {strides = array<i32>} : memref<128xf32, #tpu.memory_space<vmem>>, vector<16xf32>,
      tpu.vector_store %arg20[%swap3A_851], %mul3A_850 {strides = array<i32>} : memref<128xf32, #tpu.memory_space<vmem>>, vector<16xf32>,
      %get3A_853 = arith.constant 0 : i32
      %get3A_854 = arith.index_cast %get3A_853 : i32 to index
      %get3A_855 = arith.constant 80 : index
      %get3A_856 = tpu.vector_load %arg18[%get3A_854, %get3A_855] {strides = array<i32>} : memref<16x128xf32, #tpu.memory_space<vmem>>, vector<16xf32>,
      %add3A_857 = arith.addf %broadcast_in_dim3A_0, %get3A_856 : vector<16xf32>
      %get3A_858 = arith.constant 1 : i32
      %get3A_859 = arith.index_cast %get3A_858 : i32 to index
      %get3A_860 = arith.constant 80 : index
      %get3A_861 = tpu.vector_load %arg18[%get3A_859, %get3A_860] {strides = array<i32>} : memref<16x128xf32, #tpu.memory_space<vmem>>, vector<16xf32>,
      %add3A_862 = arith.addf %add3A_857, %get3A_861 : vector<16xf32>
      %get3A_863 = arith.constant 2 : i32
      %get3A_864 = arith.index_cast %get3A_863 : i32 to index
      %get3A_865 = arith.constant 80 : index
      %get3A_866 = tpu.vector_load %arg18[%get3A_864, %get3A_865] {strides = array<i32>} : memref<16x128xf32, #tpu.memory_space<vmem>>, vector<16xf32>,
      %add3A_867 = arith.addf %add3A_862, %get3A_866 : vector<16xf32>
      %get3A_868 = arith.constant 3 : i32
      %get3A_869 = arith.index_cast %get3A_868 : i32 to index
      %get3A_870 = arith.constant 80 : index
      %get3A_871 = tpu.vector_load %arg18[%get3A_869, %get3A_870] {strides = array<i32>} : memref<16x128xf32, #tpu.memory_space<vmem>>, vector<16xf32>,
      %add3A_872 = arith.addf %add3A_867, %get3A_871 : vector<16xf32>
      %get3A_873 = arith.constant 4 : i32
      %get3A_874 = arith.index_cast %get3A_873 : i32 to index
      %get3A_875 = arith.constant 80 : index
      %get3A_876 = tpu.vector_load %arg18[%get3A_874, %get3A_875] {strides = array<i32>} : memref<16x128xf32, #tpu.memory_space<vmem>>, vector<16xf32>,
      %add3A_877 = arith.addf %add3A_872, %get3A_876 : vector<16xf32>
      %get3A_878 = arith.constant 5 : i32
      %get3A_879 = arith.index_cast %get3A_878 : i32 to index
      %get3A_880 = arith.constant 80 : index
      %get3A_881 = tpu.vector_load %arg18[%get3A_879, %get3A_880] {strides = array<i32>} : memref<16x128xf32, #tpu.memory_space<vmem>>, vector<16xf32>,
      %add3A_882 = arith.addf %add3A_877, %get3A_881 : vector<16xf32>
      %get3A_883 = arith.constant 6 : i32
      %get3A_884 = arith.index_cast %get3A_883 : i32 to index
      %get3A_885 = arith.constant 80 : index
      %get3A_886 = tpu.vector_load %arg18[%get3A_884, %get3A_885] {strides = array<i32>} : memref<16x128xf32, #tpu.memory_space<vmem>>, vector<16xf32>,
      %add3A_887 = arith.addf %add3A_882, %get3A_886 : vector<16xf32>
      %get3A_888 = arith.constant 7 : i32
      %get3A_889 = arith.index_cast %get3A_888 : i32 to index
      %get3A_890 = arith.constant 80 : index
      %get3A_891 = tpu.vector_load %arg18[%get3A_889, %get3A_890] {strides = array<i32>} : memref<16x128xf32, #tpu.memory_space<vmem>>, vector<16xf32>,
      %add3A_892 = arith.addf %add3A_887, %get3A_891 : vector<16xf32>
      %get3A_893 = arith.constant 8 : i32
      %get3A_894 = arith.index_cast %get3A_893 : i32 to index
      %get3A_895 = arith.constant 80 : index
      %get3A_896 = tpu.vector_load %arg18[%get3A_894, %get3A_895] {strides = array<i32>} : memref<16x128xf32, #tpu.memory_space<vmem>>, vector<16xf32>,
      %add3A_897 = arith.addf %add3A_892, %get3A_896 : vector<16xf32>
      %get3A_898 = arith.constant 9 : i32
      %get3A_899 = arith.index_cast %get3A_898 : i32 to index
      %get3A_900 = arith.constant 80 : index
      %get3A_901 = tpu.vector_load %arg18[%get3A_899, %get3A_900] {strides = array<i32>} : memref<16x128xf32, #tpu.memory_space<vmem>>, vector<16xf32>,
      %add3A_902 = arith.addf %add3A_897, %get3A_901 : vector<16xf32>
      %get3A_903 = arith.constant 10 : i32
      %get3A_904 = arith.index_cast %get3A_903 : i32 to index
      %get3A_905 = arith.constant 80 : index
      %get3A_906 = tpu.vector_load %arg18[%get3A_904, %get3A_905] {strides = array<i32>} : memref<16x128xf32, #tpu.memory_space<vmem>>, vector<16xf32>,
      %add3A_907 = arith.addf %add3A_902, %get3A_906 : vector<16xf32>
      %get3A_908 = arith.constant 11 : i32
      %get3A_909 = arith.index_cast %get3A_908 : i32 to index
      %get3A_910 = arith.constant 80 : index
      %get3A_911 = tpu.vector_load %arg18[%get3A_909, %get3A_910] {strides = array<i32>} : memref<16x128xf32, #tpu.memory_space<vmem>>, vector<16xf32>,
      %add3A_912 = arith.addf %add3A_907, %get3A_911 : vector<16xf32>
      %get3A_913 = arith.constant 12 : i32
      %get3A_914 = arith.index_cast %get3A_913 : i32 to index
      %get3A_915 = arith.constant 80 : index
      %get3A_916 = tpu.vector_load %arg18[%get3A_914, %get3A_915] {strides = array<i32>} : memref<16x128xf32, #tpu.memory_space<vmem>>, vector<16xf32>,
      %add3A_917 = arith.addf %add3A_912, %get3A_916 : vector<16xf32>
      %get3A_918 = arith.constant 13 : i32
      %get3A_919 = arith.index_cast %get3A_918 : i32 to index
      %get3A_920 = arith.constant 80 : index
      %get3A_921 = tpu.vector_load %arg18[%get3A_919, %get3A_920] {strides = array<i32>} : memref<16x128xf32, #tpu.memory_space<vmem>>, vector<16xf32>,
      %add3A_922 = arith.addf %add3A_917, %get3A_921 : vector<16xf32>
      %get3A_923 = arith.constant 14 : i32
      %get3A_924 = arith.index_cast %get3A_923 : i32 to index
      %get3A_925 = arith.constant 80 : index
      %get3A_926 = tpu.vector_load %arg18[%get3A_924, %get3A_925] {strides = array<i32>} : memref<16x128xf32, #tpu.memory_space<vmem>>, vector<16xf32>,
      %add3A_927 = arith.addf %add3A_922, %get3A_926 : vector<16xf32>
      %get3A_928 = arith.constant 15 : i32
      %get3A_929 = arith.index_cast %get3A_928 : i32 to index
      %get3A_930 = arith.constant 80 : index
      %get3A_931 = tpu.vector_load %arg18[%get3A_929, %get3A_930] {strides = array<i32>} : memref<16x128xf32, #tpu.memory_space<vmem>>, vector<16xf32>,
      %add3A_932 = arith.addf %add3A_927, %get3A_931 : vector<16xf32>
      %get3A_933 = arith.constant 0 : i32
      %get3A_934 = arith.index_cast %get3A_933 : i32 to index
      %get3A_935 = arith.constant 80 : index
      %get3A_936 = tpu.vector_load %arg19[%get3A_934, %get3A_935] {strides = array<i32>} : memref<16x128xf32, #tpu.memory_space<vmem>>, vector<16xf32>,
      %mul3A_937 = arith.mulf %mul3A_401, %get3A_936 : vector<16xf32>
      %add3A_938 = arith.addf %add3A_932, %mul3A_937 : vector<16xf32>
      %mul3A_939 = arith.mulf %mul3A_401, %add3A_938 : vector<16xf32>
      %swap3A_940 = arith.constant 80 : index
      %swap3A_941 = tpu.vector_load %arg20[%swap3A_940] {strides = array<i32>} : memref<128xf32, #tpu.memory_space<vmem>>, vector<16xf32>,
      tpu.vector_store %arg20[%swap3A_940], %mul3A_939 {strides = array<i32>} : memref<128xf32, #tpu.memory_space<vmem>>, vector<16xf32>,
      %get3A_942 = arith.constant 0 : i32
      %get3A_943 = arith.index_cast %get3A_942 : i32 to index
      %get3A_944 = arith.constant 96 : index
      %get3A_945 = tpu.vector_load %arg18[%get3A_943, %get3A_944] {strides = array<i32>} : memref<16x128xf32, #tpu.memory_space<vmem>>, vector<16xf32>,
      %add3A_946 = arith.addf %broadcast_in_dim3A_0, %get3A_945 : vector<16xf32>
      %get3A_947 = arith.constant 1 : i32
      %get3A_948 = arith.index_cast %get3A_947 : i32 to index
      %get3A_949 = arith.constant 96 : index
      %get3A_950 = tpu.vector_load %arg18[%get3A_948, %get3A_949] {strides = array<i32>} : memref<16x128xf32, #tpu.memory_space<vmem>>, vector<16xf32>,
      %add3A_951 = arith.addf %add3A_946, %get3A_950 : vector<16xf32>
      %get3A_952 = arith.constant 2 : i32
      %get3A_953 = arith.index_cast %get3A_952 : i32 to index
      %get3A_954 = arith.constant 96 : index
      %get3A_955 = tpu.vector_load %arg18[%get3A_953, %get3A_954] {strides = array<i32>} : memref<16x128xf32, #tpu.memory_space<vmem>>, vector<16xf32>,
      %add3A_956 = arith.addf %add3A_951, %get3A_955 : vector<16xf32>
      %get3A_957 = arith.constant 3 : i32
      %get3A_958 = arith.index_cast %get3A_957 : i32 to index
      %get3A_959 = arith.constant 96 : index
      %get3A_960 = tpu.vector_load %arg18[%get3A_958, %get3A_959] {strides = array<i32>} : memref<16x128xf32, #tpu.memory_space<vmem>>, vector<16xf32>,
      %add3A_961 = arith.addf %add3A_956, %get3A_960 : vector<16xf32>
      %get3A_962 = arith.constant 4 : i32
      %get3A_963 = arith.index_cast %get3A_962 : i32 to index
      %get3A_964 = arith.constant 96 : index
      %get3A_965 = tpu.vector_load %arg18[%get3A_963, %get3A_964] {strides = array<i32>} : memref<16x128xf32, #tpu.memory_space<vmem>>, vector<16xf32>,
      %add3A_966 = arith.addf %add3A_961, %get3A_965 : vector<16xf32>
      %get3A_967 = arith.constant 5 : i32
      %get3A_968 = arith.index_cast %get3A_967 : i32 to index
      %get3A_969 = arith.constant 96 : index
      %get3A_970 = tpu.vector_load %arg18[%get3A_968, %get3A_969] {strides = array<i32>} : memref<16x128xf32, #tpu.memory_space<vmem>>, vector<16xf32>,
      %add3A_971 = arith.addf %add3A_966, %get3A_970 : vector<16xf32>
      %get3A_972 = arith.constant 6 : i32
      %get3A_973 = arith.index_cast %get3A_972 : i32 to index
      %get3A_974 = arith.constant 96 : index
      %get3A_975 = tpu.vector_load %arg18[%get3A_973, %get3A_974] {strides = array<i32>} : memref<16x128xf32, #tpu.memory_space<vmem>>, vector<16xf32>,
      %add3A_976 = arith.addf %add3A_971, %get3A_975 : vector<16xf32>
      %get3A_977 = arith.constant 7 : i32
      %get3A_978 = arith.index_cast %get3A_977 : i32 to index
      %get3A_979 = arith.constant 96 : index
      %get3A_980 = tpu.vector_load %arg18[%get3A_978, %get3A_979] {strides = array<i32>} : memref<16x128xf32, #tpu.memory_space<vmem>>, vector<16xf32>,
      %add3A_981 = arith.addf %add3A_976, %get3A_980 : vector<16xf32>
      %get3A_982 = arith.constant 8 : i32
      %get3A_983 = arith.index_cast %get3A_982 : i32 to index
      %get3A_984 = arith.constant 96 : index
      %get3A_985 = tpu.vector_load %arg18[%get3A_983, %get3A_984] {strides = array<i32>} : memref<16x128xf32, #tpu.memory_space<vmem>>, vector<16xf32>,
      %add3A_986 = arith.addf %add3A_981, %get3A_985 : vector<16xf32>
      %get3A_987 = arith.constant 9 : i32
      %get3A_988 = arith.index_cast %get3A_987 : i32 to index
      %get3A_989 = arith.constant 96 : index
      %get3A_990 = tpu.vector_load %arg18[%get3A_988, %get3A_989] {strides = array<i32>} : memref<16x128xf32, #tpu.memory_space<vmem>>, vector<16xf32>,
      %add3A_991 = arith.addf %add3A_986, %get3A_990 : vector<16xf32>
      %get3A_992 = arith.constant 10 : i32
      %get3A_993 = arith.index_cast %get3A_992 : i32 to index
      %get3A_994 = arith.constant 96 : index
      %get3A_995 = tpu.vector_load %arg18[%get3A_993, %get3A_994] {strides = array<i32>} : memref<16x128xf32, #tpu.memory_space<vmem>>, vector<16xf32>,
      %add3A_996 = arith.addf %add3A_991, %get3A_995 : vector<16xf32>
      %get3A_997 = arith.constant 11 : i32
      %get3A_998 = arith.index_cast %get3A_997 : i32 to index
      %get3A_999 = arith.constant 96 : index
      %get3A_1000 = tpu.vector_load %arg18[%get3A_998, %get3A_999] {strides = array<i32>} : memref<16x128xf32, #tpu.memory_space<vmem>>, vector<16xf32>,
      %add3A_1001 = arith.addf %add3A_996, %get3A_1000 : vector<16xf32>
      %get3A_1002 = arith.constant 12 : i32
      %get3A_1003 = arith.index_cast %get3A_1002 : i32 to index
      %get3A_1004 = arith.constant 96 : index
      %get3A_1005 = tpu.vector_load %arg18[%get3A_1003, %get3A_1004] {strides = array<i32>} : memref<16x128xf32, #tpu.memory_space<vmem>>, vector<16xf32>,
      %add3A_1006 = arith.addf %add3A_1001, %get3A_1005 : vector<16xf32>
      %get3A_1007 = arith.constant 13 : i32
      %get3A_1008 = arith.index_cast %get3A_1007 : i32 to index
      %get3A_1009 = arith.constant 96 : index
      %get3A_1010 = tpu.vector_load %arg18[%get3A_1008, %get3A_1009] {strides = array<i32>} : memref<16x128xf32, #tpu.memory_space<vmem>>, vector<16xf32>,
      %add3A_1011 = arith.addf %add3A_1006, %get3A_1010 : vector<16xf32>
      %get3A_1012 = arith.constant 14 : i32
      %get3A_1013 = arith.index_cast %get3A_1012 : i32 to index
      %get3A_1014 = arith.constant 96 : index
      %get3A_1015 = tpu.vector_load %arg18[%get3A_1013, %get3A_1014] {strides = array<i32>} : memref<16x128xf32, #tpu.memory_space<vmem>>, vector<16xf32>,
      %add3A_1016 = arith.addf %add3A_1011, %get3A_1015 : vector<16xf32>
      %get3A_1017 = arith.constant 15 : i32
      %get3A_1018 = arith.index_cast %get3A_1017 : i32 to index
      %get3A_1019 = arith.constant 96 : index
      %get3A_1020 = tpu.vector_load %arg18[%get3A_1018, %get3A_1019] {strides = array<i32>} : memref<16x128xf32, #tpu.memory_space<vmem>>, vector<16xf32>,
      %add3A_1021 = arith.addf %add3A_1016, %get3A_1020 : vector<16xf32>
      %get3A_1022 = arith.constant 0 : i32
      %get3A_1023 = arith.index_cast %get3A_1022 : i32 to index
      %get3A_1024 = arith.constant 96 : index
      %get3A_1025 = tpu.vector_load %arg19[%get3A_1023, %get3A_1024] {strides = array<i32>} : memref<16x128xf32, #tpu.memory_space<vmem>>, vector<16xf32>,
      %mul3A_1026 = arith.mulf %mul3A_401, %get3A_1025 : vector<16xf32>
      %add3A_1027 = arith.addf %add3A_1021, %mul3A_1026 : vector<16xf32>
      %mul3A_1028 = arith.mulf %mul3A_401, %add3A_1027 : vector<16xf32>
      %swap3A_1029 = arith.constant 96 : index
      %swap3A_1030 = tpu.vector_load %arg20[%swap3A_1029] {strides = array<i32>} : memref<128xf32, #tpu.memory_space<vmem>>, vector<16xf32>,
      tpu.vector_store %arg20[%swap3A_1029], %mul3A_1028 {strides = array<i32>} : memref<128xf32, #tpu.memory_space<vmem>>, vector<16xf32>,
      %get3A_1031 = arith.constant 0 : i32
      %get3A_1032 = arith.index_cast %get3A_1031 : i32 to index
      %get3A_1033 = arith.constant 112 : index
      %get3A_1034 = tpu.vector_load %arg18[%get3A_1032, %get3A_1033] {strides = array<i32>} : memref<16x128xf32, #tpu.memory_space<vmem>>, vector<16xf32>,
      %add3A_1035 = arith.addf %broadcast_in_dim3A_0, %get3A_1034 : vector<16xf32>
      %get3A_1036 = arith.constant 1 : i32
      %get3A_1037 = arith.index_cast %get3A_1036 : i32 to index
      %get3A_1038 = arith.constant 112 : index
      %get3A_1039 = tpu.vector_load %arg18[%get3A_1037, %get3A_1038] {strides = array<i32>} : memref<16x128xf32, #tpu.memory_space<vmem>>, vector<16xf32>,
      %add3A_1040 = arith.addf %add3A_1035, %get3A_1039 : vector<16xf32>
      %get3A_1041 = arith.constant 2 : i32
      %get3A_1042 = arith.index_cast %get3A_1041 : i32 to index
      %get3A_1043 = arith.constant 112 : index
      %get3A_1044 = tpu.vector_load %arg18[%get3A_1042, %get3A_1043] {strides = array<i32>} : memref<16x128xf32, #tpu.memory_space<vmem>>, vector<16xf32>,
      %add3A_1045 = arith.addf %add3A_1040, %get3A_1044 : vector<16xf32>
      %get3A_1046 = arith.constant 3 : i32
      %get3A_1047 = arith.index_cast %get3A_1046 : i32 to index
      %get3A_1048 = arith.constant 112 : index
      %get3A_1049 = tpu.vector_load %arg18[%get3A_1047, %get3A_1048] {strides = array<i32>} : memref<16x128xf32, #tpu.memory_space<vmem>>, vector<16xf32>,
      %add3A_1050 = arith.addf %add3A_1045, %get3A_1049 : vector<16xf32>
      %get3A_1051 = arith.constant 4 : i32
      %get3A_1052 = arith.index_cast %get3A_1051 : i32 to index
      %get3A_1053 = arith.constant 112 : index
      %get3A_1054 = tpu.vector_load %arg18[%get3A_1052, %get3A_1053] {strides = array<i32>} : memref<16x128xf32, #tpu.memory_space<vmem>>, vector<16xf32>,
      %add3A_1055 = arith.addf %add3A_1050, %get3A_1054 : vector<16xf32>
      %get3A_1056 = arith.constant 5 : i32
      %get3A_1057 = arith.index_cast %get3A_1056 : i32 to index
      %get3A_1058 = arith.constant 112 : index
      %get3A_1059 = tpu.vector_load %arg18[%get3A_1057, %get3A_1058] {strides = array<i32>} : memref<16x128xf32, #tpu.memory_space<vmem>>, vector<16xf32>,
      %add3A_1060 = arith.addf %add3A_1055, %get3A_1059 : vector<16xf32>
      %get3A_1061 = arith.constant 6 : i32
      %get3A_1062 = arith.index_cast %get3A_1061 : i32 to index
      %get3A_1063 = arith.constant 112 : index
      %get3A_1064 = tpu.vector_load %arg18[%get3A_1062, %get3A_1063] {strides = array<i32>} : memref<16x128xf32, #tpu.memory_space<vmem>>, vector<16xf32>,
      %add3A_1065 = arith.addf %add3A_1060, %get3A_1064 : vector<16xf32>
      %get3A_1066 = arith.constant 7 : i32
      %get3A_1067 = arith.index_cast %get3A_1066 : i32 to index
      %get3A_1068 = arith.constant 112 : index
      %get3A_1069 = tpu.vector_load %arg18[%get3A_1067, %get3A_1068] {strides = array<i32>} : memref<16x128xf32, #tpu.memory_space<vmem>>, vector<16xf32>,
      %add3A_1070 = arith.addf %add3A_1065, %get3A_1069 : vector<16xf32>
      %get3A_1071 = arith.constant 8 : i32
      %get3A_1072 = arith.index_cast %get3A_1071 : i32 to index
      %get3A_1073 = arith.constant 112 : index
      %get3A_1074 = tpu.vector_load %arg18[%get3A_1072, %get3A_1073] {strides = array<i32>} : memref<16x128xf32, #tpu.memory_space<vmem>>, vector<16xf32>,
      %add3A_1075 = arith.addf %add3A_1070, %get3A_1074 : vector<16xf32>
      %get3A_1076 = arith.constant 9 : i32
      %get3A_1077 = arith.index_cast %get3A_1076 : i32 to index
      %get3A_1078 = arith.constant 112 : index
      %get3A_1079 = tpu.vector_load %arg18[%get3A_1077, %get3A_1078] {strides = array<i32>} : memref<16x128xf32, #tpu.memory_space<vmem>>, vector<16xf32>,
      %add3A_1080 = arith.addf %add3A_1075, %get3A_1079 : vector<16xf32>
      %get3A_1081 = arith.constant 10 : i32
      %get3A_1082 = arith.index_cast %get3A_1081 : i32 to index
      %get3A_1083 = arith.constant 112 : index
      %get3A_1084 = tpu.vector_load %arg18[%get3A_1082, %get3A_1083] {strides = array<i32>} : memref<16x128xf32, #tpu.memory_space<vmem>>, vector<16xf32>,
      %add3A_1085 = arith.addf %add3A_1080, %get3A_1084 : vector<16xf32>
      %get3A_1086 = arith.constant 11 : i32
      %get3A_1087 = arith.index_cast %get3A_1086 : i32 to index
      %get3A_1088 = arith.constant 112 : index
      %get3A_1089 = tpu.vector_load %arg18[%get3A_1087, %get3A_1088] {strides = array<i32>} : memref<16x128xf32, #tpu.memory_space<vmem>>, vector<16xf32>,
      %add3A_1090 = arith.addf %add3A_1085, %get3A_1089 : vector<16xf32>
      %get3A_1091 = arith.constant 12 : i32
      %get3A_1092 = arith.index_cast %get3A_1091 : i32 to index
      %get3A_1093 = arith.constant 112 : index
      %get3A_1094 = tpu.vector_load %arg18[%get3A_1092, %get3A_1093] {strides = array<i32>} : memref<16x128xf32, #tpu.memory_space<vmem>>, vector<16xf32>,
      %add3A_1095 = arith.addf %add3A_1090, %get3A_1094 : vector<16xf32>
      %get3A_1096 = arith.constant 13 : i32
      %get3A_1097 = arith.index_cast %get3A_1096 : i32 to index
      %get3A_1098 = arith.constant 112 : index
      %get3A_1099 = tpu.vector_load %arg18[%get3A_1097, %get3A_1098] {strides = array<i32>} : memref<16x128xf32, #tpu.memory_space<vmem>>, vector<16xf32>,
      %add3A_1100 = arith.addf %add3A_1095, %get3A_1099 : vector<16xf32>
      %get3A_1101 = arith.constant 14 : i32
      %get3A_1102 = arith.index_cast %get3A_1101 : i32 to index
      %get3A_1103 = arith.constant 112 : index
      %get3A_1104 = tpu.vector_load %arg18[%get3A_1102, %get3A_1103] {strides = array<i32>} : memref<16x128xf32, #tpu.memory_space<vmem>>, vector<16xf32>,
      %add3A_1105 = arith.addf %add3A_1100, %get3A_1104 : vector<16xf32>
      %get3A_1106 = arith.constant 15 : i32
      %get3A_1107 = arith.index_cast %get3A_1106 : i32 to index
      %get3A_1108 = arith.constant 112 : index
      %get3A_1109 = tpu.vector_load %arg18[%get3A_1107, %get3A_1108] {strides = array<i32>} : memref<16x128xf32, #tpu.memory_space<vmem>>, vector<16xf32>,
      %add3A_1110 = arith.addf %add3A_1105, %get3A_1109 : vector<16xf32>
      %get3A_1111 = arith.constant 0 : i32
      %get3A_1112 = arith.index_cast %get3A_1111 : i32 to index
      %get3A_1113 = arith.constant 112 : index
      %get3A_1114 = tpu.vector_load %arg19[%get3A_1112, %get3A_1113] {strides = array<i32>} : memref<16x128xf32, #tpu.memory_space<vmem>>, vector<16xf32>,
      %mul3A_1115 = arith.mulf %mul3A_401, %get3A_1114 : vector<16xf32>
      %add3A_1116 = arith.addf %add3A_1110, %mul3A_1115 : vector<16xf32>
      %mul3A_1117 = arith.mulf %mul3A_401, %add3A_1116 : vector<16xf32>
      %swap3A_1118 = arith.constant 112 : index
      %swap3A_1119 = tpu.vector_load %arg20[%swap3A_1118] {strides = array<i32>} : memref<128xf32, #tpu.memory_space<vmem>>, vector<16xf32>,
      tpu.vector_store %arg20[%swap3A_1118], %mul3A_1117 {strides = array<i32>} : memref<128xf32, #tpu.memory_space<vmem>>, vector<16xf32>,
      "tpu.region"() ({
        %run_scoped3A = tpu.sem_alloc : memref<!tpu.dma_semaphore, #tpu.memory_space<semaphore_mem>>
        tpu.enqueue_dma source(%arg20 : memref<128xf32, #tpu.memory_space<vmem>>) target(%arg5 : memref<128xf32, #tpu.memory_space<hbm>>) target_semaphore(%run_scoped3A : memref<!tpu.dma_semaphore, #tpu.memory_space<semaphore_mem>>)
        tpu.wait_dma2 semaphore(%run_scoped3A : memref<!tpu.dma_semaphore, #tpu.memory_space<semaphore_mem>>) src(%arg20 : memref<128xf32, #tpu.memory_space<vmem>>) dst(%arg5 : memref<128xf32, #tpu.memory_space<hbm>>)
        tpu.yield
      }) : () -> ()
    } else {
    }
    return
  }
}

module attributes {stable_mosaic.version = 14 : i64} {
  func.func @_tc_body(%arg0: memref<1x128xf32, #tpu.memory_space<vmem>>, %arg1: memref<128x256xf32, #tpu.memory_space<vmem>>, %arg2: memref<1x256xf32, #tpu.memory_space<vmem>>, %arg3: memref<256x256xf32, #tpu.memory_space<vmem>>, %arg4: memref<1x256xf32, #tpu.memory_space<vmem>>, %arg5: memref<1x256xf32, #tpu.memory_space<vmem>>, %arg6: memref<1x256xf32, #tpu.memory_space<vmem>>, %arg7: memref<256x128xf32, #tpu.memory_space<vmem>>, %arg8: memref<1x128xf32, #tpu.memory_space<vmem>>, %arg9: memref<1x128xf32, #tpu.memory_space<vmem>>, %arg10: memref<1x128xf32, #tpu.memory_space<vmem>>, %arg11: memref<128x64xf32, #tpu.memory_space<vmem>>, %arg12: memref<1x64xf32, #tpu.memory_space<vmem>>, %arg13: memref<1x64xf32, #tpu.memory_space<vmem>>) attributes {dimension_semantics = [], scalar_prefetch = 0 : i64, scratch_operands = 0 : i64, tpu.core_type = #tpu.core_type<tc>} {
    %get3A = arith.constant 0 : index
    %get3A_0 = arith.constant 0 : index
    %get3A_1 = vector.load %arg0[%get3A, %get3A_0] : memref<1x128xf32, #tpu.memory_space<vmem>>, vector<1x128xf32>
    %get3A_2 = arith.constant 0 : index
    %get3A_3 = arith.constant 0 : index
    %get3A_4 = vector.load %arg1[%get3A_2, %get3A_3] : memref<128x256xf32, #tpu.memory_space<vmem>>, vector<128x256xf32>
    %dot_general3A = arith.constant dense<0.000000e+00> : vector<1x256xf32>
    %dot_general3A_5 = tpu.matmul %get3A_1, %get3A_4, %dot_general3A {dimension_numbers = #tpu.dot_dimension_numbers<[1], [0], [0], [1], [0, 0, 1, 1], [], []>, precision = #tpu.contract_precision<fp32>, transpose_lhs_hint = false} : vector<1x128xf32>, vector<128x256xf32>, vector<1x256xf32> -> vector<1x256xf32>
    %get3A_6 = arith.constant 0 : index
    %get3A_7 = arith.constant 0 : index
    %get3A_8 = vector.load %arg2[%get3A_6, %get3A_7] : memref<1x256xf32, #tpu.memory_space<vmem>>, vector<1x256xf32>
    %add3A = arith.addf %dot_general3A_5, %get3A_8 : vector<1x256xf32>
    %max3A = arith.constant 0.000000e+00 : f32
    %max3A_9 = vector.broadcast %max3A : f32 to vector<1x256xf32>
    %max3A_10 = arith.maximumf %add3A, %max3A_9 : vector<1x256xf32>
    %get3A_11 = arith.constant 0 : index
    %get3A_12 = arith.constant 0 : index
    %get3A_13 = vector.load %arg3[%get3A_11, %get3A_12] : memref<256x256xf32, #tpu.memory_space<vmem>>, vector<256x256xf32>
    %dot_general3A_14 = arith.constant dense<0.000000e+00> : vector<1x256xf32>
    %dot_general3A_15 = tpu.matmul %max3A_10, %get3A_13, %dot_general3A_14 {dimension_numbers = #tpu.dot_dimension_numbers<[1], [0], [0], [1], [0, 0, 1, 1], [], []>, precision = #tpu.contract_precision<fp32>, transpose_lhs_hint = false} : vector<1x256xf32>, vector<256x256xf32>, vector<1x256xf32> -> vector<1x256xf32>
    %get3A_16 = arith.constant 0 : index
    %get3A_17 = arith.constant 0 : index
    %get3A_18 = vector.load %arg4[%get3A_16, %get3A_17] : memref<1x256xf32, #tpu.memory_space<vmem>>, vector<1x256xf32>
    %add3A_19 = arith.addf %dot_general3A_15, %get3A_18 : vector<1x256xf32>
    %get3A_20 = arith.constant 0 : index
    %get3A_21 = arith.constant 0 : index
    %get3A_22 = vector.load %arg5[%get3A_20, %get3A_21] : memref<1x256xf32, #tpu.memory_space<vmem>>, vector<1x256xf32>
    %get3A_23 = arith.constant 0 : index
    %get3A_24 = arith.constant 0 : index
    %get3A_25 = vector.load %arg6[%get3A_23, %get3A_24] : memref<1x256xf32, #tpu.memory_space<vmem>>, vector<1x256xf32>
    %reduce_sum3A = arith.constant dense<0.000000e+00> : vector<1xf32>
    %reduce_sum3A_26 = vector.multi_reduction <add>, %add3A_19, %reduce_sum3A [1] : vector<1x256xf32> to vector<1xf32>
    %broadcast_in_dim3A = vector.shape_cast %reduce_sum3A_26 : vector<1xf32> to vector<1x1xf32>
    %div3A = arith.constant 2.560000e+02 : f32
    %div3A_27 = vector.broadcast %div3A : f32 to vector<1x1xf32>
    %div3A_28 = arith.divf %broadcast_in_dim3A, %div3A_27 : vector<1x1xf32>
    %sub3A = vector.broadcast %div3A_28 : vector<1x1xf32> to vector<1x256xf32>
    %sub3A_29 = arith.subf %add3A_19, %sub3A : vector<1x256xf32>
    %integer_pow3A = arith.mulf %sub3A_29, %sub3A_29 : vector<1x256xf32>
    %reduce_sum3A_30 = arith.constant dense<0.000000e+00> : vector<1xf32>
    %reduce_sum3A_31 = vector.multi_reduction <add>, %integer_pow3A, %reduce_sum3A_30 [1] : vector<1x256xf32> to vector<1xf32>
    %broadcast_in_dim3A_32 = vector.shape_cast %reduce_sum3A_31 : vector<1xf32> to vector<1x1xf32>
    %div3A_33 = arith.constant 2.560000e+02 : f32
    %div3A_34 = vector.broadcast %div3A_33 : f32 to vector<1x1xf32>
    %div3A_35 = arith.divf %broadcast_in_dim3A_32, %div3A_34 : vector<1x1xf32>
    %sub3A_36 = vector.broadcast %div3A_28 : vector<1x1xf32> to vector<1x256xf32>
    %sub3A_37 = arith.subf %add3A_19, %sub3A_36 : vector<1x256xf32>
    %add3A_38 = arith.constant 9.99999974E-6 : f32
    %add3A_39 = vector.broadcast %add3A_38 : f32 to vector<1x1xf32>
    %add3A_40 = arith.addf %div3A_35, %add3A_39 : vector<1x1xf32>
    %sqrt3A = math.sqrt %add3A_40 : vector<1x1xf32>
    %div3A_41 = vector.broadcast %sqrt3A : vector<1x1xf32> to vector<1x256xf32>
    %div3A_42 = arith.divf %sub3A_37, %div3A_41 : vector<1x256xf32>
    %mul3A = arith.mulf %div3A_42, %get3A_22 : vector<1x256xf32>
    %add3A_43 = arith.addf %mul3A, %get3A_25 : vector<1x256xf32>
    %max3A_44 = arith.constant 0.000000e+00 : f32
    %max3A_45 = vector.broadcast %max3A_44 : f32 to vector<1x256xf32>
    %max3A_46 = arith.maximumf %add3A_43, %max3A_45 : vector<1x256xf32>
    %get3A_47 = arith.constant 0 : index
    %get3A_48 = arith.constant 0 : index
    %get3A_49 = vector.load %arg7[%get3A_47, %get3A_48] : memref<256x128xf32, #tpu.memory_space<vmem>>, vector<256x128xf32>
    %dot_general3A_50 = arith.constant dense<0.000000e+00> : vector<1x128xf32>
    %dot_general3A_51 = tpu.matmul %max3A_46, %get3A_49, %dot_general3A_50 {dimension_numbers = #tpu.dot_dimension_numbers<[1], [0], [0], [1], [0, 0, 1, 1], [], []>, precision = #tpu.contract_precision<fp32>, transpose_lhs_hint = false} : vector<1x256xf32>, vector<256x128xf32>, vector<1x128xf32> -> vector<1x128xf32>
    %get3A_52 = arith.constant 0 : index
    %get3A_53 = arith.constant 0 : index
    %get3A_54 = vector.load %arg8[%get3A_52, %get3A_53] : memref<1x128xf32, #tpu.memory_space<vmem>>, vector<1x128xf32>
    %add3A_55 = arith.addf %dot_general3A_51, %get3A_54 : vector<1x128xf32>
    %get3A_56 = arith.constant 0 : index
    %get3A_57 = arith.constant 0 : index
    %get3A_58 = vector.load %arg9[%get3A_56, %get3A_57] : memref<1x128xf32, #tpu.memory_space<vmem>>, vector<1x128xf32>
    %get3A_59 = arith.constant 0 : index
    %get3A_60 = arith.constant 0 : index
    %get3A_61 = vector.load %arg10[%get3A_59, %get3A_60] : memref<1x128xf32, #tpu.memory_space<vmem>>, vector<1x128xf32>
    %reduce_sum3A_62 = arith.constant dense<0.000000e+00> : vector<1xf32>
    %reduce_sum3A_63 = vector.multi_reduction <add>, %add3A_55, %reduce_sum3A_62 [1] : vector<1x128xf32> to vector<1xf32>
    %broadcast_in_dim3A_64 = vector.shape_cast %reduce_sum3A_63 : vector<1xf32> to vector<1x1xf32>
    %div3A_65 = arith.constant 1.280000e+02 : f32
    %div3A_66 = vector.broadcast %div3A_65 : f32 to vector<1x1xf32>
    %div3A_67 = arith.divf %broadcast_in_dim3A_64, %div3A_66 : vector<1x1xf32>
    %sub3A_68 = vector.broadcast %div3A_67 : vector<1x1xf32> to vector<1x128xf32>
    %sub3A_69 = arith.subf %add3A_55, %sub3A_68 : vector<1x128xf32>
    %integer_pow3A_70 = arith.mulf %sub3A_69, %sub3A_69 : vector<1x128xf32>
    %reduce_sum3A_71 = arith.constant dense<0.000000e+00> : vector<1xf32>
    %reduce_sum3A_72 = vector.multi_reduction <add>, %integer_pow3A_70, %reduce_sum3A_71 [1] : vector<1x128xf32> to vector<1xf32>
    %broadcast_in_dim3A_73 = vector.shape_cast %reduce_sum3A_72 : vector<1xf32> to vector<1x1xf32>
    %div3A_74 = arith.constant 1.280000e+02 : f32
    %div3A_75 = vector.broadcast %div3A_74 : f32 to vector<1x1xf32>
    %div3A_76 = arith.divf %broadcast_in_dim3A_73, %div3A_75 : vector<1x1xf32>
    %sub3A_77 = vector.broadcast %div3A_67 : vector<1x1xf32> to vector<1x128xf32>
    %sub3A_78 = arith.subf %add3A_55, %sub3A_77 : vector<1x128xf32>
    %add3A_79 = arith.constant 9.99999974E-6 : f32
    %add3A_80 = vector.broadcast %add3A_79 : f32 to vector<1x1xf32>
    %add3A_81 = arith.addf %div3A_76, %add3A_80 : vector<1x1xf32>
    %sqrt3A_82 = math.sqrt %add3A_81 : vector<1x1xf32>
    %div3A_83 = vector.broadcast %sqrt3A_82 : vector<1x1xf32> to vector<1x128xf32>
    %div3A_84 = arith.divf %sub3A_78, %div3A_83 : vector<1x128xf32>
    %mul3A_85 = arith.mulf %div3A_84, %get3A_58 : vector<1x128xf32>
    %add3A_86 = arith.addf %mul3A_85, %get3A_61 : vector<1x128xf32>
    %max3A_87 = arith.constant 0.000000e+00 : f32
    %max3A_88 = vector.broadcast %max3A_87 : f32 to vector<1x128xf32>
    %max3A_89 = arith.maximumf %add3A_86, %max3A_88 : vector<1x128xf32>
    %get3A_90 = arith.constant 0 : index
    %get3A_91 = arith.constant 0 : index
    %get3A_92 = vector.load %arg11[%get3A_90, %get3A_91] : memref<128x64xf32, #tpu.memory_space<vmem>>, vector<128x64xf32>
    %dot_general3A_93 = arith.constant dense<0.000000e+00> : vector<1x64xf32>
    %dot_general3A_94 = tpu.matmul %max3A_89, %get3A_92, %dot_general3A_93 {dimension_numbers = #tpu.dot_dimension_numbers<[1], [0], [0], [1], [0, 0, 1, 1], [], []>, precision = #tpu.contract_precision<fp32>, transpose_lhs_hint = false} : vector<1x128xf32>, vector<128x64xf32>, vector<1x64xf32> -> vector<1x64xf32>
    %get3A_95 = arith.constant 0 : index
    %get3A_96 = arith.constant 0 : index
    %get3A_97 = vector.load %arg12[%get3A_95, %get3A_96] : memref<1x64xf32, #tpu.memory_space<vmem>>, vector<1x64xf32>
    %add3A_98 = arith.addf %dot_general3A_94, %get3A_97 : vector<1x64xf32>
    %logistic3A = arith.negf %add3A_98 : vector<1x64xf32>
    %logistic3A_99 = math.exp %logistic3A : vector<1x64xf32>
    %logistic3A_100 = arith.constant 1.000000e+00 : f32
    %logistic3A_101 = vector.broadcast %logistic3A_100 : f32 to vector<1x64xf32>
    %logistic3A_102 = arith.addf %logistic3A_101, %logistic3A_99 : vector<1x64xf32>
    %logistic3A_103 = arith.divf %logistic3A_101, %logistic3A_102 : vector<1x64xf32>
    %swap3A = arith.constant 0 : index
    %swap3A_104 = arith.constant 0 : index
    %swap3A_105 = vector.load %arg13[%swap3A, %swap3A_104] : memref<1x64xf32, #tpu.memory_space<vmem>>, vector<1x64xf32>
    tpu.vector_store %arg13[%swap3A, %swap3A_104], %logistic3A_103 {strides = array<i32>} : memref<1x64xf32, #tpu.memory_space<vmem>>, vector<1x64xf32>,
    return
  }
}

</mosaic_0001>

<sc_bundles>
// kernel: kernel.4.cloned.1.call-start
scs
__scs_entry_jumppad:
0x0: {  	(pc) =	sbr.rel $0x88, $3  }
0x1: {  	(tag) =	ssettag $0x0;
	lr =	simm.s32 $0x1  }
0x2: {  	[smem:$0x3F92] =	sst lr;
	_ =	strace $0xD0000000  }
0x3: {  	_ = 	snop  }
0x4: {  	_ = 	snop  }
0x5: {  	_ = 	snop  }
0x6: {  	_ = 	snop  }
0x7: {  	_ = 	snop  }
__scs_overlays_trampoline_lowered:
0x8: {  	[smem:$0x3FA1] =	sst s0  }
0x9: {  	[smem:$0x3FA2] =	sst s1  }
0xa: {  	[smem:$0x3FA3] =	sst s2  }
0xb: {  	[smem:$0x3FA4] =	sst s3  }
0xc: {  	[smem:$0x3FA5] =	sst s4  }
0xd: {  	[smem:$0x3FA6] =	sst s5  }
0xe: {  	[smem:$0x3FA7] =	sst s6  }
0xf: {  	[smem:$0x3FA8] =	sst s7  }
0x10: {  	[smem:$0x3FA9] =	sst s8  }
0x11: {  	[smem:$0x3FAA] =	sst s9;
	s0 =	simm.s32 @!p0 $0x0  }
0x12: {  	s1 =	sld [smem:$0x3F90];
	s0 =	simm.s32 @p0 $0x1  }
0x13: {  	[smem:$0x3FAB] =	sst s0;
	s0 =	simm.s32 @!p1 $0x0  }
0x14: {  	s2 =	sld [smem:$0x3F8F];
	s0 =	simm.s32 @p1 $0x1  }
0x15: {  	[smem:$0x3FAC] =	sst s0;
	s0 =	simm.s32 @!p2 $0x0  }
0x16: {  	s3 =	sld [smem:$0x3FDB];
	s0 =	simm.s32 @p2 $0x1  }
0x17: {  	s4 =	simm.s32 $0x1BF5;
	[smem:$0x3FAE] =	sst s0  }
0x18: {  	s0 =	sld [smem:$0x3F91];
	_ =	swait.ge [sflag:s4], $0x0  }
0x19: {  	s7 =	sld [smem:$0x3F92]  }
0x1a: {  	s8 =	sadd.s32 $0xFFFFE003, lr  }
0x1b: {  	s9 =	sadd.s32 $0xFFFFFEF7, lr;
	s5 =	simm.s32 $0xFFFFFFFF;
	p2 =	slt.u32 s8, $0xFFFFF086  }
0x1c: {  	p1 =	slt.u32 s9, $0xF7A;
	s5 =	simm.s32 @!p2 $0x0  }
0x1d: {  	s5 =	simm.s32 @p1 $0x1;
	p0 =	seq.s32 s7, s2  }
0x1e: {  	s7 =	smul.u32 @!p0 $0xF7A, s2;
	p2 =	seq.s32 @!p0 s5, $0x0  }
0x1f: {  	s9 =	smul.u32 $0xF7A, s1;
	s8 =	simm.s32 @!p0 $0x1BF5;
	p2 =	por !p2, p0  }
0x20: {  	[sflag:s8] =	ssyncset.s32 @!p0 $0xFFFFF086;
	s6 =	sadd.s32 @!p0 s3, s7;
	s7 =	simm.s32 @!p0 $0x108  }
0x21: {  	s3 =	sadd.s32 s3, s9;
	s6 =	sadd.s32 @!p0 $0x88, s6;
	s7 =	simm.s32 @p2 $0x1082  }
0x22: {  	[simem:s7], [sflag:s8] =	dma.local @!p0 [hbm:s6], $0xF7A  }
0x23: {  	s9 =	sor.u32 $0xD0000000, s2;
	s6 =	simm.s32 $0x108;
	_ =	swait.ge @!p0 [sflag:s8], $0x0  }
0x24: {  	s3 =	sadd.s32 $0x88, s3;
	s6 =	simm.s32 @!p1 $0x1082;
	[sflag:s4] =	ssyncset.s32 $0xFFFFF086  }
0x25: {  	[simem:s6], [sflag:s4] =	dma.local [hbm:s3], $0xF7A  }
0x26: {  	[smem:$0x3F92] =	sst s1;
	(tag) =	ssettag s2;
	_ =	strace s9  }
0x27: {  	s1 =	sld [smem:$0x3FA2]  }
0x28: {  	s2 =	sld [smem:$0x3FA3]  }
0x29: {  	s4 =	sld [smem:$0x3FA5]  }
0x2a: {  	p0 =	seq.s32 s5, $0x0;
	s5 =	sld [smem:$0x3FA6]  }
0x2b: {  	s6 =	sld [smem:$0x3FA7]  }
0x2c: {  	s7 =	sld [smem:$0x3FA8]  }
0x2d: {  	s3 =	simm.s32 $0x108;
	s8 =	sld [smem:$0x3FA9]  }
0x2e: {  	s3 =	simm.s32 @!p0 $0x1082;
	s9 =	sld [smem:$0x3FAA]  }
0x2f: {  	lr =	sadd.s32 s0, s3;
	s0 =	sld [smem:$0x3FA1]  }
0x30: {  	s3 =	sld [smem:$0x3FA4]  }
0x31: {  	[smem:$0x3FAD] =	sst s10  }
0x32: {  	s10 =	sld [smem:$0x3FAB];
	_ =	sdelay $0x3  }
0x33: {  	p0 =	seq.s32 s10, $0x1;
	s10 =	sld [smem:$0x3FAD];
	_ =	sdelay $0x3  }
0x34: {  	[smem:$0x3FAD] =	sst s10  }
0x35: {  	s10 =	sld [smem:$0x3FAC];
	_ =	sdelay $0x3  }
0x36: {  	p1 =	seq.s32 s10, $0x1;
	s10 =	sld [smem:$0x3FAD];
	_ =	sdelay $0x3  }
0x37: {  	[smem:$0x3FAD] =	sst s10  }
0x38: {  	s10 =	sld [smem:$0x3FAE]  }
0x39: {  	_ = 	snop;
	(pc) =	sbr.ind lr, $3  }
0x3a: {  	_ = 	snop  }
0x3b: {  	_ = 	snop  }
0x3c: {  	p2 =	seq.s32 s10, $0x1;
	s10 =	sld [smem:$0x3FAD]  }
0x3d: {  	_ =	shalt  }
0x3e: {  	_ =	shalt  }
0x3f: {  	_ =	shalt  }
0x40: {  	_ =	shalt  }
0x41: {  	_ =	shalt  }
0x42: {  	_ =	shalt  }
0x43: {  	_ =	shalt  }
0x44: {  	_ =	shalt  }
0x45: {  	_ =	shalt  }
0x46: {  	_ =	shalt  }
0x47: {  	_ =	shalt  }
0x48: {  	_ =	shalt  }
0x49: {  	_ =	shalt  }
0x4a: {  	_ =	shalt  }
0x4b: {  	_ =	shalt  }
0x4c: {  	_ =	shalt  }
0x4d: {  	_ =	shalt  }
0x4e: {  	_ =	shalt  }
0x4f: {  	_ =	shalt  }
0x50: {  	_ =	shalt  }
0x51: {  	_ =	shalt  }
0x52: {  	_ =	shalt  }
0x53: {  	_ =	shalt  }
0x54: {  	_ =	shalt  }
0x55: {  	_ =	shalt  }
0x56: {  	_ =	shalt  }
0x57: {  	_ =	shalt  }
0x58: {  	_ =	shalt  }
0x59: {  	_ =	shalt  }
0x5a: {  	_ =	shalt  }
0x5b: {  	_ =	shalt  }
0x5c: {  	_ =	shalt  }
0x5d: {  	_ =	shalt  }
0x5e: {  	_ =	shalt  }
0x5f: {  	_ =	shalt  }
0x60: {  	_ =	shalt  }
0x61: {  	_ =	shalt  }
0x62: {  	_ =	shalt  }
0x63: {  	_ =	shalt  }
0x64: {  	_ =	shalt  }
0x65: {  	_ =	shalt  }
0x66: {  	_ =	shalt  }
0x67: {  	_ =	shalt  }
0x68: {  	_ =	shalt  }
0x69: {  	_ =	shalt  }
0x6a: {  	_ =	shalt  }
0x6b: {  	_ =	shalt  }
0x6c: {  	_ =	shalt  }
0x6d: {  	_ =	shalt  }
0x6e: {  	_ =	shalt  }
0x6f: {  	_ =	shalt  }
0x70: {  	_ =	shalt  }
0x71: {  	_ =	shalt  }
0x72: {  	_ =	shalt  }
0x73: {  	_ =	shalt  }
0x74: {  	_ =	shalt  }
0x75: {  	_ =	shalt  }
0x76: {  	_ =	shalt  }
0x77: {  	_ =	shalt  }
0x78: {  	_ =	shalt  }
0x79: {  	_ =	shalt  }
0x7a: {  	_ =	shalt  }
0x7b: {  	_ =	shalt  }
0x7c: {  	_ =	shalt  }
0x7d: {  	_ =	shalt  }
0x7e: {  	_ =	shalt  }
0x7f: {  	_ =	shalt  }
0x80: {  	_ =	shalt  }
0x81: {  	_ =	shalt  }
0x82: {  	_ =	shalt  }
0x83: {  	_ =	shalt  }
0x84: {  	_ =	shalt  }
0x85: {  	_ =	shalt  }
0x86: {  	_ =	shalt  }
0x87: {  	_ =	shalt  }
.Lfunc_end0:
.L_simem_size_0:
called_computation_lowered:
.L_overlay_start_0:
0x88: {  	s0 =	sld [smem:$0x3FD9]  }
0x89: {  	s1 =	sld [smem:$0x3FFE];
	_ =	sdelay $0x3  }
0x8a: {  	s0 =	sadd.s32 s1, s0  }
0x8b: {  	[smem:$0x3FB9] =	sst s0  }
0x8c: {  	_ = 	snop  }
0x8d: {  	s0 =	sld [smem:$0x3FC9]  }
0x8e: {  	s16 =	sld [smem:$0x3FD0];
	(tm) =	ssettm $0x1  }
0x8f: {  	s2 =	sld [smem:$0x3FFB];
	_ =	sdelay $0x3  }
0x90: {  	_ =	strace s2  }
0x91: {  	s2 =	sld [smem:$0x3FFC];
	_ =	sdelay $0x3  }
0x92: {  	_ =	strace s2  }
0x93: {  	s2 =	sld [smem:$0x3FFD];
	_ =	sdelay $0x3  }
0x94: {  	_ =	strace s2  }
0x95: {  	_ =	strace $0x8FFFFFFF  }
0x96: {  	s17 =	sld [smem:$0x3FDB];
	_ =	sdelay $0x1  }
0x97: {  	s3 =	simm.s32 $_scs_section_size  }
0x98: {  	s4 =	simm.s32 $_size__tile_overlayer_lowered;
	s5 =	simm.s32 $_tile_overlayer_lowered  }
0x99: {  	s20 =	simm.s32 $0x1BFF;
	s19 =	sshll.u32 s5, $0x1;
	s2 =	sadd.s32 s3, s17  }
0x9a: {  	s6 =	simm.s32 $0x0;
	s18 =	sshll.u32 s4, $0x1;
	s4 =	sadd.s32 s19, s2  }
0x9b: {  	[timem:s6], [sflag:s20] =	dma.local [hbm:s4], s18  }
0x9c: {  	_ =	swait.ge [sflag:s20], s18  }
0x9d: {  	s3 =	ssub.s32 $0x0, s18;
	[sflag:s20] =	ssyncset.done $0x0  }
0x9e: {  	[sflag:s20] =	ssyncadd.s32 s3;
	_ =	sdelay $0x1  }
0x9f: {  	s21 =	simm.s32 $0x1B8B  }
0xa0: {  	_ =	swait.ge [sflag:s21], $0x1  }
0xa1: {  	[sflag:s21] =	ssyncset.done $0x0  }
0xa2: {  	s23 =	simm.s32 $0x1B8E;
	s22 =	sld [smem:$0x3FFE];
	[sflag:s21] =	ssyncadd.s32 $0xFFFFFFFF  }
0xa3: {  	s24 =	simm.s32 $execute0_lowered;
	[smem:$0x3FD2] =	sst s23  }
0xa4: {  	s4 =	sshll.u32 s24, $0x1;
	_ =	strace $0x80000046;
	[dreg:$0x1] =	wrdreg $0xFFFFFFFF  }
0xa5: {  	s25 =	simm.s32 $_size_execute0_lowered;
	s2 =	sadd.s32 s2, s4;
	[dreg:$0x0] =	wrdreg $0x0  }
0xa6: {  	s4 =	sshll.u32 s25, $0x1;
	[dreg:$0x2] =	wrdreg s2  }
0xa7: {  	[dreg:$0x3] =	wrdreg s4  }
0xa8: {  	[dreg:$0x4] =	wrdreg $0xC0  }
0xa9: {  	_ =	task [dreg:s6], $0x5FFFF  }
0xaa: {  	[dreg:$0x1] =	wrdreg $0xFFFFFFFF  }
0xab: {  	[dreg:$0x0] =	wrdreg $0x60  }
0xac: {  	[dreg:$0x2] =	wrdreg s22  }
0xad: {  	[dreg:$0x3] =	wrdreg s0  }
0xae: {  	[dreg:$0x4] =	wrdreg s16  }
0xaf: {  	[dreg:$0x5] =	wrdreg $0x125800  }
0xb0: {  	[dreg:$0x6] =	wrdreg $0xFB000  }
0xb1: {  	[dreg:$0x7] =	wrdreg $0x123000  }
0xb2: {  	[dreg:$0x8] =	wrdreg $0x9  }
0xb3: {  	_ =	task.clear_ibuf [dreg:s6], $0x9FFFF;
	_ =	strace $0x90000046  }
0xb4: {  	s26 =	simm.s32 $0x9;
	_ =	strace $0x80000048  }
0xb5: {  	_ =	swait.ge [sflag:s26], $0x1  }
0xb6: {  	[sflag:s26] =	ssyncadd.s32 $0xFFFFFFFF  }
0xb7: {  	_ =	strace $0x90000048  }
0xb8: {  	_ =	sfence  }
0xb9: {  	s28 =	sld [smem:$0x0];
	_ =	sdelay $0x1  }
0xba: {  	s29 =	srdreg.scid  }
0xbb: {  	s30 =	sshll.u32 s29, $0xD;
	s31 =	sshrl.u32 s29, $0x2  }
0xbc: {  	s1 =	sand.u32 $0x1, s29;
	s2 =	sand.u32 $0x4000, s30;
	s0 =	sadd.s32 s31, s28  }
0xbd: {  	s1 =	sor.u32 s2, s1;
	s0 =	sshll.u32 s0, $0x11  }
0xbe: {  	s0 =	sor.u32 s0, s1  }
0xbf: {  	s0 =	sadd.s32 $0x8F2B, s0  }
0xc0: {  	[sflag:s0] =	ssyncadd.remote.s32 $0x1  }
0xc1: {  	_ =	sfence.sel $0xFFFF  }
0xc2: {  	[dreg:$0x0] =	wrdreg $0xFFFFFFFF;
	(pc) =	sbr.abs _section_cstart, $3  }
0xc3: {  	[dreg:$0x1] =	wrdreg $0xFFFFFFFF  }
0xc4: {  	_ =	task.clear_ibuf [dreg:s6], $0x2FFFF;
	_ =	strace $0x9FFFFFFF  }
0xc5: {  	(tm) =	ssettm $0x7FFFFFFF  }
tec
execute0_lowered:
.L_overlay_start_1:
0x0: {  	(tag) =	ssettag $0x1  }
0x1: {  	s1 =	rddreg [dreg:$0x0]  }
0x2: {  	s3 =	rddreg [dreg:$0x1]  }
0x3: {  	s4 =	rddreg [dreg:$0x2]  }
0x4: {  	s2 =	rddreg [dreg:$0x3]  }
0x5: {  	s6 =	rddreg [dreg:$0x4]  }
0x6: {  	s5 =	rddreg [dreg:$0x5]  }
0x7: {  	s0 =	rddreg [dreg:$0x6];
	s7 =	simm.s32 $0x0  }
0x8: {  	[smem:$0x7FF] =	sst s7  }
0x9: {  	s8 =	simm.s32 $0xC100;
	s31 =	simm.s32 $0x7;
	_ =	strace $0x80000047  }
0xa: {  	[tilespmem:s8], [sflag:$0x7] =	stream.linear.gather [hbm4b:s4+s7], $0x80, $0x38;
	[tilespmem:$0x12600] =	vst v63  }
0xb: {  	_ =	swait.ge [sflag:s31], $0x80  }
0xc: {  	[sflag:s31] =	ssyncset.done $0x0  }
0xd: {  	s9 =	simm.s32 $0x200;
	s7 =	sadd.s32 $0x1E00, s1;
	[sflag:s31] =	ssyncadd.s32 $0xFFFFFF80  }
0xe: {  	v1 =	vimm.f32 $0.0e+00;
	s1 =	sadd.s32 $0x15800, s1;
	s4 =	stileid.u32;
	s8 =	simm.s32 $0x0;
	v0 =	vld [tilespmem:$0xC100]  }
.LBB2_1:
0xf: {  	p0 =	sne.s32 s9, $0x9E00;
	[tilespmem:s8+$0x2070] =	vst v1  }
0x10: {  	[tilespmem:s8+$0x2000] =	vst v1  }
0x11: {  	[tilespmem:s8+$0x2010] =	vst v1  }
.Ltmp0:
0x12: {  	[tilespmem:s8+$0x2020] =	vst v1;
	(pc) =	sbr.rel @p0 .LBB2_1-.Ltmp0, $4  }
0x13: {  	[tilespmem:s8+$0x2030] =	vst v1  }
0x14: {  	[tilespmem:s8+$0x2040] =	vst v1  }
0x15: {  	[tilespmem:s8+$0x2050] =	vst v1  }
0x16: {  	[tilespmem:s8+$0x2060] =	vst v1;
	s8 =	sshra.s32 s9, $0x2;
	s9 =	sadd.s32 $0x200, s9  }
0x17: {  	[tilespmem:s8+$0x2070] =	vst v1  }
0x18: {  	[tilespmem:s8+$0x2000] =	vst v1  }
0x19: {  	[tilespmem:s8+$0x2010] =	vst v1  }
0x1a: {  	[tilespmem:s8+$0x2020] =	vst v1  }
0x1b: {  	[tilespmem:s8+$0x2030] =	vst v1;
	s9 =	smul.u32 $0x4E20, s4  }
0x1c: {  	[tilespmem:s8+$0x2040] =	vst v1  }
0x1d: {  	[tilespmem:s8+$0x2050] =	vst v1;
	s9 =	sshrl.u32 s9, $0x3  }
0x1e: {  	[tilespmem:s8+$0x2060] =	vst v1;
	s8 =	simm.s32 $0x0;
	s7 =	sadd.s32 s7, s9  }
0x1f: {  	[tilespmem:s8], [sflag:$0x3] =	stream.linear.gather [hbm4b:s7+s8], $0x7D0, $0x38;
	[tilespmem:$0x12600] =	vst v63  }
0x20: {  	s10 =	simm.s32 $0x1000;
	s9 =	sadd.s32 $0x9C40, s7  }
0x21: {  	[tilespmem:s10], [sflag:$0x5] =	stream.linear.gather [hbm4b:s9+s8], $0x7D0, $0x38;
	[tilespmem:$0x12600] =	vst v63  }
0x22: {  	s26 =	simm.s32 $0x800;
	s25 =	sadd.s32 $0xFA, s7  }
0x23: {  	[tilespmem:s26], [sflag:$0x4] =	stream.linear.gather [hbm4b:s25+s8], $0x7D0, $0x38;
	[tilespmem:$0x12600] =	vst v63  }
0x24: {  	s29 =	simm.s32 $0x1800;
	s30 =	simm.s32 $0x3;
	s28 =	sadd.s32 $0x9D3A, s7  }
0x25: {  	[tilespmem:s29], [sflag:$0x6] =	stream.linear.gather [hbm4b:s28+s8], $0x7D0, $0x38;
	[tilespmem:$0x12600] =	vst v63  }
0x26: {  	_ =	swait.ge [sflag:s30], $0x7D0  }
0x27: {  	[sflag:s30] =	ssyncset.done $0x0  }
0x28: {  	s31 =	simm.s32 $0x5;
	[sflag:s30] =	ssyncadd.s32 $0xFFFFF830  }
0x29: {  	_ =	swait.ge [sflag:s31], $0x7D0  }
0x2a: {  	[sflag:s31] =	ssyncset.done $0x0  }
0x2b: {  	v1 =	vimm.s32 $0x0;
	v2 =	vimm.f32 $1.000000000e+00;
	s9 =	simm.s32 $0x2000;
	[sflag:s31] =	ssyncadd.s32 $0xFFFFF830  }
.LBB2_3:
0x2c: {  	s10 =	sshra.s32 s8, $0x2  }
0x2d: {  	v3 =	vld [tilespmem:s10+$0x1000];
	_ =	sdelay $0x7  }
0x2e: {  	[tilespmem:v3+s9+$0x0] =	vst.idx.add.f32.msk $0xffff, v2  }
0x2f: {  	v4 =	vld [tilespmem:s10+$0x1010];
	_ =	sdelay $0x7  }
0x30: {  	[tilespmem:v4+s9+$0x0] =	vst.idx.add.f32.msk $0xffff, v2  }
0x31: {  	v5 =	vld [tilespmem:s10+$0x1020];
	_ =	sdelay $0x7  }
0x32: {  	[tilespmem:v5+s9+$0x0] =	vst.idx.add.f32.msk $0xffff, v2  }
0x33: {  	v6 =	vld [tilespmem:s10+$0x1030];
	_ =	sdelay $0x7  }
0x34: {  	[tilespmem:v6+s9+$0x0] =	vst.idx.add.f32.msk $0xffff, v2  }
0x35: {  	v7 =	vld [tilespmem:s10+$0x1040];
	_ =	sdelay $0x1  }
0x36: {  	vm0 =	veq.s32 v3, v0;
	vm1 =	veq.s32 v4, v0  }
0x37: {  	v8 =	vmpcnt.ones.xlane vm0;
	v9 =	vmpcnt.ones.xlane vm1;
	vm13 =	veq.s32 v5, v0  }
0x38: {  	v10 =	vmpcnt.ones.xlane vm13;
	vm14 =	veq.s32 v6, v0  }
0x39: {  	v12 =	vadd.s32 v8, v9;
	v11 =	vmpcnt.ones.xlane vm14;
	vm15 =	veq.s32 v7, v0  }
0x3a: {  	v12 =	vadd.s32 v10, v12;
	v13 =	vmpcnt.ones.xlane vm15  }
0x3b: {  	v12 =	vadd.s32 v11, v12  }
0x3c: {  	v12 =	vadd.s32 v13, v12  }
0x3d: {  	(v2sf) =	vpush v12, $0x0;
	_ =	sdelay $0xe  }
0x3e: {  	s31 =	spop (v2sf)  }
0x3f: {  	p0 =	slt.s32 s31, $0x1  }
0x40: {  	vm0 =	veq.s32 @!p0 v3, v0;
	v3 =	vimm.s32 @!p0 $0x0  }
0x41: {  	v13 =	vsel @!p0 vm0, $0x1, v3  }
0x42: {  	(xrf0) =	vadd.scan.msk.s32 @!p0 $0xffff, v13;
	_ =	sdelay $0x3  }
0x43: {  	vm1 =	veq.s32 @!p0 v4, v0  }
0x44: {  	v4 =	vsel @!p0 vm1, $0x1, v3  }
0x45: {  	v14 =	vadd.s32 @!p0 $0xFFFFFFFF, v1;
	v13, _, _ =	vpop @!p0 (xrf0);
	(xrf0) =	vadd.scan.msk.s32 @!p0 $0xffff, v4  }
0x46: {  	[tilespmem:v7+s9+$0x0] =	vst.idx.add.f32.msk $0xffff, v2;
	s10 =	sshra.s32 @!p0 s8, $0x2;
	v4 =	vadd.s32 @!p0 v13, v14  }
0x47: {  	v13 =	vld @!p0 [tilespmem:s10+$0x0];
	v4 =	vnsel @!p0 vm0, $0x0, v4;
	_ =	sdelay $0x1  }
0x48: {  	vm2 =	veq.s32 @!p0 v5, v0  }
0x49: {  	v5 =	vsel @!p0 vm2, $0x1, v3  }
0x4a: {  	s11 =	simm.s32 @!p0 $0x4800;
	v8 =	vadd.s32 @!p0 v8, v14;
	v14, _, _ =	vpop @!p0 (xrf0);
	(xrf0) =	vadd.scan.msk.s32 @!p0 $0xffff, v5  }
0x4b: {  	[tilespmem:v4+s11+$0x0] =	vst.idx.msk @!p0 vm0, v13;
	v4 =	vadd.s32 @!p0 v14, v8  }
0x4c: {  	v5 =	vld @!p0 [tilespmem:s10+$0x10];
	v4 =	vnsel @!p0 vm1, $0x0, v4;
	_ =	sdelay $0x1  }
0x4d: {  	vm0 =	veq.s32 @!p0 v6, v0  }
0x4e: {  	v6 =	vsel @!p0 vm0, $0x1, v3  }
0x4f: {  	v8 =	vadd.s32 @!p0 v9, v8;
	v13, _, _ =	vpop @!p0 (xrf0);
	(xrf0) =	vadd.scan.msk.s32 @!p0 $0xffff, v6  }
0x50: {  	[tilespmem:v4+s11+$0x0] =	vst.idx.msk @!p0 vm1, v5;
	v4 =	vadd.s32 @!p0 v13, v8  }
0x51: {  	v5 =	vld @!p0 [tilespmem:s10+$0x20];
	v4 =	vnsel @!p0 vm2, $0x0, v4;
	_ =	sdelay $0x1  }
0x52: {  	vm1 =	veq.s32 @!p0 v7, v0  }
0x53: {  	v3 =	vsel @!p0 vm1, $0x1, v3  }
0x54: {  	v7 =	vadd.s32 @!p0 v10, v8;
	v6, _, _ =	vpop @!p0 (xrf0);
	(xrf0) =	vadd.scan.msk.s32 @!p0 $0xffff, v3  }
0x55: {  	[tilespmem:v4+s11+$0x0] =	vst.idx.msk @!p0 vm2, v5;
	v3 =	vadd.s32 @!p0 v6, v7  }
0x56: {  	v4 =	vld @!p0 [tilespmem:s10+$0x30];
	v3 =	vnsel @!p0 vm0, $0x0, v3;
	_ =	sdelay $0x3  }
0x57: {  	v6 =	vadd.s32 @!p0 v11, v7;
	v5, _, _ =	vpop @!p0 (xrf0)  }
0x58: {  	s8 =	sadd.s32 $0x140, s8;
	[tilespmem:v3+s11+$0x0] =	vst.idx.msk @!p0 vm0, v4;
	v3 =	vadd.s32 @!p0 v5, v6  }
0x59: {  	p1 =	sne.s32 s8, $0x1F40;
	v4 =	vld @!p0 [tilespmem:s10+$0x40];
	v3 =	vnsel @!p0 vm1, $0x0, v3  }
.Ltmp1:
0x5a: {  	_ = 	snop;
	(pc) =	sbr.rel @p1 .LBB2_3-.Ltmp1, $2  }
0x5b: {  	_ =	sdelay $0x2  }
0x5c: {  	v1 =	vadd.s32 v1, v12;
	[tilespmem:v3+s11+$0x0] =	vst.idx.msk @!p0 vm1, v4  }
0x5d: {  	s9 =	sadd.s32 $0x1F4, s7;
	s8 =	simm.s32 $0x0  }
0x5e: {  	[tilespmem:s8], [sflag:$0x3] =	stream.linear.gather [hbm4b:s9+s8], $0x7D0, $0x38;
	[tilespmem:$0x12600] =	vst v63  }
0x5f: {  	s29 =	sadd.s32 $0x9E34, s7;
	s10 =	simm.s32 $0x1000;
	s30 =	simm.s32 $0x4  }
0x60: {  	[tilespmem:s10], [sflag:$0x5] =	stream.linear.gather [hbm4b:s29+s8], $0x7D0, $0x38;
	[tilespmem:$0x12600] =	vst v63  }
0x61: {  	_ =	swait.ge [sflag:s30], $0x7D0  }
0x62: {  	[sflag:s30] =	ssyncset.done $0x0  }
0x63: {  	s31 =	simm.s32 $0x6;
	[sflag:s30] =	ssyncadd.s32 $0xFFFFF830  }
0x64: {  	_ =	swait.ge [sflag:s31], $0x7D0  }
0x65: {  	[sflag:s31] =	ssyncset.done $0x0  }
0x66: {  	v2 =	vimm.f32 $1.000000000e+00;
	s9 =	simm.s32 $0x2000;
	[sflag:s31] =	ssyncadd.s32 $0xFFFFF830  }
.LBB2_5:
0x67: {  	s10 =	sshra.s32 s8, $0x2  }
0x68: {  	v3 =	vld [tilespmem:s10+$0x1800];
	_ =	sdelay $0x7  }
0x69: {  	[tilespmem:v3+s9+$0x0] =	vst.idx.add.f32.msk $0xffff, v2  }
0x6a: {  	v4 =	vld [tilespmem:s10+$0x1810];
	_ =	sdelay $0x7  }
0x6b: {  	[tilespmem:v4+s9+$0x0] =	vst.idx.add.f32.msk $0xffff, v2  }
0x6c: {  	v5 =	vld [tilespmem:s10+$0x1820];
	_ =	sdelay $0x7  }
0x6d: {  	[tilespmem:v5+s9+$0x0] =	vst.idx.add.f32.msk $0xffff, v2  }
0x6e: {  	v6 =	vld [tilespmem:s10+$0x1830];
	_ =	sdelay $0x7  }
0x6f: {  	[tilespmem:v6+s9+$0x0] =	vst.idx.add.f32.msk $0xffff, v2  }
0x70: {  	v7 =	vld [tilespmem:s10+$0x1840];
	_ =	sdelay $0x1  }
0x71: {  	vm0 =	veq.s32 v3, v0;
	vm1 =	veq.s32 v4, v0  }
0x72: {  	v8 =	vmpcnt.ones.xlane vm0;
	v9 =	vmpcnt.ones.xlane vm1;
	vm13 =	veq.s32 v5, v0  }
0x73: {  	v10 =	vmpcnt.ones.xlane vm13;
	vm14 =	veq.s32 v6, v0  }
0x74: {  	v12 =	vadd.s32 v8, v9;
	v11 =	vmpcnt.ones.xlane vm14;
	vm15 =	veq.s32 v7, v0  }
0x75: {  	v12 =	vadd.s32 v10, v12;
	v13 =	vmpcnt.ones.xlane vm15  }
0x76: {  	v12 =	vadd.s32 v11, v12  }
0x77: {  	v12 =	vadd.s32 v13, v12  }
0x78: {  	(v2sf) =	vpush v12, $0x0;
	_ =	sdelay $0xe  }
0x79: {  	s31 =	spop (v2sf)  }
0x7a: {  	p0 =	slt.s32 s31, $0x1  }
0x7b: {  	vm0 =	veq.s32 @!p0 v3, v0;
	v3 =	vimm.s32 @!p0 $0x0  }
0x7c: {  	v13 =	vsel @!p0 vm0, $0x1, v3  }
0x7d: {  	(xrf0) =	vadd.scan.msk.s32 @!p0 $0xffff, v13;
	_ =	sdelay $0x3  }
0x7e: {  	vm1 =	veq.s32 @!p0 v4, v0  }
0x7f: {  	v4 =	vsel @!p0 vm1, $0x1, v3  }
0x80: {  	v14 =	vadd.s32 @!p0 $0xFFFFFFFF, v1;
	v13, _, _ =	vpop @!p0 (xrf0);
	(xrf0) =	vadd.scan.msk.s32 @!p0 $0xffff, v4  }
0x81: {  	[tilespmem:v7+s9+$0x0] =	vst.idx.add.f32.msk $0xffff, v2;
	s10 =	sshra.s32 @!p0 s8, $0x2;
	v4 =	vadd.s32 @!p0 v13, v14  }
0x82: {  	v13 =	vld @!p0 [tilespmem:s10+$0x800];
	v4 =	vnsel @!p0 vm0, $0x0, v4;
	_ =	sdelay $0x1  }
0x83: {  	vm2 =	veq.s32 @!p0 v5, v0  }
0x84: {  	v5 =	vsel @!p0 vm2, $0x1, v3  }
0x85: {  	s11 =	simm.s32 @!p0 $0x4800;
	v8 =	vadd.s32 @!p0 v8, v14;
	v14, _, _ =	vpop @!p0 (xrf0);
	(xrf0) =	vadd.scan.msk.s32 @!p0 $0xffff, v5  }
0x86: {  	[tilespmem:v4+s11+$0x0] =	vst.idx.msk @!p0 vm0, v13;
	v4 =	vadd.s32 @!p0 v14, v8  }
0x87: {  	v5 =	vld @!p0 [tilespmem:s10+$0x810];
	v4 =	vnsel @!p0 vm1, $0x0, v4;
	_ =	sdelay $0x1  }
0x88: {  	vm0 =	veq.s32 @!p0 v6, v0  }
0x89: {  	v6 =	vsel @!p0 vm0, $0x1, v3  }
0x8a: {  	v8 =	vadd.s32 @!p0 v9, v8;
	v13, _, _ =	vpop @!p0 (xrf0);
	(xrf0) =	vadd.scan.msk.s32 @!p0 $0xffff, v6  }
0x8b: {  	[tilespmem:v4+s11+$0x0] =	vst.idx.msk @!p0 vm1, v5;
	v4 =	vadd.s32 @!p0 v13, v8  }
0x8c: {  	v5 =	vld @!p0 [tilespmem:s10+$0x820];
	v4 =	vnsel @!p0 vm2, $0x0, v4;
	_ =	sdelay $0x1  }
0x8d: {  	vm1 =	veq.s32 @!p0 v7, v0  }
0x8e: {  	v3 =	vsel @!p0 vm1, $0x1, v3  }
0x8f: {  	v7 =	vadd.s32 @!p0 v10, v8;
	v6, _, _ =	vpop @!p0 (xrf0);
	(xrf0) =	vadd.scan.msk.s32 @!p0 $0xffff, v3  }
0x90: {  	[tilespmem:v4+s11+$0x0] =	vst.idx.msk @!p0 vm2, v5;
	v3 =	vadd.s32 @!p0 v6, v7  }
0x91: {  	v4 =	vld @!p0 [tilespmem:s10+$0x830];
	v3 =	vnsel @!p0 vm0, $0x0, v3;
	_ =	sdelay $0x3  }
0x92: {  	v6 =	vadd.s32 @!p0 v11, v7;
	v5, _, _ =	vpop @!p0 (xrf0)  }
0x93: {  	s8 =	sadd.s32 $0x140, s8;
	[tilespmem:v3+s11+$0x0] =	vst.idx.msk @!p0 vm0, v4;
	v3 =	vadd.s32 @!p0 v5, v6  }
0x94: {  	p1 =	sne.s32 s8, $0x1F40;
	v4 =	vld @!p0 [tilespmem:s10+$0x840];
	v3 =	vnsel @!p0 vm1, $0x0, v3  }
.Ltmp2:
0x95: {  	_ = 	snop;
	(pc) =	sbr.rel @p1 .LBB2_5-.Ltmp2, $2  }
0x96: {  	_ =	sdelay $0x2  }
0x97: {  	v1 =	vadd.s32 v1, v12;
	[tilespmem:v3+s11+$0x0] =	vst.idx.msk @!p0 vm1, v4  }
0x98: {  	s9 =	sadd.s32 $0x2EE, s7;
	s8 =	simm.s32 $0x0;
	s10 =	simm.s32 $0x800  }
0x99: {  	[tilespmem:s10], [sflag:$0x4] =	stream.linear.gather [hbm4b:s9+s8], $0x7D0, $0x38;
	[tilespmem:$0x12600] =	vst v63  }
0x9a: {  	s28 =	sadd.s32 $0x9F2E, s7;
	s29 =	simm.s32 $0x1800;
	s30 =	simm.s32 $0x3  }
0x9b: {  	[tilespmem:s29], [sflag:$0x6] =	stream.linear.gather [hbm4b:s28+s8], $0x7D0, $0x38;
	[tilespmem:$0x12600] =	vst v63  }
0x9c: {  	_ =	swait.ge [sflag:s30], $0x7D0  }
0x9d: {  	[sflag:s30] =	ssyncset.done $0x0  }
0x9e: {  	s31 =	simm.s32 $0x5;
	[sflag:s30] =	ssyncadd.s32 $0xFFFFF830  }
0x9f: {  	_ =	swait.ge [sflag:s31], $0x7D0  }
0xa0: {  	[sflag:s31] =	ssyncset.done $0x0  }
0xa1: {  	v2 =	vimm.f32 $1.000000000e+00;
	s9 =	simm.s32 $0x2000;
	[sflag:s31] =	ssyncadd.s32 $0xFFFFF830  }
.LBB2_7:
0xa2: {  	s10 =	sshra.s32 s8, $0x2  }
0xa3: {  	v3 =	vld [tilespmem:s10+$0x1000];
	_ =	sdelay $0x7  }
0xa4: {  	[tilespmem:v3+s9+$0x0] =	vst.idx.add.f32.msk $0xffff, v2  }
0xa5: {  	v4 =	vld [tilespmem:s10+$0x1010];
	_ =	sdelay $0x7  }
0xa6: {  	[tilespmem:v4+s9+$0x0] =	vst.idx.add.f32.msk $0xffff, v2  }
0xa7: {  	v5 =	vld [tilespmem:s10+$0x1020];
	_ =	sdelay $0x7  }
0xa8: {  	[tilespmem:v5+s9+$0x0] =	vst.idx.add.f32.msk $0xffff, v2  }
0xa9: {  	v6 =	vld [tilespmem:s10+$0x1030];
	_ =	sdelay $0x7  }
0xaa: {  	[tilespmem:v6+s9+$0x0] =	vst.idx.add.f32.msk $0xffff, v2  }
0xab: {  	v7 =	vld [tilespmem:s10+$0x1040];
	_ =	sdelay $0x1  }
0xac: {  	vm0 =	veq.s32 v3, v0;
	vm1 =	veq.s32 v4, v0  }
0xad: {  	v8 =	vmpcnt.ones.xlane vm0;
	v9 =	vmpcnt.ones.xlane vm1;
	vm13 =	veq.s32 v5, v0  }
0xae: {  	v10 =	vmpcnt.ones.xlane vm13;
	vm14 =	veq.s32 v6, v0  }
0xaf: {  	v12 =	vadd.s32 v8, v9;
	v11 =	vmpcnt.ones.xlane vm14;
	vm15 =	veq.s32 v7, v0  }
0xb0: {  	v12 =	vadd.s32 v10, v12;
	v13 =	vmpcnt.ones.xlane vm15  }
0xb1: {  	v12 =	vadd.s32 v11, v12  }
0xb2: {  	v12 =	vadd.s32 v13, v12  }
0xb3: {  	(v2sf) =	vpush v12, $0x0;
	_ =	sdelay $0xe  }
0xb4: {  	s31 =	spop (v2sf)  }
0xb5: {  	p0 =	slt.s32 s31, $0x1  }
0xb6: {  	vm0 =	veq.s32 @!p0 v3, v0;
	v3 =	vimm.s32 @!p0 $0x0  }
0xb7: {  	v13 =	vsel @!p0 vm0, $0x1, v3  }
0xb8: {  	(xrf0) =	vadd.scan.msk.s32 @!p0 $0xffff, v13;
	_ =	sdelay $0x3  }
0xb9: {  	vm1 =	veq.s32 @!p0 v4, v0  }
0xba: {  	v4 =	vsel @!p0 vm1, $0x1, v3  }
0xbb: {  	v14 =	vadd.s32 @!p0 $0xFFFFFFFF, v1;
	v13, _, _ =	vpop @!p0 (xrf0);
	(xrf0) =	vadd.scan.msk.s32 @!p0 $0xffff, v4  }
0xbc: {  	[tilespmem:v7+s9+$0x0] =	vst.idx.add.f32.msk $0xffff, v2;
	s10 =	sshra.s32 @!p0 s8, $0x2;
	v4 =	vadd.s32 @!p0 v13, v14  }
0xbd: {  	v13 =	vld @!p0 [tilespmem:s10+$0x0];
	v4 =	vnsel @!p0 vm0, $0x0, v4;
	_ =	sdelay $0x1  }
0xbe: {  	vm2 =	veq.s32 @!p0 v5, v0  }
0xbf: {  	v5 =	vsel @!p0 vm2, $0x1, v3  }
0xc0: {  	s11 =	simm.s32 @!p0 $0x4800;
	v8 =	vadd.s32 @!p0 v8, v14;
	v14, _, _ =	vpop @!p0 (xrf0);
	(xrf0) =	vadd.scan.msk.s32 @!p0 $0xffff, v5  }
0xc1: {  	[tilespmem:v4+s11+$0x0] =	vst.idx.msk @!p0 vm0, v13;
	v4 =	vadd.s32 @!p0 v14, v8  }
0xc2: {  	v5 =	vld @!p0 [tilespmem:s10+$0x10];
	v4 =	vnsel @!p0 vm1, $0x0, v4;
	_ =	sdelay $0x1  }
0xc3: {  	vm0 =	veq.s32 @!p0 v6, v0  }
0xc4: {  	v6 =	vsel @!p0 vm0, $0x1, v3  }
0xc5: {  	v8 =	vadd.s32 @!p0 v9, v8;
	v13, _, _ =	vpop @!p0 (xrf0);
	(xrf0) =	vadd.scan.msk.s32 @!p0 $0xffff, v6  }
0xc6: {  	[tilespmem:v4+s11+$0x0] =	vst.idx.msk @!p0 vm1, v5;
	v4 =	vadd.s32 @!p0 v13, v8  }
0xc7: {  	v5 =	vld @!p0 [tilespmem:s10+$0x20];
	v4 =	vnsel @!p0 vm2, $0x0, v4;
	_ =	sdelay $0x1  }
0xc8: {  	vm1 =	veq.s32 @!p0 v7, v0  }
0xc9: {  	v3 =	vsel @!p0 vm1, $0x1, v3  }
0xca: {  	v7 =	vadd.s32 @!p0 v10, v8;
	v6, _, _ =	vpop @!p0 (xrf0);
	(xrf0) =	vadd.scan.msk.s32 @!p0 $0xffff, v3  }
0xcb: {  	[tilespmem:v4+s11+$0x0] =	vst.idx.msk @!p0 vm2, v5;
	v3 =	vadd.s32 @!p0 v6, v7  }
0xcc: {  	v4 =	vld @!p0 [tilespmem:s10+$0x30];
	v3 =	vnsel @!p0 vm0, $0x0, v3;
	_ =	sdelay $0x3  }
0xcd: {  	v6 =	vadd.s32 @!p0 v11, v7;
	v5, _, _ =	vpop @!p0 (xrf0)  }
0xce: {  	s8 =	sadd.s32 $0x140, s8;
	[tilespmem:v3+s11+$0x0] =	vst.idx.msk @!p0 vm0, v4;
	v3 =	vadd.s32 @!p0 v5, v6  }
0xcf: {  	p1 =	sne.s32 s8, $0x1F40;
	v4 =	vld @!p0 [tilespmem:s10+$0x40];
	v3 =	vnsel @!p0 vm1, $0x0, v3  }
.Ltmp3:
0xd0: {  	_ = 	snop;
	(pc) =	sbr.rel @p1 .LBB2_7-.Ltmp3, $2  }
0xd1: {  	_ =	sdelay $0x2  }
0xd2: {  	v1 =	vadd.s32 v1, v12;
	[tilespmem:v3+s11+$0x0] =	vst.idx.msk @!p0 vm1, v4  }
0xd3: {  	s9 =	sadd.s32 $0x3E8, s7;
	s8 =	simm.s32 $0x0  }
0xd4: {  	[tilespmem:s8], [sflag:$0x3] =	stream.linear.gather [hbm4b:s9+s8], $0x7D0, $0x38;
	[tilespmem:$0x12600] =	vst v63  }
0xd5: {  	s29 =	sadd.s32 $0xA028, s7;
	s10 =	simm.s32 $0x1000;
	s30 =	simm.s32 $0x4  }
0xd6: {  	[tilespmem:s10], [sflag:$0x5] =	stream.linear.gather [hbm4b:s29+s8], $0x7D0, $0x38;
	[tilespmem:$0x12600] =	vst v63  }
0xd7: {  	_ =	swait.ge [sflag:s30], $0x7D0  }
0xd8: {  	[sflag:s30] =	ssyncset.done $0x0  }
0xd9: {  	s31 =	simm.s32 $0x6;
	[sflag:s30] =	ssyncadd.s32 $0xFFFFF830  }
0xda: {  	_ =	swait.ge [sflag:s31], $0x7D0  }
0xdb: {  	[sflag:s31] =	ssyncset.done $0x0  }
0xdc: {  	v2 =	vimm.f32 $1.000000000e+00;
	s9 =	simm.s32 $0x2000;
	[sflag:s31] =	ssyncadd.s32 $0xFFFFF830  }
.LBB2_9:
0xdd: {  	s10 =	sshra.s32 s8, $0x2  }
0xde: {  	v3 =	vld [tilespmem:s10+$0x1800];
	_ =	sdelay $0x7  }
0xdf: {  	[tilespmem:v3+s9+$0x0] =	vst.idx.add.f32.msk $0xffff, v2  }
0xe0: {  	v4 =	vld [tilespmem:s10+$0x1810];
	_ =	sdelay $0x7  }
0xe1: {  	[tilespmem:v4+s9+$0x0] =	vst.idx.add.f32.msk $0xffff, v2  }
0xe2: {  	v5 =	vld [tilespmem:s10+$0x1820];
	_ =	sdelay $0x7  }
0xe3: {  	[tilespmem:v5+s9+$0x0] =	vst.idx.add.f32.msk $0xffff, v2  }
0xe4: {  	v6 =	vld [tilespmem:s10+$0x1830];
	_ =	sdelay $0x7  }
0xe5: {  	[tilespmem:v6+s9+$0x0] =	vst.idx.add.f32.msk $0xffff, v2  }
0xe6: {  	v7 =	vld [tilespmem:s10+$0x1840];
	_ =	sdelay $0x1  }
0xe7: {  	vm0 =	veq.s32 v3, v0;
	vm1 =	veq.s32 v4, v0  }
0xe8: {  	v8 =	vmpcnt.ones.xlane vm0;
	v9 =	vmpcnt.ones.xlane vm1;
	vm13 =	veq.s32 v5, v0  }
0xe9: {  	v10 =	vmpcnt.ones.xlane vm13;
	vm14 =	veq.s32 v6, v0  }
0xea: {  	v12 =	vadd.s32 v8, v9;
	v11 =	vmpcnt.ones.xlane vm14;
	vm15 =	veq.s32 v7, v0  }
0xeb: {  	v12 =	vadd.s32 v10, v12;
	v13 =	vmpcnt.ones.xlane vm15  }
0xec: {  	v12 =	vadd.s32 v11, v12  }
0xed: {  	v12 =	vadd.s32 v13, v12  }
0xee: {  	(v2sf) =	vpush v12, $0x0;
	_ =	sdelay $0xe  }
0xef: {  	s31 =	spop (v2sf)  }
0xf0: {  	p0 =	slt.s32 s31, $0x1  }
0xf1: {  	vm0 =	veq.s32 @!p0 v3, v0;
	v3 =	vimm.s32 @!p0 $0x0  }
0xf2: {  	v13 =	vsel @!p0 vm0, $0x1, v3  }
0xf3: {  	(xrf0) =	vadd.scan.msk.s32 @!p0 $0xffff, v13;
	_ =	sdelay $0x3  }
0xf4: {  	vm1 =	veq.s32 @!p0 v4, v0  }
0xf5: {  	v4 =	vsel @!p0 vm1, $0x1, v3  }
0xf6: {  	v14 =	vadd.s32 @!p0 $0xFFFFFFFF, v1;
	v13, _, _ =	vpop @!p0 (xrf0);
	(xrf0) =	vadd.scan.msk.s32 @!p0 $0xffff, v4  }
0xf7: {  	[tilespmem:v7+s9+$0x0] =	vst.idx.add.f32.msk $0xffff, v2;
	s10 =	sshra.s32 @!p0 s8, $0x2;
	v4 =	vadd.s32 @!p0 v13, v14  }
0xf8: {  	v13 =	vld @!p0 [tilespmem:s10+$0x800];
	v4 =	vnsel @!p0 vm0, $0x0, v4;
	_ =	sdelay $0x1  }
0xf9: {  	vm2 =	veq.s32 @!p0 v5, v0  }
0xfa: {  	v5 =	vsel @!p0 vm2, $0x1, v3  }
0xfb: {  	s11 =	simm.s32 @!p0 $0x4800;
	v8 =	vadd.s32 @!p0 v8, v14;
	v14, _, _ =	vpop @!p0 (xrf0);
	(xrf0) =	vadd.scan.msk.s32 @!p0 $0xffff, v5  }
0xfc: {  	[tilespmem:v4+s11+$0x0] =	vst.idx.msk @!p0 vm0, v13;
	v4 =	vadd.s32 @!p0 v14, v8  }
0xfd: {  	v5 =	vld @!p0 [tilespmem:s10+$0x810];
	v4 =	vnsel @!p0 vm1, $0x0, v4;
	_ =	sdelay $0x1  }
0xfe: {  	vm0 =	veq.s32 @!p0 v6, v0  }
0xff: {  	v6 =	vsel @!p0 vm0, $0x1, v3  }
0x100: {  	v8 =	vadd.s32 @!p0 v9, v8;
	v13, _, _ =	vpop @!p0 (xrf0);
	(xrf0) =	vadd.scan.msk.s32 @!p0 $0xffff, v6  }
0x101: {  	[tilespmem:v4+s11+$0x0] =	vst.idx.msk @!p0 vm1, v5;
	v4 =	vadd.s32 @!p0 v13, v8  }
0x102: {  	v5 =	vld @!p0 [tilespmem:s10+$0x820];
	v4 =	vnsel @!p0 vm2, $0x0, v4;
	_ =	sdelay $0x1  }
0x103: {  	vm1 =	veq.s32 @!p0 v7, v0  }
0x104: {  	v3 =	vsel @!p0 vm1, $0x1, v3  }
0x105: {  	v7 =	vadd.s32 @!p0 v10, v8;
	v6, _, _ =	vpop @!p0 (xrf0);
	(xrf0) =	vadd.scan.msk.s32 @!p0 $0xffff, v3  }
0x106: {  	[tilespmem:v4+s11+$0x0] =	vst.idx.msk @!p0 vm2, v5;
	v3 =	vadd.s32 @!p0 v6, v7  }
0x107: {  	v4 =	vld @!p0 [tilespmem:s10+$0x830];
	v3 =	vnsel @!p0 vm0, $0x0, v3;
	_ =	sdelay $0x3  }
0x108: {  	v6 =	vadd.s32 @!p0 v11, v7;
	v5, _, _ =	vpop @!p0 (xrf0)  }
0x109: {  	s8 =	sadd.s32 $0x140, s8;
	[tilespmem:v3+s11+$0x0] =	vst.idx.msk @!p0 vm0, v4;
	v3 =	vadd.s32 @!p0 v5, v6  }
0x10a: {  	p1 =	sne.s32 s8, $0x1F40;
	v4 =	vld @!p0 [tilespmem:s10+$0x840];
	v3 =	vnsel @!p0 vm1, $0x0, v3  }
.Ltmp4:
0x10b: {  	_ = 	snop;
	(pc) =	sbr.rel @p1 .LBB2_9-.Ltmp4, $2  }
0x10c: {  	_ =	sdelay $0x2  }
0x10d: {  	v1 =	vadd.s32 v1, v12;
	[tilespmem:v3+s11+$0x0] =	vst.idx.msk @!p0 vm1, v4  }
0x10e: {  	s9 =	sadd.s32 $0x4E2, s7;
	s8 =	simm.s32 $0x0;
	s10 =	simm.s32 $0x800  }
0x10f: {  	[tilespmem:s10], [sflag:$0x4] =	stream.linear.gather [hbm4b:s9+s8], $0x7D0, $0x38;
	[tilespmem:$0x12600] =	vst v63  }
0x110: {  	s28 =	sadd.s32 $0xA122, s7;
	s29 =	simm.s32 $0x1800;
	s30 =	simm.s32 $0x3  }
0x111: {  	[tilespmem:s29], [sflag:$0x6] =	stream.linear.gather [hbm4b:s28+s8], $0x7D0, $0x38;
	[tilespmem:$0x12600] =	vst v63  }
0x112: {  	_ =	swait.ge [sflag:s30], $0x7D0  }
0x113: {  	[sflag:s30] =	ssyncset.done $0x0  }
0x114: {  	s31 =	simm.s32 $0x5;
	[sflag:s30] =	ssyncadd.s32 $0xFFFFF830  }
0x115: {  	_ =	swait.ge [sflag:s31], $0x7D0  }
0x116: {  	[sflag:s31] =	ssyncset.done $0x0  }
0x117: {  	v2 =	vimm.f32 $1.000000000e+00;
	s9 =	simm.s32 $0x2000;
	[sflag:s31] =	ssyncadd.s32 $0xFFFFF830  }
.LBB2_11:
0x118: {  	s10 =	sshra.s32 s8, $0x2  }
0x119: {  	v3 =	vld [tilespmem:s10+$0x1000];
	_ =	sdelay $0x7  }
0x11a: {  	[tilespmem:v3+s9+$0x0] =	vst.idx.add.f32.msk $0xffff, v2  }
0x11b: {  	v4 =	vld [tilespmem:s10+$0x1010];
	_ =	sdelay $0x7  }
0x11c: {  	[tilespmem:v4+s9+$0x0] =	vst.idx.add.f32.msk $0xffff, v2  }
0x11d: {  	v5 =	vld [tilespmem:s10+$0x1020];
	_ =	sdelay $0x7  }
0x11e: {  	[tilespmem:v5+s9+$0x0] =	vst.idx.add.f32.msk $0xffff, v2  }
0x11f: {  	v6 =	vld [tilespmem:s10+$0x1030];
	_ =	sdelay $0x7  }
0x120: {  	[tilespmem:v6+s9+$0x0] =	vst.idx.add.f32.msk $0xffff, v2  }
0x121: {  	v7 =	vld [tilespmem:s10+$0x1040];
	_ =	sdelay $0x1  }
0x122: {  	vm0 =	veq.s32 v3, v0;
	vm1 =	veq.s32 v4, v0  }
0x123: {  	v8 =	vmpcnt.ones.xlane vm0;
	v9 =	vmpcnt.ones.xlane vm1;
	vm13 =	veq.s32 v5, v0  }
0x124: {  	v10 =	vmpcnt.ones.xlane vm13;
	vm14 =	veq.s32 v6, v0  }
0x125: {  	v12 =	vadd.s32 v8, v9;
	v11 =	vmpcnt.ones.xlane vm14;
	vm15 =	veq.s32 v7, v0  }
0x126: {  	v12 =	vadd.s32 v10, v12;
	v13 =	vmpcnt.ones.xlane vm15  }
0x127: {  	v12 =	vadd.s32 v11, v12  }
0x128: {  	v12 =	vadd.s32 v13, v12  }
0x129: {  	(v2sf) =	vpush v12, $0x0;
	_ =	sdelay $0xe  }
0x12a: {  	s31 =	spop (v2sf)  }
0x12b: {  	p0 =	slt.s32 s31, $0x1  }
0x12c: {  	vm0 =	veq.s32 @!p0 v3, v0;
	v3 =	vimm.s32 @!p0 $0x0  }
0x12d: {  	v13 =	vsel @!p0 vm0, $0x1, v3  }
0x12e: {  	(xrf0) =	vadd.scan.msk.s32 @!p0 $0xffff, v13;
	_ =	sdelay $0x3  }
0x12f: {  	vm1 =	veq.s32 @!p0 v4, v0  }
0x130: {  	v4 =	vsel @!p0 vm1, $0x1, v3  }
0x131: {  	v14 =	vadd.s32 @!p0 $0xFFFFFFFF, v1;
	v13, _, _ =	vpop @!p0 (xrf0);
	(xrf0) =	vadd.scan.msk.s32 @!p0 $0xffff, v4  }
0x132: {  	[tilespmem:v7+s9+$0x0] =	vst.idx.add.f32.msk $0xffff, v2;
	s10 =	sshra.s32 @!p0 s8, $0x2;
	v4 =	vadd.s32 @!p0 v13, v14  }
0x133: {  	v13 =	vld @!p0 [tilespmem:s10+$0x0];
	v4 =	vnsel @!p0 vm0, $0x0, v4;
	_ =	sdelay $0x1  }
0x134: {  	vm2 =	veq.s32 @!p0 v5, v0  }
0x135: {  	v5 =	vsel @!p0 vm2, $0x1, v3  }
0x136: {  	s11 =	simm.s32 @!p0 $0x4800;
	v8 =	vadd.s32 @!p0 v8, v14;
	v14, _, _ =	vpop @!p0 (xrf0);
	(xrf0) =	vadd.scan.msk.s32 @!p0 $0xffff, v5  }
0x137: {  	[tilespmem:v4+s11+$0x0] =	vst.idx.msk @!p0 vm0, v13;
	v4 =	vadd.s32 @!p0 v14, v8  }
0x138: {  	v5 =	vld @!p0 [tilespmem:s10+$0x10];
	v4 =	vnsel @!p0 vm1, $0x0, v4;
	_ =	sdelay $0x1  }
0x139: {  	vm0 =	veq.s32 @!p0 v6, v0  }
0x13a: {  	v6 =	vsel @!p0 vm0, $0x1, v3  }
0x13b: {  	v8 =	vadd.s32 @!p0 v9, v8;
	v13, _, _ =	vpop @!p0 (xrf0);
	(xrf0) =	vadd.scan.msk.s32 @!p0 $0xffff, v6  }
0x13c: {  	[tilespmem:v4+s11+$0x0] =	vst.idx.msk @!p0 vm1, v5;
	v4 =	vadd.s32 @!p0 v13, v8  }
0x13d: {  	v5 =	vld @!p0 [tilespmem:s10+$0x20];
	v4 =	vnsel @!p0 vm2, $0x0, v4;
	_ =	sdelay $0x1  }
0x13e: {  	vm1 =	veq.s32 @!p0 v7, v0  }
0x13f: {  	v3 =	vsel @!p0 vm1, $0x1, v3  }
0x140: {  	v7 =	vadd.s32 @!p0 v10, v8;
	v6, _, _ =	vpop @!p0 (xrf0);
	(xrf0) =	vadd.scan.msk.s32 @!p0 $0xffff, v3  }
0x141: {  	[tilespmem:v4+s11+$0x0] =	vst.idx.msk @!p0 vm2, v5;
	v3 =	vadd.s32 @!p0 v6, v7  }
0x142: {  	v4 =	vld @!p0 [tilespmem:s10+$0x30];
	v3 =	vnsel @!p0 vm0, $0x0, v3;
	_ =	sdelay $0x3  }
0x143: {  	v6 =	vadd.s32 @!p0 v11, v7;
	v5, _, _ =	vpop @!p0 (xrf0)  }
0x144: {  	s8 =	sadd.s32 $0x140, s8;
	[tilespmem:v3+s11+$0x0] =	vst.idx.msk @!p0 vm0, v4;
	v3 =	vadd.s32 @!p0 v5, v6  }
0x145: {  	p1 =	sne.s32 s8, $0x1F40;
	v4 =	vld @!p0 [tilespmem:s10+$0x40];
	v3 =	vnsel @!p0 vm1, $0x0, v3  }
.Ltmp5:
0x146: {  	_ = 	snop;
	(pc) =	sbr.rel @p1 .LBB2_11-.Ltmp5, $2  }
0x147: {  	_ =	sdelay $0x2  }
0x148: {  	v1 =	vadd.s32 v1, v12;
	[tilespmem:v3+s11+$0x0] =	vst.idx.msk @!p0 vm1, v4  }
0x149: {  	s9 =	sadd.s32 $0x5DC, s7;
	s8 =	simm.s32 $0x0  }
0x14a: {  	[tilespmem:s8], [sflag:$0x3] =	stream.linear.gather [hbm4b:s9+s8], $0x7D0, $0x38;
	[tilespmem:$0x12600] =	vst v63  }
0x14b: {  	s29 =	sadd.s32 $0xA21C, s7;
	s10 =	simm.s32 $0x1000;
	s30 =	simm.s32 $0x4  }
0x14c: {  	[tilespmem:s10], [sflag:$0x5] =	stream.linear.gather [hbm4b:s29+s8], $0x7D0, $0x38;
	[tilespmem:$0x12600] =	vst v63  }
0x14d: {  	_ =	swait.ge [sflag:s30], $0x7D0  }
0x14e: {  	[sflag:s30] =	ssyncset.done $0x0  }
0x14f: {  	s31 =	simm.s32 $0x6;
	[sflag:s30] =	ssyncadd.s32 $0xFFFFF830  }
0x150: {  	_ =	swait.ge [sflag:s31], $0x7D0  }
0x151: {  	[sflag:s31] =	ssyncset.done $0x0  }
0x152: {  	v2 =	vimm.f32 $1.000000000e+00;
	s9 =	simm.s32 $0x2000;
	[sflag:s31] =	ssyncadd.s32 $0xFFFFF830  }
.LBB2_13:
0x153: {  	s10 =	sshra.s32 s8, $0x2  }
0x154: {  	v3 =	vld [tilespmem:s10+$0x1800];
	_ =	sdelay $0x7  }
0x155: {  	[tilespmem:v3+s9+$0x0] =	vst.idx.add.f32.msk $0xffff, v2  }
0x156: {  	v4 =	vld [tilespmem:s10+$0x1810];
	_ =	sdelay $0x7  }
0x157: {  	[tilespmem:v4+s9+$0x0] =	vst.idx.add.f32.msk $0xffff, v2  }
0x158: {  	v5 =	vld [tilespmem:s10+$0x1820];
	_ =	sdelay $0x7  }
0x159: {  	[tilespmem:v5+s9+$0x0] =	vst.idx.add.f32.msk $0xffff, v2  }
0x15a: {  	v6 =	vld [tilespmem:s10+$0x1830];
	_ =	sdelay $0x7  }
0x15b: {  	[tilespmem:v6+s9+$0x0] =	vst.idx.add.f32.msk $0xffff, v2  }
0x15c: {  	v7 =	vld [tilespmem:s10+$0x1840];
	_ =	sdelay $0x1  }
0x15d: {  	vm0 =	veq.s32 v3, v0;
	vm1 =	veq.s32 v4, v0  }
0x15e: {  	v8 =	vmpcnt.ones.xlane vm0;
	v9 =	vmpcnt.ones.xlane vm1;
	vm13 =	veq.s32 v5, v0  }
0x15f: {  	v10 =	vmpcnt.ones.xlane vm13;
	vm14 =	veq.s32 v6, v0  }
0x160: {  	v12 =	vadd.s32 v8, v9;
	v11 =	vmpcnt.ones.xlane vm14;
	vm15 =	veq.s32 v7, v0  }
0x161: {  	v12 =	vadd.s32 v10, v12;
	v13 =	vmpcnt.ones.xlane vm15  }
0x162: {  	v12 =	vadd.s32 v11, v12  }
0x163: {  	v12 =	vadd.s32 v13, v12  }
0x164: {  	(v2sf) =	vpush v12, $0x0;
	_ =	sdelay $0xe  }
0x165: {  	s31 =	spop (v2sf)  }
0x166: {  	p0 =	slt.s32 s31, $0x1  }
0x167: {  	vm0 =	veq.s32 @!p0 v3, v0;
	v3 =	vimm.s32 @!p0 $0x0  }
0x168: {  	v13 =	vsel @!p0 vm0, $0x1, v3  }
0x169: {  	(xrf0) =	vadd.scan.msk.s32 @!p0 $0xffff, v13;
	_ =	sdelay $0x3  }
0x16a: {  	vm1 =	veq.s32 @!p0 v4, v0  }
0x16b: {  	v4 =	vsel @!p0 vm1, $0x1, v3  }
0x16c: {  	v14 =	vadd.s32 @!p0 $0xFFFFFFFF, v1;
	v13, _, _ =	vpop @!p0 (xrf0);
	(xrf0) =	vadd.scan.msk.s32 @!p0 $0xffff, v4  }
0x16d: {  	[tilespmem:v7+s9+$0x0] =	vst.idx.add.f32.msk $0xffff, v2;
	s10 =	sshra.s32 @!p0 s8, $0x2;
	v4 =	vadd.s32 @!p0 v13, v14  }
0x16e: {  	v13 =	vld @!p0 [tilespmem:s10+$0x800];
	v4 =	vnsel @!p0 vm0, $0x0, v4;
	_ =	sdelay $0x1  }
0x16f: {  	vm2 =	veq.s32 @!p0 v5, v0  }
0x170: {  	v5 =	vsel @!p0 vm2, $0x1, v3  }
0x171: {  	s11 =	simm.s32 @!p0 $0x4800;
	v8 =	vadd.s32 @!p0 v8, v14;
	v14, _, _ =	vpop @!p0 (xrf0);
	(xrf0) =	vadd.scan.msk.s32 @!p0 $0xffff, v5  }
0x172: {  	[tilespmem:v4+s11+$0x0] =	vst.idx.msk @!p0 vm0, v13;
	v4 =	vadd.s32 @!p0 v14, v8  }
0x173: {  	v5 =	vld @!p0 [tilespmem:s10+$0x810];
	v4 =	vnsel @!p0 vm1, $0x0, v4;
	_ =	sdelay $0x1  }
0x174: {  	vm0 =	veq.s32 @!p0 v6, v0  }
0x175: {  	v6 =	vsel @!p0 vm0, $0x1, v3  }
0x176: {  	v8 =	vadd.s32 @!p0 v9, v8;
	v13, _, _ =	vpop @!p0 (xrf0);
	(xrf0) =	vadd.scan.msk.s32 @!p0 $0xffff, v6  }
0x177: {  	[tilespmem:v4+s11+$0x0] =	vst.idx.msk @!p0 vm1, v5;
	v4 =	vadd.s32 @!p0 v13, v8  }
0x178: {  	v5 =	vld @!p0 [tilespmem:s10+$0x820];
	v4 =	vnsel @!p0 vm2, $0x0, v4;
	_ =	sdelay $0x1  }
0x179: {  	vm1 =	veq.s32 @!p0 v7, v0  }
0x17a: {  	v3 =	vsel @!p0 vm1, $0x1, v3  }
0x17b: {  	v7 =	vadd.s32 @!p0 v10, v8;
	v6, _, _ =	vpop @!p0 (xrf0);
	(xrf0) =	vadd.scan.msk.s32 @!p0 $0xffff, v3  }
0x17c: {  	[tilespmem:v4+s11+$0x0] =	vst.idx.msk @!p0 vm2, v5;
	v3 =	vadd.s32 @!p0 v6, v7  }
0x17d: {  	v4 =	vld @!p0 [tilespmem:s10+$0x830];
	v3 =	vnsel @!p0 vm0, $0x0, v3;
	_ =	sdelay $0x3  }
0x17e: {  	v6 =	vadd.s32 @!p0 v11, v7;
	v5, _, _ =	vpop @!p0 (xrf0)  }
0x17f: {  	s8 =	sadd.s32 $0x140, s8;
	[tilespmem:v3+s11+$0x0] =	vst.idx.msk @!p0 vm0, v4;
	v3 =	vadd.s32 @!p0 v5, v6  }
0x180: {  	p1 =	sne.s32 s8, $0x1F40;
	v4 =	vld @!p0 [tilespmem:s10+$0x840];
	v3 =	vnsel @!p0 vm1, $0x0, v3  }
.Ltmp6:
0x181: {  	_ = 	snop;
	(pc) =	sbr.rel @p1 .LBB2_13-.Ltmp6, $2  }
0x182: {  	_ =	sdelay $0x2  }
0x183: {  	v1 =	vadd.s32 v1, v12;
	[tilespmem:v3+s11+$0x0] =	vst.idx.msk @!p0 vm1, v4  }
0x184: {  	s9 =	sadd.s32 $0x6D6, s7;
	s8 =	simm.s32 $0x0;
	s10 =	simm.s32 $0x800  }
0x185: {  	[tilespmem:s10], [sflag:$0x4] =	stream.linear.gather [hbm4b:s9+s8], $0x7D0, $0x38;
	[tilespmem:$0x12600] =	vst v63  }
0x186: {  	s28 =	sadd.s32 $0xA316, s7;
	s29 =	simm.s32 $0x1800;
	s30 =	simm.s32 $0x3  }
0x187: {  	[tilespmem:s29], [sflag:$0x6] =	stream.linear.gather [hbm4b:s28+s8], $0x7D0, $0x38;
	[tilespmem:$0x12600] =	vst v63  }
0x188: {  	_ =	swait.ge [sflag:s30], $0x7D0  }
0x189: {  	[sflag:s30] =	ssyncset.done $0x0  }
0x18a: {  	s31 =	simm.s32 $0x5;
	[sflag:s30] =	ssyncadd.s32 $0xFFFFF830  }
0x18b: {  	_ =	swait.ge [sflag:s31], $0x7D0  }
0x18c: {  	[sflag:s31] =	ssyncset.done $0x0  }
0x18d: {  	v2 =	vimm.f32 $1.000000000e+00;
	s9 =	simm.s32 $0x2000;
	[sflag:s31] =	ssyncadd.s32 $0xFFFFF830  }
.LBB2_15:
0x18e: {  	s10 =	sshra.s32 s8, $0x2  }
0x18f: {  	v3 =	vld [tilespmem:s10+$0x1000];
	_ =	sdelay $0x7  }
0x190: {  	[tilespmem:v3+s9+$0x0] =	vst.idx.add.f32.msk $0xffff, v2  }
0x191: {  	v4 =	vld [tilespmem:s10+$0x1010];
	_ =	sdelay $0x7  }
0x192: {  	[tilespmem:v4+s9+$0x0] =	vst.idx.add.f32.msk $0xffff, v2  }
0x193: {  	v5 =	vld [tilespmem:s10+$0x1020];
	_ =	sdelay $0x7  }
0x194: {  	[tilespmem:v5+s9+$0x0] =	vst.idx.add.f32.msk $0xffff, v2  }
0x195: {  	v6 =	vld [tilespmem:s10+$0x1030];
	_ =	sdelay $0x7  }
0x196: {  	[tilespmem:v6+s9+$0x0] =	vst.idx.add.f32.msk $0xffff, v2  }
0x197: {  	v7 =	vld [tilespmem:s10+$0x1040];
	_ =	sdelay $0x1  }
0x198: {  	vm0 =	veq.s32 v3, v0;
	vm1 =	veq.s32 v4, v0  }
0x199: {  	v8 =	vmpcnt.ones.xlane vm0;
	v9 =	vmpcnt.ones.xlane vm1;
	vm13 =	veq.s32 v5, v0  }
0x19a: {  	v10 =	vmpcnt.ones.xlane vm13;
	vm14 =	veq.s32 v6, v0  }
0x19b: {  	v12 =	vadd.s32 v8, v9;
	v11 =	vmpcnt.ones.xlane vm14;
	vm15 =	veq.s32 v7, v0  }
0x19c: {  	v12 =	vadd.s32 v10, v12;
	v13 =	vmpcnt.ones.xlane vm15  }
0x19d: {  	v12 =	vadd.s32 v11, v12  }
0x19e: {  	v12 =	vadd.s32 v13, v12  }
0x19f: {  	(v2sf) =	vpush v12, $0x0;
	_ =	sdelay $0xe  }
0x1a0: {  	s31 =	spop (v2sf)  }
0x1a1: {  	p0 =	slt.s32 s31, $0x1  }
0x1a2: {  	vm0 =	veq.s32 @!p0 v3, v0;
	v3 =	vimm.s32 @!p0 $0x0  }
0x1a3: {  	v13 =	vsel @!p0 vm0, $0x1, v3  }
0x1a4: {  	(xrf0) =	vadd.scan.msk.s32 @!p0 $0xffff, v13;
	_ =	sdelay $0x3  }
0x1a5: {  	vm1 =	veq.s32 @!p0 v4, v0  }
0x1a6: {  	v4 =	vsel @!p0 vm1, $0x1, v3  }
0x1a7: {  	v14 =	vadd.s32 @!p0 $0xFFFFFFFF, v1;
	v13, _, _ =	vpop @!p0 (xrf0);
	(xrf0) =	vadd.scan.msk.s32 @!p0 $0xffff, v4  }
0x1a8: {  	[tilespmem:v7+s9+$0x0] =	vst.idx.add.f32.msk $0xffff, v2;
	s10 =	sshra.s32 @!p0 s8, $0x2;
	v4 =	vadd.s32 @!p0 v13, v14  }
0x1a9: {  	v13 =	vld @!p0 [tilespmem:s10+$0x0];
	v4 =	vnsel @!p0 vm0, $0x0, v4;
	_ =	sdelay $0x1  }
0x1aa: {  	vm2 =	veq.s32 @!p0 v5, v0  }
0x1ab: {  	v5 =	vsel @!p0 vm2, $0x1, v3  }
0x1ac: {  	s11 =	simm.s32 @!p0 $0x4800;
	v8 =	vadd.s32 @!p0 v8, v14;
	v14, _, _ =	vpop @!p0 (xrf0);
	(xrf0) =	vadd.scan.msk.s32 @!p0 $0xffff, v5  }
0x1ad: {  	[tilespmem:v4+s11+$0x0] =	vst.idx.msk @!p0 vm0, v13;
	v4 =	vadd.s32 @!p0 v14, v8  }
0x1ae: {  	v5 =	vld @!p0 [tilespmem:s10+$0x10];
	v4 =	vnsel @!p0 vm1, $0x0, v4;
	_ =	sdelay $0x1  }
0x1af: {  	vm0 =	veq.s32 @!p0 v6, v0  }
0x1b0: {  	v6 =	vsel @!p0 vm0, $0x1, v3  }
0x1b1: {  	v8 =	vadd.s32 @!p0 v9, v8;
	v13, _, _ =	vpop @!p0 (xrf0);
	(xrf0) =	vadd.scan.msk.s32 @!p0 $0xffff, v6  }
0x1b2: {  	[tilespmem:v4+s11+$0x0] =	vst.idx.msk @!p0 vm1, v5;
	v4 =	vadd.s32 @!p0 v13, v8  }
0x1b3: {  	v5 =	vld @!p0 [tilespmem:s10+$0x20];
	v4 =	vnsel @!p0 vm2, $0x0, v4;
	_ =	sdelay $0x1  }
0x1b4: {  	vm1 =	veq.s32 @!p0 v7, v0  }
0x1b5: {  	v3 =	vsel @!p0 vm1, $0x1, v3  }
0x1b6: {  	v7 =	vadd.s32 @!p0 v10, v8;
	v6, _, _ =	vpop @!p0 (xrf0);
	(xrf0) =	vadd.scan.msk.s32 @!p0 $0xffff, v3  }
0x1b7: {  	[tilespmem:v4+s11+$0x0] =	vst.idx.msk @!p0 vm2, v5;
	v3 =	vadd.s32 @!p0 v6, v7  }
0x1b8: {  	v4 =	vld @!p0 [tilespmem:s10+$0x30];
	v3 =	vnsel @!p0 vm0, $0x0, v3;
	_ =	sdelay $0x3  }
0x1b9: {  	v6 =	vadd.s32 @!p0 v11, v7;
	v5, _, _ =	vpop @!p0 (xrf0)  }
0x1ba: {  	s8 =	sadd.s32 $0x140, s8;
	[tilespmem:v3+s11+$0x0] =	vst.idx.msk @!p0 vm0, v4;
	v3 =	vadd.s32 @!p0 v5, v6  }
0x1bb: {  	p1 =	sne.s32 s8, $0x1F40;
	v4 =	vld @!p0 [tilespmem:s10+$0x40];
	v3 =	vnsel @!p0 vm1, $0x0, v3  }
.Ltmp7:
0x1bc: {  	_ = 	snop;
	(pc) =	sbr.rel @p1 .LBB2_15-.Ltmp7, $2  }
0x1bd: {  	_ =	sdelay $0x2  }
0x1be: {  	v1 =	vadd.s32 v1, v12;
	[tilespmem:v3+s11+$0x0] =	vst.idx.msk @!p0 vm1, v4  }
0x1bf: {  	s9 =	sadd.s32 $0x7D0, s7;
	s8 =	simm.s32 $0x0  }
0x1c0: {  	[tilespmem:s8], [sflag:$0x3] =	stream.linear.gather [hbm4b:s9+s8], $0x7D0, $0x38;
	[tilespmem:$0x12600] =	vst v63  }
0x1c1: {  	s29 =	sadd.s32 $0xA410, s7;
	s10 =	simm.s32 $0x1000;
	s30 =	simm.s32 $0x4  }
0x1c2: {  	[tilespmem:s10], [sflag:$0x5] =	stream.linear.gather [hbm4b:s29+s8], $0x7D0, $0x38;
	[tilespmem:$0x12600] =	vst v63  }
0x1c3: {  	_ =	swait.ge [sflag:s30], $0x7D0  }
0x1c4: {  	[sflag:s30] =	ssyncset.done $0x0  }
0x1c5: {  	s31 =	simm.s32 $0x6;
	[sflag:s30] =	ssyncadd.s32 $0xFFFFF830  }
0x1c6: {  	_ =	swait.ge [sflag:s31], $0x7D0  }
0x1c7: {  	[sflag:s31] =	ssyncset.done $0x0  }
0x1c8: {  	v2 =	vimm.f32 $1.000000000e+00;
	s9 =	simm.s32 $0x2000;
	[sflag:s31] =	ssyncadd.s32 $0xFFFFF830  }
.LBB2_17:
0x1c9: {  	s10 =	sshra.s32 s8, $0x2  }
0x1ca: {  	v3 =	vld [tilespmem:s10+$0x1800];
	_ =	sdelay $0x7  }
0x1cb: {  	[tilespmem:v3+s9+$0x0] =	vst.idx.add.f32.msk $0xffff, v2  }
0x1cc: {  	v4 =	vld [tilespmem:s10+$0x1810];
	_ =	sdelay $0x7  }
0x1cd: {  	[tilespmem:v4+s9+$0x0] =	vst.idx.add.f32.msk $0xffff, v2  }
0x1ce: {  	v5 =	vld [tilespmem:s10+$0x1820];
	_ =	sdelay $0x7  }
0x1cf: {  	[tilespmem:v5+s9+$0x0] =	vst.idx.add.f32.msk $0xffff, v2  }
0x1d0: {  	v6 =	vld [tilespmem:s10+$0x1830];
	_ =	sdelay $0x7  }
0x1d1: {  	[tilespmem:v6+s9+$0x0] =	vst.idx.add.f32.msk $0xffff, v2  }
0x1d2: {  	v7 =	vld [tilespmem:s10+$0x1840];
	_ =	sdelay $0x1  }
0x1d3: {  	vm0 =	veq.s32 v3, v0;
	vm1 =	veq.s32 v4, v0  }
0x1d4: {  	v8 =	vmpcnt.ones.xlane vm0;
	v9 =	vmpcnt.ones.xlane vm1;
	vm13 =	veq.s32 v5, v0  }
0x1d5: {  	v10 =	vmpcnt.ones.xlane vm13;
	vm14 =	veq.s32 v6, v0  }
0x1d6: {  	v12 =	vadd.s32 v8, v9;
	v11 =	vmpcnt.ones.xlane vm14;
	vm15 =	veq.s32 v7, v0  }
0x1d7: {  	v12 =	vadd.s32 v10, v12;
	v13 =	vmpcnt.ones.xlane vm15  }
0x1d8: {  	v12 =	vadd.s32 v11, v12  }
0x1d9: {  	v12 =	vadd.s32 v13, v12  }
0x1da: {  	(v2sf) =	vpush v12, $0x0;
	_ =	sdelay $0xe  }
0x1db: {  	s31 =	spop (v2sf)  }
0x1dc: {  	p0 =	slt.s32 s31, $0x1  }
0x1dd: {  	vm0 =	veq.s32 @!p0 v3, v0;
	v3 =	vimm.s32 @!p0 $0x0  }
0x1de: {  	v13 =	vsel @!p0 vm0, $0x1, v3  }
0x1df: {  	(xrf0) =	vadd.scan.msk.s32 @!p0 $0xffff, v13;
	_ =	sdelay $0x3  }
0x1e0: {  	vm1 =	veq.s32 @!p0 v4, v0  }
0x1e1: {  	v4 =	vsel @!p0 vm1, $0x1, v3  }
0x1e2: {  	v14 =	vadd.s32 @!p0 $0xFFFFFFFF, v1;
	v13, _, _ =	vpop @!p0 (xrf0);
	(xrf0) =	vadd.scan.msk.s32 @!p0 $0xffff, v4  }
0x1e3: {  	[tilespmem:v7+s9+$0x0] =	vst.idx.add.f32.msk $0xffff, v2;
	s10 =	sshra.s32 @!p0 s8, $0x2;
	v4 =	vadd.s32 @!p0 v13, v14  }
0x1e4: {  	v13 =	vld @!p0 [tilespmem:s10+$0x800];
	v4 =	vnsel @!p0 vm0, $0x0, v4;
	_ =	sdelay $0x1  }
0x1e5: {  	vm2 =	veq.s32 @!p0 v5, v0  }
0x1e6: {  	v5 =	vsel @!p0 vm2, $0x1, v3  }
0x1e7: {  	s11 =	simm.s32 @!p0 $0x4800;
	v8 =	vadd.s32 @!p0 v8, v14;
	v14, _, _ =	vpop @!p0 (xrf0);
	(xrf0) =	vadd.scan.msk.s32 @!p0 $0xffff, v5  }
0x1e8: {  	[tilespmem:v4+s11+$0x0] =	vst.idx.msk @!p0 vm0, v13;
	v4 =	vadd.s32 @!p0 v14, v8  }
0x1e9: {  	v5 =	vld @!p0 [tilespmem:s10+$0x810];
	v4 =	vnsel @!p0 vm1, $0x0, v4;
	_ =	sdelay $0x1  }
0x1ea: {  	vm0 =	veq.s32 @!p0 v6, v0  }
0x1eb: {  	v6 =	vsel @!p0 vm0, $0x1, v3  }
0x1ec: {  	v8 =	vadd.s32 @!p0 v9, v8;
	v13, _, _ =	vpop @!p0 (xrf0);
	(xrf0) =	vadd.scan.msk.s32 @!p0 $0xffff, v6  }
0x1ed: {  	[tilespmem:v4+s11+$0x0] =	vst.idx.msk @!p0 vm1, v5;
	v4 =	vadd.s32 @!p0 v13, v8  }
0x1ee: {  	v5 =	vld @!p0 [tilespmem:s10+$0x820];
	v4 =	vnsel @!p0 vm2, $0x0, v4;
	_ =	sdelay $0x1  }
0x1ef: {  	vm1 =	veq.s32 @!p0 v7, v0  }
0x1f0: {  	v3 =	vsel @!p0 vm1, $0x1, v3  }
0x1f1: {  	v7 =	vadd.s32 @!p0 v10, v8;
	v6, _, _ =	vpop @!p0 (xrf0);
	(xrf0) =	vadd.scan.msk.s32 @!p0 $0xffff, v3  }
0x1f2: {  	[tilespmem:v4+s11+$0x0] =	vst.idx.msk @!p0 vm2, v5;
	v3 =	vadd.s32 @!p0 v6, v7  }
0x1f3: {  	v4 =	vld @!p0 [tilespmem:s10+$0x830];
	v3 =	vnsel @!p0 vm0, $0x0, v3;
	_ =	sdelay $0x3  }
0x1f4: {  	v6 =	vadd.s32 @!p0 v11, v7;
	v5, _, _ =	vpop @!p0 (xrf0)  }
0x1f5: {  	s8 =	sadd.s32 $0x140, s8;
	[tilespmem:v3+s11+$0x0] =	vst.idx.msk @!p0 vm0, v4;
	v3 =	vadd.s32 @!p0 v5, v6  }
0x1f6: {  	p1 =	sne.s32 s8, $0x1F40;
	v4 =	vld @!p0 [tilespmem:s10+$0x840];
	v3 =	vnsel @!p0 vm1, $0x0, v3  }
.Ltmp8:
0x1f7: {  	_ = 	snop;
	(pc) =	sbr.rel @p1 .LBB2_17-.Ltmp8, $2  }
0x1f8: {  	_ =	sdelay $0x2  }
0x1f9: {  	v1 =	vadd.s32 v1, v12;
	[tilespmem:v3+s11+$0x0] =	vst.idx.msk @!p0 vm1, v4  }
0x1fa: {  	s9 =	sadd.s32 $0x8CA, s7;
	s8 =	simm.s32 $0x0;
	s10 =	simm.s32 $0x800  }
0x1fb: {  	[tilespmem:s10], [sflag:$0x4] =	stream.linear.gather [hbm4b:s9+s8], $0x7D0, $0x38;
	[tilespmem:$0x12600] =	vst v63  }
0x1fc: {  	s28 =	sadd.s32 $0xA50A, s7;
	s29 =	simm.s32 $0x1800;
	s30 =	simm.s32 $0x3  }
0x1fd: {  	[tilespmem:s29], [sflag:$0x6] =	stream.linear.gather [hbm4b:s28+s8], $0x7D0, $0x38;
	[tilespmem:$0x12600] =	vst v63  }
0x1fe: {  	_ =	swait.ge [sflag:s30], $0x7D0  }
0x1ff: {  	[sflag:s30] =	ssyncset.done $0x0  }
0x200: {  	s31 =	simm.s32 $0x5;
	[sflag:s30] =	ssyncadd.s32 $0xFFFFF830  }
0x201: {  	_ =	swait.ge [sflag:s31], $0x7D0  }
0x202: {  	[sflag:s31] =	ssyncset.done $0x0  }
0x203: {  	v2 =	vimm.f32 $1.000000000e+00;
	s7 =	simm.s32 $0x2000;
	[sflag:s31] =	ssyncadd.s32 $0xFFFFF830  }
.LBB2_19:
0x204: {  	s9 =	sshra.s32 s8, $0x2  }
0x205: {  	v3 =	vld [tilespmem:s9+$0x1000];
	_ =	sdelay $0x7  }
0x206: {  	[tilespmem:v3+s7+$0x0] =	vst.idx.add.f32.msk $0xffff, v2  }
0x207: {  	v4 =	vld [tilespmem:s9+$0x1010];
	_ =	sdelay $0x7  }
0x208: {  	[tilespmem:v4+s7+$0x0] =	vst.idx.add.f32.msk $0xffff, v2  }
0x209: {  	v5 =	vld [tilespmem:s9+$0x1020];
	_ =	sdelay $0x7  }
0x20a: {  	[tilespmem:v5+s7+$0x0] =	vst.idx.add.f32.msk $0xffff, v2  }
0x20b: {  	v6 =	vld [tilespmem:s9+$0x1030];
	_ =	sdelay $0x7  }
0x20c: {  	[tilespmem:v6+s7+$0x0] =	vst.idx.add.f32.msk $0xffff, v2  }
0x20d: {  	v7 =	vld [tilespmem:s9+$0x1040];
	_ =	sdelay $0x1  }
0x20e: {  	vm0 =	veq.s32 v3, v0;
	vm1 =	veq.s32 v4, v0  }
0x20f: {  	v8 =	vmpcnt.ones.xlane vm0;
	v9 =	vmpcnt.ones.xlane vm1;
	vm13 =	veq.s32 v5, v0  }
0x210: {  	v10 =	vmpcnt.ones.xlane vm13;
	vm14 =	veq.s32 v6, v0  }
0x211: {  	v12 =	vadd.s32 v8, v9;
	v11 =	vmpcnt.ones.xlane vm14;
	vm15 =	veq.s32 v7, v0  }
0x212: {  	v12 =	vadd.s32 v10, v12;
	v13 =	vmpcnt.ones.xlane vm15  }
0x213: {  	v12 =	vadd.s32 v11, v12  }
0x214: {  	v12 =	vadd.s32 v13, v12  }
0x215: {  	(v2sf) =	vpush v12, $0x0;
	_ =	sdelay $0xe  }
0x216: {  	s31 =	spop (v2sf)  }
0x217: {  	p0 =	slt.s32 s31, $0x1  }
0x218: {  	vm0 =	veq.s32 @!p0 v3, v0;
	v3 =	vimm.s32 @!p0 $0x0  }
0x219: {  	v13 =	vsel @!p0 vm0, $0x1, v3  }
0x21a: {  	(xrf0) =	vadd.scan.msk.s32 @!p0 $0xffff, v13;
	_ =	sdelay $0x3  }
0x21b: {  	vm1 =	veq.s32 @!p0 v4, v0  }
0x21c: {  	v4 =	vsel @!p0 vm1, $0x1, v3  }
0x21d: {  	v14 =	vadd.s32 @!p0 $0xFFFFFFFF, v1;
	v13, _, _ =	vpop @!p0 (xrf0);
	(xrf0) =	vadd.scan.msk.s32 @!p0 $0xffff, v4  }
0x21e: {  	[tilespmem:v7+s7+$0x0] =	vst.idx.add.f32.msk $0xffff, v2;
	s9 =	sshra.s32 @!p0 s8, $0x2;
	v4 =	vadd.s32 @!p0 v13, v14  }
0x21f: {  	v13 =	vld @!p0 [tilespmem:s9+$0x0];
	v4 =	vnsel @!p0 vm0, $0x0, v4;
	_ =	sdelay $0x1  }
0x220: {  	vm2 =	veq.s32 @!p0 v5, v0  }
0x221: {  	v5 =	vsel @!p0 vm2, $0x1, v3  }
0x222: {  	s10 =	simm.s32 @!p0 $0x4800;
	v8 =	vadd.s32 @!p0 v8, v14;
	v14, _, _ =	vpop @!p0 (xrf0);
	(xrf0) =	vadd.scan.msk.s32 @!p0 $0xffff, v5  }
0x223: {  	[tilespmem:v4+s10+$0x0] =	vst.idx.msk @!p0 vm0, v13;
	v4 =	vadd.s32 @!p0 v14, v8  }
0x224: {  	v5 =	vld @!p0 [tilespmem:s9+$0x10];
	v4 =	vnsel @!p0 vm1, $0x0, v4;
	_ =	sdelay $0x1  }
0x225: {  	vm0 =	veq.s32 @!p0 v6, v0  }
0x226: {  	v6 =	vsel @!p0 vm0, $0x1, v3  }
0x227: {  	v8 =	vadd.s32 @!p0 v9, v8;
	v13, _, _ =	vpop @!p0 (xrf0);
	(xrf0) =	vadd.scan.msk.s32 @!p0 $0xffff, v6  }
0x228: {  	[tilespmem:v4+s10+$0x0] =	vst.idx.msk @!p0 vm1, v5;
	v4 =	vadd.s32 @!p0 v13, v8  }
0x229: {  	v5 =	vld @!p0 [tilespmem:s9+$0x20];
	v4 =	vnsel @!p0 vm2, $0x0, v4;
	_ =	sdelay $0x1  }
0x22a: {  	vm1 =	veq.s32 @!p0 v7, v0  }
0x22b: {  	v3 =	vsel @!p0 vm1, $0x1, v3  }
0x22c: {  	v7 =	vadd.s32 @!p0 v10, v8;
	v6, _, _ =	vpop @!p0 (xrf0);
	(xrf0) =	vadd.scan.msk.s32 @!p0 $0xffff, v3  }
0x22d: {  	[tilespmem:v4+s10+$0x0] =	vst.idx.msk @!p0 vm2, v5;
	v3 =	vadd.s32 @!p0 v6, v7  }
0x22e: {  	v4 =	vld @!p0 [tilespmem:s9+$0x30];
	v3 =	vnsel @!p0 vm0, $0x0, v3;
	_ =	sdelay $0x3  }
0x22f: {  	v6 =	vadd.s32 @!p0 v11, v7;
	v5, _, _ =	vpop @!p0 (xrf0)  }
0x230: {  	s8 =	sadd.s32 $0x140, s8;
	[tilespmem:v3+s10+$0x0] =	vst.idx.msk @!p0 vm0, v4;
	v3 =	vadd.s32 @!p0 v5, v6  }
0x231: {  	p1 =	sne.s32 s8, $0x1F40;
	v4 =	vld @!p0 [tilespmem:s9+$0x40];
	v3 =	vnsel @!p0 vm1, $0x0, v3  }
.Ltmp9:
0x232: {  	_ = 	snop;
	(pc) =	sbr.rel @p1 .LBB2_19-.Ltmp9, $2  }
0x233: {  	_ =	sdelay $0x2  }
0x234: {  	v1 =	vadd.s32 v1, v12;
	[tilespmem:v3+s10+$0x0] =	vst.idx.msk @!p0 vm1, v4  }
0x235: {  	s7 =	simm.s32 $0x4  }
0x236: {  	_ =	swait.ge [sflag:s7], $0x7D0  }
0x237: {  	[sflag:s7] =	ssyncset.done $0x0  }
0x238: {  	s31 =	simm.s32 $0x6;
	[sflag:s7] =	ssyncadd.s32 $0xFFFFF830  }
0x239: {  	_ =	swait.ge [sflag:s31], $0x7D0  }
0x23a: {  	[sflag:s31] =	ssyncset.done $0x0  }
0x23b: {  	v2 =	vimm.f32 $1.000000000e+00;
	s8 =	simm.s32 $0x2000;
	s7 =	simm.s32 $0x0;
	[sflag:s31] =	ssyncadd.s32 $0xFFFFF830  }
.LBB2_21:
0x23c: {  	s9 =	sshra.s32 s7, $0x2  }
0x23d: {  	v3 =	vld [tilespmem:s9+$0x1800];
	_ =	sdelay $0x7  }
0x23e: {  	[tilespmem:v3+s8+$0x0] =	vst.idx.add.f32.msk $0xffff, v2  }
0x23f: {  	v4 =	vld [tilespmem:s9+$0x1810];
	_ =	sdelay $0x7  }
0x240: {  	[tilespmem:v4+s8+$0x0] =	vst.idx.add.f32.msk $0xffff, v2  }
0x241: {  	v5 =	vld [tilespmem:s9+$0x1820];
	_ =	sdelay $0x7  }
0x242: {  	[tilespmem:v5+s8+$0x0] =	vst.idx.add.f32.msk $0xffff, v2  }
0x243: {  	v6 =	vld [tilespmem:s9+$0x1830];
	_ =	sdelay $0x7  }
0x244: {  	[tilespmem:v6+s8+$0x0] =	vst.idx.add.f32.msk $0xffff, v2  }
0x245: {  	v7 =	vld [tilespmem:s9+$0x1840];
	_ =	sdelay $0x1  }
0x246: {  	vm0 =	veq.s32 v3, v0;
	vm1 =	veq.s32 v4, v0  }
0x247: {  	v8 =	vmpcnt.ones.xlane vm0;
	v9 =	vmpcnt.ones.xlane vm1;
	vm13 =	veq.s32 v5, v0  }
0x248: {  	v10 =	vmpcnt.ones.xlane vm13;
	vm14 =	veq.s32 v6, v0  }
0x249: {  	v12 =	vadd.s32 v8, v9;
	v11 =	vmpcnt.ones.xlane vm14;
	vm15 =	veq.s32 v7, v0  }
0x24a: {  	v12 =	vadd.s32 v10, v12;
	v13 =	vmpcnt.ones.xlane vm15  }
0x24b: {  	v12 =	vadd.s32 v11, v12  }
0x24c: {  	v12 =	vadd.s32 v13, v12  }
0x24d: {  	(v2sf) =	vpush v12, $0x0;
	_ =	sdelay $0xe  }
0x24e: {  	s31 =	spop (v2sf)  }
0x24f: {  	p0 =	slt.s32 s31, $0x1  }
0x250: {  	vm0 =	veq.s32 @!p0 v3, v0;
	v3 =	vimm.s32 @!p0 $0x0  }
0x251: {  	v13 =	vsel @!p0 vm0, $0x1, v3  }
0x252: {  	(xrf0) =	vadd.scan.msk.s32 @!p0 $0xffff, v13;
	_ =	sdelay $0x3  }
0x253: {  	vm1 =	veq.s32 @!p0 v4, v0  }
0x254: {  	v4 =	vsel @!p0 vm1, $0x1, v3  }
0x255: {  	v14 =	vadd.s32 @!p0 $0xFFFFFFFF, v1;
	v13, _, _ =	vpop @!p0 (xrf0);
	(xrf0) =	vadd.scan.msk.s32 @!p0 $0xffff, v4  }
0x256: {  	[tilespmem:v7+s8+$0x0] =	vst.idx.add.f32.msk $0xffff, v2;
	s9 =	sshra.s32 @!p0 s7, $0x2;
	v4 =	vadd.s32 @!p0 v13, v14  }
0x257: {  	v13 =	vld @!p0 [tilespmem:s9+$0x800];
	v4 =	vnsel @!p0 vm0, $0x0, v4;
	_ =	sdelay $0x1  }
0x258: {  	vm2 =	veq.s32 @!p0 v5, v0  }
0x259: {  	v5 =	vsel @!p0 vm2, $0x1, v3  }
0x25a: {  	s10 =	simm.s32 @!p0 $0x4800;
	v8 =	vadd.s32 @!p0 v8, v14;
	v14, _, _ =	vpop @!p0 (xrf0);
	(xrf0) =	vadd.scan.msk.s32 @!p0 $0xffff, v5  }
0x25b: {  	[tilespmem:v4+s10+$0x0] =	vst.idx.msk @!p0 vm0, v13;
	v4 =	vadd.s32 @!p0 v14, v8  }
0x25c: {  	v5 =	vld @!p0 [tilespmem:s9+$0x810];
	v4 =	vnsel @!p0 vm1, $0x0, v4;
	_ =	sdelay $0x1  }
0x25d: {  	vm0 =	veq.s32 @!p0 v6, v0  }
0x25e: {  	v6 =	vsel @!p0 vm0, $0x1, v3  }
0x25f: {  	v8 =	vadd.s32 @!p0 v9, v8;
	v13, _, _ =	vpop @!p0 (xrf0);
	(xrf0) =	vadd.scan.msk.s32 @!p0 $0xffff, v6  }
0x260: {  	[tilespmem:v4+s10+$0x0] =	vst.idx.msk @!p0 vm1, v5;
	v4 =	vadd.s32 @!p0 v13, v8  }
0x261: {  	v5 =	vld @!p0 [tilespmem:s9+$0x820];
	v4 =	vnsel @!p0 vm2, $0x0, v4;
	_ =	sdelay $0x1  }
0x262: {  	vm1 =	veq.s32 @!p0 v7, v0  }
0x263: {  	v3 =	vsel @!p0 vm1, $0x1, v3  }
0x264: {  	v7 =	vadd.s32 @!p0 v10, v8;
	v6, _, _ =	vpop @!p0 (xrf0);
	(xrf0) =	vadd.scan.msk.s32 @!p0 $0xffff, v3  }
0x265: {  	[tilespmem:v4+s10+$0x0] =	vst.idx.msk @!p0 vm2, v5;
	v3 =	vadd.s32 @!p0 v6, v7  }
0x266: {  	v4 =	vld @!p0 [tilespmem:s9+$0x830];
	v3 =	vnsel @!p0 vm0, $0x0, v3;
	_ =	sdelay $0x3  }
0x267: {  	v6 =	vadd.s32 @!p0 v11, v7;
	v5, _, _ =	vpop @!p0 (xrf0)  }
0x268: {  	s7 =	sadd.s32 $0x140, s7;
	[tilespmem:v3+s10+$0x0] =	vst.idx.msk @!p0 vm0, v4;
	v3 =	vadd.s32 @!p0 v5, v6  }
0x269: {  	p1 =	sne.s32 s7, $0x1F40;
	v4 =	vld @!p0 [tilespmem:s9+$0x840];
	v3 =	vnsel @!p0 vm1, $0x0, v3  }
.Ltmp10:
0x26a: {  	_ = 	snop;
	(pc) =	sbr.rel @p1 .LBB2_21-.Ltmp10, $2  }
0x26b: {  	_ =	sdelay $0x2  }
0x26c: {  	v1 =	vadd.s32 v1, v12;
	[tilespmem:v3+s10+$0x0] =	vst.idx.msk @!p0 vm1, v4  }
0x26d: {  	v1 =	vxor.u32 $0x80000000, v1  }
0x26e: {  	(xrf0) =	vmax.scan.msk.u32 $0xffff, v1;
	_ =	sdelay $0x5  }
0x26f: {  	v1, _, _ =	vpop (xrf0)  }
0x270: {  	(v2sf) =	vpush v1, $0xF;
	_ =	sdelay $0xe  }
0x271: {  	s8 =	spop (v2sf)  }
0x272: {  	s7 =	sand.u32 $0xFFFFFFF0, s8  }
0x273: {  	s9 =	sadd.s32 $0x80004800, s7  }
0x274: {  	v1 =	vld [tilespmem:s9+$0x0]  }
0x275: {  	s18 =	sshrl.u32 s4, $0x3  }
0x276: {  	s10 =	smul.u32 $0x50000, s18;
	s11 =	sand.u32 $0xF, s8  }
0x277: {  	v3 =	vlaneseq.u32;
	v2 =	vmov s11  }
0x278: {  	s20 =	simm.s32 $0x80;
	s10 =	sshrl.u32 s10, $0x2;
	s7 =	sshll.u32 s4, $0x7;
	vm0 =	vgt.u32 v2, v3  }
0x279: {  	s21 =	simm.s32 $0x400;
	s10 =	sadd.s32 s10, s6;
	s19 =	sand.u32 $0x380, s7;
	v1 =	vnsel vm0, $0x2710, v1  }
0x27a: {  	s12 =	simm.s32 $0x2000;
	s22 =	simm.s32 $0x7;
	s10 =	sadd.s32 s19, s10;
	[tilespmem:s9+$0x0] =	vst v1  }
0x27b: {  	[spmem:s10] =	stream.strided.scatter [tilespmem:s12], [sflag:$0x7], $0x2800, s21, s20, $0x38;
	[tilespmem:$0x12600] =	vst v63  }
0x27c: {  	s23 =	smul.u32 $0x5000, s4;
	_ =	swait.ge [sflag:s22], $0x2800  }
0x27d: {  	s25 =	simm.s32 $0x1400;
	[sflag:s22] =	ssyncset.done $0x0  }
0x27e: {  	s26 =	simm.s32 $0x14000;
	s10 =	sshrl.u32 s23, $0x2;
	[sflag:s22] =	ssyncadd.s32 $0xFFFFD800  }
0x27f: {  	s28 =	simm.s32 $0x9680;
	s24 =	sadd.s32 s10, s6;
	[bflag:$0x0] =	sbarrier.arrive $0xFFFF  }
0x280: {  	[tilespmem:s28], [sflag:$0x7] =	stream.strided.gather [spmem:s24], $0x2800, s26, s25, $0x38;
	[tilespmem:$0x12600] =	vst v63  }
0x281: {  	s29 =	simm.s32 $0x0;
	_ =	swait.ge [sflag:s22], $0x2800  }
0x282: {  	s30 =	sand.u32 $0x70, s29;
	s6 =	sand.u32 $0x1C00, s29;
	[sflag:s22] =	ssyncset.done $0x0  }
0x283: {  	s6 =	sor.u32 s30, s6;
	[sflag:s22] =	ssyncadd.s32 $0xFFFFD800  }
0x284: {  	v1 =	vld [tilespmem:s6+$0x9680];
	_ =	sdelay $0x1  }
0x285: {  	v2 =	vld [tilespmem:s6+$0x9700];
	_ =	sdelay $0x1  }
0x286: {  	v3 =	vld [tilespmem:s6+$0x9780]  }
0x287: {  	v1 =	vadd.f32 $0.0e+00, v1  }
0x288: {  	v4 =	vld [tilespmem:s6+$0x9800]  }
0x289: {  	v1 =	vadd.f32 v2, v1  }
0x28a: {  	v2 =	vld [tilespmem:s6+$0x9880]  }
0x28b: {  	v1 =	vadd.f32 v3, v1  }
0x28c: {  	v3 =	vld [tilespmem:s6+$0x9900]  }
0x28d: {  	v1 =	vadd.f32 v4, v1  }
0x28e: {  	v60 =	vld [tilespmem:s6+$0x9980]  }
0x28f: {  	v1 =	vadd.f32 v2, v1  }
0x290: {  	v2 =	vld [tilespmem:s6+$0x9A00]  }
0x291: {  	v1 =	vadd.f32 v3, v1  }
0x292: {  	v3 =	vld [tilespmem:s6+$0xAA80]  }
0x293: {  	v1 =	vadd.f32 v60, v1  }
0x294: {  	v61 =	vld [tilespmem:s6+$0xAB00]  }
0x295: {  	v1 =	vadd.f32 v2, v1  }
0x296: {  	v2 =	vld [tilespmem:s6+$0xAB80]  }
0x297: {  	v1 =	vadd.f32 v3, v1  }
0x298: {  	v3 =	vld [tilespmem:s6+$0xAC00]  }
0x299: {  	v1 =	vadd.f32 v61, v1  }
0x29a: {  	v62 =	vld [tilespmem:s6+$0xAC80]  }
0x29b: {  	v1 =	vadd.f32 v2, v1  }
0x29c: {  	v2 =	vld [tilespmem:s6+$0xAD00]  }
0x29d: {  	v1 =	vadd.f32 v3, v1  }
0x29e: {  	v3 =	vld [tilespmem:s6+$0xAD80]  }
0x29f: {  	v1 =	vadd.f32 v62, v1  }
0x2a0: {  	v63 =	vld [tilespmem:s6+$0xAE00]  }
0x2a1: {  	v1 =	vadd.f32 v2, v1;
	_ =	sdelay $0x1  }
0x2a2: {  	v1 =	vadd.f32 v3, v1  }
0x2a3: {  	s31 =	simm.s32 $0x10  }
0x2a4: {  	s11 =	sand.u32 $0x70, s31;
	s9 =	simm.s32 $0x80;
	v1 =	vadd.f32 v63, v1  }
0x2a5: {  	s12 =	sand.u32 $0x1C00, s9;
	s10 =	simm.s32 $0x20;
	s6 =	simm.s32 $0xBE80  }
.LBB2_23:
0x2a6: {  	p0 =	sne.s32 s10, $0x270;
	s11 =	sor.u32 s11, s12;
	[tilespmem:s6+$0x0] =	vst v1  }
0x2a7: {  	v1 =	vld [tilespmem:s11+$0x9680];
	_ =	sdelay $0x1  }
0x2a8: {  	v2 =	vld [tilespmem:s11+$0x9700];
	_ =	sdelay $0x1  }
0x2a9: {  	v3 =	vld [tilespmem:s11+$0x9780]  }
0x2aa: {  	v1 =	vadd.f32 $0.0e+00, v1  }
0x2ab: {  	v4 =	vld [tilespmem:s11+$0x9800]  }
0x2ac: {  	v1 =	vadd.f32 v2, v1  }
0x2ad: {  	v2 =	vld [tilespmem:s11+$0x9880]  }
0x2ae: {  	v1 =	vadd.f32 v3, v1  }
0x2af: {  	v3 =	vld [tilespmem:s11+$0x9900]  }
0x2b0: {  	v1 =	vadd.f32 v4, v1  }
0x2b1: {  	v4 =	vld [tilespmem:s11+$0x9980]  }
0x2b2: {  	v1 =	vadd.f32 v2, v1  }
0x2b3: {  	v2 =	vld [tilespmem:s11+$0x9A00]  }
0x2b4: {  	v1 =	vadd.f32 v3, v1  }
0x2b5: {  	v3 =	vld [tilespmem:s11+$0xAA80]  }
0x2b6: {  	v1 =	vadd.f32 v4, v1  }
0x2b7: {  	v4 =	vld [tilespmem:s11+$0xAB00]  }
0x2b8: {  	v1 =	vadd.f32 v2, v1  }
0x2b9: {  	v2 =	vld [tilespmem:s11+$0xAB80]  }
0x2ba: {  	v1 =	vadd.f32 v3, v1  }
0x2bb: {  	v3 =	vld [tilespmem:s11+$0xAC00]  }
0x2bc: {  	v1 =	vadd.f32 v4, v1  }
0x2bd: {  	v4 =	vld [tilespmem:s11+$0xAC80]  }
0x2be: {  	v1 =	vadd.f32 v2, v1  }
0x2bf: {  	v2 =	vld [tilespmem:s11+$0xAD00]  }
0x2c0: {  	v1 =	vadd.f32 v3, v1  }
0x2c1: {  	v3 =	vld [tilespmem:s11+$0xAD80]  }
0x2c2: {  	v1 =	vadd.f32 v4, v1  }
0x2c3: {  	v4 =	vld [tilespmem:s11+$0xAE00]  }
0x2c4: {  	v1 =	vadd.f32 v2, v1  }
.Ltmp11:
0x2c5: {  	(pc) =	sbr.rel @p0 .LBB2_23-.Ltmp11, $3  }
0x2c6: {  	v1 =	vadd.f32 v3, v1;
	_ =	sdelay $0x1  }
0x2c7: {  	s9 =	sadd.s32 $0x80, s9;
	s6 =	sadd.s32 $0x10, s6;
	v1 =	vadd.f32 v4, v1  }
0x2c8: {  	s12 =	sand.u32 $0x1C00, s9;
	s11 =	sand.u32 $0x70, s10;
	s10 =	sadd.s32 $0x10, s10  }
0x2c9: {  	s9 =	sor.u32 s11, s12;
	[tilespmem:s6+$0x0] =	vst v1  }
0x2ca: {  	v1 =	vld [tilespmem:s9+$0x9680];
	_ =	sdelay $0x1  }
0x2cb: {  	v2 =	vld [tilespmem:s9+$0x9700];
	_ =	sdelay $0x1  }
0x2cc: {  	v3 =	vld [tilespmem:s9+$0x9780]  }
0x2cd: {  	v1 =	vadd.f32 $0.0e+00, v1  }
0x2ce: {  	v4 =	vld [tilespmem:s9+$0x9800]  }
0x2cf: {  	v1 =	vadd.f32 v2, v1  }
0x2d0: {  	v2 =	vld [tilespmem:s9+$0x9880]  }
0x2d1: {  	v1 =	vadd.f32 v3, v1  }
0x2d2: {  	v3 =	vld [tilespmem:s9+$0x9900]  }
0x2d3: {  	v1 =	vadd.f32 v4, v1  }
0x2d4: {  	v60 =	vld [tilespmem:s9+$0x9980]  }
0x2d5: {  	v1 =	vadd.f32 v2, v1  }
0x2d6: {  	v2 =	vld [tilespmem:s9+$0x9A00]  }
0x2d7: {  	v1 =	vadd.f32 v3, v1  }
0x2d8: {  	v3 =	vld [tilespmem:s9+$0xAA80]  }
0x2d9: {  	v1 =	vadd.f32 v60, v1  }
0x2da: {  	v61 =	vld [tilespmem:s9+$0xAB00]  }
0x2db: {  	v1 =	vadd.f32 v2, v1  }
0x2dc: {  	v2 =	vld [tilespmem:s9+$0xAB80]  }
0x2dd: {  	v1 =	vadd.f32 v3, v1  }
0x2de: {  	v3 =	vld [tilespmem:s9+$0xAC00]  }
0x2df: {  	v1 =	vadd.f32 v61, v1  }
0x2e0: {  	v62 =	vld [tilespmem:s9+$0xAC80]  }
0x2e1: {  	v1 =	vadd.f32 v2, v1  }
0x2e2: {  	v2 =	vld [tilespmem:s9+$0xAD00]  }
0x2e3: {  	v1 =	vadd.f32 v3, v1  }
0x2e4: {  	v3 =	vld [tilespmem:s9+$0xAD80]  }
0x2e5: {  	v1 =	vadd.f32 v62, v1  }
0x2e6: {  	v63 =	vld [tilespmem:s9+$0xAE00]  }
0x2e7: {  	v1 =	vadd.f32 v2, v1;
	_ =	sdelay $0x1  }
0x2e8: {  	v1 =	vadd.f32 v3, v1  }
0x2e9: {  	s25 =	smul.u32 $0xA00, s4  }
0x2ea: {  	v1 =	vadd.f32 v63, v1  }
0x2eb: {  	s26 =	sadd.s32 $0x10, s6;
	s9 =	sshrl.u32 s25, $0x2  }
0x2ec: {  	s29 =	simm.s32 $0xBE80;
	s30 =	simm.s32 $0x7;
	s28 =	sadd.s32 s9, s5;
	[tilespmem:s26+$0x0] =	vst v1  }
0x2ed: {  	[spmem:s28] =	stream.linear.scatter [tilespmem:s29], [sflag:$0x7], $0x280, $0x38;
	[tilespmem:$0x12600] =	vst v63  }
0x2ee: {  	_ =	swait.ge [sflag:s30], $0x280  }
0x2ef: {  	[sflag:s30] =	ssyncset.done $0x0  }
0x2f0: {  	[sflag:s30] =	ssyncadd.s32 $0xFFFFFD80  }
0x2f1: {  	s6 =	simm.s32 $0xC180;
	[bflag:$0x0] =	sbarrier.arrive $0xFFFF  }
0x2f2: {  	[tilespmem:s6], [sflag:$0x7] =	stream.linear.gather [spmem:s5], $0x2800, $0x38;
	[tilespmem:$0x12600] =	vst v63  }
0x2f3: {  	_ =	swait.ge [sflag:s30], $0x2800  }
0x2f4: {  	[sflag:s30] =	ssyncset.done $0x0  }
0x2f5: {  	v1 =	vimm.f32 $0.0e+00;
	[sflag:s30] =	ssyncadd.s32 $0xFFFFD800  }
0x2f6: {  	[tilespmem:$0xFA80] =	vst v1  }
0x2f7: {  	[tilespmem:$0xFA90] =	vst v1  }
0x2f8: {  	[tilespmem:$0xFAA0] =	vst v1  }
.Ltmp12:
0x2f9: {  	[tilespmem:$0xFAB0] =	vst v1;
	(pc) =	sbr.rel .LBB2_25-.Ltmp12, $4  }
0x2fa: {  	[tilespmem:$0xFAC0] =	vst v1  }
0x2fb: {  	s31 =	sadd.s32 $0x8000000F, s8;
	s8 =	simm.s32 $0x0;
	[tilespmem:$0xFAD0] =	vst v1  }
0x2fc: {  	s10 =	simm.s32 $0xE980;
	s11 =	simm.s32 $0xEA80;
	s5 =	sand.u32 $0xFFFFFFF0, s31;
	[tilespmem:$0xFAE0] =	vst v1  }
0x2fd: {  	s12 =	simm.s32 $0x2;
	s13 =	simm.s32 $0xEA00;
	s9 =	simm.s32 $0x10;
	v2 =	vlaneseq.u32;
	[tilespmem:$0xFAF0] =	vst v1;
	v1 =	vmov s5  }
.LBB2_28:
0x2fe: {  	v19 =	vld [tilespmem:s14+$0xFFFFFFF0]  }
0x2ff: {  	v20 =	vld [tilespmem:s14+$0x0]  }
0x300: {  	v21 =	vld [tilespmem:s14+$0x10]  }
0x301: {  	v22 =	vld [tilespmem:s14+$0x20]  }
0x302: {  	v16 =	vld.idx.msk [tilespmem:v16+s13+$0x0], $0xffff;
	s31 =	sadd.s32 $0x80, s14  }
0x303: {  	v23 =	vld [tilespmem:s31+$0xFFFFFFC0]  }
0x304: {  	v24 =	vld [tilespmem:s31+$0xFFFFFFD0]  }
0x305: {  	v13 =	vmul.f32 v13, v6;
	v14 =	vmul.f32 v14, v6;
	v47 =	vld [tilespmem:s31+$0xFFFFFFE0]  }
0x306: {  	v5 =	vadd.f32 v17, v5;
	v4 =	vadd.f32 v18, v4;
	v15 =	vmul.f32 v15, v6;
	v56 =	vld [tilespmem:s31+$0x30]  }
0x307: {  	v11 =	vmul.f32 v11, v6;
	v48 =	vld [tilespmem:s31+$0xFFFFFFF0];
	v9 =	vadd.f32 v13, v9;
	v7 =	vadd.f32 v14, v7  }
0x308: {  	v51 =	vld [tilespmem:s31+$0x0];
	v10 =	vadd.f32 v15, v10;
	v49 =	vmul.f32 v19, v6;
	v52 =	vmul.f32 v23, v16  }
0x309: {  	v53 =	vld [tilespmem:s31+$0x10];
	v3 =	vadd.f32 v11, v3;
	v50 =	vmul.f32 v20, v6;
	v54 =	vmul.f32 v24, v16  }
0x30a: {  	v55 =	vld [tilespmem:s31+$0x20];
	v57 =	vmul.f32 v21, v6;
	v17 =	vmul.f32 v47, v16;
	v9 =	vadd.f32 v52, v9  }
0x30b: {  	v58 =	vmul.f32 v22, v6;
	v63 =	vmul.f32 v56, v16;
	v7 =	vadd.f32 v54, v7  }
0x30c: {  	v18 =	vmul.f32 v48, v16;
	v8 =	vadd.f32 v49, v8;
	v10 =	vadd.f32 v17, v10;
	[tilespmem:$0xFA80] =	vst v9  }
0x30d: {  	v59 =	vmul.f32 v51, v16;
	v12 =	vadd.f32 v50, v12;
	v3 =	vadd.f32 v63, v3;
	[tilespmem:$0xFA90] =	vst v7  }
0x30e: {  	v60 =	vmul.f32 v53, v16;
	v5 =	vadd.f32 v57, v5;
	v8 =	vadd.f32 v18, v8;
	[tilespmem:$0xFAA0] =	vst v10  }
0x30f: {  	v62 =	vmul.f32 v55, v16;
	v4 =	vadd.f32 v58, v4;
	v61 =	vadd.f32 v59, v12;
	[tilespmem:$0xFAF0] =	vst v3  }
0x310: {  	v5 =	vadd.f32 v60, v5;
	[tilespmem:$0xFAB0] =	vst v8  }
0x311: {  	v4 =	vadd.f32 v62, v4;
	[tilespmem:$0xFAC0] =	vst v61  }
0x312: {  	[tilespmem:$0xFAD0] =	vst v5  }
0x313: {  	[tilespmem:$0xFAE0] =	vst v4  }
.LBB2_29:
0x314: {  	s8 =	sadd.s32 $0x1, s8  }
0x315: {  	p0 =	sne.s32 s8, $0x4E3  }
.Ltmp13:
0x316: {  	_ = 	snop;
	(pc) =	sbr.rel @!p0 .LBB2_30-.Ltmp13, $1  }
0x317: {  	_ =	sdelay $0x3  }
.LBB2_25:
0x318: {  	s14 =	sshll.u32 s8, $0x4  }
0x319: {  	p0 =	sge.s32 s14, s5  }
.Ltmp14:
0x31a: {  	_ = 	snop;
	(pc) =	sbr.rel @p0 .LBB2_29-.Ltmp14, $1  }
0x31b: {  	_ =	sdelay $0x3  }
0x31c: {  	v3 =	vld [tilespmem:s14+$0x4800];
	_ =	sdelay $0x3  }
0x31d: {  	v4 =	vor.u32 s14, v2  }
0x31e: {  	vm0 =	vlt.s32 v4, v1;
	vm1 =	vlt.u32 v3, $0x2710  }
0x31f: {  	vm0 =	vmand vm0, vm1  }
0x320: {  	v3 =	vnsel vm0, $0x0, v3;
	_ =	sdelay $0x3  }
0x321: {  	[tilespmem:$0xE980] =	vst v3  }
0x322: {  	v3 =	vld.idx.msk [tilespmem:v3+s6+$0x0], $0xffff;
	_ =	sdelay $0x4  }
0x323: {  	v3 =	vadd.f32 $1.000000000e+00, v3;
	_ =	sdelay $0x1  }
0x324: {  	v4 =	vshra.s32 v3, $0x1;
	v3 =	vmul.f32 $5.000000000e-01, v3  }
0x325: {  	v4 =	vsub.s32 $0x5F3759DF, v4  }
0x326: {  	v5 =	vmul.f32 v4, v3;
	_ =	sdelay $0x1  }
0x327: {  	v5 =	vmul.f32 v4, v5;
	_ =	sdelay $0x1  }
0x328: {  	v5 =	vsub.f32 $1.500000000e+00, v5;
	_ =	sdelay $0x1  }
0x329: {  	v4 =	vmul.f32 v4, v5;
	_ =	sdelay $0x1  }
0x32a: {  	v5 =	vmul.f32 v4, v3;
	_ =	sdelay $0x1  }
0x32b: {  	v5 =	vmul.f32 v5, v4;
	_ =	sdelay $0x1  }
0x32c: {  	v5 =	vsub.f32 $1.500000000e+00, v5;
	_ =	sdelay $0x1  }
0x32d: {  	v4 =	vmul.f32 v5, v4;
	_ =	sdelay $0x1  }
0x32e: {  	v3 =	vmul.f32 v4, v3;
	_ =	sdelay $0x1  }
0x32f: {  	v3 =	vmul.f32 v3, v4;
	_ =	sdelay $0x1  }
0x330: {  	v3 =	vsub.f32 $1.500000000e+00, v3;
	_ =	sdelay $0x1  }
0x331: {  	v3 =	vmul.f32 v3, v4;
	_ =	sdelay $0x1  }
0x332: {  	v3 =	vnsel vm0, $0x0, v3  }
0x333: {  	[tilespmem:$0xEA00] =	vst v3  }
0x334: {  	[tilespmem:s11], [sflag:$0x2] =	stream.indirect.gather [hbm4b:s3+s9], $0x80, s10, s9, $0xb8;
	[tilespmem:$0x12600] =	vst v63  }
0x335: {  	_ =	swait.ge [sflag:s12], $0x800  }
0x336: {  	[sflag:s12] =	ssyncset.done $0x0  }
0x337: {  	[sflag:s12] =	ssyncadd.s32 $0xFFFFF800  }
0x338: {  	v7 =	vld [tilespmem:$0xFA80]  }
0x339: {  	s29 =	simm.s32 $0x0;
	v8 =	vld [tilespmem:$0xFA90]  }
0x33a: {  	v3 =	vmov s29;
	v10 =	vld [tilespmem:$0xFAA0]  }
0x33b: {  	v12 =	vld [tilespmem:$0xFAB0]  }
0x33c: {  	v18 =	vld [tilespmem:$0xFAC0]  }
0x33d: {  	v5 =	vld [tilespmem:$0xFAD0]  }
0x33e: {  	v9 =	vld [tilespmem:$0xFAF0]  }
0x33f: {  	s30 =	simm.s32 $0xEAC0;
	v19 =	vld.idx.msk [tilespmem:v3+s13+$0x0], $0xffff  }
0x340: {  	v3 =	vld [tilespmem:s30+$0x30]  }
0x341: {  	v6 =	vld [tilespmem:s30+$0xFFFFFFC0]  }
0x342: {  	v11 =	vld [tilespmem:s30+$0xFFFFFFD0]  }
0x343: {  	s15 =	simm.s32 $0x1;
	v14 =	vld [tilespmem:s30+$0xFFFFFFE0]  }
0x344: {  	v13 =	vmov s15;
	v15 =	vld [tilespmem:s30+$0xFFFFFFF0]  }
0x345: {  	v16 =	vld [tilespmem:s30+$0x0]  }
0x346: {  	v17 =	vld [tilespmem:s30+$0x10]  }
0x347: {  	v4 =	vld [tilespmem:$0xFAE0]  }
0x348: {  	v20 =	vld [tilespmem:s30+$0x20];
	v3 =	vmul.f32 v3, v19;
	v21 =	vmul.f32 v6, v19  }
0x349: {  	s14 =	simm.s32 $0xEB40;
	v22 =	vmul.f32 v11, v19;
	v6 =	vld.idx.msk [tilespmem:v13+s13+$0x0], $0xffff;
	v14 =	vmul.f32 v14, v19  }
0x34a: {  	v11 =	vld [tilespmem:s14+$0x30];
	v15 =	vmul.f32 v15, v19;
	v63 =	vmul.f32 v16, v19  }
0x34b: {  	s31 =	simm.s32 $0x2;
	v13 =	vld [tilespmem:s14+$0xFFFFFFC0];
	v17 =	vmul.f32 v17, v19;
	v3 =	vadd.f32 v3, v9;
	v9 =	vadd.f32 v21, v7  }
0x34c: {  	v16 =	vmov s31;
	v7 =	vadd.f32 v22, v8;
	v10 =	vadd.f32 v14, v10;
	v14 =	vld [tilespmem:s14+$0xFFFFFFD0]  }
0x34d: {  	s15 =	simm.s32 $0x3;
	v8 =	vadd.f32 v15, v12;
	v15 =	vld [tilespmem:s14+$0xFFFFFFE0];
	v12 =	vadd.f32 v63, v18;
	v18 =	vmul.f32 v20, v19  }
.LBB2_27:
0x34e: {  	p0 =	sne.s32 s15, $0xF;
	v19 =	vld [tilespmem:s14+$0xFFFFFFF0];
	v5 =	vadd.f32 v17, v5  }
0x34f: {  	v11 =	vmul.f32 v11, v6;
	v4 =	vadd.f32 v18, v4;
	v18 =	vmov v6;
	v17 =	vld [tilespmem:s14+$0x0]  }
0x350: {  	v13 =	vmul.f32 v13, v18;
	v20 =	vld [tilespmem:s14+$0x10]  }
0x351: {  	v14 =	vmul.f32 v14, v18;
	v3 =	vadd.f32 v11, v3;
	v21 =	vld [tilespmem:s14+$0x20]  }
.Ltmp15:
0x352: {  	v15 =	vmul.f32 v15, v18;
	v9 =	vadd.f32 v13, v9;
	s14 =	sadd.s32 $0x80, s14;
	v6 =	vld.idx.msk [tilespmem:v16+s13+$0x0], $0xffff;
	(pc) =	sbr.rel @p0 .LBB2_27-.Ltmp15, $4  }
0x353: {  	v7 =	vadd.f32 v14, v7;
	v11 =	vld [tilespmem:s14+$0x30];
	v16 =	vmul.f32 v19, v18  }
0x354: {  	v10 =	vadd.f32 v15, v10;
	v13 =	vld [tilespmem:s14+$0xFFFFFFC0];
	v19 =	vmul.f32 v17, v18  }
0x355: {  	v14 =	vld [tilespmem:s14+$0xFFFFFFD0];
	v8 =	vadd.f32 v16, v8;
	v17 =	vmul.f32 v20, v18  }
0x356: {  	v16 =	vmov s15;
	s15 =	sadd.s32 $0x1, s15;
	v15 =	vld [tilespmem:s14+$0xFFFFFFE0];
	v12 =	vadd.f32 v19, v12;
	v18 =	vmul.f32 v21, v18  }
.Ltmp16:
0x357: {  	_ = 	snop;
	(pc) =	sbr.rel .LBB2_28-.Ltmp16, $1  }
0x358: {  	_ =	sdelay $0x3  }
.LBB2_30:
0x359: {  	s5 =	sadd.s32 s7, s2;
	s6 =	simm.s32 $0xFA80  }
0x35a: {  	[spmem:s5] =	stream.linear.scatter [tilespmem:s6], [sflag:$0x7], $0x80, $0x38;
	[tilespmem:$0x12600] =	vst v63  }
0x35b: {  	s5 =	simm.s32 $0x7  }
0x35c: {  	_ =	swait.ge [sflag:s5], $0x80  }
0x35d: {  	[sflag:s5] =	ssyncset.done $0x0  }
0x35e: {  	[sflag:s5] =	ssyncadd.s32 $0xFFFFFF80  }
0x35f: {  	p0 =	sne.s32 s4, $0x0;
	[bflag:$0x0] =	sbarrier.arrive $0xFFFF  }
0x360: {  	_ =	sfence.sel @p0 $0x180000  }
0x361: {  	[bflag:$0x0] =	sbarrier.arrive @p0 $0xFFFF  }
0x362: {  	_ =	strace @p0 $0x90000047  }
0x363: {  	[bflag:$0x2] =	sbarrier.arrive @p0 $0xFFFF  }
0x364: {  	_ =	shalt @p0  }
.LBB2_31:
0x365: {  	_ =	sdelay $0x1  }
0x366: {  	s4 =	simm.s32 $0xC180;
	s28 =	simm.s32 $0x10  }
0x367: {  	s7 =	simm.s32 $0xC100;
	s8 =	simm.s32 $0xF280;
	s29 =	simm.s32 $0x1  }
0x368: {  	v16 =	vld.idx.msk [tilespmem:v0+s4+$0x0], $0xffff;
	[tilespmem:s8], [sflag:$0x1] =	stream.indirect.gather [hbm4b:s3+s28], $0x80, s7, s28, $0xb8  }
0x369: {  	_ =	swait.ge [sflag:s29], $0x800  }
0x36a: {  	[sflag:s29] =	ssyncset.done $0x0  }
0x36b: {  	s30 =	simm.s32 $0xEA80;
	[sflag:s29] =	ssyncadd.s32 $0xFFFFF800  }
0x36c: {  	[tilespmem:s30], [sflag:$0x7] =	stream.linear.gather [spmem:s2], $0x800, $0x38;
	[tilespmem:$0x12600] =	vst v63  }
0x36d: {  	_ =	swait.ge [sflag:s5], $0x800  }
0x36e: {  	[sflag:s5] =	ssyncset.done $0x0  }
0x36f: {  	[sflag:s5] =	ssyncadd.s32 $0xFFFFF800  }
0x370: {  	v1 =	vld [tilespmem:$0xEA80]  }
0x371: {  	v2 =	vld [tilespmem:$0xEB00]  }
0x372: {  	v3 =	vld [tilespmem:$0xEB80]  }
0x373: {  	v6 =	vld [tilespmem:$0xEC00]  }
0x374: {  	v8 =	vld [tilespmem:$0xEC80]  }
0x375: {  	v9 =	vld [tilespmem:$0xED00]  }
0x376: {  	v10 =	vld [tilespmem:$0xED80]  }
0x377: {  	v27 =	vld [tilespmem:$0xEE00]  }
0x378: {  	v28 =	vld [tilespmem:$0xEE80]  }
0x379: {  	v29 =	vld [tilespmem:$0xEF00]  }
0x37a: {  	v30 =	vld [tilespmem:$0xEF80]  }
0x37b: {  	v26 =	vld [tilespmem:$0xF000]  }
0x37c: {  	v22 =	vld [tilespmem:$0xF080]  }
0x37d: {  	v15 =	vld [tilespmem:$0xF100]  }
0x37e: {  	v13 =	vld [tilespmem:$0xF180]  }
0x37f: {  	v14 =	vld [tilespmem:$0xF200]  }
0x380: {  	v17 =	vld [tilespmem:$0xF280]  }
0x381: {  	v11 =	vld [tilespmem:$0xEA90]  }
0x382: {  	v31 =	vld [tilespmem:$0xEB90]  }
0x383: {  	v32 =	vld [tilespmem:$0xEC10]  }
0x384: {  	v33 =	vld [tilespmem:$0xEC90]  }
0x385: {  	v34 =	vld [tilespmem:$0xED10]  }
0x386: {  	v35 =	vld [tilespmem:$0xED90]  }
0x387: {  	v36 =	vld [tilespmem:$0xEE10]  }
0x388: {  	v37 =	vld [tilespmem:$0xEE90]  }
0x389: {  	v38 =	vld [tilespmem:$0xEF10]  }
0x38a: {  	v39 =	vld [tilespmem:$0xEF90]  }
0x38b: {  	v40 =	vld [tilespmem:$0xF010]  }
0x38c: {  	v41 =	vld [tilespmem:$0xF090]  }
0x38d: {  	v24 =	vld [tilespmem:$0xF110]  }
0x38e: {  	v18 =	vld [tilespmem:$0xF190]  }
0x38f: {  	v19 =	vld [tilespmem:$0xF210]  }
0x390: {  	v20 =	vld [tilespmem:$0xF290]  }
0x391: {  	v42 =	vld [tilespmem:$0xEAA0]  }
0x392: {  	v43 =	vld [tilespmem:$0xEB20]  }
0x393: {  	v44 =	vld [tilespmem:$0xEBA0]  }
0x394: {  	v45 =	vld [tilespmem:$0xEC20]  }
0x395: {  	v46 =	vld [tilespmem:$0xECA0]  }
0x396: {  	v47 =	vld [tilespmem:$0xED20]  }
0x397: {  	v48 =	vld [tilespmem:$0xEDA0]  }
0x398: {  	v49 =	vld [tilespmem:$0xEE20]  }
0x399: {  	v50 =	vld [tilespmem:$0xEEA0]  }
0x39a: {  	v51 =	vld [tilespmem:$0xEF20]  }
0x39b: {  	v52 =	vld [tilespmem:$0xEFA0]  }
0x39c: {  	v53 =	vld [tilespmem:$0xF020]  }
0x39d: {  	v54 =	vld [tilespmem:$0xF0A0]  }
0x39e: {  	v55 =	vld [tilespmem:$0xF120]  }
0x39f: {  	v23 =	vld [tilespmem:$0xF1A0]  }
0x3a0: {  	v21 =	vld [tilespmem:$0xF220]  }
0x3a1: {  	v25 =	vld [tilespmem:$0xF2A0]  }
0x3a2: {  	v56 =	vld [tilespmem:$0xEAB0]  }
0x3a3: {  	v57 =	vld [tilespmem:$0xEB30]  }
0x3a4: {  	v58 =	vld [tilespmem:$0xEBB0]  }
0x3a5: {  	v59 =	vld [tilespmem:$0xEC30]  }
0x3a6: {  	v60 =	vld [tilespmem:$0xECB0]  }
0x3a7: {  	v61 =	vld [tilespmem:$0xED30]  }
0x3a8: {  	v62 =	vld [tilespmem:$0xEDB0]  }
0x3a9: {  	v63 =	vld [tilespmem:$0xEE30]  }
0x3aa: {  	v4 =	vld [tilespmem:$0xEEB0]  }
0x3ab: {  	v5 =	vld [tilespmem:$0xEF30]  }
0x3ac: {  	v7 =	vld [tilespmem:$0xEFB0]  }
0x3ad: {  	v12 =	vld [tilespmem:$0xF030]  }
0x3ae: {  	v0 =	vadd.f32 $1.000000000e+00, v16;
	v16 =	vld [tilespmem:$0xEDC0]  }
0x3af: {  	[tilespmem:$0x1FFA0] =	vst v14;
	v14 =	vld [tilespmem:$0xEB10]  }
0x3b0: {  	[tilespmem:$0x1FF80] =	vst v13;
	v13 =	vld [tilespmem:$0xF0B0]  }
0x3b1: {  	[tilespmem:$0x1FFB0] =	vst v17;
	v17 =	vld [tilespmem:$0xF130]  }
0x3b2: {  	[tilespmem:$0x1FF90] =	vst v18;
	v18 =	vld [tilespmem:$0xF1B0]  }
0x3b3: {  	[tilespmem:$0x1FFC0] =	vst v19;
	v1 =	vadd.f32 $0.0e+00, v1;
	v19 =	vld [tilespmem:$0xF2B0]  }
0x3b4: {  	[tilespmem:$0x1FFD0] =	vst v20;
	v20 =	vld [tilespmem:$0xEB40];
	v42 =	vadd.f32 $0.0e+00, v42  }
0x3b5: {  	[tilespmem:$0x1FFF0] =	vst v25;
	v25 =	vld [tilespmem:$0xEC40];
	v56 =	vadd.f32 $0.0e+00, v56;
	v1 =	vadd.f32 v2, v1  }
0x3b6: {  	[tilespmem:$0x1FFE0] =	vst v21;
	v21 =	vld [tilespmem:$0xECC0];
	v42 =	vadd.f32 v43, v42  }
0x3b7: {  	v2 =	vld [tilespmem:$0xF230];
	v56 =	vadd.f32 v57, v56;
	v1 =	vadd.f32 v3, v1  }
0x3b8: {  	v3 =	vld [tilespmem:$0xEAC0];
	v42 =	vadd.f32 v44, v42  }
0x3b9: {  	v56 =	vadd.f32 v58, v56;
	v1 =	vadd.f32 v6, v1;
	v6 =	vld [tilespmem:$0xEBC0]  }
0x3ba: {  	v42 =	vadd.f32 v45, v42;
	v45 =	vld [tilespmem:$0xEAD0]  }
0x3bb: {  	v56 =	vadd.f32 v59, v56;
	v8 =	vadd.f32 v8, v1;
	v1 =	vld [tilespmem:$0xED40]  }
0x3bc: {  	v11 =	vadd.f32 $0.0e+00, v11;
	v42 =	vadd.f32 v46, v42;
	v46 =	vld [tilespmem:$0xECD0]  }
0x3bd: {  	v58 =	vadd.f32 v60, v56;
	v56 =	vld [tilespmem:$0x1FFC0]  }
0x3be: {  	v8 =	vadd.f32 v9, v8;
	v9 =	vadd.f32 v14, v11;
	v14 =	vld [tilespmem:$0xEE40]  }
0x3bf: {  	v11 =	vshra.s32 v0, $0x1;
	v60 =	vadd.f32 v61, v58;
	v58 =	vld [tilespmem:$0xEAE0]  }
0x3c0: {  	v9 =	vadd.f32 v31, v9;
	v31 =	vsub.s32 $0x5F3759DF, v11;
	v11 =	vld [tilespmem:$0xEEC0]  }
0x3c1: {  	v8 =	vadd.f32 v10, v8;
	v10 =	vld [tilespmem:$0xEF40]  }
0x3c2: {  	v42 =	vadd.f32 v47, v42;
	v32 =	vadd.f32 v32, v9;
	v9 =	vld [tilespmem:$0xEFC0]  }
0x3c3: {  	v27 =	vadd.f32 v27, v8;
	v8 =	vld [tilespmem:$0xF040]  }
0x3c4: {  	v0 =	vmul.f32 $5.000000000e-01, v0;
	v42 =	vadd.f32 v48, v42;
	v44 =	vadd.f32 v33, v32;
	v33 =	vld [tilespmem:$0xF0C0]  }
0x3c5: {  	v32 =	vld [tilespmem:$0xF140]  }
0x3c6: {  	v43 =	vmul.f32 v31, v0;
	v42 =	vadd.f32 v49, v42;
	v57 =	vadd.f32 v28, v27;
	v27 =	vld [tilespmem:$0xF240]  }
0x3c7: {  	v28 =	vld [tilespmem:$0xF2C0]  }
0x3c8: {  	v43 =	vmul.f32 v31, v43;
	v42 =	vadd.f32 v50, v42;
	v50 =	vld [tilespmem:$0x1FF80]  }
0x3c9: {  	v3 =	vadd.f32 $0.0e+00, v3;
	v44 =	vadd.f32 v34, v44;
	v34 =	vld [tilespmem:$0xF1C0]  }
0x3ca: {  	v43 =	vsub.f32 $1.500000000e+00, v43;
	v29 =	vadd.f32 v29, v57;
	v57 =	vld [tilespmem:$0x1FFD0]  }
0x3cb: {  	v47 =	vadd.f32 v51, v42;
	v42 =	vld [tilespmem:$0xF0E0]  }
0x3cc: {  	v3 =	vadd.f32 v20, v3;
	v31 =	vmul.f32 v31, v43;
	v43 =	vld [tilespmem:$0xEBD0]  }
0x3cd: {  	v35 =	vadd.f32 v35, v44;
	v44 =	vld [tilespmem:$0xEB50];
	v29 =	vadd.f32 v30, v29  }
0x3ce: {  	v3 =	vadd.f32 v6, v3;
	v48 =	vadd.f32 v52, v47;
	v52 =	vld [tilespmem:$0x1FF90]  }
0x3cf: {  	v26 =	vadd.f32 v26, v29;
	v29 =	vld [tilespmem:$0xEED0]  }
0x3d0: {  	v3 =	vadd.f32 v25, v3;
	v49 =	vadd.f32 v53, v48;
	v53 =	vld [tilespmem:$0x1FFA0]  }
0x3d1: {  	v35 =	vadd.f32 v36, v35;
	v36 =	vadd.f32 v62, v60;
	v60 =	vld [tilespmem:$0xEBE0]  }
0x3d2: {  	v59 =	vmul.f32 v31, v0;
	v62 =	vld [tilespmem:$0x1FFF0]  }
0x3d3: {  	v3 =	vadd.f32 v21, v3;
	v48 =	vadd.f32 $0.0e+00, v45;
	v45 =	vld [tilespmem:$0xF070]  }
0x3d4: {  	v61 =	vmul.f32 v59, v31;
	v59 =	vld [tilespmem:$0xEB60]  }
0x3d5: {  	v1 =	vadd.f32 v1, v3;
	v35 =	vadd.f32 v37, v35;
	v37 =	vld [tilespmem:$0xEC50]  }
0x3d6: {  	v36 =	vadd.f32 v63, v36;
	v22 =	vadd.f32 v22, v26;
	v26 =	vld [tilespmem:$0xEFD0]  }
0x3d7: {  	v51 =	vadd.f32 v54, v49;
	v54 =	vld [tilespmem:$0x1FFB0];
	v30 =	vsub.f32 $1.500000000e+00, v61  }
0x3d8: {  	v63 =	vld [tilespmem:$0xEAF0];
	v35 =	vadd.f32 v38, v35;
	v4 =	vadd.f32 v4, v36  }
0x3d9: {  	v1 =	vadd.f32 v16, v1;
	v49 =	vld [tilespmem:$0xEC60];
	v30 =	vmul.f32 v30, v31  }
0x3da: {  	v61 =	vld [tilespmem:$0x1FFE0];
	v35 =	vadd.f32 v39, v35;
	v4 =	vadd.f32 v5, v4  }
0x3db: {  	v1 =	vadd.f32 v14, v1;
	v38 =	vld [tilespmem:$0xED50];
	v0 =	vmul.f32 v30, v0  }
0x3dc: {  	v36 =	vld [tilespmem:$0xEE50];
	v35 =	vadd.f32 v40, v35;
	v4 =	vadd.f32 v7, v4  }
0x3dd: {  	v1 =	vadd.f32 v11, v1;
	v31 =	vld [tilespmem:$0xEDD0];
	v0 =	vmul.f32 v0, v30  }
0x3de: {  	v5 =	vld [tilespmem:$0xEF50];
	v35 =	vadd.f32 v41, v35;
	v4 =	vadd.f32 v12, v4  }
0x3df: {  	v22 =	vadd.f32 v15, v22;
	v39 =	vld [tilespmem:$0xF2D0];
	v0 =	vsub.f32 $1.500000000e+00, v0  }
0x3e0: {  	v7 =	vld [tilespmem:$0xF050];
	v24 =	vadd.f32 v24, v35;
	v4 =	vadd.f32 v13, v4  }
0x3e1: {  	v40 =	vld [tilespmem:$0xF0D0];
	v15 =	vmul.f32 v0, v30;
	v0 =	vadd.f32 v50, v22;
	v22 =	vadd.f32 v55, v51  }
0x3e2: {  	v12 =	vld [tilespmem:$0xF150];
	v24 =	vadd.f32 v52, v24;
	v4 =	vadd.f32 v17, v4  }
0x3e3: {  	v50 =	vld [tilespmem:$0xEB70];
	v0 =	vadd.f32 v53, v0;
	v53 =	vadd.f32 $0.0e+00, v58  }
0x3e4: {  	v13 =	vld [tilespmem:$0xF250];
	v51 =	vadd.f32 v44, v48;
	v41 =	vmul.f32 v57, v15;
	v24 =	vadd.f32 v56, v24  }
0x3e5: {  	v35 =	vmul.f32 v54, v15;
	v54 =	vld [tilespmem:$0xEBF0];
	v4 =	vadd.f32 v18, v4;
	v6 =	vadd.f32 v59, v53  }
0x3e6: {  	v30 =	vld [tilespmem:$0xF1D0];
	v24 =	vadd.f32 v41, v24;
	v41 =	vadd.f32 $0.0e+00, v63  }
0x3e7: {  	v56 =	vld [tilespmem:$0xEC70];
	v2 =	vadd.f32 v2, v4;
	v4 =	vadd.f32 v43, v51  }
0x3e8: {  	v52 =	vld [tilespmem:$0xECE0];
	v22 =	vadd.f32 v23, v22;
	v20 =	vadd.f32 v50, v41  }
0x3e9: {  	v58 =	vld [tilespmem:$0xECF0];
	v6 =	vadd.f32 v60, v6;
	v4 =	vadd.f32 v37, v4  }
0x3ea: {  	v55 =	vld [tilespmem:$0xED60];
	v22 =	vadd.f32 v61, v22;
	v17 =	vadd.f32 v54, v20  }
0x3eb: {  	v61 =	vld [tilespmem:$0xED70];
	v60 =	vadd.f32 v49, v6;
	v4 =	vadd.f32 v46, v4  }
0x3ec: {  	v1 =	vadd.f32 v10, v1;
	v57 =	vld [tilespmem:$0xEDE0];
	v17 =	vadd.f32 v56, v17  }
0x3ed: {  	v63 =	vld [tilespmem:$0xEDF0];
	v3 =	vadd.f32 v52, v60;
	v4 =	vadd.f32 v38, v4  }
0x3ee: {  	v1 =	vadd.f32 v9, v1;
	v59 =	vld [tilespmem:$0xEE60];
	v17 =	vadd.f32 v58, v17  }
0x3ef: {  	v3 =	vadd.f32 v55, v3;
	v4 =	vadd.f32 v31, v4;
	v31 =	vld [tilespmem:$0xEE70]  }
0x3f0: {  	v0 =	vadd.f32 v35, v0;
	v35 =	vmul.f32 v62, v15;
	v62 =	vld [tilespmem:$0xEEE0];
	v6 =	vadd.f32 v61, v17  }
0x3f1: {  	v3 =	vadd.f32 v57, v3;
	v4 =	vadd.f32 v36, v4;
	v36 =	vld [tilespmem:$0xEEF0]  }
0x3f2: {  	v1 =	vadd.f32 v8, v1;
	v23 =	vld [tilespmem:$0xEF60];
	v6 =	vadd.f32 v63, v6  }
0x3f3: {  	v22 =	vadd.f32 v35, v22;
	v38 =	vld [tilespmem:$0xEF70];
	v3 =	vadd.f32 v59, v3  }
0x3f4: {  	v35 =	vld [tilespmem:$0xEFE0];
	v4 =	vadd.f32 v29, v4;
	v41 =	vadd.f32 v31, v6  }
0x3f5: {  	v1 =	vadd.f32 v33, v1;
	v43 =	vld [tilespmem:$0xEFF0];
	v3 =	vadd.f32 v62, v3  }
0x3f6: {  	v37 =	vld [tilespmem:$0xF060];
	v4 =	vadd.f32 v5, v4;
	v5 =	vadd.f32 v36, v41  }
0x3f7: {  	v44 =	vld [tilespmem:$0xF160];
	v1 =	vadd.f32 v32, v1;
	v47 =	vmul.f32 v19, v15;
	v3 =	vadd.f32 v23, v3  }
0x3f8: {  	v48 =	vld [tilespmem:$0xF260];
	v4 =	vadd.f32 v26, v4;
	v5 =	vadd.f32 v38, v5  }
0x3f9: {  	v2 =	vadd.f32 v47, v2;
	v47 =	vld [tilespmem:$0xF0F0];
	v3 =	vadd.f32 v35, v3  }
0x3fa: {  	v51 =	vld [tilespmem:$0xF1F0];
	v4 =	vadd.f32 v7, v4;
	v5 =	vadd.f32 v43, v5  }
0x3fb: {  	v1 =	vadd.f32 v34, v1;
	v49 =	vld [tilespmem:$0xF170];
	v3 =	vadd.f32 v37, v3  }
0x3fc: {  	v46 =	vld [tilespmem:$0xF1E0];
	v4 =	vadd.f32 v40, v4;
	v5 =	vadd.f32 v45, v5  }
0x3fd: {  	v1 =	vadd.f32 v27, v1;
	v53 =	vmul.f32 v28, v15;
	v50 =	vld [tilespmem:$0xF2E0];
	v3 =	vadd.f32 v42, v3  }
0x3fe: {  	v54 =	vld [tilespmem:$0xF2F0];
	v4 =	vadd.f32 v12, v4;
	v5 =	vadd.f32 v47, v5  }
0x3ff: {  	v1 =	vadd.f32 v53, v1;
	v52 =	vld [tilespmem:$0xF270];
	v3 =	vadd.f32 v44, v3  }
0x400: {  	v0 =	vmul.f32 v0, v15;
	v4 =	vadd.f32 v30, v4;
	v5 =	vadd.f32 v49, v5  }
0x401: {  	v1 =	vmul.f32 v1, v15;
	v2 =	vmul.f32 v2, v15;
	v3 =	vadd.f32 v46, v3  }
0x402: {  	v55 =	vmul.f32 v39, v15;
	v4 =	vadd.f32 v13, v4;
	v5 =	vadd.f32 v51, v5  }
0x403: {  	[tilespmem:$0xFA80] =	vst v0;
	v56 =	vmul.f32 v24, v15;
	v59 =	vmul.f32 v50, v15;
	v57 =	vadd.f32 v48, v3  }
0x404: {  	[tilespmem:$0xFAC0] =	vst v1;
	v60 =	vmul.f32 v54, v15;
	v4 =	vadd.f32 v55, v4;
	v5 =	vadd.f32 v52, v5  }
0x405: {  	[tilespmem:$0xFAB0] =	vst v2;
	v58 =	vmul.f32 v22, v15;
	v0 =	vadd.f32 v59, v57  }
0x406: {  	[tilespmem:$0xFA90] =	vst v56;
	v62 =	vmul.f32 v4, v15;
	v61 =	vadd.f32 v60, v5  }
0x407: {  	[tilespmem:$0xFAA0] =	vst v58;
	v0 =	vmul.f32 v0, v15  }
0x408: {  	[tilespmem:$0xFAD0] =	vst v62;
	v63 =	vmul.f32 v61, v15  }
0x409: {  	[tilespmem:$0xFAE0] =	vst v0  }
0x40a: {  	s31 =	simm.s32 $0x0;
	[tilespmem:$0xFAF0] =	vst v63  }
0x40b: {  	[hbm4b:s1+s31] =	stream.linear.scatter [tilespmem:s6], [sflag:$0x7], $0x80, $0x38;
	[tilespmem:$0x12600] =	vst v63  }
0x40c: {  	_ =	swait.ge [sflag:s5], $0x80  }
0x40d: {  	[sflag:s5] =	ssyncset.done $0x0  }
0x40e: {  	[sflag:s5] =	ssyncadd.s32 $0xFFFFFF80  }
0x40f: {  	_ =	sfence.sel $0x180000  }
0x410: {  	[bflag:$0x0] =	sbarrier.arrive $0xFFFF  }
0x411: {  	_ =	strace $0x90000047  }
0x412: {  	s0 =	sadd.s32 $0x100000, s0;
	[bflag:$0x2] =	sbarrier.arrive $0xFFFF  }
0x413: {  	[sflag:s0] =	ssyncadd.tile.s32 $0x1;
	_ =	shalt  }
.Lfunc_end2:
_tile_overlayer_lowered:
.L_overlay_start_2:
0x414: {  	(tag) =	ssettag $0x2  }
0x415: {  	s0 =	rddreg [dreg:$0x0];
	s2 =	stileid.u32  }
0x416: {  	s1 =	rddreg [dreg:$0x1];
	p0 =	sne.s32 s2, $0x0  }
0x417: {  	s3 =	rddreg [dreg:$0x2];
	[bflag:$0x3] =	sbarrier.arrive $0xFFFF;
	s2 =	simm.s32 @!p0 $0x1C07  }
0x418: {  	[timem:s3], [sflag:s2] =	dma.local @!p0 [hbm:s0], s1  }
0x419: {  	s0 =	simm.s32 @!p0 $0x7  }
0x41a: {  	_ =	swait.ge @!p0 [sflag:s0], s1  }
0x41b: {  	s1 =	ssub.s32 @!p0 $0x0, s1;
	[sflag:s0] =	ssyncset.done @!p0 $0x0  }
0x41c: {  	[sflag:s0] =	ssyncadd.s32 @!p0 s1  }
0x41d: {  	[bflag:$0x3] =	sbarrier.arrive $0xFFFF  }
0x41e: {  	_ =	shalt  }

</sc_bundles>
